<compile_context>
chip_gen: v7x
topology: tpu7x:2x2x1
jax: 0.10.2.dev20260603
libtpu: 0.0.44.dev20260713+nightly
codegen_flags: <defaults>
</compile_context>

<pallas_src>
import functools

import jax
import jax.numpy as jnp
from jax import lax
from jax.experimental import pallas as pl
from jax.experimental.pallas import tpu as pltpu
from jax.experimental.pallas import tpu_sc as plsc

NC = 2
NS = 16
L = 16
NW = NC * NS

B = 262144
NLEV = 6
T_RES = (2, 2, 4, 4, 8, 8)
S_RES = (16, 24, 32, 48, 64, 80)
SIZES = tuple(T_RES[i] * S_RES[i] ** 3 for i in range(NLEV))

CHUNK = 128
PTS_PER_W = B // NW
NCHUNK = PTS_PER_W // CHUNK
GRP = CHUNK // L

RESIDENT = (True, True, False, False, False, False)

_mesh = plsc.VectorSubcoreMesh(core_axis_name="c", subcore_axis_name="s",
                               num_cores=NC, num_subcores=NS)
_cparams = pltpu.CompilerParams(
    needs_layout_passes=False, use_tc_tiling_on_sc=False)



def _tc_split_body(w_ref, a_ref, b_ref):
    blk = w_ref[...]
    a_ref[...] = blk[:, 0]
    b_ref[...] = blk[:, 1]


def _tc_split(w):
    size = w.shape[0]
    rb = size
    for cand in (4096, 3072, 2048, 1024):
        if size % cand == 0:
            rb = cand
            break
    return pl.pallas_call(
        _tc_split_body,
        grid=(size // rb,),
        in_specs=[pl.BlockSpec((rb, 2), lambda i: (i, 0))],
        out_specs=(pl.BlockSpec((rb,), lambda i: (i,)),
                   pl.BlockSpec((rb,), lambda i: (i,))),
        out_shape=(jax.ShapeDtypeStruct((size,), jnp.float32),
                   jax.ShapeDtypeStruct((size,), jnp.float32)),
    )(w)


def _tc_stack_body(*refs):
    cols = [r[...] for r in refs[:12]]
    refs[12][...] = jnp.stack(cols, axis=-1)


def _tc_stack(cols):
    rb = 1024
    return pl.pallas_call(
        _tc_stack_body,
        grid=(B // rb,),
        in_specs=[pl.BlockSpec((rb,), lambda i: (i,)) for _ in range(12)],
        out_specs=pl.BlockSpec((rb, 12), lambda i: (i, 0)),
        out_shape=jax.ShapeDtypeStruct((B, 12), jnp.float32),
    )(*cols)




def _cell(xb4, g, lev, iota):
    rs = (T_RES[lev] - 1, S_RES[lev] - 1, S_RES[lev] - 1, S_RES[lev] - 1)
    rows = g * L + iota
    bli = []
    wts = []
    for c in range(4):
        xv = plsc.load_gather(xb4, [rows, jnp.full((L,), c, jnp.int32)])
        f = xv * jnp.float32(rs[c])
        b = f.astype(jnp.int32)
        b = jnp.minimum(b, rs[c] - 1)
        bli.append(b)
        wts.append(f - b.astype(jnp.float32))
    return bli, wts


def _vertex_indices(bli, lev):
    X = S_RES[lev]
    SY = X
    SZ = X * X
    ST = X * X * X
    base = bli[0] * ST + bli[1] + bli[2] * SY + bli[3] * SZ
    idxs = []
    for i in (0, 1):
        for j in (0, 1):
            for k in (0, 1):
                for l in (0, 1):
                    off = i * ST + j + k * SY + l * SZ
                    idxs.append(base + off)
    return idxs


def _interp(e, wts):
    wt, wx, wy, wz = wts
    a = [e[m] + wt * (e[8 + m] - e[m]) for m in range(8)]
    b = [a[m] + wx * (a[4 + m] - a[m]) for m in range(4)]
    c = [b[m] + wy * (b[2 + m] - b[m]) for m in range(2)]
    return c[0] + wz * (c[1] - c[0])


def _body(x, a0, b0, a1, b1, a2, b2, a3, b3, a4, b4, a5, b5, outs, mask,
          t0a, t0b, t1a, t1b, xb4, idxb, rowa, rowb, outcb, maskb, sem):
    was = (None, None, a2, a3, a4, a5)
    wbs = (None, None, b2, b3, b4, b5)
    wid = lax.axis_index("s") * NC + lax.axis_index("c")
    base = wid * PTS_PER_W
    iota = lax.broadcasted_iota(jnp.int32, (L,), 0)

    pltpu.sync_copy(a0, t0a)
    pltpu.sync_copy(b0, t0b)
    pltpu.sync_copy(a1, t1a)
    pltpu.sync_copy(b1, t1b)
    tabs = ((t0a, t0b), (t1a, t1b))

    def fullv(v):
        return jnp.full((L,), v, dtype=jnp.int32)

    def process_chunk(ci, carry):
        off = base + ci * CHUNK
        pltpu.sync_copy(x.at[pl.ds(off, CHUNK), :], xb4)

        def mask_grp(g, c2):
            rows = g * L + iota
            ok = None
            for c in range(4):
                xv = plsc.load_gather(xb4, [rows, fullv(c)])
                okc = (xv >= jnp.float32(0.0)) & (xv <= jnp.float32(1.0))
                ok = okc if ok is None else (ok & okc)
            maskb[pl.ds(g * L, L)] = jnp.where(ok, jnp.int32(1), jnp.int32(0))
            return c2

        lax.fori_loop(0, GRP, mask_grp, 0)

        for lev in range(NLEV):
            if RESIDENT[lev]:
                ta, tb = tabs[lev]

                def grp_res(g, c2, lev=lev, ta=ta, tb=tb):
                    bli, wts = _cell(xb4, g, lev, iota)
                    vidx = _vertex_indices(bli, lev)
                    sl = pl.ds(g * L, L)
                    for f, tf in ((0, ta), (1, tb)):
                        e = [plsc.load_gather(tf, [vidx[v]])
                             for v in range(16)]
                        o = _interp(e, wts)
                        outcb[2 * lev + f, sl] = o
                    return c2

                lax.fori_loop(0, GRP, grp_res, 0)
            else:
                wa = was[lev]
                wb = wbs[lev]

                def grp_idx(g, c2, lev=lev):
                    bli, _ = _cell(xb4, g, lev, iota)
                    vidx = _vertex_indices(bli, lev)
                    for v in range(16):
                        idxb[pl.ds(v * CHUNK + g * L, L)] = vidx[v]
                    return c2

                lax.fori_loop(0, GRP, grp_idx, 0)
                h1 = pltpu.async_copy(wa.at[idxb], rowa, sem)
                h2 = pltpu.async_copy(wb.at[idxb], rowb, sem)
                h1.wait()
                h2.wait()

                def grp_int(g, c2, lev=lev):
                    _, wts = _cell(xb4, g, lev, iota)
                    sl = pl.ds(g * L, L)
                    for f, rf in ((0, rowa), (1, rowb)):
                        e = [rf[pl.ds(v * CHUNK + g * L, L)]
                             for v in range(16)]
                        o = _interp(e, wts)
                        outcb[2 * lev + f, sl] = o
                    return c2

                lax.fori_loop(0, GRP, grp_int, 0)

        for c in range(12):
            pltpu.sync_copy(outcb.at[c], outs[c].at[pl.ds(off, CHUNK)])
        pltpu.sync_copy(maskb, mask.at[pl.ds(off, CHUNK)])
        return carry

    lax.fori_loop(0, NCHUNK, process_chunk, 0)


_hash_embed = functools.partial(
    pl.kernel,
    out_type=(
        tuple(jax.ShapeDtypeStruct((B,), jnp.float32) for _ in range(12)),
        jax.ShapeDtypeStruct((B,), jnp.int32),
    ),
    mesh=_mesh,
    compiler_params=_cparams,
    scratch_types=[
        pltpu.VMEM((SIZES[0],), jnp.float32),
        pltpu.VMEM((SIZES[0],), jnp.float32),
        pltpu.VMEM((SIZES[1],), jnp.float32),
        pltpu.VMEM((SIZES[1],), jnp.float32),
        pltpu.VMEM((CHUNK, 4), jnp.float32),
        pltpu.VMEM((16 * CHUNK,), jnp.int32),
        pltpu.VMEM((16 * CHUNK,), jnp.float32),
        pltpu.VMEM((16 * CHUNK,), jnp.float32),
        pltpu.VMEM((12, CHUNK), jnp.float32),
        pltpu.VMEM((CHUNK,), jnp.int32),
        pltpu.SemaphoreType.DMA,
    ],
)(_body)


def kernel(x, w0, w1, w2, w3, w4, w5):
    cols = []
    for w in (w0, w1, w2, w3, w4, w5):
        cols.extend(_tc_split(w))
    outs, mask = _hash_embed(x, *cols)
    out = _tc_stack(list(outs))
    return out, mask.astype(bool)

# --- scband reference (transcript-rebuilt; emitter-appended) ---
"""Pipeline reference for scband-hash-embedder-82016695485096 (READ-ONLY COPY).

The authoritative reference and input builder live on the scoring server;
editing this copy changes nothing except your own understanding.
"""

import jax, jax.numpy as jnp
import numpy as np

N_LEVELS = 6
F = 2
T_RES = [2, 2, 4, 4, 8, 8]
X_RES = [16, 24, 32, 48, 64, 80]
Y_RES = [16, 24, 32, 48, 64, 80]
Z_RES = [16, 24, 32, 48, 64, 80]
B = 262144
BOX_OFFSETS = jnp.array([[[i, j, k, l] for i in (0, 1) for j in (0, 1) for k in (0, 1) for l in (0, 1)]], dtype=jnp.int32)


def setup_inputs(seed: int = 0):
    key = jax.random.key(seed)
    ks = jax.random.split(key, N_LEVELS + 1)
    inp = {"x": jax.random.uniform(ks[0], (B, 4), dtype=jnp.float32)}
    for i in range(N_LEVELS):
        size = T_RES[i] * X_RES[i] * Y_RES[i] * Z_RES[i]
        inp["w%d" % i] = jax.random.uniform(ks[i + 1], (size, F), minval=-0.0001, maxval=0.0001, dtype=jnp.float32)
    return inp


def _level(x, w, rt, rx, ry, rz):
    box_min = jnp.zeros(4, dtype=jnp.float32)
    box_max = jnp.ones(4, dtype=jnp.float32)
    keep_mask = x == jnp.clip(x, box_min, box_max)
    xc = jnp.clip(x, box_min, box_max)
    res = jnp.array([rt - 1, rx - 1, ry - 1, rz - 1], dtype=jnp.float32)
    grid = (box_max - box_min) / res
    bli = jnp.floor((xc - box_min) / grid).astype(jnp.int32)
    caps = jnp.array([rt - 1, rx - 1, ry - 1, rz - 1], dtype=jnp.int32)
    bli = jnp.where(bli == caps[None, :], caps[None, :] - 1, bli)
    vmin = bli.astype(jnp.float32) * grid + box_min
    vmax = vmin + grid
    vidx = bli[:, None, :] + BOX_OFFSETS
    idx = vidx[..., 0].astype(jnp.int64) * (rx * ry * rz) + vidx[..., 3] * (rx * ry) + vidx[..., 2] * rx + vidx[..., 1]
    emb = jnp.take(w, idx, axis=0)
    weights = (x - vmin) / (vmax - vmin)
    wt0 = weights[:, 0][:, None, None]
    wt1 = weights[:, 1][:, None, None]
    wt2 = weights[:, 2][:, None, None]
    wt3 = weights[:, 3][:, None]
    cA = emb[:, 0:8] * (1 - wt0) + emb[:, 8:16] * wt0
    cB = cA[:, 0:4] * (1 - wt1) + cA[:, 4:8] * wt1
    cC = cB[:, 0:2] * (1 - wt2) + cB[:, 2:4] * wt2
    c0 = cC[:, 0] * (1 - wt3) + cC[:, 1] * wt3
    return c0, keep_mask


def reference(x, w0, w1, w2, w3, w4, w5):
    ws = [w0, w1, w2, w3, w4, w5]
    outs = []
    keep = None
    for i in range(N_LEVELS):
        o, keep = _level(x, ws[i], T_RES[i], X_RES[i], Y_RES[i], Z_RES[i])
        outs.append(o)
    keep_mask = jnp.sum(keep, axis=-1) == keep.shape[-1]
    return jnp.concatenate(outs, axis=-1), keep_mask

if __name__ == "__main__":
    import jax
    _d = setup_inputs()
    print(jax.jit(kernel)(*tuple(_d.values())))

</pallas_src>

<mosaic_0001>
#map = affine_map<(d0, d1) -> (0, 0)>
#map1 = affine_map<(d0, d1) -> (0)>
module attributes {stable_mosaic.version = 14 : i64} {
  func.func @_body(%arg0: i32, %arg1: i32, %arg2: memref<262144x4xf32, #tpu.memory_space<hbm>>, %arg3: memref<8192xf32, #tpu.memory_space<hbm>>, %arg4: memref<8192xf32, #tpu.memory_space<hbm>>, %arg5: memref<27648xf32, #tpu.memory_space<hbm>>, %arg6: memref<27648xf32, #tpu.memory_space<hbm>>, %arg7: memref<131072xf32, #tpu.memory_space<hbm>>, %arg8: memref<131072xf32, #tpu.memory_space<hbm>>, %arg9: memref<442368xf32, #tpu.memory_space<hbm>>, %arg10: memref<442368xf32, #tpu.memory_space<hbm>>, %arg11: memref<2097152xf32, #tpu.memory_space<hbm>>, %arg12: memref<2097152xf32, #tpu.memory_space<hbm>>, %arg13: memref<4096000xf32, #tpu.memory_space<hbm>>, %arg14: memref<4096000xf32, #tpu.memory_space<hbm>>, %arg15: memref<262144xf32, #tpu.memory_space<hbm>>, %arg16: memref<262144xf32, #tpu.memory_space<hbm>>, %arg17: memref<262144xf32, #tpu.memory_space<hbm>>, %arg18: memref<262144xf32, #tpu.memory_space<hbm>>, %arg19: memref<262144xf32, #tpu.memory_space<hbm>>, %arg20: memref<262144xf32, #tpu.memory_space<hbm>>, %arg21: memref<262144xf32, #tpu.memory_space<hbm>>, %arg22: memref<262144xf32, #tpu.memory_space<hbm>>, %arg23: memref<262144xf32, #tpu.memory_space<hbm>>, %arg24: memref<262144xf32, #tpu.memory_space<hbm>>, %arg25: memref<262144xf32, #tpu.memory_space<hbm>>, %arg26: memref<262144xf32, #tpu.memory_space<hbm>>, %arg27: memref<262144xi32, #tpu.memory_space<hbm>>, %arg28: memref<8192xf32, #tpu.memory_space<vmem>>, %arg29: memref<8192xf32, #tpu.memory_space<vmem>>, %arg30: memref<27648xf32, #tpu.memory_space<vmem>>, %arg31: memref<27648xf32, #tpu.memory_space<vmem>>, %arg32: memref<128x4xf32, #tpu.memory_space<vmem>>, %arg33: memref<2048xi32, #tpu.memory_space<vmem>>, %arg34: memref<2048xf32, #tpu.memory_space<vmem>>, %arg35: memref<2048xf32, #tpu.memory_space<vmem>>, %arg36: memref<12x128xf32, #tpu.memory_space<vmem>>, %arg37: memref<128xi32, #tpu.memory_space<vmem>>, %arg38: memref<!tpu.dma_semaphore, #tpu.memory_space<semaphore_mem>>) attributes {dimension_semantics = [#tpu.dimension_semantics<core_parallel>, #tpu.dimension_semantics<subcore_parallel>], iteration_bounds = array<i64: 2, 16>, scalar_prefetch = 0 : i64, scratch_operands = 11 : i64, tpu.core_type = #tpu.core_type<sc_vector_subcore>, window_params = [{transform_indices = #map}, {transform_indices = #map1}, {transform_indices = #map1}, {transform_indices = #map1}, {transform_indices = #map1}, {transform_indices = #map1}, {transform_indices = #map1}, {transform_indices = #map1}, {transform_indices = #map1}, {transform_indices = #map1}, {transform_indices = #map1}, {transform_indices = #map1}, {transform_indices = #map1}, {transform_indices = #map1}, {transform_indices = #map1}, {transform_indices = #map1}, {transform_indices = #map1}, {transform_indices = #map1}, {transform_indices = #map1}, {transform_indices = #map1}, {transform_indices = #map1}, {transform_indices = #map1}, {transform_indices = #map1}, {transform_indices = #map1}, {transform_indices = #map1}, {transform_indices = #map1}]} {
    %mul3A = arith.constant 2 : i32
    %mul3A_0 = arith.muli %arg1, %mul3A : i32
    %add3A = arith.addi %mul3A_0, %arg0 : i32
    %mul3A_1 = arith.constant 8192 : i32
    %mul3A_2 = arith.muli %add3A, %mul3A_1 : i32
    %iota3A = tpu.iota {dimensions = array<i32: 0>} : vector<16xi32>
    "tpu.region"() ({
      %run_scoped3A = tpu.sem_alloc : memref<!tpu.dma_semaphore, #tpu.memory_space<semaphore_mem>>
      tpu.enqueue_dma source(%arg3 : memref<8192xf32, #tpu.memory_space<hbm>>) target(%arg28 : memref<8192xf32, #tpu.memory_space<vmem>>) target_semaphore(%run_scoped3A : memref<!tpu.dma_semaphore, #tpu.memory_space<semaphore_mem>>)
      tpu.wait_dma2 semaphore(%run_scoped3A : memref<!tpu.dma_semaphore, #tpu.memory_space<semaphore_mem>>) src(%arg3 : memref<8192xf32, #tpu.memory_space<hbm>>) dst(%arg28 : memref<8192xf32, #tpu.memory_space<vmem>>)
      tpu.yield
    }) : () -> ()
    "tpu.region"() ({
      %run_scoped3A = tpu.sem_alloc : memref<!tpu.dma_semaphore, #tpu.memory_space<semaphore_mem>>
      tpu.enqueue_dma source(%arg4 : memref<8192xf32, #tpu.memory_space<hbm>>) target(%arg29 : memref<8192xf32, #tpu.memory_space<vmem>>) target_semaphore(%run_scoped3A : memref<!tpu.dma_semaphore, #tpu.memory_space<semaphore_mem>>)
      tpu.wait_dma2 semaphore(%run_scoped3A : memref<!tpu.dma_semaphore, #tpu.memory_space<semaphore_mem>>) src(%arg4 : memref<8192xf32, #tpu.memory_space<hbm>>) dst(%arg29 : memref<8192xf32, #tpu.memory_space<vmem>>)
      tpu.yield
    }) : () -> ()
    "tpu.region"() ({
      %run_scoped3A = tpu.sem_alloc : memref<!tpu.dma_semaphore, #tpu.memory_space<semaphore_mem>>
      tpu.enqueue_dma source(%arg5 : memref<27648xf32, #tpu.memory_space<hbm>>) target(%arg30 : memref<27648xf32, #tpu.memory_space<vmem>>) target_semaphore(%run_scoped3A : memref<!tpu.dma_semaphore, #tpu.memory_space<semaphore_mem>>)
      tpu.wait_dma2 semaphore(%run_scoped3A : memref<!tpu.dma_semaphore, #tpu.memory_space<semaphore_mem>>) src(%arg5 : memref<27648xf32, #tpu.memory_space<hbm>>) dst(%arg30 : memref<27648xf32, #tpu.memory_space<vmem>>)
      tpu.yield
    }) : () -> ()
    "tpu.region"() ({
      %run_scoped3A = tpu.sem_alloc : memref<!tpu.dma_semaphore, #tpu.memory_space<semaphore_mem>>
      tpu.enqueue_dma source(%arg6 : memref<27648xf32, #tpu.memory_space<hbm>>) target(%arg31 : memref<27648xf32, #tpu.memory_space<vmem>>) target_semaphore(%run_scoped3A : memref<!tpu.dma_semaphore, #tpu.memory_space<semaphore_mem>>)
      tpu.wait_dma2 semaphore(%run_scoped3A : memref<!tpu.dma_semaphore, #tpu.memory_space<semaphore_mem>>) src(%arg6 : memref<27648xf32, #tpu.memory_space<hbm>>) dst(%arg31 : memref<27648xf32, #tpu.memory_space<vmem>>)
      tpu.yield
    }) : () -> ()
    %scan3A = arith.constant 0 : i32
    %scan3A_3 = arith.constant 0 : i32
    %scan3A_4 = arith.constant 64 : i32
    %scan3A_5 = arith.addi %scan3A_3, %scan3A_4 : i32
    %scan3A_6 = arith.constant 1 : i32
    scf.for %scan3A_8 = %scan3A_3 to %scan3A_5 step %scan3A_6  : i32 {
      %mul3A_9 = arith.constant 128 : i32
      %mul3A_10 = arith.muli %scan3A_8, %mul3A_9 : i32
      %add3A_11 = arith.addi %mul3A_2, %mul3A_10 : i32
      "tpu.region"() ({
        %run_scoped3A_119 = tpu.sem_alloc : memref<!tpu.dma_semaphore, #tpu.memory_space<semaphore_mem>>
        %dma_start3A_120 = arith.constant 0 : i32
        %dma_start3A_121 = tpu.memref_slice %arg2[%add3A_11, %dma_start3A_120] : memref<262144x4xf32, #tpu.memory_space<hbm>> -> memref<128x4xf32, #tpu.memory_space<hbm>>
        %dma_start3A_122 = arith.constant 0 : i32
        %dma_start3A_123 = tpu.memref_slice %arg2[%add3A_11, %dma_start3A_122] : memref<262144x4xf32, #tpu.memory_space<hbm>> -> memref<128x4xf32, #tpu.memory_space<hbm>>
        tpu.enqueue_dma source(%dma_start3A_123 : memref<128x4xf32, #tpu.memory_space<hbm>>) target(%arg32 : memref<128x4xf32, #tpu.memory_space<vmem>>) target_semaphore(%run_scoped3A_119 : memref<!tpu.dma_semaphore, #tpu.memory_space<semaphore_mem>>)
        %dma_wait3A_124 = arith.constant 0 : i32
        %dma_wait3A_125 = tpu.memref_slice %arg2[%add3A_11, %dma_wait3A_124] : memref<262144x4xf32, #tpu.memory_space<hbm>> -> memref<128x4xf32, #tpu.memory_space<hbm>>
        %dma_wait3A_126 = arith.constant 0 : i32
        %dma_wait3A_127 = tpu.memref_slice %arg2[%add3A_11, %dma_wait3A_126] : memref<262144x4xf32, #tpu.memory_space<hbm>> -> memref<128x4xf32, #tpu.memory_space<hbm>>
        tpu.wait_dma2 semaphore(%run_scoped3A_119 : memref<!tpu.dma_semaphore, #tpu.memory_space<semaphore_mem>>) src(%dma_wait3A_127 : memref<128x4xf32, #tpu.memory_space<hbm>>) dst(%arg32 : memref<128x4xf32, #tpu.memory_space<vmem>>)
        tpu.yield
      }) : () -> ()
      %scan3A_12 = arith.constant 0 : i32
      %scan3A_13 = arith.constant 0 : i32
      %scan3A_14 = arith.constant 8 : i32
      %scan3A_15 = arith.addi %scan3A_13, %scan3A_14 : i32
      %scan3A_16 = arith.constant 1 : i32
      scf.for %scan3A_119 = %scan3A_13 to %scan3A_15 step %scan3A_16  : i32 {
        %mul3A_120 = arith.constant 16 : i32
        %mul3A_121 = arith.muli %scan3A_119, %mul3A_120 : i32
        %add3A_122 = vector.broadcast %mul3A_121 : i32 to vector<16xi32>
        %add3A_123 = arith.addi %add3A_122, %iota3A : vector<16xi32>
        %broadcast_in_dim3A = arith.constant 0 : i32
        %broadcast_in_dim3A_124 = vector.broadcast %broadcast_in_dim3A : i32 to vector<16xi32>
        %gather3A = tpu.vector_load_idx %arg32[%add3A_123, %broadcast_in_dim3A_124] : memref<128x4xf32, #tpu.memory_space<vmem>>[vector<16xi32>, vector<16xi32>], vector<16xf32>,
        %ge3A = arith.constant 0.000000e+00 : f32
        %ge3A_125 = vector.broadcast %ge3A : f32 to vector<16xf32>
        %ge3A_126 = arith.cmpf oge, %gather3A, %ge3A_125 : vector<16xf32>
        %le3A = arith.constant 1.000000e+00 : f32
        %le3A_127 = vector.broadcast %le3A : f32 to vector<16xf32>
        %le3A_128 = arith.cmpf ole, %gather3A, %le3A_127 : vector<16xf32>
        %and3A = arith.andi %ge3A_126, %le3A_128 : vector<16xi1>
        %broadcast_in_dim3A_129 = arith.constant 1 : i32
        %broadcast_in_dim3A_130 = vector.broadcast %broadcast_in_dim3A_129 : i32 to vector<16xi32>
        %gather3A_131 = tpu.vector_load_idx %arg32[%add3A_123, %broadcast_in_dim3A_130] : memref<128x4xf32, #tpu.memory_space<vmem>>[vector<16xi32>, vector<16xi32>], vector<16xf32>,
        %ge3A_132 = arith.constant 0.000000e+00 : f32
        %ge3A_133 = vector.broadcast %ge3A_132 : f32 to vector<16xf32>
        %ge3A_134 = arith.cmpf oge, %gather3A_131, %ge3A_133 : vector<16xf32>
        %le3A_135 = arith.constant 1.000000e+00 : f32
        %le3A_136 = vector.broadcast %le3A_135 : f32 to vector<16xf32>
        %le3A_137 = arith.cmpf ole, %gather3A_131, %le3A_136 : vector<16xf32>
        %and3A_138 = arith.andi %ge3A_134, %le3A_137 : vector<16xi1>
        %and3A_139 = arith.andi %and3A, %and3A_138 : vector<16xi1>
        %broadcast_in_dim3A_140 = arith.constant 2 : i32
        %broadcast_in_dim3A_141 = vector.broadcast %broadcast_in_dim3A_140 : i32 to vector<16xi32>
        %gather3A_142 = tpu.vector_load_idx %arg32[%add3A_123, %broadcast_in_dim3A_141] : memref<128x4xf32, #tpu.memory_space<vmem>>[vector<16xi32>, vector<16xi32>], vector<16xf32>,
        %ge3A_143 = arith.constant 0.000000e+00 : f32
        %ge3A_144 = vector.broadcast %ge3A_143 : f32 to vector<16xf32>
        %ge3A_145 = arith.cmpf oge, %gather3A_142, %ge3A_144 : vector<16xf32>
        %le3A_146 = arith.constant 1.000000e+00 : f32
        %le3A_147 = vector.broadcast %le3A_146 : f32 to vector<16xf32>
        %le3A_148 = arith.cmpf ole, %gather3A_142, %le3A_147 : vector<16xf32>
        %and3A_149 = arith.andi %ge3A_145, %le3A_148 : vector<16xi1>
        %and3A_150 = arith.andi %and3A_139, %and3A_149 : vector<16xi1>
        %broadcast_in_dim3A_151 = arith.constant 3 : i32
        %broadcast_in_dim3A_152 = vector.broadcast %broadcast_in_dim3A_151 : i32 to vector<16xi32>
        %gather3A_153 = tpu.vector_load_idx %arg32[%add3A_123, %broadcast_in_dim3A_152] : memref<128x4xf32, #tpu.memory_space<vmem>>[vector<16xi32>, vector<16xi32>], vector<16xf32>,
        %ge3A_154 = arith.constant 0.000000e+00 : f32
        %ge3A_155 = vector.broadcast %ge3A_154 : f32 to vector<16xf32>
        %ge3A_156 = arith.cmpf oge, %gather3A_153, %ge3A_155 : vector<16xf32>
        %le3A_157 = arith.constant 1.000000e+00 : f32
        %le3A_158 = vector.broadcast %le3A_157 : f32 to vector<16xf32>
        %le3A_159 = arith.cmpf ole, %gather3A_153, %le3A_158 : vector<16xf32>
        %and3A_160 = arith.andi %ge3A_156, %le3A_159 : vector<16xi1>
        %and3A_161 = arith.andi %and3A_150, %and3A_160 : vector<16xi1>
        %jit3A = arith.constant 1 : i32
        %jit3A_162 = arith.constant 0 : i32
        %broadcast_in_dim3A_163 = vector.broadcast %jit3A : i32 to vector<16xi32>
        %broadcast_in_dim3A_164 = vector.broadcast %jit3A_162 : i32 to vector<16xi32>
        %select_n3A = arith.select %and3A_161, %broadcast_in_dim3A_163, %broadcast_in_dim3A_164 : vector<16xi1>, vector<16xi32>
        %mul3A_165 = arith.constant 16 : i32
        %mul3A_166 = arith.muli %scan3A_119, %mul3A_165 : i32
        %swap3A = arith.index_cast %mul3A_166 : i32 to index
        %swap3A_167 = tpu.vector_load %arg37[%swap3A] {strides = array<i32>} : memref<128xi32, #tpu.memory_space<vmem>>, vector<16xi32>,
        tpu.vector_store %arg37[%swap3A], %select_n3A {strides = array<i32>} : memref<128xi32, #tpu.memory_space<vmem>>, vector<16xi32>,
      }
      %scan3A_17 = arith.constant 8 : i32
      %scan3A_18 = arith.constant 0 : i32
      %scan3A_19 = arith.constant 0 : i32
      %scan3A_20 = arith.constant 8 : i32
      %scan3A_21 = arith.addi %scan3A_19, %scan3A_20 : i32
      %scan3A_22 = arith.constant 1 : i32
      scf.for %scan3A_119 = %scan3A_19 to %scan3A_21 step %scan3A_22  : i32 {
        %mul3A_120 = arith.constant 16 : i32
        %mul3A_121 = arith.muli %scan3A_119, %mul3A_120 : i32
        %add3A_122 = vector.broadcast %mul3A_121 : i32 to vector<16xi32>
        %add3A_123 = arith.addi %add3A_122, %iota3A : vector<16xi32>
        %broadcast_in_dim3A = arith.constant 0 : i32
        %broadcast_in_dim3A_124 = vector.broadcast %broadcast_in_dim3A : i32 to vector<16xi32>
        %gather3A = tpu.vector_load_idx %arg32[%add3A_123, %broadcast_in_dim3A_124] : memref<128x4xf32, #tpu.memory_space<vmem>>[vector<16xi32>, vector<16xi32>], vector<16xf32>,
        %mul3A_125 = arith.constant 1.000000e+00 : f32
        %mul3A_126 = vector.broadcast %mul3A_125 : f32 to vector<16xf32>
        %mul3A_127 = arith.mulf %gather3A, %mul3A_126 : vector<16xf32>
        %convert_element_type3A = arith.fptosi %mul3A_127 : vector<16xf32> to vector<16xi32>
        %min3A = arith.constant 0 : i32
        %min3A_128 = vector.broadcast %min3A : i32 to vector<16xi32>
        %min3A_129 = arith.minsi %convert_element_type3A, %min3A_128 : vector<16xi32>
        %convert_element_type3A_130 = arith.sitofp %min3A_129 : vector<16xi32> to vector<16xf32>
        %sub3A = arith.subf %mul3A_127, %convert_element_type3A_130 : vector<16xf32>
        %broadcast_in_dim3A_131 = arith.constant 1 : i32
        %broadcast_in_dim3A_132 = vector.broadcast %broadcast_in_dim3A_131 : i32 to vector<16xi32>
        %gather3A_133 = tpu.vector_load_idx %arg32[%add3A_123, %broadcast_in_dim3A_132] : memref<128x4xf32, #tpu.memory_space<vmem>>[vector<16xi32>, vector<16xi32>], vector<16xf32>,
        %mul3A_134 = arith.constant 1.500000e+01 : f32
        %mul3A_135 = vector.broadcast %mul3A_134 : f32 to vector<16xf32>
        %mul3A_136 = arith.mulf %gather3A_133, %mul3A_135 : vector<16xf32>
        %convert_element_type3A_137 = arith.fptosi %mul3A_136 : vector<16xf32> to vector<16xi32>
        %min3A_138 = arith.constant 14 : i32
        %min3A_139 = vector.broadcast %min3A_138 : i32 to vector<16xi32>
        %min3A_140 = arith.minsi %convert_element_type3A_137, %min3A_139 : vector<16xi32>
        %convert_element_type3A_141 = arith.sitofp %min3A_140 : vector<16xi32> to vector<16xf32>
        %sub3A_142 = arith.subf %mul3A_136, %convert_element_type3A_141 : vector<16xf32>
        %broadcast_in_dim3A_143 = arith.constant 2 : i32
        %broadcast_in_dim3A_144 = vector.broadcast %broadcast_in_dim3A_143 : i32 to vector<16xi32>
        %gather3A_145 = tpu.vector_load_idx %arg32[%add3A_123, %broadcast_in_dim3A_144] : memref<128x4xf32, #tpu.memory_space<vmem>>[vector<16xi32>, vector<16xi32>], vector<16xf32>,
        %mul3A_146 = arith.constant 1.500000e+01 : f32
        %mul3A_147 = vector.broadcast %mul3A_146 : f32 to vector<16xf32>
        %mul3A_148 = arith.mulf %gather3A_145, %mul3A_147 : vector<16xf32>
        %convert_element_type3A_149 = arith.fptosi %mul3A_148 : vector<16xf32> to vector<16xi32>
        %min3A_150 = arith.constant 14 : i32
        %min3A_151 = vector.broadcast %min3A_150 : i32 to vector<16xi32>
        %min3A_152 = arith.minsi %convert_element_type3A_149, %min3A_151 : vector<16xi32>
        %convert_element_type3A_153 = arith.sitofp %min3A_152 : vector<16xi32> to vector<16xf32>
        %sub3A_154 = arith.subf %mul3A_148, %convert_element_type3A_153 : vector<16xf32>
        %broadcast_in_dim3A_155 = arith.constant 3 : i32
        %broadcast_in_dim3A_156 = vector.broadcast %broadcast_in_dim3A_155 : i32 to vector<16xi32>
        %gather3A_157 = tpu.vector_load_idx %arg32[%add3A_123, %broadcast_in_dim3A_156] : memref<128x4xf32, #tpu.memory_space<vmem>>[vector<16xi32>, vector<16xi32>], vector<16xf32>,
        %mul3A_158 = arith.constant 1.500000e+01 : f32
        %mul3A_159 = vector.broadcast %mul3A_158 : f32 to vector<16xf32>
        %mul3A_160 = arith.mulf %gather3A_157, %mul3A_159 : vector<16xf32>
        %convert_element_type3A_161 = arith.fptosi %mul3A_160 : vector<16xf32> to vector<16xi32>
        %min3A_162 = arith.constant 14 : i32
        %min3A_163 = vector.broadcast %min3A_162 : i32 to vector<16xi32>
        %min3A_164 = arith.minsi %convert_element_type3A_161, %min3A_163 : vector<16xi32>
        %convert_element_type3A_165 = arith.sitofp %min3A_164 : vector<16xi32> to vector<16xf32>
        %sub3A_166 = arith.subf %mul3A_160, %convert_element_type3A_165 : vector<16xf32>
        %mul3A_167 = arith.constant 4096 : i32
        %mul3A_168 = vector.broadcast %mul3A_167 : i32 to vector<16xi32>
        %mul3A_169 = arith.muli %min3A_129, %mul3A_168 : vector<16xi32>
        %add3A_170 = arith.addi %mul3A_169, %min3A_140 : vector<16xi32>
        %mul3A_171 = arith.constant 16 : i32
        %mul3A_172 = vector.broadcast %mul3A_171 : i32 to vector<16xi32>
        %mul3A_173 = arith.muli %min3A_152, %mul3A_172 : vector<16xi32>
        %add3A_174 = arith.addi %add3A_170, %mul3A_173 : vector<16xi32>
        %mul3A_175 = arith.constant 256 : i32
        %mul3A_176 = vector.broadcast %mul3A_175 : i32 to vector<16xi32>
        %mul3A_177 = arith.muli %min3A_164, %mul3A_176 : vector<16xi32>
        %add3A_178 = arith.addi %add3A_174, %mul3A_177 : vector<16xi32>
        %add3A_179 = arith.constant 0 : i32
        %add3A_180 = vector.broadcast %add3A_179 : i32 to vector<16xi32>
        %add3A_181 = arith.addi %add3A_178, %add3A_180 : vector<16xi32>
        %add3A_182 = arith.constant 256 : i32
        %add3A_183 = vector.broadcast %add3A_182 : i32 to vector<16xi32>
        %add3A_184 = arith.addi %add3A_178, %add3A_183 : vector<16xi32>
        %add3A_185 = arith.constant 16 : i32
        %add3A_186 = vector.broadcast %add3A_185 : i32 to vector<16xi32>
        %add3A_187 = arith.addi %add3A_178, %add3A_186 : vector<16xi32>
        %add3A_188 = arith.constant 272 : i32
        %add3A_189 = vector.broadcast %add3A_188 : i32 to vector<16xi32>
        %add3A_190 = arith.addi %add3A_178, %add3A_189 : vector<16xi32>
        %add3A_191 = arith.constant 1 : i32
        %add3A_192 = vector.broadcast %add3A_191 : i32 to vector<16xi32>
        %add3A_193 = arith.addi %add3A_178, %add3A_192 : vector<16xi32>
        %add3A_194 = arith.constant 257 : i32
        %add3A_195 = vector.broadcast %add3A_194 : i32 to vector<16xi32>
        %add3A_196 = arith.addi %add3A_178, %add3A_195 : vector<16xi32>
        %add3A_197 = arith.constant 17 : i32
        %add3A_198 = vector.broadcast %add3A_197 : i32 to vector<16xi32>
        %add3A_199 = arith.addi %add3A_178, %add3A_198 : vector<16xi32>
        %add3A_200 = arith.constant 273 : i32
        %add3A_201 = vector.broadcast %add3A_200 : i32 to vector<16xi32>
        %add3A_202 = arith.addi %add3A_178, %add3A_201 : vector<16xi32>
        %add3A_203 = arith.constant 4096 : i32
        %add3A_204 = vector.broadcast %add3A_203 : i32 to vector<16xi32>
        %add3A_205 = arith.addi %add3A_178, %add3A_204 : vector<16xi32>
        %add3A_206 = arith.constant 4352 : i32
        %add3A_207 = vector.broadcast %add3A_206 : i32 to vector<16xi32>
        %add3A_208 = arith.addi %add3A_178, %add3A_207 : vector<16xi32>
        %add3A_209 = arith.constant 4112 : i32
        %add3A_210 = vector.broadcast %add3A_209 : i32 to vector<16xi32>
        %add3A_211 = arith.addi %add3A_178, %add3A_210 : vector<16xi32>
        %add3A_212 = arith.constant 4368 : i32
        %add3A_213 = vector.broadcast %add3A_212 : i32 to vector<16xi32>
        %add3A_214 = arith.addi %add3A_178, %add3A_213 : vector<16xi32>
        %add3A_215 = arith.constant 4097 : i32
        %add3A_216 = vector.broadcast %add3A_215 : i32 to vector<16xi32>
        %add3A_217 = arith.addi %add3A_178, %add3A_216 : vector<16xi32>
        %add3A_218 = arith.constant 4353 : i32
        %add3A_219 = vector.broadcast %add3A_218 : i32 to vector<16xi32>
        %add3A_220 = arith.addi %add3A_178, %add3A_219 : vector<16xi32>
        %add3A_221 = arith.constant 4113 : i32
        %add3A_222 = vector.broadcast %add3A_221 : i32 to vector<16xi32>
        %add3A_223 = arith.addi %add3A_178, %add3A_222 : vector<16xi32>
        %add3A_224 = arith.constant 4369 : i32
        %add3A_225 = vector.broadcast %add3A_224 : i32 to vector<16xi32>
        %add3A_226 = arith.addi %add3A_178, %add3A_225 : vector<16xi32>
        %mul3A_227 = arith.constant 16 : i32
        %mul3A_228 = arith.muli %scan3A_119, %mul3A_227 : i32
        %gather3A_229 = tpu.vector_load_idx %arg28[%add3A_181] : memref<8192xf32, #tpu.memory_space<vmem>>[vector<16xi32>], vector<16xf32>,
        %gather3A_230 = tpu.vector_load_idx %arg28[%add3A_184] : memref<8192xf32, #tpu.memory_space<vmem>>[vector<16xi32>], vector<16xf32>,
        %gather3A_231 = tpu.vector_load_idx %arg28[%add3A_187] : memref<8192xf32, #tpu.memory_space<vmem>>[vector<16xi32>], vector<16xf32>,
        %gather3A_232 = tpu.vector_load_idx %arg28[%add3A_190] : memref<8192xf32, #tpu.memory_space<vmem>>[vector<16xi32>], vector<16xf32>,
        %gather3A_233 = tpu.vector_load_idx %arg28[%add3A_193] : memref<8192xf32, #tpu.memory_space<vmem>>[vector<16xi32>], vector<16xf32>,
        %gather3A_234 = tpu.vector_load_idx %arg28[%add3A_196] : memref<8192xf32, #tpu.memory_space<vmem>>[vector<16xi32>], vector<16xf32>,
        %gather3A_235 = tpu.vector_load_idx %arg28[%add3A_199] : memref<8192xf32, #tpu.memory_space<vmem>>[vector<16xi32>], vector<16xf32>,
        %gather3A_236 = tpu.vector_load_idx %arg28[%add3A_202] : memref<8192xf32, #tpu.memory_space<vmem>>[vector<16xi32>], vector<16xf32>,
        %gather3A_237 = tpu.vector_load_idx %arg28[%add3A_205] : memref<8192xf32, #tpu.memory_space<vmem>>[vector<16xi32>], vector<16xf32>,
        %gather3A_238 = tpu.vector_load_idx %arg28[%add3A_208] : memref<8192xf32, #tpu.memory_space<vmem>>[vector<16xi32>], vector<16xf32>,
        %gather3A_239 = tpu.vector_load_idx %arg28[%add3A_211] : memref<8192xf32, #tpu.memory_space<vmem>>[vector<16xi32>], vector<16xf32>,
        %gather3A_240 = tpu.vector_load_idx %arg28[%add3A_214] : memref<8192xf32, #tpu.memory_space<vmem>>[vector<16xi32>], vector<16xf32>,
        %gather3A_241 = tpu.vector_load_idx %arg28[%add3A_217] : memref<8192xf32, #tpu.memory_space<vmem>>[vector<16xi32>], vector<16xf32>,
        %gather3A_242 = tpu.vector_load_idx %arg28[%add3A_220] : memref<8192xf32, #tpu.memory_space<vmem>>[vector<16xi32>], vector<16xf32>,
        %gather3A_243 = tpu.vector_load_idx %arg28[%add3A_223] : memref<8192xf32, #tpu.memory_space<vmem>>[vector<16xi32>], vector<16xf32>,
        %gather3A_244 = tpu.vector_load_idx %arg28[%add3A_226] : memref<8192xf32, #tpu.memory_space<vmem>>[vector<16xi32>], vector<16xf32>,
        %sub3A_245 = arith.subf %gather3A_237, %gather3A_229 : vector<16xf32>
        %mul3A_246 = arith.mulf %sub3A, %sub3A_245 : vector<16xf32>
        %add3A_247 = arith.addf %gather3A_229, %mul3A_246 : vector<16xf32>
        %sub3A_248 = arith.subf %gather3A_238, %gather3A_230 : vector<16xf32>
        %mul3A_249 = arith.mulf %sub3A, %sub3A_248 : vector<16xf32>
        %add3A_250 = arith.addf %gather3A_230, %mul3A_249 : vector<16xf32>
        %sub3A_251 = arith.subf %gather3A_239, %gather3A_231 : vector<16xf32>
        %mul3A_252 = arith.mulf %sub3A, %sub3A_251 : vector<16xf32>
        %add3A_253 = arith.addf %gather3A_231, %mul3A_252 : vector<16xf32>
        %sub3A_254 = arith.subf %gather3A_240, %gather3A_232 : vector<16xf32>
        %mul3A_255 = arith.mulf %sub3A, %sub3A_254 : vector<16xf32>
        %add3A_256 = arith.addf %gather3A_232, %mul3A_255 : vector<16xf32>
        %sub3A_257 = arith.subf %gather3A_241, %gather3A_233 : vector<16xf32>
        %mul3A_258 = arith.mulf %sub3A, %sub3A_257 : vector<16xf32>
        %add3A_259 = arith.addf %gather3A_233, %mul3A_258 : vector<16xf32>
        %sub3A_260 = arith.subf %gather3A_242, %gather3A_234 : vector<16xf32>
        %mul3A_261 = arith.mulf %sub3A, %sub3A_260 : vector<16xf32>
        %add3A_262 = arith.addf %gather3A_234, %mul3A_261 : vector<16xf32>
        %sub3A_263 = arith.subf %gather3A_243, %gather3A_235 : vector<16xf32>
        %mul3A_264 = arith.mulf %sub3A, %sub3A_263 : vector<16xf32>
        %add3A_265 = arith.addf %gather3A_235, %mul3A_264 : vector<16xf32>
        %sub3A_266 = arith.subf %gather3A_244, %gather3A_236 : vector<16xf32>
        %mul3A_267 = arith.mulf %sub3A, %sub3A_266 : vector<16xf32>
        %add3A_268 = arith.addf %gather3A_236, %mul3A_267 : vector<16xf32>
        %sub3A_269 = arith.subf %add3A_259, %add3A_247 : vector<16xf32>
        %mul3A_270 = arith.mulf %sub3A_142, %sub3A_269 : vector<16xf32>
        %add3A_271 = arith.addf %add3A_247, %mul3A_270 : vector<16xf32>
        %sub3A_272 = arith.subf %add3A_262, %add3A_250 : vector<16xf32>
        %mul3A_273 = arith.mulf %sub3A_142, %sub3A_272 : vector<16xf32>
        %add3A_274 = arith.addf %add3A_250, %mul3A_273 : vector<16xf32>
        %sub3A_275 = arith.subf %add3A_265, %add3A_253 : vector<16xf32>
        %mul3A_276 = arith.mulf %sub3A_142, %sub3A_275 : vector<16xf32>
        %add3A_277 = arith.addf %add3A_253, %mul3A_276 : vector<16xf32>
        %sub3A_278 = arith.subf %add3A_268, %add3A_256 : vector<16xf32>
        %mul3A_279 = arith.mulf %sub3A_142, %sub3A_278 : vector<16xf32>
        %add3A_280 = arith.addf %add3A_256, %mul3A_279 : vector<16xf32>
        %sub3A_281 = arith.subf %add3A_277, %add3A_271 : vector<16xf32>
        %mul3A_282 = arith.mulf %sub3A_154, %sub3A_281 : vector<16xf32>
        %add3A_283 = arith.addf %add3A_271, %mul3A_282 : vector<16xf32>
        %sub3A_284 = arith.subf %add3A_280, %add3A_274 : vector<16xf32>
        %mul3A_285 = arith.mulf %sub3A_154, %sub3A_284 : vector<16xf32>
        %add3A_286 = arith.addf %add3A_274, %mul3A_285 : vector<16xf32>
        %sub3A_287 = arith.subf %add3A_286, %add3A_283 : vector<16xf32>
        %mul3A_288 = arith.mulf %sub3A_166, %sub3A_287 : vector<16xf32>
        %add3A_289 = arith.addf %add3A_283, %mul3A_288 : vector<16xf32>
        %swap3A = arith.constant 0 : i32
        %swap3A_290 = arith.index_cast %swap3A : i32 to index
        %swap3A_291 = arith.index_cast %mul3A_228 : i32 to index
        %swap3A_292 = tpu.vector_load %arg36[%swap3A_290, %swap3A_291] {strides = array<i32>} : memref<12x128xf32, #tpu.memory_space<vmem>>, vector<16xf32>,
        tpu.vector_store %arg36[%swap3A_290, %swap3A_291], %add3A_289 {strides = array<i32>} : memref<12x128xf32, #tpu.memory_space<vmem>>, vector<16xf32>,
        %gather3A_293 = tpu.vector_load_idx %arg29[%add3A_181] : memref<8192xf32, #tpu.memory_space<vmem>>[vector<16xi32>], vector<16xf32>,
        %gather3A_294 = tpu.vector_load_idx %arg29[%add3A_184] : memref<8192xf32, #tpu.memory_space<vmem>>[vector<16xi32>], vector<16xf32>,
        %gather3A_295 = tpu.vector_load_idx %arg29[%add3A_187] : memref<8192xf32, #tpu.memory_space<vmem>>[vector<16xi32>], vector<16xf32>,
        %gather3A_296 = tpu.vector_load_idx %arg29[%add3A_190] : memref<8192xf32, #tpu.memory_space<vmem>>[vector<16xi32>], vector<16xf32>,
        %gather3A_297 = tpu.vector_load_idx %arg29[%add3A_193] : memref<8192xf32, #tpu.memory_space<vmem>>[vector<16xi32>], vector<16xf32>,
        %gather3A_298 = tpu.vector_load_idx %arg29[%add3A_196] : memref<8192xf32, #tpu.memory_space<vmem>>[vector<16xi32>], vector<16xf32>,
        %gather3A_299 = tpu.vector_load_idx %arg29[%add3A_199] : memref<8192xf32, #tpu.memory_space<vmem>>[vector<16xi32>], vector<16xf32>,
        %gather3A_300 = tpu.vector_load_idx %arg29[%add3A_202] : memref<8192xf32, #tpu.memory_space<vmem>>[vector<16xi32>], vector<16xf32>,
        %gather3A_301 = tpu.vector_load_idx %arg29[%add3A_205] : memref<8192xf32, #tpu.memory_space<vmem>>[vector<16xi32>], vector<16xf32>,
        %gather3A_302 = tpu.vector_load_idx %arg29[%add3A_208] : memref<8192xf32, #tpu.memory_space<vmem>>[vector<16xi32>], vector<16xf32>,
        %gather3A_303 = tpu.vector_load_idx %arg29[%add3A_211] : memref<8192xf32, #tpu.memory_space<vmem>>[vector<16xi32>], vector<16xf32>,
        %gather3A_304 = tpu.vector_load_idx %arg29[%add3A_214] : memref<8192xf32, #tpu.memory_space<vmem>>[vector<16xi32>], vector<16xf32>,
        %gather3A_305 = tpu.vector_load_idx %arg29[%add3A_217] : memref<8192xf32, #tpu.memory_space<vmem>>[vector<16xi32>], vector<16xf32>,
        %gather3A_306 = tpu.vector_load_idx %arg29[%add3A_220] : memref<8192xf32, #tpu.memory_space<vmem>>[vector<16xi32>], vector<16xf32>,
        %gather3A_307 = tpu.vector_load_idx %arg29[%add3A_223] : memref<8192xf32, #tpu.memory_space<vmem>>[vector<16xi32>], vector<16xf32>,
        %gather3A_308 = tpu.vector_load_idx %arg29[%add3A_226] : memref<8192xf32, #tpu.memory_space<vmem>>[vector<16xi32>], vector<16xf32>,
        %sub3A_309 = arith.subf %gather3A_301, %gather3A_293 : vector<16xf32>
        %mul3A_310 = arith.mulf %sub3A, %sub3A_309 : vector<16xf32>
        %add3A_311 = arith.addf %gather3A_293, %mul3A_310 : vector<16xf32>
        %sub3A_312 = arith.subf %gather3A_302, %gather3A_294 : vector<16xf32>
        %mul3A_313 = arith.mulf %sub3A, %sub3A_312 : vector<16xf32>
        %add3A_314 = arith.addf %gather3A_294, %mul3A_313 : vector<16xf32>
        %sub3A_315 = arith.subf %gather3A_303, %gather3A_295 : vector<16xf32>
        %mul3A_316 = arith.mulf %sub3A, %sub3A_315 : vector<16xf32>
        %add3A_317 = arith.addf %gather3A_295, %mul3A_316 : vector<16xf32>
        %sub3A_318 = arith.subf %gather3A_304, %gather3A_296 : vector<16xf32>
        %mul3A_319 = arith.mulf %sub3A, %sub3A_318 : vector<16xf32>
        %add3A_320 = arith.addf %gather3A_296, %mul3A_319 : vector<16xf32>
        %sub3A_321 = arith.subf %gather3A_305, %gather3A_297 : vector<16xf32>
        %mul3A_322 = arith.mulf %sub3A, %sub3A_321 : vector<16xf32>
        %add3A_323 = arith.addf %gather3A_297, %mul3A_322 : vector<16xf32>
        %sub3A_324 = arith.subf %gather3A_306, %gather3A_298 : vector<16xf32>
        %mul3A_325 = arith.mulf %sub3A, %sub3A_324 : vector<16xf32>
        %add3A_326 = arith.addf %gather3A_298, %mul3A_325 : vector<16xf32>
        %sub3A_327 = arith.subf %gather3A_307, %gather3A_299 : vector<16xf32>
        %mul3A_328 = arith.mulf %sub3A, %sub3A_327 : vector<16xf32>
        %add3A_329 = arith.addf %gather3A_299, %mul3A_328 : vector<16xf32>
        %sub3A_330 = arith.subf %gather3A_308, %gather3A_300 : vector<16xf32>
        %mul3A_331 = arith.mulf %sub3A, %sub3A_330 : vector<16xf32>
        %add3A_332 = arith.addf %gather3A_300, %mul3A_331 : vector<16xf32>
        %sub3A_333 = arith.subf %add3A_323, %add3A_311 : vector<16xf32>
        %mul3A_334 = arith.mulf %sub3A_142, %sub3A_333 : vector<16xf32>
        %add3A_335 = arith.addf %add3A_311, %mul3A_334 : vector<16xf32>
        %sub3A_336 = arith.subf %add3A_326, %add3A_314 : vector<16xf32>
        %mul3A_337 = arith.mulf %sub3A_142, %sub3A_336 : vector<16xf32>
        %add3A_338 = arith.addf %add3A_314, %mul3A_337 : vector<16xf32>
        %sub3A_339 = arith.subf %add3A_329, %add3A_317 : vector<16xf32>
        %mul3A_340 = arith.mulf %sub3A_142, %sub3A_339 : vector<16xf32>
        %add3A_341 = arith.addf %add3A_317, %mul3A_340 : vector<16xf32>
        %sub3A_342 = arith.subf %add3A_332, %add3A_320 : vector<16xf32>
        %mul3A_343 = arith.mulf %sub3A_142, %sub3A_342 : vector<16xf32>
        %add3A_344 = arith.addf %add3A_320, %mul3A_343 : vector<16xf32>
        %sub3A_345 = arith.subf %add3A_341, %add3A_335 : vector<16xf32>
        %mul3A_346 = arith.mulf %sub3A_154, %sub3A_345 : vector<16xf32>
        %add3A_347 = arith.addf %add3A_335, %mul3A_346 : vector<16xf32>
        %sub3A_348 = arith.subf %add3A_344, %add3A_338 : vector<16xf32>
        %mul3A_349 = arith.mulf %sub3A_154, %sub3A_348 : vector<16xf32>
        %add3A_350 = arith.addf %add3A_338, %mul3A_349 : vector<16xf32>
        %sub3A_351 = arith.subf %add3A_350, %add3A_347 : vector<16xf32>
        %mul3A_352 = arith.mulf %sub3A_166, %sub3A_351 : vector<16xf32>
        %add3A_353 = arith.addf %add3A_347, %mul3A_352 : vector<16xf32>
        %swap3A_354 = arith.constant 1 : i32
        %swap3A_355 = arith.index_cast %swap3A_354 : i32 to index
        %swap3A_356 = arith.index_cast %mul3A_228 : i32 to index
        %swap3A_357 = tpu.vector_load %arg36[%swap3A_355, %swap3A_356] {strides = array<i32>} : memref<12x128xf32, #tpu.memory_space<vmem>>, vector<16xf32>,
        tpu.vector_store %arg36[%swap3A_355, %swap3A_356], %add3A_353 {strides = array<i32>} : memref<12x128xf32, #tpu.memory_space<vmem>>, vector<16xf32>,
      }
      %scan3A_23 = arith.constant 8 : i32
      %scan3A_24 = arith.constant 0 : i32
      %scan3A_25 = arith.constant 0 : i32
      %scan3A_26 = arith.constant 8 : i32
      %scan3A_27 = arith.addi %scan3A_25, %scan3A_26 : i32
      %scan3A_28 = arith.constant 1 : i32
      scf.for %scan3A_119 = %scan3A_25 to %scan3A_27 step %scan3A_28  : i32 {
        %mul3A_120 = arith.constant 16 : i32
        %mul3A_121 = arith.muli %scan3A_119, %mul3A_120 : i32
        %add3A_122 = vector.broadcast %mul3A_121 : i32 to vector<16xi32>
        %add3A_123 = arith.addi %add3A_122, %iota3A : vector<16xi32>
        %broadcast_in_dim3A = arith.constant 0 : i32
        %broadcast_in_dim3A_124 = vector.broadcast %broadcast_in_dim3A : i32 to vector<16xi32>
        %gather3A = tpu.vector_load_idx %arg32[%add3A_123, %broadcast_in_dim3A_124] : memref<128x4xf32, #tpu.memory_space<vmem>>[vector<16xi32>, vector<16xi32>], vector<16xf32>,
        %mul3A_125 = arith.constant 1.000000e+00 : f32
        %mul3A_126 = vector.broadcast %mul3A_125 : f32 to vector<16xf32>
        %mul3A_127 = arith.mulf %gather3A, %mul3A_126 : vector<16xf32>
        %convert_element_type3A = arith.fptosi %mul3A_127 : vector<16xf32> to vector<16xi32>
        %min3A = arith.constant 0 : i32
        %min3A_128 = vector.broadcast %min3A : i32 to vector<16xi32>
        %min3A_129 = arith.minsi %convert_element_type3A, %min3A_128 : vector<16xi32>
        %convert_element_type3A_130 = arith.sitofp %min3A_129 : vector<16xi32> to vector<16xf32>
        %sub3A = arith.subf %mul3A_127, %convert_element_type3A_130 : vector<16xf32>
        %broadcast_in_dim3A_131 = arith.constant 1 : i32
        %broadcast_in_dim3A_132 = vector.broadcast %broadcast_in_dim3A_131 : i32 to vector<16xi32>
        %gather3A_133 = tpu.vector_load_idx %arg32[%add3A_123, %broadcast_in_dim3A_132] : memref<128x4xf32, #tpu.memory_space<vmem>>[vector<16xi32>, vector<16xi32>], vector<16xf32>,
        %mul3A_134 = arith.constant 2.300000e+01 : f32
        %mul3A_135 = vector.broadcast %mul3A_134 : f32 to vector<16xf32>
        %mul3A_136 = arith.mulf %gather3A_133, %mul3A_135 : vector<16xf32>
        %convert_element_type3A_137 = arith.fptosi %mul3A_136 : vector<16xf32> to vector<16xi32>
        %min3A_138 = arith.constant 22 : i32
        %min3A_139 = vector.broadcast %min3A_138 : i32 to vector<16xi32>
        %min3A_140 = arith.minsi %convert_element_type3A_137, %min3A_139 : vector<16xi32>
        %convert_element_type3A_141 = arith.sitofp %min3A_140 : vector<16xi32> to vector<16xf32>
        %sub3A_142 = arith.subf %mul3A_136, %convert_element_type3A_141 : vector<16xf32>
        %broadcast_in_dim3A_143 = arith.constant 2 : i32
        %broadcast_in_dim3A_144 = vector.broadcast %broadcast_in_dim3A_143 : i32 to vector<16xi32>
        %gather3A_145 = tpu.vector_load_idx %arg32[%add3A_123, %broadcast_in_dim3A_144] : memref<128x4xf32, #tpu.memory_space<vmem>>[vector<16xi32>, vector<16xi32>], vector<16xf32>,
        %mul3A_146 = arith.constant 2.300000e+01 : f32
        %mul3A_147 = vector.broadcast %mul3A_146 : f32 to vector<16xf32>
        %mul3A_148 = arith.mulf %gather3A_145, %mul3A_147 : vector<16xf32>
        %convert_element_type3A_149 = arith.fptosi %mul3A_148 : vector<16xf32> to vector<16xi32>
        %min3A_150 = arith.constant 22 : i32
        %min3A_151 = vector.broadcast %min3A_150 : i32 to vector<16xi32>
        %min3A_152 = arith.minsi %convert_element_type3A_149, %min3A_151 : vector<16xi32>
        %convert_element_type3A_153 = arith.sitofp %min3A_152 : vector<16xi32> to vector<16xf32>
        %sub3A_154 = arith.subf %mul3A_148, %convert_element_type3A_153 : vector<16xf32>
        %broadcast_in_dim3A_155 = arith.constant 3 : i32
        %broadcast_in_dim3A_156 = vector.broadcast %broadcast_in_dim3A_155 : i32 to vector<16xi32>
        %gather3A_157 = tpu.vector_load_idx %arg32[%add3A_123, %broadcast_in_dim3A_156] : memref<128x4xf32, #tpu.memory_space<vmem>>[vector<16xi32>, vector<16xi32>], vector<16xf32>,
        %mul3A_158 = arith.constant 2.300000e+01 : f32
        %mul3A_159 = vector.broadcast %mul3A_158 : f32 to vector<16xf32>
        %mul3A_160 = arith.mulf %gather3A_157, %mul3A_159 : vector<16xf32>
        %convert_element_type3A_161 = arith.fptosi %mul3A_160 : vector<16xf32> to vector<16xi32>
        %min3A_162 = arith.constant 22 : i32
        %min3A_163 = vector.broadcast %min3A_162 : i32 to vector<16xi32>
        %min3A_164 = arith.minsi %convert_element_type3A_161, %min3A_163 : vector<16xi32>
        %convert_element_type3A_165 = arith.sitofp %min3A_164 : vector<16xi32> to vector<16xf32>
        %sub3A_166 = arith.subf %mul3A_160, %convert_element_type3A_165 : vector<16xf32>
        %mul3A_167 = arith.constant 13824 : i32
        %mul3A_168 = vector.broadcast %mul3A_167 : i32 to vector<16xi32>
        %mul3A_169 = arith.muli %min3A_129, %mul3A_168 : vector<16xi32>
        %add3A_170 = arith.addi %mul3A_169, %min3A_140 : vector<16xi32>
        %mul3A_171 = arith.constant 24 : i32
        %mul3A_172 = vector.broadcast %mul3A_171 : i32 to vector<16xi32>
        %mul3A_173 = arith.muli %min3A_152, %mul3A_172 : vector<16xi32>
        %add3A_174 = arith.addi %add3A_170, %mul3A_173 : vector<16xi32>
        %mul3A_175 = arith.constant 576 : i32
        %mul3A_176 = vector.broadcast %mul3A_175 : i32 to vector<16xi32>
        %mul3A_177 = arith.muli %min3A_164, %mul3A_176 : vector<16xi32>
        %add3A_178 = arith.addi %add3A_174, %mul3A_177 : vector<16xi32>
        %add3A_179 = arith.constant 0 : i32
        %add3A_180 = vector.broadcast %add3A_179 : i32 to vector<16xi32>
        %add3A_181 = arith.addi %add3A_178, %add3A_180 : vector<16xi32>
        %add3A_182 = arith.constant 576 : i32
        %add3A_183 = vector.broadcast %add3A_182 : i32 to vector<16xi32>
        %add3A_184 = arith.addi %add3A_178, %add3A_183 : vector<16xi32>
        %add3A_185 = arith.constant 24 : i32
        %add3A_186 = vector.broadcast %add3A_185 : i32 to vector<16xi32>
        %add3A_187 = arith.addi %add3A_178, %add3A_186 : vector<16xi32>
        %add3A_188 = arith.constant 600 : i32
        %add3A_189 = vector.broadcast %add3A_188 : i32 to vector<16xi32>
        %add3A_190 = arith.addi %add3A_178, %add3A_189 : vector<16xi32>
        %add3A_191 = arith.constant 1 : i32
        %add3A_192 = vector.broadcast %add3A_191 : i32 to vector<16xi32>
        %add3A_193 = arith.addi %add3A_178, %add3A_192 : vector<16xi32>
        %add3A_194 = arith.constant 577 : i32
        %add3A_195 = vector.broadcast %add3A_194 : i32 to vector<16xi32>
        %add3A_196 = arith.addi %add3A_178, %add3A_195 : vector<16xi32>
        %add3A_197 = arith.constant 25 : i32
        %add3A_198 = vector.broadcast %add3A_197 : i32 to vector<16xi32>
        %add3A_199 = arith.addi %add3A_178, %add3A_198 : vector<16xi32>
        %add3A_200 = arith.constant 601 : i32
        %add3A_201 = vector.broadcast %add3A_200 : i32 to vector<16xi32>
        %add3A_202 = arith.addi %add3A_178, %add3A_201 : vector<16xi32>
        %add3A_203 = arith.constant 13824 : i32
        %add3A_204 = vector.broadcast %add3A_203 : i32 to vector<16xi32>
        %add3A_205 = arith.addi %add3A_178, %add3A_204 : vector<16xi32>
        %add3A_206 = arith.constant 14400 : i32
        %add3A_207 = vector.broadcast %add3A_206 : i32 to vector<16xi32>
        %add3A_208 = arith.addi %add3A_178, %add3A_207 : vector<16xi32>
        %add3A_209 = arith.constant 13848 : i32
        %add3A_210 = vector.broadcast %add3A_209 : i32 to vector<16xi32>
        %add3A_211 = arith.addi %add3A_178, %add3A_210 : vector<16xi32>
        %add3A_212 = arith.constant 14424 : i32
        %add3A_213 = vector.broadcast %add3A_212 : i32 to vector<16xi32>
        %add3A_214 = arith.addi %add3A_178, %add3A_213 : vector<16xi32>
        %add3A_215 = arith.constant 13825 : i32
        %add3A_216 = vector.broadcast %add3A_215 : i32 to vector<16xi32>
        %add3A_217 = arith.addi %add3A_178, %add3A_216 : vector<16xi32>
        %add3A_218 = arith.constant 14401 : i32
        %add3A_219 = vector.broadcast %add3A_218 : i32 to vector<16xi32>
        %add3A_220 = arith.addi %add3A_178, %add3A_219 : vector<16xi32>
        %add3A_221 = arith.constant 13849 : i32
        %add3A_222 = vector.broadcast %add3A_221 : i32 to vector<16xi32>
        %add3A_223 = arith.addi %add3A_178, %add3A_222 : vector<16xi32>
        %add3A_224 = arith.constant 14425 : i32
        %add3A_225 = vector.broadcast %add3A_224 : i32 to vector<16xi32>
        %add3A_226 = arith.addi %add3A_178, %add3A_225 : vector<16xi32>
        %mul3A_227 = arith.constant 16 : i32
        %mul3A_228 = arith.muli %scan3A_119, %mul3A_227 : i32
        %gather3A_229 = tpu.vector_load_idx %arg30[%add3A_181] : memref<27648xf32, #tpu.memory_space<vmem>>[vector<16xi32>], vector<16xf32>,
        %gather3A_230 = tpu.vector_load_idx %arg30[%add3A_184] : memref<27648xf32, #tpu.memory_space<vmem>>[vector<16xi32>], vector<16xf32>,
        %gather3A_231 = tpu.vector_load_idx %arg30[%add3A_187] : memref<27648xf32, #tpu.memory_space<vmem>>[vector<16xi32>], vector<16xf32>,
        %gather3A_232 = tpu.vector_load_idx %arg30[%add3A_190] : memref<27648xf32, #tpu.memory_space<vmem>>[vector<16xi32>], vector<16xf32>,
        %gather3A_233 = tpu.vector_load_idx %arg30[%add3A_193] : memref<27648xf32, #tpu.memory_space<vmem>>[vector<16xi32>], vector<16xf32>,
        %gather3A_234 = tpu.vector_load_idx %arg30[%add3A_196] : memref<27648xf32, #tpu.memory_space<vmem>>[vector<16xi32>], vector<16xf32>,
        %gather3A_235 = tpu.vector_load_idx %arg30[%add3A_199] : memref<27648xf32, #tpu.memory_space<vmem>>[vector<16xi32>], vector<16xf32>,
        %gather3A_236 = tpu.vector_load_idx %arg30[%add3A_202] : memref<27648xf32, #tpu.memory_space<vmem>>[vector<16xi32>], vector<16xf32>,
        %gather3A_237 = tpu.vector_load_idx %arg30[%add3A_205] : memref<27648xf32, #tpu.memory_space<vmem>>[vector<16xi32>], vector<16xf32>,
        %gather3A_238 = tpu.vector_load_idx %arg30[%add3A_208] : memref<27648xf32, #tpu.memory_space<vmem>>[vector<16xi32>], vector<16xf32>,
        %gather3A_239 = tpu.vector_load_idx %arg30[%add3A_211] : memref<27648xf32, #tpu.memory_space<vmem>>[vector<16xi32>], vector<16xf32>,
        %gather3A_240 = tpu.vector_load_idx %arg30[%add3A_214] : memref<27648xf32, #tpu.memory_space<vmem>>[vector<16xi32>], vector<16xf32>,
        %gather3A_241 = tpu.vector_load_idx %arg30[%add3A_217] : memref<27648xf32, #tpu.memory_space<vmem>>[vector<16xi32>], vector<16xf32>,
        %gather3A_242 = tpu.vector_load_idx %arg30[%add3A_220] : memref<27648xf32, #tpu.memory_space<vmem>>[vector<16xi32>], vector<16xf32>,
        %gather3A_243 = tpu.vector_load_idx %arg30[%add3A_223] : memref<27648xf32, #tpu.memory_space<vmem>>[vector<16xi32>], vector<16xf32>,
        %gather3A_244 = tpu.vector_load_idx %arg30[%add3A_226] : memref<27648xf32, #tpu.memory_space<vmem>>[vector<16xi32>], vector<16xf32>,
        %sub3A_245 = arith.subf %gather3A_237, %gather3A_229 : vector<16xf32>
        %mul3A_246 = arith.mulf %sub3A, %sub3A_245 : vector<16xf32>
        %add3A_247 = arith.addf %gather3A_229, %mul3A_246 : vector<16xf32>
        %sub3A_248 = arith.subf %gather3A_238, %gather3A_230 : vector<16xf32>
        %mul3A_249 = arith.mulf %sub3A, %sub3A_248 : vector<16xf32>
        %add3A_250 = arith.addf %gather3A_230, %mul3A_249 : vector<16xf32>
        %sub3A_251 = arith.subf %gather3A_239, %gather3A_231 : vector<16xf32>
        %mul3A_252 = arith.mulf %sub3A, %sub3A_251 : vector<16xf32>
        %add3A_253 = arith.addf %gather3A_231, %mul3A_252 : vector<16xf32>
        %sub3A_254 = arith.subf %gather3A_240, %gather3A_232 : vector<16xf32>
        %mul3A_255 = arith.mulf %sub3A, %sub3A_254 : vector<16xf32>
        %add3A_256 = arith.addf %gather3A_232, %mul3A_255 : vector<16xf32>
        %sub3A_257 = arith.subf %gather3A_241, %gather3A_233 : vector<16xf32>
        %mul3A_258 = arith.mulf %sub3A, %sub3A_257 : vector<16xf32>
        %add3A_259 = arith.addf %gather3A_233, %mul3A_258 : vector<16xf32>
        %sub3A_260 = arith.subf %gather3A_242, %gather3A_234 : vector<16xf32>
        %mul3A_261 = arith.mulf %sub3A, %sub3A_260 : vector<16xf32>
        %add3A_262 = arith.addf %gather3A_234, %mul3A_261 : vector<16xf32>
        %sub3A_263 = arith.subf %gather3A_243, %gather3A_235 : vector<16xf32>
        %mul3A_264 = arith.mulf %sub3A, %sub3A_263 : vector<16xf32>
        %add3A_265 = arith.addf %gather3A_235, %mul3A_264 : vector<16xf32>
        %sub3A_266 = arith.subf %gather3A_244, %gather3A_236 : vector<16xf32>
        %mul3A_267 = arith.mulf %sub3A, %sub3A_266 : vector<16xf32>
        %add3A_268 = arith.addf %gather3A_236, %mul3A_267 : vector<16xf32>
        %sub3A_269 = arith.subf %add3A_259, %add3A_247 : vector<16xf32>
        %mul3A_270 = arith.mulf %sub3A_142, %sub3A_269 : vector<16xf32>
        %add3A_271 = arith.addf %add3A_247, %mul3A_270 : vector<16xf32>
        %sub3A_272 = arith.subf %add3A_262, %add3A_250 : vector<16xf32>
        %mul3A_273 = arith.mulf %sub3A_142, %sub3A_272 : vector<16xf32>
        %add3A_274 = arith.addf %add3A_250, %mul3A_273 : vector<16xf32>
        %sub3A_275 = arith.subf %add3A_265, %add3A_253 : vector<16xf32>
        %mul3A_276 = arith.mulf %sub3A_142, %sub3A_275 : vector<16xf32>
        %add3A_277 = arith.addf %add3A_253, %mul3A_276 : vector<16xf32>
        %sub3A_278 = arith.subf %add3A_268, %add3A_256 : vector<16xf32>
        %mul3A_279 = arith.mulf %sub3A_142, %sub3A_278 : vector<16xf32>
        %add3A_280 = arith.addf %add3A_256, %mul3A_279 : vector<16xf32>
        %sub3A_281 = arith.subf %add3A_277, %add3A_271 : vector<16xf32>
        %mul3A_282 = arith.mulf %sub3A_154, %sub3A_281 : vector<16xf32>
        %add3A_283 = arith.addf %add3A_271, %mul3A_282 : vector<16xf32>
        %sub3A_284 = arith.subf %add3A_280, %add3A_274 : vector<16xf32>
        %mul3A_285 = arith.mulf %sub3A_154, %sub3A_284 : vector<16xf32>
        %add3A_286 = arith.addf %add3A_274, %mul3A_285 : vector<16xf32>
        %sub3A_287 = arith.subf %add3A_286, %add3A_283 : vector<16xf32>
        %mul3A_288 = arith.mulf %sub3A_166, %sub3A_287 : vector<16xf32>
        %add3A_289 = arith.addf %add3A_283, %mul3A_288 : vector<16xf32>
        %swap3A = arith.constant 2 : i32
        %swap3A_290 = arith.index_cast %swap3A : i32 to index
        %swap3A_291 = arith.index_cast %mul3A_228 : i32 to index
        %swap3A_292 = tpu.vector_load %arg36[%swap3A_290, %swap3A_291] {strides = array<i32>} : memref<12x128xf32, #tpu.memory_space<vmem>>, vector<16xf32>,
        tpu.vector_store %arg36[%swap3A_290, %swap3A_291], %add3A_289 {strides = array<i32>} : memref<12x128xf32, #tpu.memory_space<vmem>>, vector<16xf32>,
        %gather3A_293 = tpu.vector_load_idx %arg31[%add3A_181] : memref<27648xf32, #tpu.memory_space<vmem>>[vector<16xi32>], vector<16xf32>,
        %gather3A_294 = tpu.vector_load_idx %arg31[%add3A_184] : memref<27648xf32, #tpu.memory_space<vmem>>[vector<16xi32>], vector<16xf32>,
        %gather3A_295 = tpu.vector_load_idx %arg31[%add3A_187] : memref<27648xf32, #tpu.memory_space<vmem>>[vector<16xi32>], vector<16xf32>,
        %gather3A_296 = tpu.vector_load_idx %arg31[%add3A_190] : memref<27648xf32, #tpu.memory_space<vmem>>[vector<16xi32>], vector<16xf32>,
        %gather3A_297 = tpu.vector_load_idx %arg31[%add3A_193] : memref<27648xf32, #tpu.memory_space<vmem>>[vector<16xi32>], vector<16xf32>,
        %gather3A_298 = tpu.vector_load_idx %arg31[%add3A_196] : memref<27648xf32, #tpu.memory_space<vmem>>[vector<16xi32>], vector<16xf32>,
        %gather3A_299 = tpu.vector_load_idx %arg31[%add3A_199] : memref<27648xf32, #tpu.memory_space<vmem>>[vector<16xi32>], vector<16xf32>,
        %gather3A_300 = tpu.vector_load_idx %arg31[%add3A_202] : memref<27648xf32, #tpu.memory_space<vmem>>[vector<16xi32>], vector<16xf32>,
        %gather3A_301 = tpu.vector_load_idx %arg31[%add3A_205] : memref<27648xf32, #tpu.memory_space<vmem>>[vector<16xi32>], vector<16xf32>,
        %gather3A_302 = tpu.vector_load_idx %arg31[%add3A_208] : memref<27648xf32, #tpu.memory_space<vmem>>[vector<16xi32>], vector<16xf32>,
        %gather3A_303 = tpu.vector_load_idx %arg31[%add3A_211] : memref<27648xf32, #tpu.memory_space<vmem>>[vector<16xi32>], vector<16xf32>,
        %gather3A_304 = tpu.vector_load_idx %arg31[%add3A_214] : memref<27648xf32, #tpu.memory_space<vmem>>[vector<16xi32>], vector<16xf32>,
        %gather3A_305 = tpu.vector_load_idx %arg31[%add3A_217] : memref<27648xf32, #tpu.memory_space<vmem>>[vector<16xi32>], vector<16xf32>,
        %gather3A_306 = tpu.vector_load_idx %arg31[%add3A_220] : memref<27648xf32, #tpu.memory_space<vmem>>[vector<16xi32>], vector<16xf32>,
        %gather3A_307 = tpu.vector_load_idx %arg31[%add3A_223] : memref<27648xf32, #tpu.memory_space<vmem>>[vector<16xi32>], vector<16xf32>,
        %gather3A_308 = tpu.vector_load_idx %arg31[%add3A_226] : memref<27648xf32, #tpu.memory_space<vmem>>[vector<16xi32>], vector<16xf32>,
        %sub3A_309 = arith.subf %gather3A_301, %gather3A_293 : vector<16xf32>
        %mul3A_310 = arith.mulf %sub3A, %sub3A_309 : vector<16xf32>
        %add3A_311 = arith.addf %gather3A_293, %mul3A_310 : vector<16xf32>
        %sub3A_312 = arith.subf %gather3A_302, %gather3A_294 : vector<16xf32>
        %mul3A_313 = arith.mulf %sub3A, %sub3A_312 : vector<16xf32>
        %add3A_314 = arith.addf %gather3A_294, %mul3A_313 : vector<16xf32>
        %sub3A_315 = arith.subf %gather3A_303, %gather3A_295 : vector<16xf32>
        %mul3A_316 = arith.mulf %sub3A, %sub3A_315 : vector<16xf32>
        %add3A_317 = arith.addf %gather3A_295, %mul3A_316 : vector<16xf32>
        %sub3A_318 = arith.subf %gather3A_304, %gather3A_296 : vector<16xf32>
        %mul3A_319 = arith.mulf %sub3A, %sub3A_318 : vector<16xf32>
        %add3A_320 = arith.addf %gather3A_296, %mul3A_319 : vector<16xf32>
        %sub3A_321 = arith.subf %gather3A_305, %gather3A_297 : vector<16xf32>
        %mul3A_322 = arith.mulf %sub3A, %sub3A_321 : vector<16xf32>
        %add3A_323 = arith.addf %gather3A_297, %mul3A_322 : vector<16xf32>
        %sub3A_324 = arith.subf %gather3A_306, %gather3A_298 : vector<16xf32>
        %mul3A_325 = arith.mulf %sub3A, %sub3A_324 : vector<16xf32>
        %add3A_326 = arith.addf %gather3A_298, %mul3A_325 : vector<16xf32>
        %sub3A_327 = arith.subf %gather3A_307, %gather3A_299 : vector<16xf32>
        %mul3A_328 = arith.mulf %sub3A, %sub3A_327 : vector<16xf32>
        %add3A_329 = arith.addf %gather3A_299, %mul3A_328 : vector<16xf32>
        %sub3A_330 = arith.subf %gather3A_308, %gather3A_300 : vector<16xf32>
        %mul3A_331 = arith.mulf %sub3A, %sub3A_330 : vector<16xf32>
        %add3A_332 = arith.addf %gather3A_300, %mul3A_331 : vector<16xf32>
        %sub3A_333 = arith.subf %add3A_323, %add3A_311 : vector<16xf32>
        %mul3A_334 = arith.mulf %sub3A_142, %sub3A_333 : vector<16xf32>
        %add3A_335 = arith.addf %add3A_311, %mul3A_334 : vector<16xf32>
        %sub3A_336 = arith.subf %add3A_326, %add3A_314 : vector<16xf32>
        %mul3A_337 = arith.mulf %sub3A_142, %sub3A_336 : vector<16xf32>
        %add3A_338 = arith.addf %add3A_314, %mul3A_337 : vector<16xf32>
        %sub3A_339 = arith.subf %add3A_329, %add3A_317 : vector<16xf32>
        %mul3A_340 = arith.mulf %sub3A_142, %sub3A_339 : vector<16xf32>
        %add3A_341 = arith.addf %add3A_317, %mul3A_340 : vector<16xf32>
        %sub3A_342 = arith.subf %add3A_332, %add3A_320 : vector<16xf32>
        %mul3A_343 = arith.mulf %sub3A_142, %sub3A_342 : vector<16xf32>
        %add3A_344 = arith.addf %add3A_320, %mul3A_343 : vector<16xf32>
        %sub3A_345 = arith.subf %add3A_341, %add3A_335 : vector<16xf32>
        %mul3A_346 = arith.mulf %sub3A_154, %sub3A_345 : vector<16xf32>
        %add3A_347 = arith.addf %add3A_335, %mul3A_346 : vector<16xf32>
        %sub3A_348 = arith.subf %add3A_344, %add3A_338 : vector<16xf32>
        %mul3A_349 = arith.mulf %sub3A_154, %sub3A_348 : vector<16xf32>
        %add3A_350 = arith.addf %add3A_338, %mul3A_349 : vector<16xf32>
        %sub3A_351 = arith.subf %add3A_350, %add3A_347 : vector<16xf32>
        %mul3A_352 = arith.mulf %sub3A_166, %sub3A_351 : vector<16xf32>
        %add3A_353 = arith.addf %add3A_347, %mul3A_352 : vector<16xf32>
        %swap3A_354 = arith.constant 3 : i32
        %swap3A_355 = arith.index_cast %swap3A_354 : i32 to index
        %swap3A_356 = arith.index_cast %mul3A_228 : i32 to index
        %swap3A_357 = tpu.vector_load %arg36[%swap3A_355, %swap3A_356] {strides = array<i32>} : memref<12x128xf32, #tpu.memory_space<vmem>>, vector<16xf32>,
        tpu.vector_store %arg36[%swap3A_355, %swap3A_356], %add3A_353 {strides = array<i32>} : memref<12x128xf32, #tpu.memory_space<vmem>>, vector<16xf32>,
      }
      %scan3A_29 = arith.constant 8 : i32
      %scan3A_30 = arith.constant 0 : i32
      %scan3A_31 = arith.constant 0 : i32
      %scan3A_32 = arith.constant 8 : i32
      %scan3A_33 = arith.addi %scan3A_31, %scan3A_32 : i32
      %scan3A_34 = arith.constant 1 : i32
      scf.for %scan3A_119 = %scan3A_31 to %scan3A_33 step %scan3A_34  : i32 {
        %mul3A_120 = arith.constant 16 : i32
        %mul3A_121 = arith.muli %scan3A_119, %mul3A_120 : i32
        %add3A_122 = vector.broadcast %mul3A_121 : i32 to vector<16xi32>
        %add3A_123 = arith.addi %add3A_122, %iota3A : vector<16xi32>
        %broadcast_in_dim3A = arith.constant 0 : i32
        %broadcast_in_dim3A_124 = vector.broadcast %broadcast_in_dim3A : i32 to vector<16xi32>
        %gather3A = tpu.vector_load_idx %arg32[%add3A_123, %broadcast_in_dim3A_124] : memref<128x4xf32, #tpu.memory_space<vmem>>[vector<16xi32>, vector<16xi32>], vector<16xf32>,
        %mul3A_125 = arith.constant 3.000000e+00 : f32
        %mul3A_126 = vector.broadcast %mul3A_125 : f32 to vector<16xf32>
        %mul3A_127 = arith.mulf %gather3A, %mul3A_126 : vector<16xf32>
        %convert_element_type3A = arith.fptosi %mul3A_127 : vector<16xf32> to vector<16xi32>
        %min3A = arith.constant 2 : i32
        %min3A_128 = vector.broadcast %min3A : i32 to vector<16xi32>
        %min3A_129 = arith.minsi %convert_element_type3A, %min3A_128 : vector<16xi32>
        %convert_element_type3A_130 = arith.sitofp %min3A_129 : vector<16xi32> to vector<16xf32>
        %sub3A = arith.subf %mul3A_127, %convert_element_type3A_130 : vector<16xf32>
        %broadcast_in_dim3A_131 = arith.constant 1 : i32
        %broadcast_in_dim3A_132 = vector.broadcast %broadcast_in_dim3A_131 : i32 to vector<16xi32>
        %gather3A_133 = tpu.vector_load_idx %arg32[%add3A_123, %broadcast_in_dim3A_132] : memref<128x4xf32, #tpu.memory_space<vmem>>[vector<16xi32>, vector<16xi32>], vector<16xf32>,
        %mul3A_134 = arith.constant 3.100000e+01 : f32
        %mul3A_135 = vector.broadcast %mul3A_134 : f32 to vector<16xf32>
        %mul3A_136 = arith.mulf %gather3A_133, %mul3A_135 : vector<16xf32>
        %convert_element_type3A_137 = arith.fptosi %mul3A_136 : vector<16xf32> to vector<16xi32>
        %min3A_138 = arith.constant 30 : i32
        %min3A_139 = vector.broadcast %min3A_138 : i32 to vector<16xi32>
        %min3A_140 = arith.minsi %convert_element_type3A_137, %min3A_139 : vector<16xi32>
        %convert_element_type3A_141 = arith.sitofp %min3A_140 : vector<16xi32> to vector<16xf32>
        %sub3A_142 = arith.subf %mul3A_136, %convert_element_type3A_141 : vector<16xf32>
        %broadcast_in_dim3A_143 = arith.constant 2 : i32
        %broadcast_in_dim3A_144 = vector.broadcast %broadcast_in_dim3A_143 : i32 to vector<16xi32>
        %gather3A_145 = tpu.vector_load_idx %arg32[%add3A_123, %broadcast_in_dim3A_144] : memref<128x4xf32, #tpu.memory_space<vmem>>[vector<16xi32>, vector<16xi32>], vector<16xf32>,
        %mul3A_146 = arith.constant 3.100000e+01 : f32
        %mul3A_147 = vector.broadcast %mul3A_146 : f32 to vector<16xf32>
        %mul3A_148 = arith.mulf %gather3A_145, %mul3A_147 : vector<16xf32>
        %convert_element_type3A_149 = arith.fptosi %mul3A_148 : vector<16xf32> to vector<16xi32>
        %min3A_150 = arith.constant 30 : i32
        %min3A_151 = vector.broadcast %min3A_150 : i32 to vector<16xi32>
        %min3A_152 = arith.minsi %convert_element_type3A_149, %min3A_151 : vector<16xi32>
        %convert_element_type3A_153 = arith.sitofp %min3A_152 : vector<16xi32> to vector<16xf32>
        %sub3A_154 = arith.subf %mul3A_148, %convert_element_type3A_153 : vector<16xf32>
        %broadcast_in_dim3A_155 = arith.constant 3 : i32
        %broadcast_in_dim3A_156 = vector.broadcast %broadcast_in_dim3A_155 : i32 to vector<16xi32>
        %gather3A_157 = tpu.vector_load_idx %arg32[%add3A_123, %broadcast_in_dim3A_156] : memref<128x4xf32, #tpu.memory_space<vmem>>[vector<16xi32>, vector<16xi32>], vector<16xf32>,
        %mul3A_158 = arith.constant 3.100000e+01 : f32
        %mul3A_159 = vector.broadcast %mul3A_158 : f32 to vector<16xf32>
        %mul3A_160 = arith.mulf %gather3A_157, %mul3A_159 : vector<16xf32>
        %convert_element_type3A_161 = arith.fptosi %mul3A_160 : vector<16xf32> to vector<16xi32>
        %min3A_162 = arith.constant 30 : i32
        %min3A_163 = vector.broadcast %min3A_162 : i32 to vector<16xi32>
        %min3A_164 = arith.minsi %convert_element_type3A_161, %min3A_163 : vector<16xi32>
        %convert_element_type3A_165 = arith.sitofp %min3A_164 : vector<16xi32> to vector<16xf32>
        %sub3A_166 = arith.subf %mul3A_160, %convert_element_type3A_165 : vector<16xf32>
        %mul3A_167 = arith.constant 32768 : i32
        %mul3A_168 = vector.broadcast %mul3A_167 : i32 to vector<16xi32>
        %mul3A_169 = arith.muli %min3A_129, %mul3A_168 : vector<16xi32>
        %add3A_170 = arith.addi %mul3A_169, %min3A_140 : vector<16xi32>
        %mul3A_171 = arith.constant 32 : i32
        %mul3A_172 = vector.broadcast %mul3A_171 : i32 to vector<16xi32>
        %mul3A_173 = arith.muli %min3A_152, %mul3A_172 : vector<16xi32>
        %add3A_174 = arith.addi %add3A_170, %mul3A_173 : vector<16xi32>
        %mul3A_175 = arith.constant 1024 : i32
        %mul3A_176 = vector.broadcast %mul3A_175 : i32 to vector<16xi32>
        %mul3A_177 = arith.muli %min3A_164, %mul3A_176 : vector<16xi32>
        %add3A_178 = arith.addi %add3A_174, %mul3A_177 : vector<16xi32>
        %add3A_179 = arith.constant 0 : i32
        %add3A_180 = vector.broadcast %add3A_179 : i32 to vector<16xi32>
        %add3A_181 = arith.addi %add3A_178, %add3A_180 : vector<16xi32>
        %add3A_182 = arith.constant 1024 : i32
        %add3A_183 = vector.broadcast %add3A_182 : i32 to vector<16xi32>
        %add3A_184 = arith.addi %add3A_178, %add3A_183 : vector<16xi32>
        %add3A_185 = arith.constant 32 : i32
        %add3A_186 = vector.broadcast %add3A_185 : i32 to vector<16xi32>
        %add3A_187 = arith.addi %add3A_178, %add3A_186 : vector<16xi32>
        %add3A_188 = arith.constant 1056 : i32
        %add3A_189 = vector.broadcast %add3A_188 : i32 to vector<16xi32>
        %add3A_190 = arith.addi %add3A_178, %add3A_189 : vector<16xi32>
        %add3A_191 = arith.constant 1 : i32
        %add3A_192 = vector.broadcast %add3A_191 : i32 to vector<16xi32>
        %add3A_193 = arith.addi %add3A_178, %add3A_192 : vector<16xi32>
        %add3A_194 = arith.constant 1025 : i32
        %add3A_195 = vector.broadcast %add3A_194 : i32 to vector<16xi32>
        %add3A_196 = arith.addi %add3A_178, %add3A_195 : vector<16xi32>
        %add3A_197 = arith.constant 33 : i32
        %add3A_198 = vector.broadcast %add3A_197 : i32 to vector<16xi32>
        %add3A_199 = arith.addi %add3A_178, %add3A_198 : vector<16xi32>
        %add3A_200 = arith.constant 1057 : i32
        %add3A_201 = vector.broadcast %add3A_200 : i32 to vector<16xi32>
        %add3A_202 = arith.addi %add3A_178, %add3A_201 : vector<16xi32>
        %add3A_203 = arith.constant 32768 : i32
        %add3A_204 = vector.broadcast %add3A_203 : i32 to vector<16xi32>
        %add3A_205 = arith.addi %add3A_178, %add3A_204 : vector<16xi32>
        %add3A_206 = arith.constant 33792 : i32
        %add3A_207 = vector.broadcast %add3A_206 : i32 to vector<16xi32>
        %add3A_208 = arith.addi %add3A_178, %add3A_207 : vector<16xi32>
        %add3A_209 = arith.constant 32800 : i32
        %add3A_210 = vector.broadcast %add3A_209 : i32 to vector<16xi32>
        %add3A_211 = arith.addi %add3A_178, %add3A_210 : vector<16xi32>
        %add3A_212 = arith.constant 33824 : i32
        %add3A_213 = vector.broadcast %add3A_212 : i32 to vector<16xi32>
        %add3A_214 = arith.addi %add3A_178, %add3A_213 : vector<16xi32>
        %add3A_215 = arith.constant 32769 : i32
        %add3A_216 = vector.broadcast %add3A_215 : i32 to vector<16xi32>
        %add3A_217 = arith.addi %add3A_178, %add3A_216 : vector<16xi32>
        %add3A_218 = arith.constant 33793 : i32
        %add3A_219 = vector.broadcast %add3A_218 : i32 to vector<16xi32>
        %add3A_220 = arith.addi %add3A_178, %add3A_219 : vector<16xi32>
        %add3A_221 = arith.constant 32801 : i32
        %add3A_222 = vector.broadcast %add3A_221 : i32 to vector<16xi32>
        %add3A_223 = arith.addi %add3A_178, %add3A_222 : vector<16xi32>
        %add3A_224 = arith.constant 33825 : i32
        %add3A_225 = vector.broadcast %add3A_224 : i32 to vector<16xi32>
        %add3A_226 = arith.addi %add3A_178, %add3A_225 : vector<16xi32>
        %mul3A_227 = arith.constant 16 : i32
        %mul3A_228 = arith.muli %scan3A_119, %mul3A_227 : i32
        %add3A_229 = arith.constant 0 : i32
        %add3A_230 = arith.addi %add3A_229, %mul3A_228 : i32
        %swap3A = arith.index_cast %add3A_230 : i32 to index
        %swap3A_231 = tpu.vector_load %arg33[%swap3A] {strides = array<i32>} : memref<2048xi32, #tpu.memory_space<vmem>>, vector<16xi32>,
        tpu.vector_store %arg33[%swap3A], %add3A_181 {strides = array<i32>} : memref<2048xi32, #tpu.memory_space<vmem>>, vector<16xi32>,
        %mul3A_232 = arith.constant 16 : i32
        %mul3A_233 = arith.muli %scan3A_119, %mul3A_232 : i32
        %add3A_234 = arith.constant 128 : i32
        %add3A_235 = arith.addi %add3A_234, %mul3A_233 : i32
        %swap3A_236 = arith.index_cast %add3A_235 : i32 to index
        %swap3A_237 = tpu.vector_load %arg33[%swap3A_236] {strides = array<i32>} : memref<2048xi32, #tpu.memory_space<vmem>>, vector<16xi32>,
        tpu.vector_store %arg33[%swap3A_236], %add3A_184 {strides = array<i32>} : memref<2048xi32, #tpu.memory_space<vmem>>, vector<16xi32>,
        %mul3A_238 = arith.constant 16 : i32
        %mul3A_239 = arith.muli %scan3A_119, %mul3A_238 : i32
        %add3A_240 = arith.constant 256 : i32
        %add3A_241 = arith.addi %add3A_240, %mul3A_239 : i32
        %swap3A_242 = arith.index_cast %add3A_241 : i32 to index
        %swap3A_243 = tpu.vector_load %arg33[%swap3A_242] {strides = array<i32>} : memref<2048xi32, #tpu.memory_space<vmem>>, vector<16xi32>,
        tpu.vector_store %arg33[%swap3A_242], %add3A_187 {strides = array<i32>} : memref<2048xi32, #tpu.memory_space<vmem>>, vector<16xi32>,
        %mul3A_244 = arith.constant 16 : i32
        %mul3A_245 = arith.muli %scan3A_119, %mul3A_244 : i32
        %add3A_246 = arith.constant 384 : i32
        %add3A_247 = arith.addi %add3A_246, %mul3A_245 : i32
        %swap3A_248 = arith.index_cast %add3A_247 : i32 to index
        %swap3A_249 = tpu.vector_load %arg33[%swap3A_248] {strides = array<i32>} : memref<2048xi32, #tpu.memory_space<vmem>>, vector<16xi32>,
        tpu.vector_store %arg33[%swap3A_248], %add3A_190 {strides = array<i32>} : memref<2048xi32, #tpu.memory_space<vmem>>, vector<16xi32>,
        %mul3A_250 = arith.constant 16 : i32
        %mul3A_251 = arith.muli %scan3A_119, %mul3A_250 : i32
        %add3A_252 = arith.constant 512 : i32
        %add3A_253 = arith.addi %add3A_252, %mul3A_251 : i32
        %swap3A_254 = arith.index_cast %add3A_253 : i32 to index
        %swap3A_255 = tpu.vector_load %arg33[%swap3A_254] {strides = array<i32>} : memref<2048xi32, #tpu.memory_space<vmem>>, vector<16xi32>,
        tpu.vector_store %arg33[%swap3A_254], %add3A_193 {strides = array<i32>} : memref<2048xi32, #tpu.memory_space<vmem>>, vector<16xi32>,
        %mul3A_256 = arith.constant 16 : i32
        %mul3A_257 = arith.muli %scan3A_119, %mul3A_256 : i32
        %add3A_258 = arith.constant 640 : i32
        %add3A_259 = arith.addi %add3A_258, %mul3A_257 : i32
        %swap3A_260 = arith.index_cast %add3A_259 : i32 to index
        %swap3A_261 = tpu.vector_load %arg33[%swap3A_260] {strides = array<i32>} : memref<2048xi32, #tpu.memory_space<vmem>>, vector<16xi32>,
        tpu.vector_store %arg33[%swap3A_260], %add3A_196 {strides = array<i32>} : memref<2048xi32, #tpu.memory_space<vmem>>, vector<16xi32>,
        %mul3A_262 = arith.constant 16 : i32
        %mul3A_263 = arith.muli %scan3A_119, %mul3A_262 : i32
        %add3A_264 = arith.constant 768 : i32
        %add3A_265 = arith.addi %add3A_264, %mul3A_263 : i32
        %swap3A_266 = arith.index_cast %add3A_265 : i32 to index
        %swap3A_267 = tpu.vector_load %arg33[%swap3A_266] {strides = array<i32>} : memref<2048xi32, #tpu.memory_space<vmem>>, vector<16xi32>,
        tpu.vector_store %arg33[%swap3A_266], %add3A_199 {strides = array<i32>} : memref<2048xi32, #tpu.memory_space<vmem>>, vector<16xi32>,
        %mul3A_268 = arith.constant 16 : i32
        %mul3A_269 = arith.muli %scan3A_119, %mul3A_268 : i32
        %add3A_270 = arith.constant 896 : i32
        %add3A_271 = arith.addi %add3A_270, %mul3A_269 : i32
        %swap3A_272 = arith.index_cast %add3A_271 : i32 to index
        %swap3A_273 = tpu.vector_load %arg33[%swap3A_272] {strides = array<i32>} : memref<2048xi32, #tpu.memory_space<vmem>>, vector<16xi32>,
        tpu.vector_store %arg33[%swap3A_272], %add3A_202 {strides = array<i32>} : memref<2048xi32, #tpu.memory_space<vmem>>, vector<16xi32>,
        %mul3A_274 = arith.constant 16 : i32
        %mul3A_275 = arith.muli %scan3A_119, %mul3A_274 : i32
        %add3A_276 = arith.constant 1024 : i32
        %add3A_277 = arith.addi %add3A_276, %mul3A_275 : i32
        %swap3A_278 = arith.index_cast %add3A_277 : i32 to index
        %swap3A_279 = tpu.vector_load %arg33[%swap3A_278] {strides = array<i32>} : memref<2048xi32, #tpu.memory_space<vmem>>, vector<16xi32>,
        tpu.vector_store %arg33[%swap3A_278], %add3A_205 {strides = array<i32>} : memref<2048xi32, #tpu.memory_space<vmem>>, vector<16xi32>,
        %mul3A_280 = arith.constant 16 : i32
        %mul3A_281 = arith.muli %scan3A_119, %mul3A_280 : i32
        %add3A_282 = arith.constant 1152 : i32
        %add3A_283 = arith.addi %add3A_282, %mul3A_281 : i32
        %swap3A_284 = arith.index_cast %add3A_283 : i32 to index
        %swap3A_285 = tpu.vector_load %arg33[%swap3A_284] {strides = array<i32>} : memref<2048xi32, #tpu.memory_space<vmem>>, vector<16xi32>,
        tpu.vector_store %arg33[%swap3A_284], %add3A_208 {strides = array<i32>} : memref<2048xi32, #tpu.memory_space<vmem>>, vector<16xi32>,
        %mul3A_286 = arith.constant 16 : i32
        %mul3A_287 = arith.muli %scan3A_119, %mul3A_286 : i32
        %add3A_288 = arith.constant 1280 : i32
        %add3A_289 = arith.addi %add3A_288, %mul3A_287 : i32
        %swap3A_290 = arith.index_cast %add3A_289 : i32 to index
        %swap3A_291 = tpu.vector_load %arg33[%swap3A_290] {strides = array<i32>} : memref<2048xi32, #tpu.memory_space<vmem>>, vector<16xi32>,
        tpu.vector_store %arg33[%swap3A_290], %add3A_211 {strides = array<i32>} : memref<2048xi32, #tpu.memory_space<vmem>>, vector<16xi32>,
        %mul3A_292 = arith.constant 16 : i32
        %mul3A_293 = arith.muli %scan3A_119, %mul3A_292 : i32
        %add3A_294 = arith.constant 1408 : i32
        %add3A_295 = arith.addi %add3A_294, %mul3A_293 : i32
        %swap3A_296 = arith.index_cast %add3A_295 : i32 to index
        %swap3A_297 = tpu.vector_load %arg33[%swap3A_296] {strides = array<i32>} : memref<2048xi32, #tpu.memory_space<vmem>>, vector<16xi32>,
        tpu.vector_store %arg33[%swap3A_296], %add3A_214 {strides = array<i32>} : memref<2048xi32, #tpu.memory_space<vmem>>, vector<16xi32>,
        %mul3A_298 = arith.constant 16 : i32
        %mul3A_299 = arith.muli %scan3A_119, %mul3A_298 : i32
        %add3A_300 = arith.constant 1536 : i32
        %add3A_301 = arith.addi %add3A_300, %mul3A_299 : i32
        %swap3A_302 = arith.index_cast %add3A_301 : i32 to index
        %swap3A_303 = tpu.vector_load %arg33[%swap3A_302] {strides = array<i32>} : memref<2048xi32, #tpu.memory_space<vmem>>, vector<16xi32>,
        tpu.vector_store %arg33[%swap3A_302], %add3A_217 {strides = array<i32>} : memref<2048xi32, #tpu.memory_space<vmem>>, vector<16xi32>,
        %mul3A_304 = arith.constant 16 : i32
        %mul3A_305 = arith.muli %scan3A_119, %mul3A_304 : i32
        %add3A_306 = arith.constant 1664 : i32
        %add3A_307 = arith.addi %add3A_306, %mul3A_305 : i32
        %swap3A_308 = arith.index_cast %add3A_307 : i32 to index
        %swap3A_309 = tpu.vector_load %arg33[%swap3A_308] {strides = array<i32>} : memref<2048xi32, #tpu.memory_space<vmem>>, vector<16xi32>,
        tpu.vector_store %arg33[%swap3A_308], %add3A_220 {strides = array<i32>} : memref<2048xi32, #tpu.memory_space<vmem>>, vector<16xi32>,
        %mul3A_310 = arith.constant 16 : i32
        %mul3A_311 = arith.muli %scan3A_119, %mul3A_310 : i32
        %add3A_312 = arith.constant 1792 : i32
        %add3A_313 = arith.addi %add3A_312, %mul3A_311 : i32
        %swap3A_314 = arith.index_cast %add3A_313 : i32 to index
        %swap3A_315 = tpu.vector_load %arg33[%swap3A_314] {strides = array<i32>} : memref<2048xi32, #tpu.memory_space<vmem>>, vector<16xi32>,
        tpu.vector_store %arg33[%swap3A_314], %add3A_223 {strides = array<i32>} : memref<2048xi32, #tpu.memory_space<vmem>>, vector<16xi32>,
        %mul3A_316 = arith.constant 16 : i32
        %mul3A_317 = arith.muli %scan3A_119, %mul3A_316 : i32
        %add3A_318 = arith.constant 1920 : i32
        %add3A_319 = arith.addi %add3A_318, %mul3A_317 : i32
        %swap3A_320 = arith.index_cast %add3A_319 : i32 to index
        %swap3A_321 = tpu.vector_load %arg33[%swap3A_320] {strides = array<i32>} : memref<2048xi32, #tpu.memory_space<vmem>>, vector<16xi32>,
        tpu.vector_store %arg33[%swap3A_320], %add3A_226 {strides = array<i32>} : memref<2048xi32, #tpu.memory_space<vmem>>, vector<16xi32>,
      }
      %scan3A_35 = arith.constant 8 : i32
      %dma_start3A = arith.constant 0 : i32
      %dma_start3A_36 = tpu.memref_slice %arg7[%dma_start3A] : memref<131072xf32, #tpu.memory_space<hbm>> -> memref<131072xf32, #tpu.memory_space<hbm>>
      tpu.enqueue_indirect_dma source(%dma_start3A_36 : memref<131072xf32, #tpu.memory_space<hbm>>) target(%arg34 : memref<2048xf32, #tpu.memory_space<vmem>>) offsets(%arg33 : memref<2048xi32, #tpu.memory_space<vmem>>) semaphore(%arg38 : memref<!tpu.dma_semaphore, #tpu.memory_space<semaphore_mem>>)
      %dma_start3A_37 = arith.constant 0 : i32
      %dma_start3A_38 = tpu.memref_slice %arg8[%dma_start3A_37] : memref<131072xf32, #tpu.memory_space<hbm>> -> memref<131072xf32, #tpu.memory_space<hbm>>
      tpu.enqueue_indirect_dma source(%dma_start3A_38 : memref<131072xf32, #tpu.memory_space<hbm>>) target(%arg35 : memref<2048xf32, #tpu.memory_space<vmem>>) offsets(%arg33 : memref<2048xi32, #tpu.memory_space<vmem>>) semaphore(%arg38 : memref<!tpu.dma_semaphore, #tpu.memory_space<semaphore_mem>>)
      %dma_wait3A = arith.constant 0 : i32
      %dma_wait3A_39 = tpu.memref_slice %arg7[%dma_wait3A] : memref<131072xf32, #tpu.memory_space<hbm>> -> memref<131072xf32, #tpu.memory_space<hbm>>
      tpu.wait_indirect_dma semaphore(%arg38 : memref<!tpu.dma_semaphore, #tpu.memory_space<semaphore_mem>>) src(%dma_wait3A_39 : memref<131072xf32, #tpu.memory_space<hbm>>) dst(%arg34 : memref<2048xf32, #tpu.memory_space<vmem>>)
      %dma_wait3A_40 = arith.constant 0 : i32
      %dma_wait3A_41 = tpu.memref_slice %arg8[%dma_wait3A_40] : memref<131072xf32, #tpu.memory_space<hbm>> -> memref<131072xf32, #tpu.memory_space<hbm>>
      tpu.wait_indirect_dma semaphore(%arg38 : memref<!tpu.dma_semaphore, #tpu.memory_space<semaphore_mem>>) src(%dma_wait3A_41 : memref<131072xf32, #tpu.memory_space<hbm>>) dst(%arg35 : memref<2048xf32, #tpu.memory_space<vmem>>)
      %scan3A_42 = arith.constant 0 : i32
      %scan3A_43 = arith.constant 0 : i32
      %scan3A_44 = arith.constant 8 : i32
      %scan3A_45 = arith.addi %scan3A_43, %scan3A_44 : i32
      %scan3A_46 = arith.constant 1 : i32
      scf.for %scan3A_119 = %scan3A_43 to %scan3A_45 step %scan3A_46  : i32 {
        %mul3A_120 = arith.constant 16 : i32
        %mul3A_121 = arith.muli %scan3A_119, %mul3A_120 : i32
        %add3A_122 = vector.broadcast %mul3A_121 : i32 to vector<16xi32>
        %add3A_123 = arith.addi %add3A_122, %iota3A : vector<16xi32>
        %broadcast_in_dim3A = arith.constant 0 : i32
        %broadcast_in_dim3A_124 = vector.broadcast %broadcast_in_dim3A : i32 to vector<16xi32>
        %gather3A = tpu.vector_load_idx %arg32[%add3A_123, %broadcast_in_dim3A_124] : memref<128x4xf32, #tpu.memory_space<vmem>>[vector<16xi32>, vector<16xi32>], vector<16xf32>,
        %mul3A_125 = arith.constant 3.000000e+00 : f32
        %mul3A_126 = vector.broadcast %mul3A_125 : f32 to vector<16xf32>
        %mul3A_127 = arith.mulf %gather3A, %mul3A_126 : vector<16xf32>
        %convert_element_type3A = arith.fptosi %mul3A_127 : vector<16xf32> to vector<16xi32>
        %min3A = arith.constant 2 : i32
        %min3A_128 = vector.broadcast %min3A : i32 to vector<16xi32>
        %min3A_129 = arith.minsi %convert_element_type3A, %min3A_128 : vector<16xi32>
        %convert_element_type3A_130 = arith.sitofp %min3A_129 : vector<16xi32> to vector<16xf32>
        %sub3A = arith.subf %mul3A_127, %convert_element_type3A_130 : vector<16xf32>
        %broadcast_in_dim3A_131 = arith.constant 1 : i32
        %broadcast_in_dim3A_132 = vector.broadcast %broadcast_in_dim3A_131 : i32 to vector<16xi32>
        %gather3A_133 = tpu.vector_load_idx %arg32[%add3A_123, %broadcast_in_dim3A_132] : memref<128x4xf32, #tpu.memory_space<vmem>>[vector<16xi32>, vector<16xi32>], vector<16xf32>,
        %mul3A_134 = arith.constant 3.100000e+01 : f32
        %mul3A_135 = vector.broadcast %mul3A_134 : f32 to vector<16xf32>
        %mul3A_136 = arith.mulf %gather3A_133, %mul3A_135 : vector<16xf32>
        %convert_element_type3A_137 = arith.fptosi %mul3A_136 : vector<16xf32> to vector<16xi32>
        %min3A_138 = arith.constant 30 : i32
        %min3A_139 = vector.broadcast %min3A_138 : i32 to vector<16xi32>
        %min3A_140 = arith.minsi %convert_element_type3A_137, %min3A_139 : vector<16xi32>
        %convert_element_type3A_141 = arith.sitofp %min3A_140 : vector<16xi32> to vector<16xf32>
        %sub3A_142 = arith.subf %mul3A_136, %convert_element_type3A_141 : vector<16xf32>
        %broadcast_in_dim3A_143 = arith.constant 2 : i32
        %broadcast_in_dim3A_144 = vector.broadcast %broadcast_in_dim3A_143 : i32 to vector<16xi32>
        %gather3A_145 = tpu.vector_load_idx %arg32[%add3A_123, %broadcast_in_dim3A_144] : memref<128x4xf32, #tpu.memory_space<vmem>>[vector<16xi32>, vector<16xi32>], vector<16xf32>,
        %mul3A_146 = arith.constant 3.100000e+01 : f32
        %mul3A_147 = vector.broadcast %mul3A_146 : f32 to vector<16xf32>
        %mul3A_148 = arith.mulf %gather3A_145, %mul3A_147 : vector<16xf32>
        %convert_element_type3A_149 = arith.fptosi %mul3A_148 : vector<16xf32> to vector<16xi32>
        %min3A_150 = arith.constant 30 : i32
        %min3A_151 = vector.broadcast %min3A_150 : i32 to vector<16xi32>
        %min3A_152 = arith.minsi %convert_element_type3A_149, %min3A_151 : vector<16xi32>
        %convert_element_type3A_153 = arith.sitofp %min3A_152 : vector<16xi32> to vector<16xf32>
        %sub3A_154 = arith.subf %mul3A_148, %convert_element_type3A_153 : vector<16xf32>
        %broadcast_in_dim3A_155 = arith.constant 3 : i32
        %broadcast_in_dim3A_156 = vector.broadcast %broadcast_in_dim3A_155 : i32 to vector<16xi32>
        %gather3A_157 = tpu.vector_load_idx %arg32[%add3A_123, %broadcast_in_dim3A_156] : memref<128x4xf32, #tpu.memory_space<vmem>>[vector<16xi32>, vector<16xi32>], vector<16xf32>,
        %mul3A_158 = arith.constant 3.100000e+01 : f32
        %mul3A_159 = vector.broadcast %mul3A_158 : f32 to vector<16xf32>
        %mul3A_160 = arith.mulf %gather3A_157, %mul3A_159 : vector<16xf32>
        %convert_element_type3A_161 = arith.fptosi %mul3A_160 : vector<16xf32> to vector<16xi32>
        %min3A_162 = arith.constant 30 : i32
        %min3A_163 = vector.broadcast %min3A_162 : i32 to vector<16xi32>
        %min3A_164 = arith.minsi %convert_element_type3A_161, %min3A_163 : vector<16xi32>
        %convert_element_type3A_165 = arith.sitofp %min3A_164 : vector<16xi32> to vector<16xf32>
        %sub3A_166 = arith.subf %mul3A_160, %convert_element_type3A_165 : vector<16xf32>
        %mul3A_167 = arith.constant 16 : i32
        %mul3A_168 = arith.muli %scan3A_119, %mul3A_167 : i32
        %mul3A_169 = arith.constant 16 : i32
        %mul3A_170 = arith.muli %scan3A_119, %mul3A_169 : i32
        %add3A_171 = arith.constant 0 : i32
        %add3A_172 = arith.addi %add3A_171, %mul3A_170 : i32
        %get3A = arith.index_cast %add3A_172 : i32 to index
        %get3A_173 = tpu.vector_load %arg34[%get3A] {strides = array<i32>} : memref<2048xf32, #tpu.memory_space<vmem>>, vector<16xf32>,
        %mul3A_174 = arith.constant 16 : i32
        %mul3A_175 = arith.muli %scan3A_119, %mul3A_174 : i32
        %add3A_176 = arith.constant 128 : i32
        %add3A_177 = arith.addi %add3A_176, %mul3A_175 : i32
        %get3A_178 = arith.index_cast %add3A_177 : i32 to index
        %get3A_179 = tpu.vector_load %arg34[%get3A_178] {strides = array<i32>} : memref<2048xf32, #tpu.memory_space<vmem>>, vector<16xf32>,
        %mul3A_180 = arith.constant 16 : i32
        %mul3A_181 = arith.muli %scan3A_119, %mul3A_180 : i32
        %add3A_182 = arith.constant 256 : i32
        %add3A_183 = arith.addi %add3A_182, %mul3A_181 : i32
        %get3A_184 = arith.index_cast %add3A_183 : i32 to index
        %get3A_185 = tpu.vector_load %arg34[%get3A_184] {strides = array<i32>} : memref<2048xf32, #tpu.memory_space<vmem>>, vector<16xf32>,
        %mul3A_186 = arith.constant 16 : i32
        %mul3A_187 = arith.muli %scan3A_119, %mul3A_186 : i32
        %add3A_188 = arith.constant 384 : i32
        %add3A_189 = arith.addi %add3A_188, %mul3A_187 : i32
        %get3A_190 = arith.index_cast %add3A_189 : i32 to index
        %get3A_191 = tpu.vector_load %arg34[%get3A_190] {strides = array<i32>} : memref<2048xf32, #tpu.memory_space<vmem>>, vector<16xf32>,
        %mul3A_192 = arith.constant 16 : i32
        %mul3A_193 = arith.muli %scan3A_119, %mul3A_192 : i32
        %add3A_194 = arith.constant 512 : i32
        %add3A_195 = arith.addi %add3A_194, %mul3A_193 : i32
        %get3A_196 = arith.index_cast %add3A_195 : i32 to index
        %get3A_197 = tpu.vector_load %arg34[%get3A_196] {strides = array<i32>} : memref<2048xf32, #tpu.memory_space<vmem>>, vector<16xf32>,
        %mul3A_198 = arith.constant 16 : i32
        %mul3A_199 = arith.muli %scan3A_119, %mul3A_198 : i32
        %add3A_200 = arith.constant 640 : i32
        %add3A_201 = arith.addi %add3A_200, %mul3A_199 : i32
        %get3A_202 = arith.index_cast %add3A_201 : i32 to index
        %get3A_203 = tpu.vector_load %arg34[%get3A_202] {strides = array<i32>} : memref<2048xf32, #tpu.memory_space<vmem>>, vector<16xf32>,
        %mul3A_204 = arith.constant 16 : i32
        %mul3A_205 = arith.muli %scan3A_119, %mul3A_204 : i32
        %add3A_206 = arith.constant 768 : i32
        %add3A_207 = arith.addi %add3A_206, %mul3A_205 : i32
        %get3A_208 = arith.index_cast %add3A_207 : i32 to index
        %get3A_209 = tpu.vector_load %arg34[%get3A_208] {strides = array<i32>} : memref<2048xf32, #tpu.memory_space<vmem>>, vector<16xf32>,
        %mul3A_210 = arith.constant 16 : i32
        %mul3A_211 = arith.muli %scan3A_119, %mul3A_210 : i32
        %add3A_212 = arith.constant 896 : i32
        %add3A_213 = arith.addi %add3A_212, %mul3A_211 : i32
        %get3A_214 = arith.index_cast %add3A_213 : i32 to index
        %get3A_215 = tpu.vector_load %arg34[%get3A_214] {strides = array<i32>} : memref<2048xf32, #tpu.memory_space<vmem>>, vector<16xf32>,
        %mul3A_216 = arith.constant 16 : i32
        %mul3A_217 = arith.muli %scan3A_119, %mul3A_216 : i32
        %add3A_218 = arith.constant 1024 : i32
        %add3A_219 = arith.addi %add3A_218, %mul3A_217 : i32
        %get3A_220 = arith.index_cast %add3A_219 : i32 to index
        %get3A_221 = tpu.vector_load %arg34[%get3A_220] {strides = array<i32>} : memref<2048xf32, #tpu.memory_space<vmem>>, vector<16xf32>,
        %mul3A_222 = arith.constant 16 : i32
        %mul3A_223 = arith.muli %scan3A_119, %mul3A_222 : i32
        %add3A_224 = arith.constant 1152 : i32
        %add3A_225 = arith.addi %add3A_224, %mul3A_223 : i32
        %get3A_226 = arith.index_cast %add3A_225 : i32 to index
        %get3A_227 = tpu.vector_load %arg34[%get3A_226] {strides = array<i32>} : memref<2048xf32, #tpu.memory_space<vmem>>, vector<16xf32>,
        %mul3A_228 = arith.constant 16 : i32
        %mul3A_229 = arith.muli %scan3A_119, %mul3A_228 : i32
        %add3A_230 = arith.constant 1280 : i32
        %add3A_231 = arith.addi %add3A_230, %mul3A_229 : i32
        %get3A_232 = arith.index_cast %add3A_231 : i32 to index
        %get3A_233 = tpu.vector_load %arg34[%get3A_232] {strides = array<i32>} : memref<2048xf32, #tpu.memory_space<vmem>>, vector<16xf32>,
        %mul3A_234 = arith.constant 16 : i32
        %mul3A_235 = arith.muli %scan3A_119, %mul3A_234 : i32
        %add3A_236 = arith.constant 1408 : i32
        %add3A_237 = arith.addi %add3A_236, %mul3A_235 : i32
        %get3A_238 = arith.index_cast %add3A_237 : i32 to index
        %get3A_239 = tpu.vector_load %arg34[%get3A_238] {strides = array<i32>} : memref<2048xf32, #tpu.memory_space<vmem>>, vector<16xf32>,
        %mul3A_240 = arith.constant 16 : i32
        %mul3A_241 = arith.muli %scan3A_119, %mul3A_240 : i32
        %add3A_242 = arith.constant 1536 : i32
        %add3A_243 = arith.addi %add3A_242, %mul3A_241 : i32
        %get3A_244 = arith.index_cast %add3A_243 : i32 to index
        %get3A_245 = tpu.vector_load %arg34[%get3A_244] {strides = array<i32>} : memref<2048xf32, #tpu.memory_space<vmem>>, vector<16xf32>,
        %mul3A_246 = arith.constant 16 : i32
        %mul3A_247 = arith.muli %scan3A_119, %mul3A_246 : i32
        %add3A_248 = arith.constant 1664 : i32
        %add3A_249 = arith.addi %add3A_248, %mul3A_247 : i32
        %get3A_250 = arith.index_cast %add3A_249 : i32 to index
        %get3A_251 = tpu.vector_load %arg34[%get3A_250] {strides = array<i32>} : memref<2048xf32, #tpu.memory_space<vmem>>, vector<16xf32>,
        %mul3A_252 = arith.constant 16 : i32
        %mul3A_253 = arith.muli %scan3A_119, %mul3A_252 : i32
        %add3A_254 = arith.constant 1792 : i32
        %add3A_255 = arith.addi %add3A_254, %mul3A_253 : i32
        %get3A_256 = arith.index_cast %add3A_255 : i32 to index
        %get3A_257 = tpu.vector_load %arg34[%get3A_256] {strides = array<i32>} : memref<2048xf32, #tpu.memory_space<vmem>>, vector<16xf32>,
        %mul3A_258 = arith.constant 16 : i32
        %mul3A_259 = arith.muli %scan3A_119, %mul3A_258 : i32
        %add3A_260 = arith.constant 1920 : i32
        %add3A_261 = arith.addi %add3A_260, %mul3A_259 : i32
        %get3A_262 = arith.index_cast %add3A_261 : i32 to index
        %get3A_263 = tpu.vector_load %arg34[%get3A_262] {strides = array<i32>} : memref<2048xf32, #tpu.memory_space<vmem>>, vector<16xf32>,
        %sub3A_264 = arith.subf %get3A_221, %get3A_173 : vector<16xf32>
        %mul3A_265 = arith.mulf %sub3A, %sub3A_264 : vector<16xf32>
        %add3A_266 = arith.addf %get3A_173, %mul3A_265 : vector<16xf32>
        %sub3A_267 = arith.subf %get3A_227, %get3A_179 : vector<16xf32>
        %mul3A_268 = arith.mulf %sub3A, %sub3A_267 : vector<16xf32>
        %add3A_269 = arith.addf %get3A_179, %mul3A_268 : vector<16xf32>
        %sub3A_270 = arith.subf %get3A_233, %get3A_185 : vector<16xf32>
        %mul3A_271 = arith.mulf %sub3A, %sub3A_270 : vector<16xf32>
        %add3A_272 = arith.addf %get3A_185, %mul3A_271 : vector<16xf32>
        %sub3A_273 = arith.subf %get3A_239, %get3A_191 : vector<16xf32>
        %mul3A_274 = arith.mulf %sub3A, %sub3A_273 : vector<16xf32>
        %add3A_275 = arith.addf %get3A_191, %mul3A_274 : vector<16xf32>
        %sub3A_276 = arith.subf %get3A_245, %get3A_197 : vector<16xf32>
        %mul3A_277 = arith.mulf %sub3A, %sub3A_276 : vector<16xf32>
        %add3A_278 = arith.addf %get3A_197, %mul3A_277 : vector<16xf32>
        %sub3A_279 = arith.subf %get3A_251, %get3A_203 : vector<16xf32>
        %mul3A_280 = arith.mulf %sub3A, %sub3A_279 : vector<16xf32>
        %add3A_281 = arith.addf %get3A_203, %mul3A_280 : vector<16xf32>
        %sub3A_282 = arith.subf %get3A_257, %get3A_209 : vector<16xf32>
        %mul3A_283 = arith.mulf %sub3A, %sub3A_282 : vector<16xf32>
        %add3A_284 = arith.addf %get3A_209, %mul3A_283 : vector<16xf32>
        %sub3A_285 = arith.subf %get3A_263, %get3A_215 : vector<16xf32>
        %mul3A_286 = arith.mulf %sub3A, %sub3A_285 : vector<16xf32>
        %add3A_287 = arith.addf %get3A_215, %mul3A_286 : vector<16xf32>
        %sub3A_288 = arith.subf %add3A_278, %add3A_266 : vector<16xf32>
        %mul3A_289 = arith.mulf %sub3A_142, %sub3A_288 : vector<16xf32>
        %add3A_290 = arith.addf %add3A_266, %mul3A_289 : vector<16xf32>
        %sub3A_291 = arith.subf %add3A_281, %add3A_269 : vector<16xf32>
        %mul3A_292 = arith.mulf %sub3A_142, %sub3A_291 : vector<16xf32>
        %add3A_293 = arith.addf %add3A_269, %mul3A_292 : vector<16xf32>
        %sub3A_294 = arith.subf %add3A_284, %add3A_272 : vector<16xf32>
        %mul3A_295 = arith.mulf %sub3A_142, %sub3A_294 : vector<16xf32>
        %add3A_296 = arith.addf %add3A_272, %mul3A_295 : vector<16xf32>
        %sub3A_297 = arith.subf %add3A_287, %add3A_275 : vector<16xf32>
        %mul3A_298 = arith.mulf %sub3A_142, %sub3A_297 : vector<16xf32>
        %add3A_299 = arith.addf %add3A_275, %mul3A_298 : vector<16xf32>
        %sub3A_300 = arith.subf %add3A_296, %add3A_290 : vector<16xf32>
        %mul3A_301 = arith.mulf %sub3A_154, %sub3A_300 : vector<16xf32>
        %add3A_302 = arith.addf %add3A_290, %mul3A_301 : vector<16xf32>
        %sub3A_303 = arith.subf %add3A_299, %add3A_293 : vector<16xf32>
        %mul3A_304 = arith.mulf %sub3A_154, %sub3A_303 : vector<16xf32>
        %add3A_305 = arith.addf %add3A_293, %mul3A_304 : vector<16xf32>
        %sub3A_306 = arith.subf %add3A_305, %add3A_302 : vector<16xf32>
        %mul3A_307 = arith.mulf %sub3A_166, %sub3A_306 : vector<16xf32>
        %add3A_308 = arith.addf %add3A_302, %mul3A_307 : vector<16xf32>
        %swap3A = arith.constant 4 : i32
        %swap3A_309 = arith.index_cast %swap3A : i32 to index
        %swap3A_310 = arith.index_cast %mul3A_168 : i32 to index
        %swap3A_311 = tpu.vector_load %arg36[%swap3A_309, %swap3A_310] {strides = array<i32>} : memref<12x128xf32, #tpu.memory_space<vmem>>, vector<16xf32>,
        tpu.vector_store %arg36[%swap3A_309, %swap3A_310], %add3A_308 {strides = array<i32>} : memref<12x128xf32, #tpu.memory_space<vmem>>, vector<16xf32>,
        %mul3A_312 = arith.constant 16 : i32
        %mul3A_313 = arith.muli %scan3A_119, %mul3A_312 : i32
        %add3A_314 = arith.constant 0 : i32
        %add3A_315 = arith.addi %add3A_314, %mul3A_313 : i32
        %get3A_316 = arith.index_cast %add3A_315 : i32 to index
        %get3A_317 = tpu.vector_load %arg35[%get3A_316] {strides = array<i32>} : memref<2048xf32, #tpu.memory_space<vmem>>, vector<16xf32>,
        %mul3A_318 = arith.constant 16 : i32
        %mul3A_319 = arith.muli %scan3A_119, %mul3A_318 : i32
        %add3A_320 = arith.constant 128 : i32
        %add3A_321 = arith.addi %add3A_320, %mul3A_319 : i32
        %get3A_322 = arith.index_cast %add3A_321 : i32 to index
        %get3A_323 = tpu.vector_load %arg35[%get3A_322] {strides = array<i32>} : memref<2048xf32, #tpu.memory_space<vmem>>, vector<16xf32>,
        %mul3A_324 = arith.constant 16 : i32
        %mul3A_325 = arith.muli %scan3A_119, %mul3A_324 : i32
        %add3A_326 = arith.constant 256 : i32
        %add3A_327 = arith.addi %add3A_326, %mul3A_325 : i32
        %get3A_328 = arith.index_cast %add3A_327 : i32 to index
        %get3A_329 = tpu.vector_load %arg35[%get3A_328] {strides = array<i32>} : memref<2048xf32, #tpu.memory_space<vmem>>, vector<16xf32>,
        %mul3A_330 = arith.constant 16 : i32
        %mul3A_331 = arith.muli %scan3A_119, %mul3A_330 : i32
        %add3A_332 = arith.constant 384 : i32
        %add3A_333 = arith.addi %add3A_332, %mul3A_331 : i32
        %get3A_334 = arith.index_cast %add3A_333 : i32 to index
        %get3A_335 = tpu.vector_load %arg35[%get3A_334] {strides = array<i32>} : memref<2048xf32, #tpu.memory_space<vmem>>, vector<16xf32>,
        %mul3A_336 = arith.constant 16 : i32
        %mul3A_337 = arith.muli %scan3A_119, %mul3A_336 : i32
        %add3A_338 = arith.constant 512 : i32
        %add3A_339 = arith.addi %add3A_338, %mul3A_337 : i32
        %get3A_340 = arith.index_cast %add3A_339 : i32 to index
        %get3A_341 = tpu.vector_load %arg35[%get3A_340] {strides = array<i32>} : memref<2048xf32, #tpu.memory_space<vmem>>, vector<16xf32>,
        %mul3A_342 = arith.constant 16 : i32
        %mul3A_343 = arith.muli %scan3A_119, %mul3A_342 : i32
        %add3A_344 = arith.constant 640 : i32
        %add3A_345 = arith.addi %add3A_344, %mul3A_343 : i32
        %get3A_346 = arith.index_cast %add3A_345 : i32 to index
        %get3A_347 = tpu.vector_load %arg35[%get3A_346] {strides = array<i32>} : memref<2048xf32, #tpu.memory_space<vmem>>, vector<16xf32>,
        %mul3A_348 = arith.constant 16 : i32
        %mul3A_349 = arith.muli %scan3A_119, %mul3A_348 : i32
        %add3A_350 = arith.constant 768 : i32
        %add3A_351 = arith.addi %add3A_350, %mul3A_349 : i32
        %get3A_352 = arith.index_cast %add3A_351 : i32 to index
        %get3A_353 = tpu.vector_load %arg35[%get3A_352] {strides = array<i32>} : memref<2048xf32, #tpu.memory_space<vmem>>, vector<16xf32>,
        %mul3A_354 = arith.constant 16 : i32
        %mul3A_355 = arith.muli %scan3A_119, %mul3A_354 : i32
        %add3A_356 = arith.constant 896 : i32
        %add3A_357 = arith.addi %add3A_356, %mul3A_355 : i32
        %get3A_358 = arith.index_cast %add3A_357 : i32 to index
        %get3A_359 = tpu.vector_load %arg35[%get3A_358] {strides = array<i32>} : memref<2048xf32, #tpu.memory_space<vmem>>, vector<16xf32>,
        %mul3A_360 = arith.constant 16 : i32
        %mul3A_361 = arith.muli %scan3A_119, %mul3A_360 : i32
        %add3A_362 = arith.constant 1024 : i32
        %add3A_363 = arith.addi %add3A_362, %mul3A_361 : i32
        %get3A_364 = arith.index_cast %add3A_363 : i32 to index
        %get3A_365 = tpu.vector_load %arg35[%get3A_364] {strides = array<i32>} : memref<2048xf32, #tpu.memory_space<vmem>>, vector<16xf32>,
        %mul3A_366 = arith.constant 16 : i32
        %mul3A_367 = arith.muli %scan3A_119, %mul3A_366 : i32
        %add3A_368 = arith.constant 1152 : i32
        %add3A_369 = arith.addi %add3A_368, %mul3A_367 : i32
        %get3A_370 = arith.index_cast %add3A_369 : i32 to index
        %get3A_371 = tpu.vector_load %arg35[%get3A_370] {strides = array<i32>} : memref<2048xf32, #tpu.memory_space<vmem>>, vector<16xf32>,
        %mul3A_372 = arith.constant 16 : i32
        %mul3A_373 = arith.muli %scan3A_119, %mul3A_372 : i32
        %add3A_374 = arith.constant 1280 : i32
        %add3A_375 = arith.addi %add3A_374, %mul3A_373 : i32
        %get3A_376 = arith.index_cast %add3A_375 : i32 to index
        %get3A_377 = tpu.vector_load %arg35[%get3A_376] {strides = array<i32>} : memref<2048xf32, #tpu.memory_space<vmem>>, vector<16xf32>,
        %mul3A_378 = arith.constant 16 : i32
        %mul3A_379 = arith.muli %scan3A_119, %mul3A_378 : i32
        %add3A_380 = arith.constant 1408 : i32
        %add3A_381 = arith.addi %add3A_380, %mul3A_379 : i32
        %get3A_382 = arith.index_cast %add3A_381 : i32 to index
        %get3A_383 = tpu.vector_load %arg35[%get3A_382] {strides = array<i32>} : memref<2048xf32, #tpu.memory_space<vmem>>, vector<16xf32>,
        %mul3A_384 = arith.constant 16 : i32
        %mul3A_385 = arith.muli %scan3A_119, %mul3A_384 : i32
        %add3A_386 = arith.constant 1536 : i32
        %add3A_387 = arith.addi %add3A_386, %mul3A_385 : i32
        %get3A_388 = arith.index_cast %add3A_387 : i32 to index
        %get3A_389 = tpu.vector_load %arg35[%get3A_388] {strides = array<i32>} : memref<2048xf32, #tpu.memory_space<vmem>>, vector<16xf32>,
        %mul3A_390 = arith.constant 16 : i32
        %mul3A_391 = arith.muli %scan3A_119, %mul3A_390 : i32
        %add3A_392 = arith.constant 1664 : i32
        %add3A_393 = arith.addi %add3A_392, %mul3A_391 : i32
        %get3A_394 = arith.index_cast %add3A_393 : i32 to index
        %get3A_395 = tpu.vector_load %arg35[%get3A_394] {strides = array<i32>} : memref<2048xf32, #tpu.memory_space<vmem>>, vector<16xf32>,
        %mul3A_396 = arith.constant 16 : i32
        %mul3A_397 = arith.muli %scan3A_119, %mul3A_396 : i32
        %add3A_398 = arith.constant 1792 : i32
        %add3A_399 = arith.addi %add3A_398, %mul3A_397 : i32
        %get3A_400 = arith.index_cast %add3A_399 : i32 to index
        %get3A_401 = tpu.vector_load %arg35[%get3A_400] {strides = array<i32>} : memref<2048xf32, #tpu.memory_space<vmem>>, vector<16xf32>,
        %mul3A_402 = arith.constant 16 : i32
        %mul3A_403 = arith.muli %scan3A_119, %mul3A_402 : i32
        %add3A_404 = arith.constant 1920 : i32
        %add3A_405 = arith.addi %add3A_404, %mul3A_403 : i32
        %get3A_406 = arith.index_cast %add3A_405 : i32 to index
        %get3A_407 = tpu.vector_load %arg35[%get3A_406] {strides = array<i32>} : memref<2048xf32, #tpu.memory_space<vmem>>, vector<16xf32>,
        %sub3A_408 = arith.subf %get3A_365, %get3A_317 : vector<16xf32>
        %mul3A_409 = arith.mulf %sub3A, %sub3A_408 : vector<16xf32>
        %add3A_410 = arith.addf %get3A_317, %mul3A_409 : vector<16xf32>
        %sub3A_411 = arith.subf %get3A_371, %get3A_323 : vector<16xf32>
        %mul3A_412 = arith.mulf %sub3A, %sub3A_411 : vector<16xf32>
        %add3A_413 = arith.addf %get3A_323, %mul3A_412 : vector<16xf32>
        %sub3A_414 = arith.subf %get3A_377, %get3A_329 : vector<16xf32>
        %mul3A_415 = arith.mulf %sub3A, %sub3A_414 : vector<16xf32>
        %add3A_416 = arith.addf %get3A_329, %mul3A_415 : vector<16xf32>
        %sub3A_417 = arith.subf %get3A_383, %get3A_335 : vector<16xf32>
        %mul3A_418 = arith.mulf %sub3A, %sub3A_417 : vector<16xf32>
        %add3A_419 = arith.addf %get3A_335, %mul3A_418 : vector<16xf32>
        %sub3A_420 = arith.subf %get3A_389, %get3A_341 : vector<16xf32>
        %mul3A_421 = arith.mulf %sub3A, %sub3A_420 : vector<16xf32>
        %add3A_422 = arith.addf %get3A_341, %mul3A_421 : vector<16xf32>
        %sub3A_423 = arith.subf %get3A_395, %get3A_347 : vector<16xf32>
        %mul3A_424 = arith.mulf %sub3A, %sub3A_423 : vector<16xf32>
        %add3A_425 = arith.addf %get3A_347, %mul3A_424 : vector<16xf32>
        %sub3A_426 = arith.subf %get3A_401, %get3A_353 : vector<16xf32>
        %mul3A_427 = arith.mulf %sub3A, %sub3A_426 : vector<16xf32>
        %add3A_428 = arith.addf %get3A_353, %mul3A_427 : vector<16xf32>
        %sub3A_429 = arith.subf %get3A_407, %get3A_359 : vector<16xf32>
        %mul3A_430 = arith.mulf %sub3A, %sub3A_429 : vector<16xf32>
        %add3A_431 = arith.addf %get3A_359, %mul3A_430 : vector<16xf32>
        %sub3A_432 = arith.subf %add3A_422, %add3A_410 : vector<16xf32>
        %mul3A_433 = arith.mulf %sub3A_142, %sub3A_432 : vector<16xf32>
        %add3A_434 = arith.addf %add3A_410, %mul3A_433 : vector<16xf32>
        %sub3A_435 = arith.subf %add3A_425, %add3A_413 : vector<16xf32>
        %mul3A_436 = arith.mulf %sub3A_142, %sub3A_435 : vector<16xf32>
        %add3A_437 = arith.addf %add3A_413, %mul3A_436 : vector<16xf32>
        %sub3A_438 = arith.subf %add3A_428, %add3A_416 : vector<16xf32>
        %mul3A_439 = arith.mulf %sub3A_142, %sub3A_438 : vector<16xf32>
        %add3A_440 = arith.addf %add3A_416, %mul3A_439 : vector<16xf32>
        %sub3A_441 = arith.subf %add3A_431, %add3A_419 : vector<16xf32>
        %mul3A_442 = arith.mulf %sub3A_142, %sub3A_441 : vector<16xf32>
        %add3A_443 = arith.addf %add3A_419, %mul3A_442 : vector<16xf32>
        %sub3A_444 = arith.subf %add3A_440, %add3A_434 : vector<16xf32>
        %mul3A_445 = arith.mulf %sub3A_154, %sub3A_444 : vector<16xf32>
        %add3A_446 = arith.addf %add3A_434, %mul3A_445 : vector<16xf32>
        %sub3A_447 = arith.subf %add3A_443, %add3A_437 : vector<16xf32>
        %mul3A_448 = arith.mulf %sub3A_154, %sub3A_447 : vector<16xf32>
        %add3A_449 = arith.addf %add3A_437, %mul3A_448 : vector<16xf32>
        %sub3A_450 = arith.subf %add3A_449, %add3A_446 : vector<16xf32>
        %mul3A_451 = arith.mulf %sub3A_166, %sub3A_450 : vector<16xf32>
        %add3A_452 = arith.addf %add3A_446, %mul3A_451 : vector<16xf32>
        %swap3A_453 = arith.constant 5 : i32
        %swap3A_454 = arith.index_cast %swap3A_453 : i32 to index
        %swap3A_455 = arith.index_cast %mul3A_168 : i32 to index
        %swap3A_456 = tpu.vector_load %arg36[%swap3A_454, %swap3A_455] {strides = array<i32>} : memref<12x128xf32, #tpu.memory_space<vmem>>, vector<16xf32>,
        tpu.vector_store %arg36[%swap3A_454, %swap3A_455], %add3A_452 {strides = array<i32>} : memref<12x128xf32, #tpu.memory_space<vmem>>, vector<16xf32>,
      }
      %scan3A_47 = arith.constant 8 : i32
      %scan3A_48 = arith.constant 0 : i32
      %scan3A_49 = arith.constant 0 : i32
      %scan3A_50 = arith.constant 8 : i32
      %scan3A_51 = arith.addi %scan3A_49, %scan3A_50 : i32
      %scan3A_52 = arith.constant 1 : i32
      scf.for %scan3A_119 = %scan3A_49 to %scan3A_51 step %scan3A_52  : i32 {
        %mul3A_120 = arith.constant 16 : i32
        %mul3A_121 = arith.muli %scan3A_119, %mul3A_120 : i32
        %add3A_122 = vector.broadcast %mul3A_121 : i32 to vector<16xi32>
        %add3A_123 = arith.addi %add3A_122, %iota3A : vector<16xi32>
        %broadcast_in_dim3A = arith.constant 0 : i32
        %broadcast_in_dim3A_124 = vector.broadcast %broadcast_in_dim3A : i32 to vector<16xi32>
        %gather3A = tpu.vector_load_idx %arg32[%add3A_123, %broadcast_in_dim3A_124] : memref<128x4xf32, #tpu.memory_space<vmem>>[vector<16xi32>, vector<16xi32>], vector<16xf32>,
        %mul3A_125 = arith.constant 3.000000e+00 : f32
        %mul3A_126 = vector.broadcast %mul3A_125 : f32 to vector<16xf32>
        %mul3A_127 = arith.mulf %gather3A, %mul3A_126 : vector<16xf32>
        %convert_element_type3A = arith.fptosi %mul3A_127 : vector<16xf32> to vector<16xi32>
        %min3A = arith.constant 2 : i32
        %min3A_128 = vector.broadcast %min3A : i32 to vector<16xi32>
        %min3A_129 = arith.minsi %convert_element_type3A, %min3A_128 : vector<16xi32>
        %convert_element_type3A_130 = arith.sitofp %min3A_129 : vector<16xi32> to vector<16xf32>
        %sub3A = arith.subf %mul3A_127, %convert_element_type3A_130 : vector<16xf32>
        %broadcast_in_dim3A_131 = arith.constant 1 : i32
        %broadcast_in_dim3A_132 = vector.broadcast %broadcast_in_dim3A_131 : i32 to vector<16xi32>
        %gather3A_133 = tpu.vector_load_idx %arg32[%add3A_123, %broadcast_in_dim3A_132] : memref<128x4xf32, #tpu.memory_space<vmem>>[vector<16xi32>, vector<16xi32>], vector<16xf32>,
        %mul3A_134 = arith.constant 4.700000e+01 : f32
        %mul3A_135 = vector.broadcast %mul3A_134 : f32 to vector<16xf32>
        %mul3A_136 = arith.mulf %gather3A_133, %mul3A_135 : vector<16xf32>
        %convert_element_type3A_137 = arith.fptosi %mul3A_136 : vector<16xf32> to vector<16xi32>
        %min3A_138 = arith.constant 46 : i32
        %min3A_139 = vector.broadcast %min3A_138 : i32 to vector<16xi32>
        %min3A_140 = arith.minsi %convert_element_type3A_137, %min3A_139 : vector<16xi32>
        %convert_element_type3A_141 = arith.sitofp %min3A_140 : vector<16xi32> to vector<16xf32>
        %sub3A_142 = arith.subf %mul3A_136, %convert_element_type3A_141 : vector<16xf32>
        %broadcast_in_dim3A_143 = arith.constant 2 : i32
        %broadcast_in_dim3A_144 = vector.broadcast %broadcast_in_dim3A_143 : i32 to vector<16xi32>
        %gather3A_145 = tpu.vector_load_idx %arg32[%add3A_123, %broadcast_in_dim3A_144] : memref<128x4xf32, #tpu.memory_space<vmem>>[vector<16xi32>, vector<16xi32>], vector<16xf32>,
        %mul3A_146 = arith.constant 4.700000e+01 : f32
        %mul3A_147 = vector.broadcast %mul3A_146 : f32 to vector<16xf32>
        %mul3A_148 = arith.mulf %gather3A_145, %mul3A_147 : vector<16xf32>
        %convert_element_type3A_149 = arith.fptosi %mul3A_148 : vector<16xf32> to vector<16xi32>
        %min3A_150 = arith.constant 46 : i32
        %min3A_151 = vector.broadcast %min3A_150 : i32 to vector<16xi32>
        %min3A_152 = arith.minsi %convert_element_type3A_149, %min3A_151 : vector<16xi32>
        %convert_element_type3A_153 = arith.sitofp %min3A_152 : vector<16xi32> to vector<16xf32>
        %sub3A_154 = arith.subf %mul3A_148, %convert_element_type3A_153 : vector<16xf32>
        %broadcast_in_dim3A_155 = arith.constant 3 : i32
        %broadcast_in_dim3A_156 = vector.broadcast %broadcast_in_dim3A_155 : i32 to vector<16xi32>
        %gather3A_157 = tpu.vector_load_idx %arg32[%add3A_123, %broadcast_in_dim3A_156] : memref<128x4xf32, #tpu.memory_space<vmem>>[vector<16xi32>, vector<16xi32>], vector<16xf32>,
        %mul3A_158 = arith.constant 4.700000e+01 : f32
        %mul3A_159 = vector.broadcast %mul3A_158 : f32 to vector<16xf32>
        %mul3A_160 = arith.mulf %gather3A_157, %mul3A_159 : vector<16xf32>
        %convert_element_type3A_161 = arith.fptosi %mul3A_160 : vector<16xf32> to vector<16xi32>
        %min3A_162 = arith.constant 46 : i32
        %min3A_163 = vector.broadcast %min3A_162 : i32 to vector<16xi32>
        %min3A_164 = arith.minsi %convert_element_type3A_161, %min3A_163 : vector<16xi32>
        %convert_element_type3A_165 = arith.sitofp %min3A_164 : vector<16xi32> to vector<16xf32>
        %sub3A_166 = arith.subf %mul3A_160, %convert_element_type3A_165 : vector<16xf32>
        %mul3A_167 = arith.constant 110592 : i32
        %mul3A_168 = vector.broadcast %mul3A_167 : i32 to vector<16xi32>
        %mul3A_169 = arith.muli %min3A_129, %mul3A_168 : vector<16xi32>
        %add3A_170 = arith.addi %mul3A_169, %min3A_140 : vector<16xi32>
        %mul3A_171 = arith.constant 48 : i32
        %mul3A_172 = vector.broadcast %mul3A_171 : i32 to vector<16xi32>
        %mul3A_173 = arith.muli %min3A_152, %mul3A_172 : vector<16xi32>
        %add3A_174 = arith.addi %add3A_170, %mul3A_173 : vector<16xi32>
        %mul3A_175 = arith.constant 2304 : i32
        %mul3A_176 = vector.broadcast %mul3A_175 : i32 to vector<16xi32>
        %mul3A_177 = arith.muli %min3A_164, %mul3A_176 : vector<16xi32>
        %add3A_178 = arith.addi %add3A_174, %mul3A_177 : vector<16xi32>
        %add3A_179 = arith.constant 0 : i32
        %add3A_180 = vector.broadcast %add3A_179 : i32 to vector<16xi32>
        %add3A_181 = arith.addi %add3A_178, %add3A_180 : vector<16xi32>
        %add3A_182 = arith.constant 2304 : i32
        %add3A_183 = vector.broadcast %add3A_182 : i32 to vector<16xi32>
        %add3A_184 = arith.addi %add3A_178, %add3A_183 : vector<16xi32>
        %add3A_185 = arith.constant 48 : i32
        %add3A_186 = vector.broadcast %add3A_185 : i32 to vector<16xi32>
        %add3A_187 = arith.addi %add3A_178, %add3A_186 : vector<16xi32>
        %add3A_188 = arith.constant 2352 : i32
        %add3A_189 = vector.broadcast %add3A_188 : i32 to vector<16xi32>
        %add3A_190 = arith.addi %add3A_178, %add3A_189 : vector<16xi32>
        %add3A_191 = arith.constant 1 : i32
        %add3A_192 = vector.broadcast %add3A_191 : i32 to vector<16xi32>
        %add3A_193 = arith.addi %add3A_178, %add3A_192 : vector<16xi32>
        %add3A_194 = arith.constant 2305 : i32
        %add3A_195 = vector.broadcast %add3A_194 : i32 to vector<16xi32>
        %add3A_196 = arith.addi %add3A_178, %add3A_195 : vector<16xi32>
        %add3A_197 = arith.constant 49 : i32
        %add3A_198 = vector.broadcast %add3A_197 : i32 to vector<16xi32>
        %add3A_199 = arith.addi %add3A_178, %add3A_198 : vector<16xi32>
        %add3A_200 = arith.constant 2353 : i32
        %add3A_201 = vector.broadcast %add3A_200 : i32 to vector<16xi32>
        %add3A_202 = arith.addi %add3A_178, %add3A_201 : vector<16xi32>
        %add3A_203 = arith.constant 110592 : i32
        %add3A_204 = vector.broadcast %add3A_203 : i32 to vector<16xi32>
        %add3A_205 = arith.addi %add3A_178, %add3A_204 : vector<16xi32>
        %add3A_206 = arith.constant 112896 : i32
        %add3A_207 = vector.broadcast %add3A_206 : i32 to vector<16xi32>
        %add3A_208 = arith.addi %add3A_178, %add3A_207 : vector<16xi32>
        %add3A_209 = arith.constant 110640 : i32
        %add3A_210 = vector.broadcast %add3A_209 : i32 to vector<16xi32>
        %add3A_211 = arith.addi %add3A_178, %add3A_210 : vector<16xi32>
        %add3A_212 = arith.constant 112944 : i32
        %add3A_213 = vector.broadcast %add3A_212 : i32 to vector<16xi32>
        %add3A_214 = arith.addi %add3A_178, %add3A_213 : vector<16xi32>
        %add3A_215 = arith.constant 110593 : i32
        %add3A_216 = vector.broadcast %add3A_215 : i32 to vector<16xi32>
        %add3A_217 = arith.addi %add3A_178, %add3A_216 : vector<16xi32>
        %add3A_218 = arith.constant 112897 : i32
        %add3A_219 = vector.broadcast %add3A_218 : i32 to vector<16xi32>
        %add3A_220 = arith.addi %add3A_178, %add3A_219 : vector<16xi32>
        %add3A_221 = arith.constant 110641 : i32
        %add3A_222 = vector.broadcast %add3A_221 : i32 to vector<16xi32>
        %add3A_223 = arith.addi %add3A_178, %add3A_222 : vector<16xi32>
        %add3A_224 = arith.constant 112945 : i32
        %add3A_225 = vector.broadcast %add3A_224 : i32 to vector<16xi32>
        %add3A_226 = arith.addi %add3A_178, %add3A_225 : vector<16xi32>
        %mul3A_227 = arith.constant 16 : i32
        %mul3A_228 = arith.muli %scan3A_119, %mul3A_227 : i32
        %add3A_229 = arith.constant 0 : i32
        %add3A_230 = arith.addi %add3A_229, %mul3A_228 : i32
        %swap3A = arith.index_cast %add3A_230 : i32 to index
        %swap3A_231 = tpu.vector_load %arg33[%swap3A] {strides = array<i32>} : memref<2048xi32, #tpu.memory_space<vmem>>, vector<16xi32>,
        tpu.vector_store %arg33[%swap3A], %add3A_181 {strides = array<i32>} : memref<2048xi32, #tpu.memory_space<vmem>>, vector<16xi32>,
        %mul3A_232 = arith.constant 16 : i32
        %mul3A_233 = arith.muli %scan3A_119, %mul3A_232 : i32
        %add3A_234 = arith.constant 128 : i32
        %add3A_235 = arith.addi %add3A_234, %mul3A_233 : i32
        %swap3A_236 = arith.index_cast %add3A_235 : i32 to index
        %swap3A_237 = tpu.vector_load %arg33[%swap3A_236] {strides = array<i32>} : memref<2048xi32, #tpu.memory_space<vmem>>, vector<16xi32>,
        tpu.vector_store %arg33[%swap3A_236], %add3A_184 {strides = array<i32>} : memref<2048xi32, #tpu.memory_space<vmem>>, vector<16xi32>,
        %mul3A_238 = arith.constant 16 : i32
        %mul3A_239 = arith.muli %scan3A_119, %mul3A_238 : i32
        %add3A_240 = arith.constant 256 : i32
        %add3A_241 = arith.addi %add3A_240, %mul3A_239 : i32
        %swap3A_242 = arith.index_cast %add3A_241 : i32 to index
        %swap3A_243 = tpu.vector_load %arg33[%swap3A_242] {strides = array<i32>} : memref<2048xi32, #tpu.memory_space<vmem>>, vector<16xi32>,
        tpu.vector_store %arg33[%swap3A_242], %add3A_187 {strides = array<i32>} : memref<2048xi32, #tpu.memory_space<vmem>>, vector<16xi32>,
        %mul3A_244 = arith.constant 16 : i32
        %mul3A_245 = arith.muli %scan3A_119, %mul3A_244 : i32
        %add3A_246 = arith.constant 384 : i32
        %add3A_247 = arith.addi %add3A_246, %mul3A_245 : i32
        %swap3A_248 = arith.index_cast %add3A_247 : i32 to index
        %swap3A_249 = tpu.vector_load %arg33[%swap3A_248] {strides = array<i32>} : memref<2048xi32, #tpu.memory_space<vmem>>, vector<16xi32>,
        tpu.vector_store %arg33[%swap3A_248], %add3A_190 {strides = array<i32>} : memref<2048xi32, #tpu.memory_space<vmem>>, vector<16xi32>,
        %mul3A_250 = arith.constant 16 : i32
        %mul3A_251 = arith.muli %scan3A_119, %mul3A_250 : i32
        %add3A_252 = arith.constant 512 : i32
        %add3A_253 = arith.addi %add3A_252, %mul3A_251 : i32
        %swap3A_254 = arith.index_cast %add3A_253 : i32 to index
        %swap3A_255 = tpu.vector_load %arg33[%swap3A_254] {strides = array<i32>} : memref<2048xi32, #tpu.memory_space<vmem>>, vector<16xi32>,
        tpu.vector_store %arg33[%swap3A_254], %add3A_193 {strides = array<i32>} : memref<2048xi32, #tpu.memory_space<vmem>>, vector<16xi32>,
        %mul3A_256 = arith.constant 16 : i32
        %mul3A_257 = arith.muli %scan3A_119, %mul3A_256 : i32
        %add3A_258 = arith.constant 640 : i32
        %add3A_259 = arith.addi %add3A_258, %mul3A_257 : i32
        %swap3A_260 = arith.index_cast %add3A_259 : i32 to index
        %swap3A_261 = tpu.vector_load %arg33[%swap3A_260] {strides = array<i32>} : memref<2048xi32, #tpu.memory_space<vmem>>, vector<16xi32>,
        tpu.vector_store %arg33[%swap3A_260], %add3A_196 {strides = array<i32>} : memref<2048xi32, #tpu.memory_space<vmem>>, vector<16xi32>,
        %mul3A_262 = arith.constant 16 : i32
        %mul3A_263 = arith.muli %scan3A_119, %mul3A_262 : i32
        %add3A_264 = arith.constant 768 : i32
        %add3A_265 = arith.addi %add3A_264, %mul3A_263 : i32
        %swap3A_266 = arith.index_cast %add3A_265 : i32 to index
        %swap3A_267 = tpu.vector_load %arg33[%swap3A_266] {strides = array<i32>} : memref<2048xi32, #tpu.memory_space<vmem>>, vector<16xi32>,
        tpu.vector_store %arg33[%swap3A_266], %add3A_199 {strides = array<i32>} : memref<2048xi32, #tpu.memory_space<vmem>>, vector<16xi32>,
        %mul3A_268 = arith.constant 16 : i32
        %mul3A_269 = arith.muli %scan3A_119, %mul3A_268 : i32
        %add3A_270 = arith.constant 896 : i32
        %add3A_271 = arith.addi %add3A_270, %mul3A_269 : i32
        %swap3A_272 = arith.index_cast %add3A_271 : i32 to index
        %swap3A_273 = tpu.vector_load %arg33[%swap3A_272] {strides = array<i32>} : memref<2048xi32, #tpu.memory_space<vmem>>, vector<16xi32>,
        tpu.vector_store %arg33[%swap3A_272], %add3A_202 {strides = array<i32>} : memref<2048xi32, #tpu.memory_space<vmem>>, vector<16xi32>,
        %mul3A_274 = arith.constant 16 : i32
        %mul3A_275 = arith.muli %scan3A_119, %mul3A_274 : i32
        %add3A_276 = arith.constant 1024 : i32
        %add3A_277 = arith.addi %add3A_276, %mul3A_275 : i32
        %swap3A_278 = arith.index_cast %add3A_277 : i32 to index
        %swap3A_279 = tpu.vector_load %arg33[%swap3A_278] {strides = array<i32>} : memref<2048xi32, #tpu.memory_space<vmem>>, vector<16xi32>,
        tpu.vector_store %arg33[%swap3A_278], %add3A_205 {strides = array<i32>} : memref<2048xi32, #tpu.memory_space<vmem>>, vector<16xi32>,
        %mul3A_280 = arith.constant 16 : i32
        %mul3A_281 = arith.muli %scan3A_119, %mul3A_280 : i32
        %add3A_282 = arith.constant 1152 : i32
        %add3A_283 = arith.addi %add3A_282, %mul3A_281 : i32
        %swap3A_284 = arith.index_cast %add3A_283 : i32 to index
        %swap3A_285 = tpu.vector_load %arg33[%swap3A_284] {strides = array<i32>} : memref<2048xi32, #tpu.memory_space<vmem>>, vector<16xi32>,
        tpu.vector_store %arg33[%swap3A_284], %add3A_208 {strides = array<i32>} : memref<2048xi32, #tpu.memory_space<vmem>>, vector<16xi32>,
        %mul3A_286 = arith.constant 16 : i32
        %mul3A_287 = arith.muli %scan3A_119, %mul3A_286 : i32
        %add3A_288 = arith.constant 1280 : i32
        %add3A_289 = arith.addi %add3A_288, %mul3A_287 : i32
        %swap3A_290 = arith.index_cast %add3A_289 : i32 to index
        %swap3A_291 = tpu.vector_load %arg33[%swap3A_290] {strides = array<i32>} : memref<2048xi32, #tpu.memory_space<vmem>>, vector<16xi32>,
        tpu.vector_store %arg33[%swap3A_290], %add3A_211 {strides = array<i32>} : memref<2048xi32, #tpu.memory_space<vmem>>, vector<16xi32>,
        %mul3A_292 = arith.constant 16 : i32
        %mul3A_293 = arith.muli %scan3A_119, %mul3A_292 : i32
        %add3A_294 = arith.constant 1408 : i32
        %add3A_295 = arith.addi %add3A_294, %mul3A_293 : i32
        %swap3A_296 = arith.index_cast %add3A_295 : i32 to index
        %swap3A_297 = tpu.vector_load %arg33[%swap3A_296] {strides = array<i32>} : memref<2048xi32, #tpu.memory_space<vmem>>, vector<16xi32>,
        tpu.vector_store %arg33[%swap3A_296], %add3A_214 {strides = array<i32>} : memref<2048xi32, #tpu.memory_space<vmem>>, vector<16xi32>,
        %mul3A_298 = arith.constant 16 : i32
        %mul3A_299 = arith.muli %scan3A_119, %mul3A_298 : i32
        %add3A_300 = arith.constant 1536 : i32
        %add3A_301 = arith.addi %add3A_300, %mul3A_299 : i32
        %swap3A_302 = arith.index_cast %add3A_301 : i32 to index
        %swap3A_303 = tpu.vector_load %arg33[%swap3A_302] {strides = array<i32>} : memref<2048xi32, #tpu.memory_space<vmem>>, vector<16xi32>,
        tpu.vector_store %arg33[%swap3A_302], %add3A_217 {strides = array<i32>} : memref<2048xi32, #tpu.memory_space<vmem>>, vector<16xi32>,
        %mul3A_304 = arith.constant 16 : i32
        %mul3A_305 = arith.muli %scan3A_119, %mul3A_304 : i32
        %add3A_306 = arith.constant 1664 : i32
        %add3A_307 = arith.addi %add3A_306, %mul3A_305 : i32
        %swap3A_308 = arith.index_cast %add3A_307 : i32 to index
        %swap3A_309 = tpu.vector_load %arg33[%swap3A_308] {strides = array<i32>} : memref<2048xi32, #tpu.memory_space<vmem>>, vector<16xi32>,
        tpu.vector_store %arg33[%swap3A_308], %add3A_220 {strides = array<i32>} : memref<2048xi32, #tpu.memory_space<vmem>>, vector<16xi32>,
        %mul3A_310 = arith.constant 16 : i32
        %mul3A_311 = arith.muli %scan3A_119, %mul3A_310 : i32
        %add3A_312 = arith.constant 1792 : i32
        %add3A_313 = arith.addi %add3A_312, %mul3A_311 : i32
        %swap3A_314 = arith.index_cast %add3A_313 : i32 to index
        %swap3A_315 = tpu.vector_load %arg33[%swap3A_314] {strides = array<i32>} : memref<2048xi32, #tpu.memory_space<vmem>>, vector<16xi32>,
        tpu.vector_store %arg33[%swap3A_314], %add3A_223 {strides = array<i32>} : memref<2048xi32, #tpu.memory_space<vmem>>, vector<16xi32>,
        %mul3A_316 = arith.constant 16 : i32
        %mul3A_317 = arith.muli %scan3A_119, %mul3A_316 : i32
        %add3A_318 = arith.constant 1920 : i32
        %add3A_319 = arith.addi %add3A_318, %mul3A_317 : i32
        %swap3A_320 = arith.index_cast %add3A_319 : i32 to index
        %swap3A_321 = tpu.vector_load %arg33[%swap3A_320] {strides = array<i32>} : memref<2048xi32, #tpu.memory_space<vmem>>, vector<16xi32>,
        tpu.vector_store %arg33[%swap3A_320], %add3A_226 {strides = array<i32>} : memref<2048xi32, #tpu.memory_space<vmem>>, vector<16xi32>,
      }
      %scan3A_53 = arith.constant 8 : i32
      %dma_start3A_54 = arith.constant 0 : i32
      %dma_start3A_55 = tpu.memref_slice %arg9[%dma_start3A_54] : memref<442368xf32, #tpu.memory_space<hbm>> -> memref<442368xf32, #tpu.memory_space<hbm>>
      tpu.enqueue_indirect_dma source(%dma_start3A_55 : memref<442368xf32, #tpu.memory_space<hbm>>) target(%arg34 : memref<2048xf32, #tpu.memory_space<vmem>>) offsets(%arg33 : memref<2048xi32, #tpu.memory_space<vmem>>) semaphore(%arg38 : memref<!tpu.dma_semaphore, #tpu.memory_space<semaphore_mem>>)
      %dma_start3A_56 = arith.constant 0 : i32
      %dma_start3A_57 = tpu.memref_slice %arg10[%dma_start3A_56] : memref<442368xf32, #tpu.memory_space<hbm>> -> memref<442368xf32, #tpu.memory_space<hbm>>
      tpu.enqueue_indirect_dma source(%dma_start3A_57 : memref<442368xf32, #tpu.memory_space<hbm>>) target(%arg35 : memref<2048xf32, #tpu.memory_space<vmem>>) offsets(%arg33 : memref<2048xi32, #tpu.memory_space<vmem>>) semaphore(%arg38 : memref<!tpu.dma_semaphore, #tpu.memory_space<semaphore_mem>>)
      %dma_wait3A_58 = arith.constant 0 : i32
      %dma_wait3A_59 = tpu.memref_slice %arg9[%dma_wait3A_58] : memref<442368xf32, #tpu.memory_space<hbm>> -> memref<442368xf32, #tpu.memory_space<hbm>>
      tpu.wait_indirect_dma semaphore(%arg38 : memref<!tpu.dma_semaphore, #tpu.memory_space<semaphore_mem>>) src(%dma_wait3A_59 : memref<442368xf32, #tpu.memory_space<hbm>>) dst(%arg34 : memref<2048xf32, #tpu.memory_space<vmem>>)
      %dma_wait3A_60 = arith.constant 0 : i32
      %dma_wait3A_61 = tpu.memref_slice %arg10[%dma_wait3A_60] : memref<442368xf32, #tpu.memory_space<hbm>> -> memref<442368xf32, #tpu.memory_space<hbm>>
      tpu.wait_indirect_dma semaphore(%arg38 : memref<!tpu.dma_semaphore, #tpu.memory_space<semaphore_mem>>) src(%dma_wait3A_61 : memref<442368xf32, #tpu.memory_space<hbm>>) dst(%arg35 : memref<2048xf32, #tpu.memory_space<vmem>>)
      %scan3A_62 = arith.constant 0 : i32
      %scan3A_63 = arith.constant 0 : i32
      %scan3A_64 = arith.constant 8 : i32
      %scan3A_65 = arith.addi %scan3A_63, %scan3A_64 : i32
      %scan3A_66 = arith.constant 1 : i32
      scf.for %scan3A_119 = %scan3A_63 to %scan3A_65 step %scan3A_66  : i32 {
        %mul3A_120 = arith.constant 16 : i32
        %mul3A_121 = arith.muli %scan3A_119, %mul3A_120 : i32
        %add3A_122 = vector.broadcast %mul3A_121 : i32 to vector<16xi32>
        %add3A_123 = arith.addi %add3A_122, %iota3A : vector<16xi32>
        %broadcast_in_dim3A = arith.constant 0 : i32
        %broadcast_in_dim3A_124 = vector.broadcast %broadcast_in_dim3A : i32 to vector<16xi32>
        %gather3A = tpu.vector_load_idx %arg32[%add3A_123, %broadcast_in_dim3A_124] : memref<128x4xf32, #tpu.memory_space<vmem>>[vector<16xi32>, vector<16xi32>], vector<16xf32>,
        %mul3A_125 = arith.constant 3.000000e+00 : f32
        %mul3A_126 = vector.broadcast %mul3A_125 : f32 to vector<16xf32>
        %mul3A_127 = arith.mulf %gather3A, %mul3A_126 : vector<16xf32>
        %convert_element_type3A = arith.fptosi %mul3A_127 : vector<16xf32> to vector<16xi32>
        %min3A = arith.constant 2 : i32
        %min3A_128 = vector.broadcast %min3A : i32 to vector<16xi32>
        %min3A_129 = arith.minsi %convert_element_type3A, %min3A_128 : vector<16xi32>
        %convert_element_type3A_130 = arith.sitofp %min3A_129 : vector<16xi32> to vector<16xf32>
        %sub3A = arith.subf %mul3A_127, %convert_element_type3A_130 : vector<16xf32>
        %broadcast_in_dim3A_131 = arith.constant 1 : i32
        %broadcast_in_dim3A_132 = vector.broadcast %broadcast_in_dim3A_131 : i32 to vector<16xi32>
        %gather3A_133 = tpu.vector_load_idx %arg32[%add3A_123, %broadcast_in_dim3A_132] : memref<128x4xf32, #tpu.memory_space<vmem>>[vector<16xi32>, vector<16xi32>], vector<16xf32>,
        %mul3A_134 = arith.constant 4.700000e+01 : f32
        %mul3A_135 = vector.broadcast %mul3A_134 : f32 to vector<16xf32>
        %mul3A_136 = arith.mulf %gather3A_133, %mul3A_135 : vector<16xf32>
        %convert_element_type3A_137 = arith.fptosi %mul3A_136 : vector<16xf32> to vector<16xi32>
        %min3A_138 = arith.constant 46 : i32
        %min3A_139 = vector.broadcast %min3A_138 : i32 to vector<16xi32>
        %min3A_140 = arith.minsi %convert_element_type3A_137, %min3A_139 : vector<16xi32>
        %convert_element_type3A_141 = arith.sitofp %min3A_140 : vector<16xi32> to vector<16xf32>
        %sub3A_142 = arith.subf %mul3A_136, %convert_element_type3A_141 : vector<16xf32>
        %broadcast_in_dim3A_143 = arith.constant 2 : i32
        %broadcast_in_dim3A_144 = vector.broadcast %broadcast_in_dim3A_143 : i32 to vector<16xi32>
        %gather3A_145 = tpu.vector_load_idx %arg32[%add3A_123, %broadcast_in_dim3A_144] : memref<128x4xf32, #tpu.memory_space<vmem>>[vector<16xi32>, vector<16xi32>], vector<16xf32>,
        %mul3A_146 = arith.constant 4.700000e+01 : f32
        %mul3A_147 = vector.broadcast %mul3A_146 : f32 to vector<16xf32>
        %mul3A_148 = arith.mulf %gather3A_145, %mul3A_147 : vector<16xf32>
        %convert_element_type3A_149 = arith.fptosi %mul3A_148 : vector<16xf32> to vector<16xi32>
        %min3A_150 = arith.constant 46 : i32
        %min3A_151 = vector.broadcast %min3A_150 : i32 to vector<16xi32>
        %min3A_152 = arith.minsi %convert_element_type3A_149, %min3A_151 : vector<16xi32>
        %convert_element_type3A_153 = arith.sitofp %min3A_152 : vector<16xi32> to vector<16xf32>
        %sub3A_154 = arith.subf %mul3A_148, %convert_element_type3A_153 : vector<16xf32>
        %broadcast_in_dim3A_155 = arith.constant 3 : i32
        %broadcast_in_dim3A_156 = vector.broadcast %broadcast_in_dim3A_155 : i32 to vector<16xi32>
        %gather3A_157 = tpu.vector_load_idx %arg32[%add3A_123, %broadcast_in_dim3A_156] : memref<128x4xf32, #tpu.memory_space<vmem>>[vector<16xi32>, vector<16xi32>], vector<16xf32>,
        %mul3A_158 = arith.constant 4.700000e+01 : f32
        %mul3A_159 = vector.broadcast %mul3A_158 : f32 to vector<16xf32>
        %mul3A_160 = arith.mulf %gather3A_157, %mul3A_159 : vector<16xf32>
        %convert_element_type3A_161 = arith.fptosi %mul3A_160 : vector<16xf32> to vector<16xi32>
        %min3A_162 = arith.constant 46 : i32
        %min3A_163 = vector.broadcast %min3A_162 : i32 to vector<16xi32>
        %min3A_164 = arith.minsi %convert_element_type3A_161, %min3A_163 : vector<16xi32>
        %convert_element_type3A_165 = arith.sitofp %min3A_164 : vector<16xi32> to vector<16xf32>
        %sub3A_166 = arith.subf %mul3A_160, %convert_element_type3A_165 : vector<16xf32>
        %mul3A_167 = arith.constant 16 : i32
        %mul3A_168 = arith.muli %scan3A_119, %mul3A_167 : i32
        %mul3A_169 = arith.constant 16 : i32
        %mul3A_170 = arith.muli %scan3A_119, %mul3A_169 : i32
        %add3A_171 = arith.constant 0 : i32
        %add3A_172 = arith.addi %add3A_171, %mul3A_170 : i32
        %get3A = arith.index_cast %add3A_172 : i32 to index
        %get3A_173 = tpu.vector_load %arg34[%get3A] {strides = array<i32>} : memref<2048xf32, #tpu.memory_space<vmem>>, vector<16xf32>,
        %mul3A_174 = arith.constant 16 : i32
        %mul3A_175 = arith.muli %scan3A_119, %mul3A_174 : i32
        %add3A_176 = arith.constant 128 : i32
        %add3A_177 = arith.addi %add3A_176, %mul3A_175 : i32
        %get3A_178 = arith.index_cast %add3A_177 : i32 to index
        %get3A_179 = tpu.vector_load %arg34[%get3A_178] {strides = array<i32>} : memref<2048xf32, #tpu.memory_space<vmem>>, vector<16xf32>,
        %mul3A_180 = arith.constant 16 : i32
        %mul3A_181 = arith.muli %scan3A_119, %mul3A_180 : i32
        %add3A_182 = arith.constant 256 : i32
        %add3A_183 = arith.addi %add3A_182, %mul3A_181 : i32
        %get3A_184 = arith.index_cast %add3A_183 : i32 to index
        %get3A_185 = tpu.vector_load %arg34[%get3A_184] {strides = array<i32>} : memref<2048xf32, #tpu.memory_space<vmem>>, vector<16xf32>,
        %mul3A_186 = arith.constant 16 : i32
        %mul3A_187 = arith.muli %scan3A_119, %mul3A_186 : i32
        %add3A_188 = arith.constant 384 : i32
        %add3A_189 = arith.addi %add3A_188, %mul3A_187 : i32
        %get3A_190 = arith.index_cast %add3A_189 : i32 to index
        %get3A_191 = tpu.vector_load %arg34[%get3A_190] {strides = array<i32>} : memref<2048xf32, #tpu.memory_space<vmem>>, vector<16xf32>,
        %mul3A_192 = arith.constant 16 : i32
        %mul3A_193 = arith.muli %scan3A_119, %mul3A_192 : i32
        %add3A_194 = arith.constant 512 : i32
        %add3A_195 = arith.addi %add3A_194, %mul3A_193 : i32
        %get3A_196 = arith.index_cast %add3A_195 : i32 to index
        %get3A_197 = tpu.vector_load %arg34[%get3A_196] {strides = array<i32>} : memref<2048xf32, #tpu.memory_space<vmem>>, vector<16xf32>,
        %mul3A_198 = arith.constant 16 : i32
        %mul3A_199 = arith.muli %scan3A_119, %mul3A_198 : i32
        %add3A_200 = arith.constant 640 : i32
        %add3A_201 = arith.addi %add3A_200, %mul3A_199 : i32
        %get3A_202 = arith.index_cast %add3A_201 : i32 to index
        %get3A_203 = tpu.vector_load %arg34[%get3A_202] {strides = array<i32>} : memref<2048xf32, #tpu.memory_space<vmem>>, vector<16xf32>,
        %mul3A_204 = arith.constant 16 : i32
        %mul3A_205 = arith.muli %scan3A_119, %mul3A_204 : i32
        %add3A_206 = arith.constant 768 : i32
        %add3A_207 = arith.addi %add3A_206, %mul3A_205 : i32
        %get3A_208 = arith.index_cast %add3A_207 : i32 to index
        %get3A_209 = tpu.vector_load %arg34[%get3A_208] {strides = array<i32>} : memref<2048xf32, #tpu.memory_space<vmem>>, vector<16xf32>,
        %mul3A_210 = arith.constant 16 : i32
        %mul3A_211 = arith.muli %scan3A_119, %mul3A_210 : i32
        %add3A_212 = arith.constant 896 : i32
        %add3A_213 = arith.addi %add3A_212, %mul3A_211 : i32
        %get3A_214 = arith.index_cast %add3A_213 : i32 to index
        %get3A_215 = tpu.vector_load %arg34[%get3A_214] {strides = array<i32>} : memref<2048xf32, #tpu.memory_space<vmem>>, vector<16xf32>,
        %mul3A_216 = arith.constant 16 : i32
        %mul3A_217 = arith.muli %scan3A_119, %mul3A_216 : i32
        %add3A_218 = arith.constant 1024 : i32
        %add3A_219 = arith.addi %add3A_218, %mul3A_217 : i32
        %get3A_220 = arith.index_cast %add3A_219 : i32 to index
        %get3A_221 = tpu.vector_load %arg34[%get3A_220] {strides = array<i32>} : memref<2048xf32, #tpu.memory_space<vmem>>, vector<16xf32>,
        %mul3A_222 = arith.constant 16 : i32
        %mul3A_223 = arith.muli %scan3A_119, %mul3A_222 : i32
        %add3A_224 = arith.constant 1152 : i32
        %add3A_225 = arith.addi %add3A_224, %mul3A_223 : i32
        %get3A_226 = arith.index_cast %add3A_225 : i32 to index
        %get3A_227 = tpu.vector_load %arg34[%get3A_226] {strides = array<i32>} : memref<2048xf32, #tpu.memory_space<vmem>>, vector<16xf32>,
        %mul3A_228 = arith.constant 16 : i32
        %mul3A_229 = arith.muli %scan3A_119, %mul3A_228 : i32
        %add3A_230 = arith.constant 1280 : i32
        %add3A_231 = arith.addi %add3A_230, %mul3A_229 : i32
        %get3A_232 = arith.index_cast %add3A_231 : i32 to index
        %get3A_233 = tpu.vector_load %arg34[%get3A_232] {strides = array<i32>} : memref<2048xf32, #tpu.memory_space<vmem>>, vector<16xf32>,
        %mul3A_234 = arith.constant 16 : i32
        %mul3A_235 = arith.muli %scan3A_119, %mul3A_234 : i32
        %add3A_236 = arith.constant 1408 : i32
        %add3A_237 = arith.addi %add3A_236, %mul3A_235 : i32
        %get3A_238 = arith.index_cast %add3A_237 : i32 to index
        %get3A_239 = tpu.vector_load %arg34[%get3A_238] {strides = array<i32>} : memref<2048xf32, #tpu.memory_space<vmem>>, vector<16xf32>,
        %mul3A_240 = arith.constant 16 : i32
        %mul3A_241 = arith.muli %scan3A_119, %mul3A_240 : i32
        %add3A_242 = arith.constant 1536 : i32
        %add3A_243 = arith.addi %add3A_242, %mul3A_241 : i32
        %get3A_244 = arith.index_cast %add3A_243 : i32 to index
        %get3A_245 = tpu.vector_load %arg34[%get3A_244] {strides = array<i32>} : memref<2048xf32, #tpu.memory_space<vmem>>, vector<16xf32>,
        %mul3A_246 = arith.constant 16 : i32
        %mul3A_247 = arith.muli %scan3A_119, %mul3A_246 : i32
        %add3A_248 = arith.constant 1664 : i32
        %add3A_249 = arith.addi %add3A_248, %mul3A_247 : i32
        %get3A_250 = arith.index_cast %add3A_249 : i32 to index
        %get3A_251 = tpu.vector_load %arg34[%get3A_250] {strides = array<i32>} : memref<2048xf32, #tpu.memory_space<vmem>>, vector<16xf32>,
        %mul3A_252 = arith.constant 16 : i32
        %mul3A_253 = arith.muli %scan3A_119, %mul3A_252 : i32
        %add3A_254 = arith.constant 1792 : i32
        %add3A_255 = arith.addi %add3A_254, %mul3A_253 : i32
        %get3A_256 = arith.index_cast %add3A_255 : i32 to index
        %get3A_257 = tpu.vector_load %arg34[%get3A_256] {strides = array<i32>} : memref<2048xf32, #tpu.memory_space<vmem>>, vector<16xf32>,
        %mul3A_258 = arith.constant 16 : i32
        %mul3A_259 = arith.muli %scan3A_119, %mul3A_258 : i32
        %add3A_260 = arith.constant 1920 : i32
        %add3A_261 = arith.addi %add3A_260, %mul3A_259 : i32
        %get3A_262 = arith.index_cast %add3A_261 : i32 to index
        %get3A_263 = tpu.vector_load %arg34[%get3A_262] {strides = array<i32>} : memref<2048xf32, #tpu.memory_space<vmem>>, vector<16xf32>,
        %sub3A_264 = arith.subf %get3A_221, %get3A_173 : vector<16xf32>
        %mul3A_265 = arith.mulf %sub3A, %sub3A_264 : vector<16xf32>
        %add3A_266 = arith.addf %get3A_173, %mul3A_265 : vector<16xf32>
        %sub3A_267 = arith.subf %get3A_227, %get3A_179 : vector<16xf32>
        %mul3A_268 = arith.mulf %sub3A, %sub3A_267 : vector<16xf32>
        %add3A_269 = arith.addf %get3A_179, %mul3A_268 : vector<16xf32>
        %sub3A_270 = arith.subf %get3A_233, %get3A_185 : vector<16xf32>
        %mul3A_271 = arith.mulf %sub3A, %sub3A_270 : vector<16xf32>
        %add3A_272 = arith.addf %get3A_185, %mul3A_271 : vector<16xf32>
        %sub3A_273 = arith.subf %get3A_239, %get3A_191 : vector<16xf32>
        %mul3A_274 = arith.mulf %sub3A, %sub3A_273 : vector<16xf32>
        %add3A_275 = arith.addf %get3A_191, %mul3A_274 : vector<16xf32>
        %sub3A_276 = arith.subf %get3A_245, %get3A_197 : vector<16xf32>
        %mul3A_277 = arith.mulf %sub3A, %sub3A_276 : vector<16xf32>
        %add3A_278 = arith.addf %get3A_197, %mul3A_277 : vector<16xf32>
        %sub3A_279 = arith.subf %get3A_251, %get3A_203 : vector<16xf32>
        %mul3A_280 = arith.mulf %sub3A, %sub3A_279 : vector<16xf32>
        %add3A_281 = arith.addf %get3A_203, %mul3A_280 : vector<16xf32>
        %sub3A_282 = arith.subf %get3A_257, %get3A_209 : vector<16xf32>
        %mul3A_283 = arith.mulf %sub3A, %sub3A_282 : vector<16xf32>
        %add3A_284 = arith.addf %get3A_209, %mul3A_283 : vector<16xf32>
        %sub3A_285 = arith.subf %get3A_263, %get3A_215 : vector<16xf32>
        %mul3A_286 = arith.mulf %sub3A, %sub3A_285 : vector<16xf32>
        %add3A_287 = arith.addf %get3A_215, %mul3A_286 : vector<16xf32>
        %sub3A_288 = arith.subf %add3A_278, %add3A_266 : vector<16xf32>
        %mul3A_289 = arith.mulf %sub3A_142, %sub3A_288 : vector<16xf32>
        %add3A_290 = arith.addf %add3A_266, %mul3A_289 : vector<16xf32>
        %sub3A_291 = arith.subf %add3A_281, %add3A_269 : vector<16xf32>
        %mul3A_292 = arith.mulf %sub3A_142, %sub3A_291 : vector<16xf32>
        %add3A_293 = arith.addf %add3A_269, %mul3A_292 : vector<16xf32>
        %sub3A_294 = arith.subf %add3A_284, %add3A_272 : vector<16xf32>
        %mul3A_295 = arith.mulf %sub3A_142, %sub3A_294 : vector<16xf32>
        %add3A_296 = arith.addf %add3A_272, %mul3A_295 : vector<16xf32>
        %sub3A_297 = arith.subf %add3A_287, %add3A_275 : vector<16xf32>
        %mul3A_298 = arith.mulf %sub3A_142, %sub3A_297 : vector<16xf32>
        %add3A_299 = arith.addf %add3A_275, %mul3A_298 : vector<16xf32>
        %sub3A_300 = arith.subf %add3A_296, %add3A_290 : vector<16xf32>
        %mul3A_301 = arith.mulf %sub3A_154, %sub3A_300 : vector<16xf32>
        %add3A_302 = arith.addf %add3A_290, %mul3A_301 : vector<16xf32>
        %sub3A_303 = arith.subf %add3A_299, %add3A_293 : vector<16xf32>
        %mul3A_304 = arith.mulf %sub3A_154, %sub3A_303 : vector<16xf32>
        %add3A_305 = arith.addf %add3A_293, %mul3A_304 : vector<16xf32>
        %sub3A_306 = arith.subf %add3A_305, %add3A_302 : vector<16xf32>
        %mul3A_307 = arith.mulf %sub3A_166, %sub3A_306 : vector<16xf32>
        %add3A_308 = arith.addf %add3A_302, %mul3A_307 : vector<16xf32>
        %swap3A = arith.constant 6 : i32
        %swap3A_309 = arith.index_cast %swap3A : i32 to index
        %swap3A_310 = arith.index_cast %mul3A_168 : i32 to index
        %swap3A_311 = tpu.vector_load %arg36[%swap3A_309, %swap3A_310] {strides = array<i32>} : memref<12x128xf32, #tpu.memory_space<vmem>>, vector<16xf32>,
        tpu.vector_store %arg36[%swap3A_309, %swap3A_310], %add3A_308 {strides = array<i32>} : memref<12x128xf32, #tpu.memory_space<vmem>>, vector<16xf32>,
        %mul3A_312 = arith.constant 16 : i32
        %mul3A_313 = arith.muli %scan3A_119, %mul3A_312 : i32
        %add3A_314 = arith.constant 0 : i32
        %add3A_315 = arith.addi %add3A_314, %mul3A_313 : i32
        %get3A_316 = arith.index_cast %add3A_315 : i32 to index
        %get3A_317 = tpu.vector_load %arg35[%get3A_316] {strides = array<i32>} : memref<2048xf32, #tpu.memory_space<vmem>>, vector<16xf32>,
        %mul3A_318 = arith.constant 16 : i32
        %mul3A_319 = arith.muli %scan3A_119, %mul3A_318 : i32
        %add3A_320 = arith.constant 128 : i32
        %add3A_321 = arith.addi %add3A_320, %mul3A_319 : i32
        %get3A_322 = arith.index_cast %add3A_321 : i32 to index
        %get3A_323 = tpu.vector_load %arg35[%get3A_322] {strides = array<i32>} : memref<2048xf32, #tpu.memory_space<vmem>>, vector<16xf32>,
        %mul3A_324 = arith.constant 16 : i32
        %mul3A_325 = arith.muli %scan3A_119, %mul3A_324 : i32
        %add3A_326 = arith.constant 256 : i32
        %add3A_327 = arith.addi %add3A_326, %mul3A_325 : i32
        %get3A_328 = arith.index_cast %add3A_327 : i32 to index
        %get3A_329 = tpu.vector_load %arg35[%get3A_328] {strides = array<i32>} : memref<2048xf32, #tpu.memory_space<vmem>>, vector<16xf32>,
        %mul3A_330 = arith.constant 16 : i32
        %mul3A_331 = arith.muli %scan3A_119, %mul3A_330 : i32
        %add3A_332 = arith.constant 384 : i32
        %add3A_333 = arith.addi %add3A_332, %mul3A_331 : i32
        %get3A_334 = arith.index_cast %add3A_333 : i32 to index
        %get3A_335 = tpu.vector_load %arg35[%get3A_334] {strides = array<i32>} : memref<2048xf32, #tpu.memory_space<vmem>>, vector<16xf32>,
        %mul3A_336 = arith.constant 16 : i32
        %mul3A_337 = arith.muli %scan3A_119, %mul3A_336 : i32
        %add3A_338 = arith.constant 512 : i32
        %add3A_339 = arith.addi %add3A_338, %mul3A_337 : i32
        %get3A_340 = arith.index_cast %add3A_339 : i32 to index
        %get3A_341 = tpu.vector_load %arg35[%get3A_340] {strides = array<i32>} : memref<2048xf32, #tpu.memory_space<vmem>>, vector<16xf32>,
        %mul3A_342 = arith.constant 16 : i32
        %mul3A_343 = arith.muli %scan3A_119, %mul3A_342 : i32
        %add3A_344 = arith.constant 640 : i32
        %add3A_345 = arith.addi %add3A_344, %mul3A_343 : i32
        %get3A_346 = arith.index_cast %add3A_345 : i32 to index
        %get3A_347 = tpu.vector_load %arg35[%get3A_346] {strides = array<i32>} : memref<2048xf32, #tpu.memory_space<vmem>>, vector<16xf32>,
        %mul3A_348 = arith.constant 16 : i32
        %mul3A_349 = arith.muli %scan3A_119, %mul3A_348 : i32
        %add3A_350 = arith.constant 768 : i32
        %add3A_351 = arith.addi %add3A_350, %mul3A_349 : i32
        %get3A_352 = arith.index_cast %add3A_351 : i32 to index
        %get3A_353 = tpu.vector_load %arg35[%get3A_352] {strides = array<i32>} : memref<2048xf32, #tpu.memory_space<vmem>>, vector<16xf32>,
        %mul3A_354 = arith.constant 16 : i32
        %mul3A_355 = arith.muli %scan3A_119, %mul3A_354 : i32
        %add3A_356 = arith.constant 896 : i32
        %add3A_357 = arith.addi %add3A_356, %mul3A_355 : i32
        %get3A_358 = arith.index_cast %add3A_357 : i32 to index
        %get3A_359 = tpu.vector_load %arg35[%get3A_358] {strides = array<i32>} : memref<2048xf32, #tpu.memory_space<vmem>>, vector<16xf32>,
        %mul3A_360 = arith.constant 16 : i32
        %mul3A_361 = arith.muli %scan3A_119, %mul3A_360 : i32
        %add3A_362 = arith.constant 1024 : i32
        %add3A_363 = arith.addi %add3A_362, %mul3A_361 : i32
        %get3A_364 = arith.index_cast %add3A_363 : i32 to index
        %get3A_365 = tpu.vector_load %arg35[%get3A_364] {strides = array<i32>} : memref<2048xf32, #tpu.memory_space<vmem>>, vector<16xf32>,
        %mul3A_366 = arith.constant 16 : i32
        %mul3A_367 = arith.muli %scan3A_119, %mul3A_366 : i32
        %add3A_368 = arith.constant 1152 : i32
        %add3A_369 = arith.addi %add3A_368, %mul3A_367 : i32
        %get3A_370 = arith.index_cast %add3A_369 : i32 to index
        %get3A_371 = tpu.vector_load %arg35[%get3A_370] {strides = array<i32>} : memref<2048xf32, #tpu.memory_space<vmem>>, vector<16xf32>,
        %mul3A_372 = arith.constant 16 : i32
        %mul3A_373 = arith.muli %scan3A_119, %mul3A_372 : i32
        %add3A_374 = arith.constant 1280 : i32
        %add3A_375 = arith.addi %add3A_374, %mul3A_373 : i32
        %get3A_376 = arith.index_cast %add3A_375 : i32 to index
        %get3A_377 = tpu.vector_load %arg35[%get3A_376] {strides = array<i32>} : memref<2048xf32, #tpu.memory_space<vmem>>, vector<16xf32>,
        %mul3A_378 = arith.constant 16 : i32
        %mul3A_379 = arith.muli %scan3A_119, %mul3A_378 : i32
        %add3A_380 = arith.constant 1408 : i32
        %add3A_381 = arith.addi %add3A_380, %mul3A_379 : i32
        %get3A_382 = arith.index_cast %add3A_381 : i32 to index
        %get3A_383 = tpu.vector_load %arg35[%get3A_382] {strides = array<i32>} : memref<2048xf32, #tpu.memory_space<vmem>>, vector<16xf32>,
        %mul3A_384 = arith.constant 16 : i32
        %mul3A_385 = arith.muli %scan3A_119, %mul3A_384 : i32
        %add3A_386 = arith.constant 1536 : i32
        %add3A_387 = arith.addi %add3A_386, %mul3A_385 : i32
        %get3A_388 = arith.index_cast %add3A_387 : i32 to index
        %get3A_389 = tpu.vector_load %arg35[%get3A_388] {strides = array<i32>} : memref<2048xf32, #tpu.memory_space<vmem>>, vector<16xf32>,
        %mul3A_390 = arith.constant 16 : i32
        %mul3A_391 = arith.muli %scan3A_119, %mul3A_390 : i32
        %add3A_392 = arith.constant 1664 : i32
        %add3A_393 = arith.addi %add3A_392, %mul3A_391 : i32
        %get3A_394 = arith.index_cast %add3A_393 : i32 to index
        %get3A_395 = tpu.vector_load %arg35[%get3A_394] {strides = array<i32>} : memref<2048xf32, #tpu.memory_space<vmem>>, vector<16xf32>,
        %mul3A_396 = arith.constant 16 : i32
        %mul3A_397 = arith.muli %scan3A_119, %mul3A_396 : i32
        %add3A_398 = arith.constant 1792 : i32
        %add3A_399 = arith.addi %add3A_398, %mul3A_397 : i32
        %get3A_400 = arith.index_cast %add3A_399 : i32 to index
        %get3A_401 = tpu.vector_load %arg35[%get3A_400] {strides = array<i32>} : memref<2048xf32, #tpu.memory_space<vmem>>, vector<16xf32>,
        %mul3A_402 = arith.constant 16 : i32
        %mul3A_403 = arith.muli %scan3A_119, %mul3A_402 : i32
        %add3A_404 = arith.constant 1920 : i32
        %add3A_405 = arith.addi %add3A_404, %mul3A_403 : i32
        %get3A_406 = arith.index_cast %add3A_405 : i32 to index
        %get3A_407 = tpu.vector_load %arg35[%get3A_406] {strides = array<i32>} : memref<2048xf32, #tpu.memory_space<vmem>>, vector<16xf32>,
        %sub3A_408 = arith.subf %get3A_365, %get3A_317 : vector<16xf32>
        %mul3A_409 = arith.mulf %sub3A, %sub3A_408 : vector<16xf32>
        %add3A_410 = arith.addf %get3A_317, %mul3A_409 : vector<16xf32>
        %sub3A_411 = arith.subf %get3A_371, %get3A_323 : vector<16xf32>
        %mul3A_412 = arith.mulf %sub3A, %sub3A_411 : vector<16xf32>
        %add3A_413 = arith.addf %get3A_323, %mul3A_412 : vector<16xf32>
        %sub3A_414 = arith.subf %get3A_377, %get3A_329 : vector<16xf32>
        %mul3A_415 = arith.mulf %sub3A, %sub3A_414 : vector<16xf32>
        %add3A_416 = arith.addf %get3A_329, %mul3A_415 : vector<16xf32>
        %sub3A_417 = arith.subf %get3A_383, %get3A_335 : vector<16xf32>
        %mul3A_418 = arith.mulf %sub3A, %sub3A_417 : vector<16xf32>
        %add3A_419 = arith.addf %get3A_335, %mul3A_418 : vector<16xf32>
        %sub3A_420 = arith.subf %get3A_389, %get3A_341 : vector<16xf32>
        %mul3A_421 = arith.mulf %sub3A, %sub3A_420 : vector<16xf32>
        %add3A_422 = arith.addf %get3A_341, %mul3A_421 : vector<16xf32>
        %sub3A_423 = arith.subf %get3A_395, %get3A_347 : vector<16xf32>
        %mul3A_424 = arith.mulf %sub3A, %sub3A_423 : vector<16xf32>
        %add3A_425 = arith.addf %get3A_347, %mul3A_424 : vector<16xf32>
        %sub3A_426 = arith.subf %get3A_401, %get3A_353 : vector<16xf32>
        %mul3A_427 = arith.mulf %sub3A, %sub3A_426 : vector<16xf32>
        %add3A_428 = arith.addf %get3A_353, %mul3A_427 : vector<16xf32>
        %sub3A_429 = arith.subf %get3A_407, %get3A_359 : vector<16xf32>
        %mul3A_430 = arith.mulf %sub3A, %sub3A_429 : vector<16xf32>
        %add3A_431 = arith.addf %get3A_359, %mul3A_430 : vector<16xf32>
        %sub3A_432 = arith.subf %add3A_422, %add3A_410 : vector<16xf32>
        %mul3A_433 = arith.mulf %sub3A_142, %sub3A_432 : vector<16xf32>
        %add3A_434 = arith.addf %add3A_410, %mul3A_433 : vector<16xf32>
        %sub3A_435 = arith.subf %add3A_425, %add3A_413 : vector<16xf32>
        %mul3A_436 = arith.mulf %sub3A_142, %sub3A_435 : vector<16xf32>
        %add3A_437 = arith.addf %add3A_413, %mul3A_436 : vector<16xf32>
        %sub3A_438 = arith.subf %add3A_428, %add3A_416 : vector<16xf32>
        %mul3A_439 = arith.mulf %sub3A_142, %sub3A_438 : vector<16xf32>
        %add3A_440 = arith.addf %add3A_416, %mul3A_439 : vector<16xf32>
        %sub3A_441 = arith.subf %add3A_431, %add3A_419 : vector<16xf32>
        %mul3A_442 = arith.mulf %sub3A_142, %sub3A_441 : vector<16xf32>
        %add3A_443 = arith.addf %add3A_419, %mul3A_442 : vector<16xf32>
        %sub3A_444 = arith.subf %add3A_440, %add3A_434 : vector<16xf32>
        %mul3A_445 = arith.mulf %sub3A_154, %sub3A_444 : vector<16xf32>
        %add3A_446 = arith.addf %add3A_434, %mul3A_445 : vector<16xf32>
        %sub3A_447 = arith.subf %add3A_443, %add3A_437 : vector<16xf32>
        %mul3A_448 = arith.mulf %sub3A_154, %sub3A_447 : vector<16xf32>
        %add3A_449 = arith.addf %add3A_437, %mul3A_448 : vector<16xf32>
        %sub3A_450 = arith.subf %add3A_449, %add3A_446 : vector<16xf32>
        %mul3A_451 = arith.mulf %sub3A_166, %sub3A_450 : vector<16xf32>
        %add3A_452 = arith.addf %add3A_446, %mul3A_451 : vector<16xf32>
        %swap3A_453 = arith.constant 7 : i32
        %swap3A_454 = arith.index_cast %swap3A_453 : i32 to index
        %swap3A_455 = arith.index_cast %mul3A_168 : i32 to index
        %swap3A_456 = tpu.vector_load %arg36[%swap3A_454, %swap3A_455] {strides = array<i32>} : memref<12x128xf32, #tpu.memory_space<vmem>>, vector<16xf32>,
        tpu.vector_store %arg36[%swap3A_454, %swap3A_455], %add3A_452 {strides = array<i32>} : memref<12x128xf32, #tpu.memory_space<vmem>>, vector<16xf32>,
      }
      %scan3A_67 = arith.constant 8 : i32
      %scan3A_68 = arith.constant 0 : i32
      %scan3A_69 = arith.constant 0 : i32
      %scan3A_70 = arith.constant 8 : i32
      %scan3A_71 = arith.addi %scan3A_69, %scan3A_70 : i32
      %scan3A_72 = arith.constant 1 : i32
      scf.for %scan3A_119 = %scan3A_69 to %scan3A_71 step %scan3A_72  : i32 {
        %mul3A_120 = arith.constant 16 : i32
        %mul3A_121 = arith.muli %scan3A_119, %mul3A_120 : i32
        %add3A_122 = vector.broadcast %mul3A_121 : i32 to vector<16xi32>
        %add3A_123 = arith.addi %add3A_122, %iota3A : vector<16xi32>
        %broadcast_in_dim3A = arith.constant 0 : i32
        %broadcast_in_dim3A_124 = vector.broadcast %broadcast_in_dim3A : i32 to vector<16xi32>
        %gather3A = tpu.vector_load_idx %arg32[%add3A_123, %broadcast_in_dim3A_124] : memref<128x4xf32, #tpu.memory_space<vmem>>[vector<16xi32>, vector<16xi32>], vector<16xf32>,
        %mul3A_125 = arith.constant 7.000000e+00 : f32
        %mul3A_126 = vector.broadcast %mul3A_125 : f32 to vector<16xf32>
        %mul3A_127 = arith.mulf %gather3A, %mul3A_126 : vector<16xf32>
        %convert_element_type3A = arith.fptosi %mul3A_127 : vector<16xf32> to vector<16xi32>
        %min3A = arith.constant 6 : i32
        %min3A_128 = vector.broadcast %min3A : i32 to vector<16xi32>
        %min3A_129 = arith.minsi %convert_element_type3A, %min3A_128 : vector<16xi32>
        %convert_element_type3A_130 = arith.sitofp %min3A_129 : vector<16xi32> to vector<16xf32>
        %sub3A = arith.subf %mul3A_127, %convert_element_type3A_130 : vector<16xf32>
        %broadcast_in_dim3A_131 = arith.constant 1 : i32
        %broadcast_in_dim3A_132 = vector.broadcast %broadcast_in_dim3A_131 : i32 to vector<16xi32>
        %gather3A_133 = tpu.vector_load_idx %arg32[%add3A_123, %broadcast_in_dim3A_132] : memref<128x4xf32, #tpu.memory_space<vmem>>[vector<16xi32>, vector<16xi32>], vector<16xf32>,
        %mul3A_134 = arith.constant 6.300000e+01 : f32
        %mul3A_135 = vector.broadcast %mul3A_134 : f32 to vector<16xf32>
        %mul3A_136 = arith.mulf %gather3A_133, %mul3A_135 : vector<16xf32>
        %convert_element_type3A_137 = arith.fptosi %mul3A_136 : vector<16xf32> to vector<16xi32>
        %min3A_138 = arith.constant 62 : i32
        %min3A_139 = vector.broadcast %min3A_138 : i32 to vector<16xi32>
        %min3A_140 = arith.minsi %convert_element_type3A_137, %min3A_139 : vector<16xi32>
        %convert_element_type3A_141 = arith.sitofp %min3A_140 : vector<16xi32> to vector<16xf32>
        %sub3A_142 = arith.subf %mul3A_136, %convert_element_type3A_141 : vector<16xf32>
        %broadcast_in_dim3A_143 = arith.constant 2 : i32
        %broadcast_in_dim3A_144 = vector.broadcast %broadcast_in_dim3A_143 : i32 to vector<16xi32>
        %gather3A_145 = tpu.vector_load_idx %arg32[%add3A_123, %broadcast_in_dim3A_144] : memref<128x4xf32, #tpu.memory_space<vmem>>[vector<16xi32>, vector<16xi32>], vector<16xf32>,
        %mul3A_146 = arith.constant 6.300000e+01 : f32
        %mul3A_147 = vector.broadcast %mul3A_146 : f32 to vector<16xf32>
        %mul3A_148 = arith.mulf %gather3A_145, %mul3A_147 : vector<16xf32>
        %convert_element_type3A_149 = arith.fptosi %mul3A_148 : vector<16xf32> to vector<16xi32>
        %min3A_150 = arith.constant 62 : i32
        %min3A_151 = vector.broadcast %min3A_150 : i32 to vector<16xi32>
        %min3A_152 = arith.minsi %convert_element_type3A_149, %min3A_151 : vector<16xi32>
        %convert_element_type3A_153 = arith.sitofp %min3A_152 : vector<16xi32> to vector<16xf32>
        %sub3A_154 = arith.subf %mul3A_148, %convert_element_type3A_153 : vector<16xf32>
        %broadcast_in_dim3A_155 = arith.constant 3 : i32
        %broadcast_in_dim3A_156 = vector.broadcast %broadcast_in_dim3A_155 : i32 to vector<16xi32>
        %gather3A_157 = tpu.vector_load_idx %arg32[%add3A_123, %broadcast_in_dim3A_156] : memref<128x4xf32, #tpu.memory_space<vmem>>[vector<16xi32>, vector<16xi32>], vector<16xf32>,
        %mul3A_158 = arith.constant 6.300000e+01 : f32
        %mul3A_159 = vector.broadcast %mul3A_158 : f32 to vector<16xf32>
        %mul3A_160 = arith.mulf %gather3A_157, %mul3A_159 : vector<16xf32>
        %convert_element_type3A_161 = arith.fptosi %mul3A_160 : vector<16xf32> to vector<16xi32>
        %min3A_162 = arith.constant 62 : i32
        %min3A_163 = vector.broadcast %min3A_162 : i32 to vector<16xi32>
        %min3A_164 = arith.minsi %convert_element_type3A_161, %min3A_163 : vector<16xi32>
        %convert_element_type3A_165 = arith.sitofp %min3A_164 : vector<16xi32> to vector<16xf32>
        %sub3A_166 = arith.subf %mul3A_160, %convert_element_type3A_165 : vector<16xf32>
        %mul3A_167 = arith.constant 262144 : i32
        %mul3A_168 = vector.broadcast %mul3A_167 : i32 to vector<16xi32>
        %mul3A_169 = arith.muli %min3A_129, %mul3A_168 : vector<16xi32>
        %add3A_170 = arith.addi %mul3A_169, %min3A_140 : vector<16xi32>
        %mul3A_171 = arith.constant 64 : i32
        %mul3A_172 = vector.broadcast %mul3A_171 : i32 to vector<16xi32>
        %mul3A_173 = arith.muli %min3A_152, %mul3A_172 : vector<16xi32>
        %add3A_174 = arith.addi %add3A_170, %mul3A_173 : vector<16xi32>
        %mul3A_175 = arith.constant 4096 : i32
        %mul3A_176 = vector.broadcast %mul3A_175 : i32 to vector<16xi32>
        %mul3A_177 = arith.muli %min3A_164, %mul3A_176 : vector<16xi32>
        %add3A_178 = arith.addi %add3A_174, %mul3A_177 : vector<16xi32>
        %add3A_179 = arith.constant 0 : i32
        %add3A_180 = vector.broadcast %add3A_179 : i32 to vector<16xi32>
        %add3A_181 = arith.addi %add3A_178, %add3A_180 : vector<16xi32>
        %add3A_182 = arith.constant 4096 : i32
        %add3A_183 = vector.broadcast %add3A_182 : i32 to vector<16xi32>
        %add3A_184 = arith.addi %add3A_178, %add3A_183 : vector<16xi32>
        %add3A_185 = arith.constant 64 : i32
        %add3A_186 = vector.broadcast %add3A_185 : i32 to vector<16xi32>
        %add3A_187 = arith.addi %add3A_178, %add3A_186 : vector<16xi32>
        %add3A_188 = arith.constant 4160 : i32
        %add3A_189 = vector.broadcast %add3A_188 : i32 to vector<16xi32>
        %add3A_190 = arith.addi %add3A_178, %add3A_189 : vector<16xi32>
        %add3A_191 = arith.constant 1 : i32
        %add3A_192 = vector.broadcast %add3A_191 : i32 to vector<16xi32>
        %add3A_193 = arith.addi %add3A_178, %add3A_192 : vector<16xi32>
        %add3A_194 = arith.constant 4097 : i32
        %add3A_195 = vector.broadcast %add3A_194 : i32 to vector<16xi32>
        %add3A_196 = arith.addi %add3A_178, %add3A_195 : vector<16xi32>
        %add3A_197 = arith.constant 65 : i32
        %add3A_198 = vector.broadcast %add3A_197 : i32 to vector<16xi32>
        %add3A_199 = arith.addi %add3A_178, %add3A_198 : vector<16xi32>
        %add3A_200 = arith.constant 4161 : i32
        %add3A_201 = vector.broadcast %add3A_200 : i32 to vector<16xi32>
        %add3A_202 = arith.addi %add3A_178, %add3A_201 : vector<16xi32>
        %add3A_203 = arith.constant 262144 : i32
        %add3A_204 = vector.broadcast %add3A_203 : i32 to vector<16xi32>
        %add3A_205 = arith.addi %add3A_178, %add3A_204 : vector<16xi32>
        %add3A_206 = arith.constant 266240 : i32
        %add3A_207 = vector.broadcast %add3A_206 : i32 to vector<16xi32>
        %add3A_208 = arith.addi %add3A_178, %add3A_207 : vector<16xi32>
        %add3A_209 = arith.constant 262208 : i32
        %add3A_210 = vector.broadcast %add3A_209 : i32 to vector<16xi32>
        %add3A_211 = arith.addi %add3A_178, %add3A_210 : vector<16xi32>
        %add3A_212 = arith.constant 266304 : i32
        %add3A_213 = vector.broadcast %add3A_212 : i32 to vector<16xi32>
        %add3A_214 = arith.addi %add3A_178, %add3A_213 : vector<16xi32>
        %add3A_215 = arith.constant 262145 : i32
        %add3A_216 = vector.broadcast %add3A_215 : i32 to vector<16xi32>
        %add3A_217 = arith.addi %add3A_178, %add3A_216 : vector<16xi32>
        %add3A_218 = arith.constant 266241 : i32
        %add3A_219 = vector.broadcast %add3A_218 : i32 to vector<16xi32>
        %add3A_220 = arith.addi %add3A_178, %add3A_219 : vector<16xi32>
        %add3A_221 = arith.constant 262209 : i32
        %add3A_222 = vector.broadcast %add3A_221 : i32 to vector<16xi32>
        %add3A_223 = arith.addi %add3A_178, %add3A_222 : vector<16xi32>
        %add3A_224 = arith.constant 266305 : i32
        %add3A_225 = vector.broadcast %add3A_224 : i32 to vector<16xi32>
        %add3A_226 = arith.addi %add3A_178, %add3A_225 : vector<16xi32>
        %mul3A_227 = arith.constant 16 : i32
        %mul3A_228 = arith.muli %scan3A_119, %mul3A_227 : i32
        %add3A_229 = arith.constant 0 : i32
        %add3A_230 = arith.addi %add3A_229, %mul3A_228 : i32
        %swap3A = arith.index_cast %add3A_230 : i32 to index
        %swap3A_231 = tpu.vector_load %arg33[%swap3A] {strides = array<i32>} : memref<2048xi32, #tpu.memory_space<vmem>>, vector<16xi32>,
        tpu.vector_store %arg33[%swap3A], %add3A_181 {strides = array<i32>} : memref<2048xi32, #tpu.memory_space<vmem>>, vector<16xi32>,
        %mul3A_232 = arith.constant 16 : i32
        %mul3A_233 = arith.muli %scan3A_119, %mul3A_232 : i32
        %add3A_234 = arith.constant 128 : i32
        %add3A_235 = arith.addi %add3A_234, %mul3A_233 : i32
        %swap3A_236 = arith.index_cast %add3A_235 : i32 to index
        %swap3A_237 = tpu.vector_load %arg33[%swap3A_236] {strides = array<i32>} : memref<2048xi32, #tpu.memory_space<vmem>>, vector<16xi32>,
        tpu.vector_store %arg33[%swap3A_236], %add3A_184 {strides = array<i32>} : memref<2048xi32, #tpu.memory_space<vmem>>, vector<16xi32>,
        %mul3A_238 = arith.constant 16 : i32
        %mul3A_239 = arith.muli %scan3A_119, %mul3A_238 : i32
        %add3A_240 = arith.constant 256 : i32
        %add3A_241 = arith.addi %add3A_240, %mul3A_239 : i32
        %swap3A_242 = arith.index_cast %add3A_241 : i32 to index
        %swap3A_243 = tpu.vector_load %arg33[%swap3A_242] {strides = array<i32>} : memref<2048xi32, #tpu.memory_space<vmem>>, vector<16xi32>,
        tpu.vector_store %arg33[%swap3A_242], %add3A_187 {strides = array<i32>} : memref<2048xi32, #tpu.memory_space<vmem>>, vector<16xi32>,
        %mul3A_244 = arith.constant 16 : i32
        %mul3A_245 = arith.muli %scan3A_119, %mul3A_244 : i32
        %add3A_246 = arith.constant 384 : i32
        %add3A_247 = arith.addi %add3A_246, %mul3A_245 : i32
        %swap3A_248 = arith.index_cast %add3A_247 : i32 to index
        %swap3A_249 = tpu.vector_load %arg33[%swap3A_248] {strides = array<i32>} : memref<2048xi32, #tpu.memory_space<vmem>>, vector<16xi32>,
        tpu.vector_store %arg33[%swap3A_248], %add3A_190 {strides = array<i32>} : memref<2048xi32, #tpu.memory_space<vmem>>, vector<16xi32>,
        %mul3A_250 = arith.constant 16 : i32
        %mul3A_251 = arith.muli %scan3A_119, %mul3A_250 : i32
        %add3A_252 = arith.constant 512 : i32
        %add3A_253 = arith.addi %add3A_252, %mul3A_251 : i32
        %swap3A_254 = arith.index_cast %add3A_253 : i32 to index
        %swap3A_255 = tpu.vector_load %arg33[%swap3A_254] {strides = array<i32>} : memref<2048xi32, #tpu.memory_space<vmem>>, vector<16xi32>,
        tpu.vector_store %arg33[%swap3A_254], %add3A_193 {strides = array<i32>} : memref<2048xi32, #tpu.memory_space<vmem>>, vector<16xi32>,
        %mul3A_256 = arith.constant 16 : i32
        %mul3A_257 = arith.muli %scan3A_119, %mul3A_256 : i32
        %add3A_258 = arith.constant 640 : i32
        %add3A_259 = arith.addi %add3A_258, %mul3A_257 : i32
        %swap3A_260 = arith.index_cast %add3A_259 : i32 to index
        %swap3A_261 = tpu.vector_load %arg33[%swap3A_260] {strides = array<i32>} : memref<2048xi32, #tpu.memory_space<vmem>>, vector<16xi32>,
        tpu.vector_store %arg33[%swap3A_260], %add3A_196 {strides = array<i32>} : memref<2048xi32, #tpu.memory_space<vmem>>, vector<16xi32>,
        %mul3A_262 = arith.constant 16 : i32
        %mul3A_263 = arith.muli %scan3A_119, %mul3A_262 : i32
        %add3A_264 = arith.constant 768 : i32
        %add3A_265 = arith.addi %add3A_264, %mul3A_263 : i32
        %swap3A_266 = arith.index_cast %add3A_265 : i32 to index
        %swap3A_267 = tpu.vector_load %arg33[%swap3A_266] {strides = array<i32>} : memref<2048xi32, #tpu.memory_space<vmem>>, vector<16xi32>,
        tpu.vector_store %arg33[%swap3A_266], %add3A_199 {strides = array<i32>} : memref<2048xi32, #tpu.memory_space<vmem>>, vector<16xi32>,
        %mul3A_268 = arith.constant 16 : i32
        %mul3A_269 = arith.muli %scan3A_119, %mul3A_268 : i32
        %add3A_270 = arith.constant 896 : i32
        %add3A_271 = arith.addi %add3A_270, %mul3A_269 : i32
        %swap3A_272 = arith.index_cast %add3A_271 : i32 to index
        %swap3A_273 = tpu.vector_load %arg33[%swap3A_272] {strides = array<i32>} : memref<2048xi32, #tpu.memory_space<vmem>>, vector<16xi32>,
        tpu.vector_store %arg33[%swap3A_272], %add3A_202 {strides = array<i32>} : memref<2048xi32, #tpu.memory_space<vmem>>, vector<16xi32>,
        %mul3A_274 = arith.constant 16 : i32
        %mul3A_275 = arith.muli %scan3A_119, %mul3A_274 : i32
        %add3A_276 = arith.constant 1024 : i32
        %add3A_277 = arith.addi %add3A_276, %mul3A_275 : i32
        %swap3A_278 = arith.index_cast %add3A_277 : i32 to index
        %swap3A_279 = tpu.vector_load %arg33[%swap3A_278] {strides = array<i32>} : memref<2048xi32, #tpu.memory_space<vmem>>, vector<16xi32>,
        tpu.vector_store %arg33[%swap3A_278], %add3A_205 {strides = array<i32>} : memref<2048xi32, #tpu.memory_space<vmem>>, vector<16xi32>,
        %mul3A_280 = arith.constant 16 : i32
        %mul3A_281 = arith.muli %scan3A_119, %mul3A_280 : i32
        %add3A_282 = arith.constant 1152 : i32
        %add3A_283 = arith.addi %add3A_282, %mul3A_281 : i32
        %swap3A_284 = arith.index_cast %add3A_283 : i32 to index
        %swap3A_285 = tpu.vector_load %arg33[%swap3A_284] {strides = array<i32>} : memref<2048xi32, #tpu.memory_space<vmem>>, vector<16xi32>,
        tpu.vector_store %arg33[%swap3A_284], %add3A_208 {strides = array<i32>} : memref<2048xi32, #tpu.memory_space<vmem>>, vector<16xi32>,
        %mul3A_286 = arith.constant 16 : i32
        %mul3A_287 = arith.muli %scan3A_119, %mul3A_286 : i32
        %add3A_288 = arith.constant 1280 : i32
        %add3A_289 = arith.addi %add3A_288, %mul3A_287 : i32
        %swap3A_290 = arith.index_cast %add3A_289 : i32 to index
        %swap3A_291 = tpu.vector_load %arg33[%swap3A_290] {strides = array<i32>} : memref<2048xi32, #tpu.memory_space<vmem>>, vector<16xi32>,
        tpu.vector_store %arg33[%swap3A_290], %add3A_211 {strides = array<i32>} : memref<2048xi32, #tpu.memory_space<vmem>>, vector<16xi32>,
        %mul3A_292 = arith.constant 16 : i32
        %mul3A_293 = arith.muli %scan3A_119, %mul3A_292 : i32
        %add3A_294 = arith.constant 1408 : i32
        %add3A_295 = arith.addi %add3A_294, %mul3A_293 : i32
        %swap3A_296 = arith.index_cast %add3A_295 : i32 to index
        %swap3A_297 = tpu.vector_load %arg33[%swap3A_296] {strides = array<i32>} : memref<2048xi32, #tpu.memory_space<vmem>>, vector<16xi32>,
        tpu.vector_store %arg33[%swap3A_296], %add3A_214 {strides = array<i32>} : memref<2048xi32, #tpu.memory_space<vmem>>, vector<16xi32>,
        %mul3A_298 = arith.constant 16 : i32
        %mul3A_299 = arith.muli %scan3A_119, %mul3A_298 : i32
        %add3A_300 = arith.constant 1536 : i32
        %add3A_301 = arith.addi %add3A_300, %mul3A_299 : i32
        %swap3A_302 = arith.index_cast %add3A_301 : i32 to index
        %swap3A_303 = tpu.vector_load %arg33[%swap3A_302] {strides = array<i32>} : memref<2048xi32, #tpu.memory_space<vmem>>, vector<16xi32>,
        tpu.vector_store %arg33[%swap3A_302], %add3A_217 {strides = array<i32>} : memref<2048xi32, #tpu.memory_space<vmem>>, vector<16xi32>,
        %mul3A_304 = arith.constant 16 : i32
        %mul3A_305 = arith.muli %scan3A_119, %mul3A_304 : i32
        %add3A_306 = arith.constant 1664 : i32
        %add3A_307 = arith.addi %add3A_306, %mul3A_305 : i32
        %swap3A_308 = arith.index_cast %add3A_307 : i32 to index
        %swap3A_309 = tpu.vector_load %arg33[%swap3A_308] {strides = array<i32>} : memref<2048xi32, #tpu.memory_space<vmem>>, vector<16xi32>,
        tpu.vector_store %arg33[%swap3A_308], %add3A_220 {strides = array<i32>} : memref<2048xi32, #tpu.memory_space<vmem>>, vector<16xi32>,
        %mul3A_310 = arith.constant 16 : i32
        %mul3A_311 = arith.muli %scan3A_119, %mul3A_310 : i32
        %add3A_312 = arith.constant 1792 : i32
        %add3A_313 = arith.addi %add3A_312, %mul3A_311 : i32
        %swap3A_314 = arith.index_cast %add3A_313 : i32 to index
        %swap3A_315 = tpu.vector_load %arg33[%swap3A_314] {strides = array<i32>} : memref<2048xi32, #tpu.memory_space<vmem>>, vector<16xi32>,
        tpu.vector_store %arg33[%swap3A_314], %add3A_223 {strides = array<i32>} : memref<2048xi32, #tpu.memory_space<vmem>>, vector<16xi32>,
        %mul3A_316 = arith.constant 16 : i32
        %mul3A_317 = arith.muli %scan3A_119, %mul3A_316 : i32
        %add3A_318 = arith.constant 1920 : i32
        %add3A_319 = arith.addi %add3A_318, %mul3A_317 : i32
        %swap3A_320 = arith.index_cast %add3A_319 : i32 to index
        %swap3A_321 = tpu.vector_load %arg33[%swap3A_320] {strides = array<i32>} : memref<2048xi32, #tpu.memory_space<vmem>>, vector<16xi32>,
        tpu.vector_store %arg33[%swap3A_320], %add3A_226 {strides = array<i32>} : memref<2048xi32, #tpu.memory_space<vmem>>, vector<16xi32>,
      }
      %scan3A_73 = arith.constant 8 : i32
      %dma_start3A_74 = arith.constant 0 : i32
      %dma_start3A_75 = tpu.memref_slice %arg11[%dma_start3A_74] : memref<2097152xf32, #tpu.memory_space<hbm>> -> memref<2097152xf32, #tpu.memory_space<hbm>>
      tpu.enqueue_indirect_dma source(%dma_start3A_75 : memref<2097152xf32, #tpu.memory_space<hbm>>) target(%arg34 : memref<2048xf32, #tpu.memory_space<vmem>>) offsets(%arg33 : memref<2048xi32, #tpu.memory_space<vmem>>) semaphore(%arg38 : memref<!tpu.dma_semaphore, #tpu.memory_space<semaphore_mem>>)
      %dma_start3A_76 = arith.constant 0 : i32
      %dma_start3A_77 = tpu.memref_slice %arg12[%dma_start3A_76] : memref<2097152xf32, #tpu.memory_space<hbm>> -> memref<2097152xf32, #tpu.memory_space<hbm>>
      tpu.enqueue_indirect_dma source(%dma_start3A_77 : memref<2097152xf32, #tpu.memory_space<hbm>>) target(%arg35 : memref<2048xf32, #tpu.memory_space<vmem>>) offsets(%arg33 : memref<2048xi32, #tpu.memory_space<vmem>>) semaphore(%arg38 : memref<!tpu.dma_semaphore, #tpu.memory_space<semaphore_mem>>)
      %dma_wait3A_78 = arith.constant 0 : i32
      %dma_wait3A_79 = tpu.memref_slice %arg11[%dma_wait3A_78] : memref<2097152xf32, #tpu.memory_space<hbm>> -> memref<2097152xf32, #tpu.memory_space<hbm>>
      tpu.wait_indirect_dma semaphore(%arg38 : memref<!tpu.dma_semaphore, #tpu.memory_space<semaphore_mem>>) src(%dma_wait3A_79 : memref<2097152xf32, #tpu.memory_space<hbm>>) dst(%arg34 : memref<2048xf32, #tpu.memory_space<vmem>>)
      %dma_wait3A_80 = arith.constant 0 : i32
      %dma_wait3A_81 = tpu.memref_slice %arg12[%dma_wait3A_80] : memref<2097152xf32, #tpu.memory_space<hbm>> -> memref<2097152xf32, #tpu.memory_space<hbm>>
      tpu.wait_indirect_dma semaphore(%arg38 : memref<!tpu.dma_semaphore, #tpu.memory_space<semaphore_mem>>) src(%dma_wait3A_81 : memref<2097152xf32, #tpu.memory_space<hbm>>) dst(%arg35 : memref<2048xf32, #tpu.memory_space<vmem>>)
      %scan3A_82 = arith.constant 0 : i32
      %scan3A_83 = arith.constant 0 : i32
      %scan3A_84 = arith.constant 8 : i32
      %scan3A_85 = arith.addi %scan3A_83, %scan3A_84 : i32
      %scan3A_86 = arith.constant 1 : i32
      scf.for %scan3A_119 = %scan3A_83 to %scan3A_85 step %scan3A_86  : i32 {
        %mul3A_120 = arith.constant 16 : i32
        %mul3A_121 = arith.muli %scan3A_119, %mul3A_120 : i32
        %add3A_122 = vector.broadcast %mul3A_121 : i32 to vector<16xi32>
        %add3A_123 = arith.addi %add3A_122, %iota3A : vector<16xi32>
        %broadcast_in_dim3A = arith.constant 0 : i32
        %broadcast_in_dim3A_124 = vector.broadcast %broadcast_in_dim3A : i32 to vector<16xi32>
        %gather3A = tpu.vector_load_idx %arg32[%add3A_123, %broadcast_in_dim3A_124] : memref<128x4xf32, #tpu.memory_space<vmem>>[vector<16xi32>, vector<16xi32>], vector<16xf32>,
        %mul3A_125 = arith.constant 7.000000e+00 : f32
        %mul3A_126 = vector.broadcast %mul3A_125 : f32 to vector<16xf32>
        %mul3A_127 = arith.mulf %gather3A, %mul3A_126 : vector<16xf32>
        %convert_element_type3A = arith.fptosi %mul3A_127 : vector<16xf32> to vector<16xi32>
        %min3A = arith.constant 6 : i32
        %min3A_128 = vector.broadcast %min3A : i32 to vector<16xi32>
        %min3A_129 = arith.minsi %convert_element_type3A, %min3A_128 : vector<16xi32>
        %convert_element_type3A_130 = arith.sitofp %min3A_129 : vector<16xi32> to vector<16xf32>
        %sub3A = arith.subf %mul3A_127, %convert_element_type3A_130 : vector<16xf32>
        %broadcast_in_dim3A_131 = arith.constant 1 : i32
        %broadcast_in_dim3A_132 = vector.broadcast %broadcast_in_dim3A_131 : i32 to vector<16xi32>
        %gather3A_133 = tpu.vector_load_idx %arg32[%add3A_123, %broadcast_in_dim3A_132] : memref<128x4xf32, #tpu.memory_space<vmem>>[vector<16xi32>, vector<16xi32>], vector<16xf32>,
        %mul3A_134 = arith.constant 6.300000e+01 : f32
        %mul3A_135 = vector.broadcast %mul3A_134 : f32 to vector<16xf32>
        %mul3A_136 = arith.mulf %gather3A_133, %mul3A_135 : vector<16xf32>
        %convert_element_type3A_137 = arith.fptosi %mul3A_136 : vector<16xf32> to vector<16xi32>
        %min3A_138 = arith.constant 62 : i32
        %min3A_139 = vector.broadcast %min3A_138 : i32 to vector<16xi32>
        %min3A_140 = arith.minsi %convert_element_type3A_137, %min3A_139 : vector<16xi32>
        %convert_element_type3A_141 = arith.sitofp %min3A_140 : vector<16xi32> to vector<16xf32>
        %sub3A_142 = arith.subf %mul3A_136, %convert_element_type3A_141 : vector<16xf32>
        %broadcast_in_dim3A_143 = arith.constant 2 : i32
        %broadcast_in_dim3A_144 = vector.broadcast %broadcast_in_dim3A_143 : i32 to vector<16xi32>
        %gather3A_145 = tpu.vector_load_idx %arg32[%add3A_123, %broadcast_in_dim3A_144] : memref<128x4xf32, #tpu.memory_space<vmem>>[vector<16xi32>, vector<16xi32>], vector<16xf32>,
        %mul3A_146 = arith.constant 6.300000e+01 : f32
        %mul3A_147 = vector.broadcast %mul3A_146 : f32 to vector<16xf32>
        %mul3A_148 = arith.mulf %gather3A_145, %mul3A_147 : vector<16xf32>
        %convert_element_type3A_149 = arith.fptosi %mul3A_148 : vector<16xf32> to vector<16xi32>
        %min3A_150 = arith.constant 62 : i32
        %min3A_151 = vector.broadcast %min3A_150 : i32 to vector<16xi32>
        %min3A_152 = arith.minsi %convert_element_type3A_149, %min3A_151 : vector<16xi32>
        %convert_element_type3A_153 = arith.sitofp %min3A_152 : vector<16xi32> to vector<16xf32>
        %sub3A_154 = arith.subf %mul3A_148, %convert_element_type3A_153 : vector<16xf32>
        %broadcast_in_dim3A_155 = arith.constant 3 : i32
        %broadcast_in_dim3A_156 = vector.broadcast %broadcast_in_dim3A_155 : i32 to vector<16xi32>
        %gather3A_157 = tpu.vector_load_idx %arg32[%add3A_123, %broadcast_in_dim3A_156] : memref<128x4xf32, #tpu.memory_space<vmem>>[vector<16xi32>, vector<16xi32>], vector<16xf32>,
        %mul3A_158 = arith.constant 6.300000e+01 : f32
        %mul3A_159 = vector.broadcast %mul3A_158 : f32 to vector<16xf32>
        %mul3A_160 = arith.mulf %gather3A_157, %mul3A_159 : vector<16xf32>
        %convert_element_type3A_161 = arith.fptosi %mul3A_160 : vector<16xf32> to vector<16xi32>
        %min3A_162 = arith.constant 62 : i32
        %min3A_163 = vector.broadcast %min3A_162 : i32 to vector<16xi32>
        %min3A_164 = arith.minsi %convert_element_type3A_161, %min3A_163 : vector<16xi32>
        %convert_element_type3A_165 = arith.sitofp %min3A_164 : vector<16xi32> to vector<16xf32>
        %sub3A_166 = arith.subf %mul3A_160, %convert_element_type3A_165 : vector<16xf32>
        %mul3A_167 = arith.constant 16 : i32
        %mul3A_168 = arith.muli %scan3A_119, %mul3A_167 : i32
        %mul3A_169 = arith.constant 16 : i32
        %mul3A_170 = arith.muli %scan3A_119, %mul3A_169 : i32
        %add3A_171 = arith.constant 0 : i32
        %add3A_172 = arith.addi %add3A_171, %mul3A_170 : i32
        %get3A = arith.index_cast %add3A_172 : i32 to index
        %get3A_173 = tpu.vector_load %arg34[%get3A] {strides = array<i32>} : memref<2048xf32, #tpu.memory_space<vmem>>, vector<16xf32>,
        %mul3A_174 = arith.constant 16 : i32
        %mul3A_175 = arith.muli %scan3A_119, %mul3A_174 : i32
        %add3A_176 = arith.constant 128 : i32
        %add3A_177 = arith.addi %add3A_176, %mul3A_175 : i32
        %get3A_178 = arith.index_cast %add3A_177 : i32 to index
        %get3A_179 = tpu.vector_load %arg34[%get3A_178] {strides = array<i32>} : memref<2048xf32, #tpu.memory_space<vmem>>, vector<16xf32>,
        %mul3A_180 = arith.constant 16 : i32
        %mul3A_181 = arith.muli %scan3A_119, %mul3A_180 : i32
        %add3A_182 = arith.constant 256 : i32
        %add3A_183 = arith.addi %add3A_182, %mul3A_181 : i32
        %get3A_184 = arith.index_cast %add3A_183 : i32 to index
        %get3A_185 = tpu.vector_load %arg34[%get3A_184] {strides = array<i32>} : memref<2048xf32, #tpu.memory_space<vmem>>, vector<16xf32>,
        %mul3A_186 = arith.constant 16 : i32
        %mul3A_187 = arith.muli %scan3A_119, %mul3A_186 : i32
        %add3A_188 = arith.constant 384 : i32
        %add3A_189 = arith.addi %add3A_188, %mul3A_187 : i32
        %get3A_190 = arith.index_cast %add3A_189 : i32 to index
        %get3A_191 = tpu.vector_load %arg34[%get3A_190] {strides = array<i32>} : memref<2048xf32, #tpu.memory_space<vmem>>, vector<16xf32>,
        %mul3A_192 = arith.constant 16 : i32
        %mul3A_193 = arith.muli %scan3A_119, %mul3A_192 : i32
        %add3A_194 = arith.constant 512 : i32
        %add3A_195 = arith.addi %add3A_194, %mul3A_193 : i32
        %get3A_196 = arith.index_cast %add3A_195 : i32 to index
        %get3A_197 = tpu.vector_load %arg34[%get3A_196] {strides = array<i32>} : memref<2048xf32, #tpu.memory_space<vmem>>, vector<16xf32>,
        %mul3A_198 = arith.constant 16 : i32
        %mul3A_199 = arith.muli %scan3A_119, %mul3A_198 : i32
        %add3A_200 = arith.constant 640 : i32
        %add3A_201 = arith.addi %add3A_200, %mul3A_199 : i32
        %get3A_202 = arith.index_cast %add3A_201 : i32 to index
        %get3A_203 = tpu.vector_load %arg34[%get3A_202] {strides = array<i32>} : memref<2048xf32, #tpu.memory_space<vmem>>, vector<16xf32>,
        %mul3A_204 = arith.constant 16 : i32
        %mul3A_205 = arith.muli %scan3A_119, %mul3A_204 : i32
        %add3A_206 = arith.constant 768 : i32
        %add3A_207 = arith.addi %add3A_206, %mul3A_205 : i32
        %get3A_208 = arith.index_cast %add3A_207 : i32 to index
        %get3A_209 = tpu.vector_load %arg34[%get3A_208] {strides = array<i32>} : memref<2048xf32, #tpu.memory_space<vmem>>, vector<16xf32>,
        %mul3A_210 = arith.constant 16 : i32
        %mul3A_211 = arith.muli %scan3A_119, %mul3A_210 : i32
        %add3A_212 = arith.constant 896 : i32
        %add3A_213 = arith.addi %add3A_212, %mul3A_211 : i32
        %get3A_214 = arith.index_cast %add3A_213 : i32 to index
        %get3A_215 = tpu.vector_load %arg34[%get3A_214] {strides = array<i32>} : memref<2048xf32, #tpu.memory_space<vmem>>, vector<16xf32>,
        %mul3A_216 = arith.constant 16 : i32
        %mul3A_217 = arith.muli %scan3A_119, %mul3A_216 : i32
        %add3A_218 = arith.constant 1024 : i32
        %add3A_219 = arith.addi %add3A_218, %mul3A_217 : i32
        %get3A_220 = arith.index_cast %add3A_219 : i32 to index
        %get3A_221 = tpu.vector_load %arg34[%get3A_220] {strides = array<i32>} : memref<2048xf32, #tpu.memory_space<vmem>>, vector<16xf32>,
        %mul3A_222 = arith.constant 16 : i32
        %mul3A_223 = arith.muli %scan3A_119, %mul3A_222 : i32
        %add3A_224 = arith.constant 1152 : i32
        %add3A_225 = arith.addi %add3A_224, %mul3A_223 : i32
        %get3A_226 = arith.index_cast %add3A_225 : i32 to index
        %get3A_227 = tpu.vector_load %arg34[%get3A_226] {strides = array<i32>} : memref<2048xf32, #tpu.memory_space<vmem>>, vector<16xf32>,
        %mul3A_228 = arith.constant 16 : i32
        %mul3A_229 = arith.muli %scan3A_119, %mul3A_228 : i32
        %add3A_230 = arith.constant 1280 : i32
        %add3A_231 = arith.addi %add3A_230, %mul3A_229 : i32
        %get3A_232 = arith.index_cast %add3A_231 : i32 to index
        %get3A_233 = tpu.vector_load %arg34[%get3A_232] {strides = array<i32>} : memref<2048xf32, #tpu.memory_space<vmem>>, vector<16xf32>,
        %mul3A_234 = arith.constant 16 : i32
        %mul3A_235 = arith.muli %scan3A_119, %mul3A_234 : i32
        %add3A_236 = arith.constant 1408 : i32
        %add3A_237 = arith.addi %add3A_236, %mul3A_235 : i32
        %get3A_238 = arith.index_cast %add3A_237 : i32 to index
        %get3A_239 = tpu.vector_load %arg34[%get3A_238] {strides = array<i32>} : memref<2048xf32, #tpu.memory_space<vmem>>, vector<16xf32>,
        %mul3A_240 = arith.constant 16 : i32
        %mul3A_241 = arith.muli %scan3A_119, %mul3A_240 : i32
        %add3A_242 = arith.constant 1536 : i32
        %add3A_243 = arith.addi %add3A_242, %mul3A_241 : i32
        %get3A_244 = arith.index_cast %add3A_243 : i32 to index
        %get3A_245 = tpu.vector_load %arg34[%get3A_244] {strides = array<i32>} : memref<2048xf32, #tpu.memory_space<vmem>>, vector<16xf32>,
        %mul3A_246 = arith.constant 16 : i32
        %mul3A_247 = arith.muli %scan3A_119, %mul3A_246 : i32
        %add3A_248 = arith.constant 1664 : i32
        %add3A_249 = arith.addi %add3A_248, %mul3A_247 : i32
        %get3A_250 = arith.index_cast %add3A_249 : i32 to index
        %get3A_251 = tpu.vector_load %arg34[%get3A_250] {strides = array<i32>} : memref<2048xf32, #tpu.memory_space<vmem>>, vector<16xf32>,
        %mul3A_252 = arith.constant 16 : i32
        %mul3A_253 = arith.muli %scan3A_119, %mul3A_252 : i32
        %add3A_254 = arith.constant 1792 : i32
        %add3A_255 = arith.addi %add3A_254, %mul3A_253 : i32
        %get3A_256 = arith.index_cast %add3A_255 : i32 to index
        %get3A_257 = tpu.vector_load %arg34[%get3A_256] {strides = array<i32>} : memref<2048xf32, #tpu.memory_space<vmem>>, vector<16xf32>,
        %mul3A_258 = arith.constant 16 : i32
        %mul3A_259 = arith.muli %scan3A_119, %mul3A_258 : i32
        %add3A_260 = arith.constant 1920 : i32
        %add3A_261 = arith.addi %add3A_260, %mul3A_259 : i32
        %get3A_262 = arith.index_cast %add3A_261 : i32 to index
        %get3A_263 = tpu.vector_load %arg34[%get3A_262] {strides = array<i32>} : memref<2048xf32, #tpu.memory_space<vmem>>, vector<16xf32>,
        %sub3A_264 = arith.subf %get3A_221, %get3A_173 : vector<16xf32>
        %mul3A_265 = arith.mulf %sub3A, %sub3A_264 : vector<16xf32>
        %add3A_266 = arith.addf %get3A_173, %mul3A_265 : vector<16xf32>
        %sub3A_267 = arith.subf %get3A_227, %get3A_179 : vector<16xf32>
        %mul3A_268 = arith.mulf %sub3A, %sub3A_267 : vector<16xf32>
        %add3A_269 = arith.addf %get3A_179, %mul3A_268 : vector<16xf32>
        %sub3A_270 = arith.subf %get3A_233, %get3A_185 : vector<16xf32>
        %mul3A_271 = arith.mulf %sub3A, %sub3A_270 : vector<16xf32>
        %add3A_272 = arith.addf %get3A_185, %mul3A_271 : vector<16xf32>
        %sub3A_273 = arith.subf %get3A_239, %get3A_191 : vector<16xf32>
        %mul3A_274 = arith.mulf %sub3A, %sub3A_273 : vector<16xf32>
        %add3A_275 = arith.addf %get3A_191, %mul3A_274 : vector<16xf32>
        %sub3A_276 = arith.subf %get3A_245, %get3A_197 : vector<16xf32>
        %mul3A_277 = arith.mulf %sub3A, %sub3A_276 : vector<16xf32>
        %add3A_278 = arith.addf %get3A_197, %mul3A_277 : vector<16xf32>
        %sub3A_279 = arith.subf %get3A_251, %get3A_203 : vector<16xf32>
        %mul3A_280 = arith.mulf %sub3A, %sub3A_279 : vector<16xf32>
        %add3A_281 = arith.addf %get3A_203, %mul3A_280 : vector<16xf32>
        %sub3A_282 = arith.subf %get3A_257, %get3A_209 : vector<16xf32>
        %mul3A_283 = arith.mulf %sub3A, %sub3A_282 : vector<16xf32>
        %add3A_284 = arith.addf %get3A_209, %mul3A_283 : vector<16xf32>
        %sub3A_285 = arith.subf %get3A_263, %get3A_215 : vector<16xf32>
        %mul3A_286 = arith.mulf %sub3A, %sub3A_285 : vector<16xf32>
        %add3A_287 = arith.addf %get3A_215, %mul3A_286 : vector<16xf32>
        %sub3A_288 = arith.subf %add3A_278, %add3A_266 : vector<16xf32>
        %mul3A_289 = arith.mulf %sub3A_142, %sub3A_288 : vector<16xf32>
        %add3A_290 = arith.addf %add3A_266, %mul3A_289 : vector<16xf32>
        %sub3A_291 = arith.subf %add3A_281, %add3A_269 : vector<16xf32>
        %mul3A_292 = arith.mulf %sub3A_142, %sub3A_291 : vector<16xf32>
        %add3A_293 = arith.addf %add3A_269, %mul3A_292 : vector<16xf32>
        %sub3A_294 = arith.subf %add3A_284, %add3A_272 : vector<16xf32>
        %mul3A_295 = arith.mulf %sub3A_142, %sub3A_294 : vector<16xf32>
        %add3A_296 = arith.addf %add3A_272, %mul3A_295 : vector<16xf32>
        %sub3A_297 = arith.subf %add3A_287, %add3A_275 : vector<16xf32>
        %mul3A_298 = arith.mulf %sub3A_142, %sub3A_297 : vector<16xf32>
        %add3A_299 = arith.addf %add3A_275, %mul3A_298 : vector<16xf32>
        %sub3A_300 = arith.subf %add3A_296, %add3A_290 : vector<16xf32>
        %mul3A_301 = arith.mulf %sub3A_154, %sub3A_300 : vector<16xf32>
        %add3A_302 = arith.addf %add3A_290, %mul3A_301 : vector<16xf32>
        %sub3A_303 = arith.subf %add3A_299, %add3A_293 : vector<16xf32>
        %mul3A_304 = arith.mulf %sub3A_154, %sub3A_303 : vector<16xf32>
        %add3A_305 = arith.addf %add3A_293, %mul3A_304 : vector<16xf32>
        %sub3A_306 = arith.subf %add3A_305, %add3A_302 : vector<16xf32>
        %mul3A_307 = arith.mulf %sub3A_166, %sub3A_306 : vector<16xf32>
        %add3A_308 = arith.addf %add3A_302, %mul3A_307 : vector<16xf32>
        %swap3A = arith.constant 8 : i32
        %swap3A_309 = arith.index_cast %swap3A : i32 to index
        %swap3A_310 = arith.index_cast %mul3A_168 : i32 to index
        %swap3A_311 = tpu.vector_load %arg36[%swap3A_309, %swap3A_310] {strides = array<i32>} : memref<12x128xf32, #tpu.memory_space<vmem>>, vector<16xf32>,
        tpu.vector_store %arg36[%swap3A_309, %swap3A_310], %add3A_308 {strides = array<i32>} : memref<12x128xf32, #tpu.memory_space<vmem>>, vector<16xf32>,
        %mul3A_312 = arith.constant 16 : i32
        %mul3A_313 = arith.muli %scan3A_119, %mul3A_312 : i32
        %add3A_314 = arith.constant 0 : i32
        %add3A_315 = arith.addi %add3A_314, %mul3A_313 : i32
        %get3A_316 = arith.index_cast %add3A_315 : i32 to index
        %get3A_317 = tpu.vector_load %arg35[%get3A_316] {strides = array<i32>} : memref<2048xf32, #tpu.memory_space<vmem>>, vector<16xf32>,
        %mul3A_318 = arith.constant 16 : i32
        %mul3A_319 = arith.muli %scan3A_119, %mul3A_318 : i32
        %add3A_320 = arith.constant 128 : i32
        %add3A_321 = arith.addi %add3A_320, %mul3A_319 : i32
        %get3A_322 = arith.index_cast %add3A_321 : i32 to index
        %get3A_323 = tpu.vector_load %arg35[%get3A_322] {strides = array<i32>} : memref<2048xf32, #tpu.memory_space<vmem>>, vector<16xf32>,
        %mul3A_324 = arith.constant 16 : i32
        %mul3A_325 = arith.muli %scan3A_119, %mul3A_324 : i32
        %add3A_326 = arith.constant 256 : i32
        %add3A_327 = arith.addi %add3A_326, %mul3A_325 : i32
        %get3A_328 = arith.index_cast %add3A_327 : i32 to index
        %get3A_329 = tpu.vector_load %arg35[%get3A_328] {strides = array<i32>} : memref<2048xf32, #tpu.memory_space<vmem>>, vector<16xf32>,
        %mul3A_330 = arith.constant 16 : i32
        %mul3A_331 = arith.muli %scan3A_119, %mul3A_330 : i32
        %add3A_332 = arith.constant 384 : i32
        %add3A_333 = arith.addi %add3A_332, %mul3A_331 : i32
        %get3A_334 = arith.index_cast %add3A_333 : i32 to index
        %get3A_335 = tpu.vector_load %arg35[%get3A_334] {strides = array<i32>} : memref<2048xf32, #tpu.memory_space<vmem>>, vector<16xf32>,
        %mul3A_336 = arith.constant 16 : i32
        %mul3A_337 = arith.muli %scan3A_119, %mul3A_336 : i32
        %add3A_338 = arith.constant 512 : i32
        %add3A_339 = arith.addi %add3A_338, %mul3A_337 : i32
        %get3A_340 = arith.index_cast %add3A_339 : i32 to index
        %get3A_341 = tpu.vector_load %arg35[%get3A_340] {strides = array<i32>} : memref<2048xf32, #tpu.memory_space<vmem>>, vector<16xf32>,
        %mul3A_342 = arith.constant 16 : i32
        %mul3A_343 = arith.muli %scan3A_119, %mul3A_342 : i32
        %add3A_344 = arith.constant 640 : i32
        %add3A_345 = arith.addi %add3A_344, %mul3A_343 : i32
        %get3A_346 = arith.index_cast %add3A_345 : i32 to index
        %get3A_347 = tpu.vector_load %arg35[%get3A_346] {strides = array<i32>} : memref<2048xf32, #tpu.memory_space<vmem>>, vector<16xf32>,
        %mul3A_348 = arith.constant 16 : i32
        %mul3A_349 = arith.muli %scan3A_119, %mul3A_348 : i32
        %add3A_350 = arith.constant 768 : i32
        %add3A_351 = arith.addi %add3A_350, %mul3A_349 : i32
        %get3A_352 = arith.index_cast %add3A_351 : i32 to index
        %get3A_353 = tpu.vector_load %arg35[%get3A_352] {strides = array<i32>} : memref<2048xf32, #tpu.memory_space<vmem>>, vector<16xf32>,
        %mul3A_354 = arith.constant 16 : i32
        %mul3A_355 = arith.muli %scan3A_119, %mul3A_354 : i32
        %add3A_356 = arith.constant 896 : i32
        %add3A_357 = arith.addi %add3A_356, %mul3A_355 : i32
        %get3A_358 = arith.index_cast %add3A_357 : i32 to index
        %get3A_359 = tpu.vector_load %arg35[%get3A_358] {strides = array<i32>} : memref<2048xf32, #tpu.memory_space<vmem>>, vector<16xf32>,
        %mul3A_360 = arith.constant 16 : i32
        %mul3A_361 = arith.muli %scan3A_119, %mul3A_360 : i32
        %add3A_362 = arith.constant 1024 : i32
        %add3A_363 = arith.addi %add3A_362, %mul3A_361 : i32
        %get3A_364 = arith.index_cast %add3A_363 : i32 to index
        %get3A_365 = tpu.vector_load %arg35[%get3A_364] {strides = array<i32>} : memref<2048xf32, #tpu.memory_space<vmem>>, vector<16xf32>,
        %mul3A_366 = arith.constant 16 : i32
        %mul3A_367 = arith.muli %scan3A_119, %mul3A_366 : i32
        %add3A_368 = arith.constant 1152 : i32
        %add3A_369 = arith.addi %add3A_368, %mul3A_367 : i32
        %get3A_370 = arith.index_cast %add3A_369 : i32 to index
        %get3A_371 = tpu.vector_load %arg35[%get3A_370] {strides = array<i32>} : memref<2048xf32, #tpu.memory_space<vmem>>, vector<16xf32>,
        %mul3A_372 = arith.constant 16 : i32
        %mul3A_373 = arith.muli %scan3A_119, %mul3A_372 : i32
        %add3A_374 = arith.constant 1280 : i32
        %add3A_375 = arith.addi %add3A_374, %mul3A_373 : i32
        %get3A_376 = arith.index_cast %add3A_375 : i32 to index
        %get3A_377 = tpu.vector_load %arg35[%get3A_376] {strides = array<i32>} : memref<2048xf32, #tpu.memory_space<vmem>>, vector<16xf32>,
        %mul3A_378 = arith.constant 16 : i32
        %mul3A_379 = arith.muli %scan3A_119, %mul3A_378 : i32
        %add3A_380 = arith.constant 1408 : i32
        %add3A_381 = arith.addi %add3A_380, %mul3A_379 : i32
        %get3A_382 = arith.index_cast %add3A_381 : i32 to index
        %get3A_383 = tpu.vector_load %arg35[%get3A_382] {strides = array<i32>} : memref<2048xf32, #tpu.memory_space<vmem>>, vector<16xf32>,
        %mul3A_384 = arith.constant 16 : i32
        %mul3A_385 = arith.muli %scan3A_119, %mul3A_384 : i32
        %add3A_386 = arith.constant 1536 : i32
        %add3A_387 = arith.addi %add3A_386, %mul3A_385 : i32
        %get3A_388 = arith.index_cast %add3A_387 : i32 to index
        %get3A_389 = tpu.vector_load %arg35[%get3A_388] {strides = array<i32>} : memref<2048xf32, #tpu.memory_space<vmem>>, vector<16xf32>,
        %mul3A_390 = arith.constant 16 : i32
        %mul3A_391 = arith.muli %scan3A_119, %mul3A_390 : i32
        %add3A_392 = arith.constant 1664 : i32
        %add3A_393 = arith.addi %add3A_392, %mul3A_391 : i32
        %get3A_394 = arith.index_cast %add3A_393 : i32 to index
        %get3A_395 = tpu.vector_load %arg35[%get3A_394] {strides = array<i32>} : memref<2048xf32, #tpu.memory_space<vmem>>, vector<16xf32>,
        %mul3A_396 = arith.constant 16 : i32
        %mul3A_397 = arith.muli %scan3A_119, %mul3A_396 : i32
        %add3A_398 = arith.constant 1792 : i32
        %add3A_399 = arith.addi %add3A_398, %mul3A_397 : i32
        %get3A_400 = arith.index_cast %add3A_399 : i32 to index
        %get3A_401 = tpu.vector_load %arg35[%get3A_400] {strides = array<i32>} : memref<2048xf32, #tpu.memory_space<vmem>>, vector<16xf32>,
        %mul3A_402 = arith.constant 16 : i32
        %mul3A_403 = arith.muli %scan3A_119, %mul3A_402 : i32
        %add3A_404 = arith.constant 1920 : i32
        %add3A_405 = arith.addi %add3A_404, %mul3A_403 : i32
        %get3A_406 = arith.index_cast %add3A_405 : i32 to index
        %get3A_407 = tpu.vector_load %arg35[%get3A_406] {strides = array<i32>} : memref<2048xf32, #tpu.memory_space<vmem>>, vector<16xf32>,
        %sub3A_408 = arith.subf %get3A_365, %get3A_317 : vector<16xf32>
        %mul3A_409 = arith.mulf %sub3A, %sub3A_408 : vector<16xf32>
        %add3A_410 = arith.addf %get3A_317, %mul3A_409 : vector<16xf32>
        %sub3A_411 = arith.subf %get3A_371, %get3A_323 : vector<16xf32>
        %mul3A_412 = arith.mulf %sub3A, %sub3A_411 : vector<16xf32>
        %add3A_413 = arith.addf %get3A_323, %mul3A_412 : vector<16xf32>
        %sub3A_414 = arith.subf %get3A_377, %get3A_329 : vector<16xf32>
        %mul3A_415 = arith.mulf %sub3A, %sub3A_414 : vector<16xf32>
        %add3A_416 = arith.addf %get3A_329, %mul3A_415 : vector<16xf32>
        %sub3A_417 = arith.subf %get3A_383, %get3A_335 : vector<16xf32>
        %mul3A_418 = arith.mulf %sub3A, %sub3A_417 : vector<16xf32>
        %add3A_419 = arith.addf %get3A_335, %mul3A_418 : vector<16xf32>
        %sub3A_420 = arith.subf %get3A_389, %get3A_341 : vector<16xf32>
        %mul3A_421 = arith.mulf %sub3A, %sub3A_420 : vector<16xf32>
        %add3A_422 = arith.addf %get3A_341, %mul3A_421 : vector<16xf32>
        %sub3A_423 = arith.subf %get3A_395, %get3A_347 : vector<16xf32>
        %mul3A_424 = arith.mulf %sub3A, %sub3A_423 : vector<16xf32>
        %add3A_425 = arith.addf %get3A_347, %mul3A_424 : vector<16xf32>
        %sub3A_426 = arith.subf %get3A_401, %get3A_353 : vector<16xf32>
        %mul3A_427 = arith.mulf %sub3A, %sub3A_426 : vector<16xf32>
        %add3A_428 = arith.addf %get3A_353, %mul3A_427 : vector<16xf32>
        %sub3A_429 = arith.subf %get3A_407, %get3A_359 : vector<16xf32>
        %mul3A_430 = arith.mulf %sub3A, %sub3A_429 : vector<16xf32>
        %add3A_431 = arith.addf %get3A_359, %mul3A_430 : vector<16xf32>
        %sub3A_432 = arith.subf %add3A_422, %add3A_410 : vector<16xf32>
        %mul3A_433 = arith.mulf %sub3A_142, %sub3A_432 : vector<16xf32>
        %add3A_434 = arith.addf %add3A_410, %mul3A_433 : vector<16xf32>
        %sub3A_435 = arith.subf %add3A_425, %add3A_413 : vector<16xf32>
        %mul3A_436 = arith.mulf %sub3A_142, %sub3A_435 : vector<16xf32>
        %add3A_437 = arith.addf %add3A_413, %mul3A_436 : vector<16xf32>
        %sub3A_438 = arith.subf %add3A_428, %add3A_416 : vector<16xf32>
        %mul3A_439 = arith.mulf %sub3A_142, %sub3A_438 : vector<16xf32>
        %add3A_440 = arith.addf %add3A_416, %mul3A_439 : vector<16xf32>
        %sub3A_441 = arith.subf %add3A_431, %add3A_419 : vector<16xf32>
        %mul3A_442 = arith.mulf %sub3A_142, %sub3A_441 : vector<16xf32>
        %add3A_443 = arith.addf %add3A_419, %mul3A_442 : vector<16xf32>
        %sub3A_444 = arith.subf %add3A_440, %add3A_434 : vector<16xf32>
        %mul3A_445 = arith.mulf %sub3A_154, %sub3A_444 : vector<16xf32>
        %add3A_446 = arith.addf %add3A_434, %mul3A_445 : vector<16xf32>
        %sub3A_447 = arith.subf %add3A_443, %add3A_437 : vector<16xf32>
        %mul3A_448 = arith.mulf %sub3A_154, %sub3A_447 : vector<16xf32>
        %add3A_449 = arith.addf %add3A_437, %mul3A_448 : vector<16xf32>
        %sub3A_450 = arith.subf %add3A_449, %add3A_446 : vector<16xf32>
        %mul3A_451 = arith.mulf %sub3A_166, %sub3A_450 : vector<16xf32>
        %add3A_452 = arith.addf %add3A_446, %mul3A_451 : vector<16xf32>
        %swap3A_453 = arith.constant 9 : i32
        %swap3A_454 = arith.index_cast %swap3A_453 : i32 to index
        %swap3A_455 = arith.index_cast %mul3A_168 : i32 to index
        %swap3A_456 = tpu.vector_load %arg36[%swap3A_454, %swap3A_455] {strides = array<i32>} : memref<12x128xf32, #tpu.memory_space<vmem>>, vector<16xf32>,
        tpu.vector_store %arg36[%swap3A_454, %swap3A_455], %add3A_452 {strides = array<i32>} : memref<12x128xf32, #tpu.memory_space<vmem>>, vector<16xf32>,
      }
      %scan3A_87 = arith.constant 8 : i32
      %scan3A_88 = arith.constant 0 : i32
      %scan3A_89 = arith.constant 0 : i32
      %scan3A_90 = arith.constant 8 : i32
      %scan3A_91 = arith.addi %scan3A_89, %scan3A_90 : i32
      %scan3A_92 = arith.constant 1 : i32
      scf.for %scan3A_119 = %scan3A_89 to %scan3A_91 step %scan3A_92  : i32 {
        %mul3A_120 = arith.constant 16 : i32
        %mul3A_121 = arith.muli %scan3A_119, %mul3A_120 : i32
        %add3A_122 = vector.broadcast %mul3A_121 : i32 to vector<16xi32>
        %add3A_123 = arith.addi %add3A_122, %iota3A : vector<16xi32>
        %broadcast_in_dim3A = arith.constant 0 : i32
        %broadcast_in_dim3A_124 = vector.broadcast %broadcast_in_dim3A : i32 to vector<16xi32>
        %gather3A = tpu.vector_load_idx %arg32[%add3A_123, %broadcast_in_dim3A_124] : memref<128x4xf32, #tpu.memory_space<vmem>>[vector<16xi32>, vector<16xi32>], vector<16xf32>,
        %mul3A_125 = arith.constant 7.000000e+00 : f32
        %mul3A_126 = vector.broadcast %mul3A_125 : f32 to vector<16xf32>
        %mul3A_127 = arith.mulf %gather3A, %mul3A_126 : vector<16xf32>
        %convert_element_type3A = arith.fptosi %mul3A_127 : vector<16xf32> to vector<16xi32>
        %min3A = arith.constant 6 : i32
        %min3A_128 = vector.broadcast %min3A : i32 to vector<16xi32>
        %min3A_129 = arith.minsi %convert_element_type3A, %min3A_128 : vector<16xi32>
        %convert_element_type3A_130 = arith.sitofp %min3A_129 : vector<16xi32> to vector<16xf32>
        %sub3A = arith.subf %mul3A_127, %convert_element_type3A_130 : vector<16xf32>
        %broadcast_in_dim3A_131 = arith.constant 1 : i32
        %broadcast_in_dim3A_132 = vector.broadcast %broadcast_in_dim3A_131 : i32 to vector<16xi32>
        %gather3A_133 = tpu.vector_load_idx %arg32[%add3A_123, %broadcast_in_dim3A_132] : memref<128x4xf32, #tpu.memory_space<vmem>>[vector<16xi32>, vector<16xi32>], vector<16xf32>,
        %mul3A_134 = arith.constant 7.900000e+01 : f32
        %mul3A_135 = vector.broadcast %mul3A_134 : f32 to vector<16xf32>
        %mul3A_136 = arith.mulf %gather3A_133, %mul3A_135 : vector<16xf32>
        %convert_element_type3A_137 = arith.fptosi %mul3A_136 : vector<16xf32> to vector<16xi32>
        %min3A_138 = arith.constant 78 : i32
        %min3A_139 = vector.broadcast %min3A_138 : i32 to vector<16xi32>
        %min3A_140 = arith.minsi %convert_element_type3A_137, %min3A_139 : vector<16xi32>
        %convert_element_type3A_141 = arith.sitofp %min3A_140 : vector<16xi32> to vector<16xf32>
        %sub3A_142 = arith.subf %mul3A_136, %convert_element_type3A_141 : vector<16xf32>
        %broadcast_in_dim3A_143 = arith.constant 2 : i32
        %broadcast_in_dim3A_144 = vector.broadcast %broadcast_in_dim3A_143 : i32 to vector<16xi32>
        %gather3A_145 = tpu.vector_load_idx %arg32[%add3A_123, %broadcast_in_dim3A_144] : memref<128x4xf32, #tpu.memory_space<vmem>>[vector<16xi32>, vector<16xi32>], vector<16xf32>,
        %mul3A_146 = arith.constant 7.900000e+01 : f32
        %mul3A_147 = vector.broadcast %mul3A_146 : f32 to vector<16xf32>
        %mul3A_148 = arith.mulf %gather3A_145, %mul3A_147 : vector<16xf32>
        %convert_element_type3A_149 = arith.fptosi %mul3A_148 : vector<16xf32> to vector<16xi32>
        %min3A_150 = arith.constant 78 : i32
        %min3A_151 = vector.broadcast %min3A_150 : i32 to vector<16xi32>
        %min3A_152 = arith.minsi %convert_element_type3A_149, %min3A_151 : vector<16xi32>
        %convert_element_type3A_153 = arith.sitofp %min3A_152 : vector<16xi32> to vector<16xf32>
        %sub3A_154 = arith.subf %mul3A_148, %convert_element_type3A_153 : vector<16xf32>
        %broadcast_in_dim3A_155 = arith.constant 3 : i32
        %broadcast_in_dim3A_156 = vector.broadcast %broadcast_in_dim3A_155 : i32 to vector<16xi32>
        %gather3A_157 = tpu.vector_load_idx %arg32[%add3A_123, %broadcast_in_dim3A_156] : memref<128x4xf32, #tpu.memory_space<vmem>>[vector<16xi32>, vector<16xi32>], vector<16xf32>,
        %mul3A_158 = arith.constant 7.900000e+01 : f32
        %mul3A_159 = vector.broadcast %mul3A_158 : f32 to vector<16xf32>
        %mul3A_160 = arith.mulf %gather3A_157, %mul3A_159 : vector<16xf32>
        %convert_element_type3A_161 = arith.fptosi %mul3A_160 : vector<16xf32> to vector<16xi32>
        %min3A_162 = arith.constant 78 : i32
        %min3A_163 = vector.broadcast %min3A_162 : i32 to vector<16xi32>
        %min3A_164 = arith.minsi %convert_element_type3A_161, %min3A_163 : vector<16xi32>
        %convert_element_type3A_165 = arith.sitofp %min3A_164 : vector<16xi32> to vector<16xf32>
        %sub3A_166 = arith.subf %mul3A_160, %convert_element_type3A_165 : vector<16xf32>
        %mul3A_167 = arith.constant 512000 : i32
        %mul3A_168 = vector.broadcast %mul3A_167 : i32 to vector<16xi32>
        %mul3A_169 = arith.muli %min3A_129, %mul3A_168 : vector<16xi32>
        %add3A_170 = arith.addi %mul3A_169, %min3A_140 : vector<16xi32>
        %mul3A_171 = arith.constant 80 : i32
        %mul3A_172 = vector.broadcast %mul3A_171 : i32 to vector<16xi32>
        %mul3A_173 = arith.muli %min3A_152, %mul3A_172 : vector<16xi32>
        %add3A_174 = arith.addi %add3A_170, %mul3A_173 : vector<16xi32>
        %mul3A_175 = arith.constant 6400 : i32
        %mul3A_176 = vector.broadcast %mul3A_175 : i32 to vector<16xi32>
        %mul3A_177 = arith.muli %min3A_164, %mul3A_176 : vector<16xi32>
        %add3A_178 = arith.addi %add3A_174, %mul3A_177 : vector<16xi32>
        %add3A_179 = arith.constant 0 : i32
        %add3A_180 = vector.broadcast %add3A_179 : i32 to vector<16xi32>
        %add3A_181 = arith.addi %add3A_178, %add3A_180 : vector<16xi32>
        %add3A_182 = arith.constant 6400 : i32
        %add3A_183 = vector.broadcast %add3A_182 : i32 to vector<16xi32>
        %add3A_184 = arith.addi %add3A_178, %add3A_183 : vector<16xi32>
        %add3A_185 = arith.constant 80 : i32
        %add3A_186 = vector.broadcast %add3A_185 : i32 to vector<16xi32>
        %add3A_187 = arith.addi %add3A_178, %add3A_186 : vector<16xi32>
        %add3A_188 = arith.constant 6480 : i32
        %add3A_189 = vector.broadcast %add3A_188 : i32 to vector<16xi32>
        %add3A_190 = arith.addi %add3A_178, %add3A_189 : vector<16xi32>
        %add3A_191 = arith.constant 1 : i32
        %add3A_192 = vector.broadcast %add3A_191 : i32 to vector<16xi32>
        %add3A_193 = arith.addi %add3A_178, %add3A_192 : vector<16xi32>
        %add3A_194 = arith.constant 6401 : i32
        %add3A_195 = vector.broadcast %add3A_194 : i32 to vector<16xi32>
        %add3A_196 = arith.addi %add3A_178, %add3A_195 : vector<16xi32>
        %add3A_197 = arith.constant 81 : i32
        %add3A_198 = vector.broadcast %add3A_197 : i32 to vector<16xi32>
        %add3A_199 = arith.addi %add3A_178, %add3A_198 : vector<16xi32>
        %add3A_200 = arith.constant 6481 : i32
        %add3A_201 = vector.broadcast %add3A_200 : i32 to vector<16xi32>
        %add3A_202 = arith.addi %add3A_178, %add3A_201 : vector<16xi32>
        %add3A_203 = arith.constant 512000 : i32
        %add3A_204 = vector.broadcast %add3A_203 : i32 to vector<16xi32>
        %add3A_205 = arith.addi %add3A_178, %add3A_204 : vector<16xi32>
        %add3A_206 = arith.constant 518400 : i32
        %add3A_207 = vector.broadcast %add3A_206 : i32 to vector<16xi32>
        %add3A_208 = arith.addi %add3A_178, %add3A_207 : vector<16xi32>
        %add3A_209 = arith.constant 512080 : i32
        %add3A_210 = vector.broadcast %add3A_209 : i32 to vector<16xi32>
        %add3A_211 = arith.addi %add3A_178, %add3A_210 : vector<16xi32>
        %add3A_212 = arith.constant 518480 : i32
        %add3A_213 = vector.broadcast %add3A_212 : i32 to vector<16xi32>
        %add3A_214 = arith.addi %add3A_178, %add3A_213 : vector<16xi32>
        %add3A_215 = arith.constant 512001 : i32
        %add3A_216 = vector.broadcast %add3A_215 : i32 to vector<16xi32>
        %add3A_217 = arith.addi %add3A_178, %add3A_216 : vector<16xi32>
        %add3A_218 = arith.constant 518401 : i32
        %add3A_219 = vector.broadcast %add3A_218 : i32 to vector<16xi32>
        %add3A_220 = arith.addi %add3A_178, %add3A_219 : vector<16xi32>
        %add3A_221 = arith.constant 512081 : i32
        %add3A_222 = vector.broadcast %add3A_221 : i32 to vector<16xi32>
        %add3A_223 = arith.addi %add3A_178, %add3A_222 : vector<16xi32>
        %add3A_224 = arith.constant 518481 : i32
        %add3A_225 = vector.broadcast %add3A_224 : i32 to vector<16xi32>
        %add3A_226 = arith.addi %add3A_178, %add3A_225 : vector<16xi32>
        %mul3A_227 = arith.constant 16 : i32
        %mul3A_228 = arith.muli %scan3A_119, %mul3A_227 : i32
        %add3A_229 = arith.constant 0 : i32
        %add3A_230 = arith.addi %add3A_229, %mul3A_228 : i32
        %swap3A = arith.index_cast %add3A_230 : i32 to index
        %swap3A_231 = tpu.vector_load %arg33[%swap3A] {strides = array<i32>} : memref<2048xi32, #tpu.memory_space<vmem>>, vector<16xi32>,
        tpu.vector_store %arg33[%swap3A], %add3A_181 {strides = array<i32>} : memref<2048xi32, #tpu.memory_space<vmem>>, vector<16xi32>,
        %mul3A_232 = arith.constant 16 : i32
        %mul3A_233 = arith.muli %scan3A_119, %mul3A_232 : i32
        %add3A_234 = arith.constant 128 : i32
        %add3A_235 = arith.addi %add3A_234, %mul3A_233 : i32
        %swap3A_236 = arith.index_cast %add3A_235 : i32 to index
        %swap3A_237 = tpu.vector_load %arg33[%swap3A_236] {strides = array<i32>} : memref<2048xi32, #tpu.memory_space<vmem>>, vector<16xi32>,
        tpu.vector_store %arg33[%swap3A_236], %add3A_184 {strides = array<i32>} : memref<2048xi32, #tpu.memory_space<vmem>>, vector<16xi32>,
        %mul3A_238 = arith.constant 16 : i32
        %mul3A_239 = arith.muli %scan3A_119, %mul3A_238 : i32
        %add3A_240 = arith.constant 256 : i32
        %add3A_241 = arith.addi %add3A_240, %mul3A_239 : i32
        %swap3A_242 = arith.index_cast %add3A_241 : i32 to index
        %swap3A_243 = tpu.vector_load %arg33[%swap3A_242] {strides = array<i32>} : memref<2048xi32, #tpu.memory_space<vmem>>, vector<16xi32>,
        tpu.vector_store %arg33[%swap3A_242], %add3A_187 {strides = array<i32>} : memref<2048xi32, #tpu.memory_space<vmem>>, vector<16xi32>,
        %mul3A_244 = arith.constant 16 : i32
        %mul3A_245 = arith.muli %scan3A_119, %mul3A_244 : i32
        %add3A_246 = arith.constant 384 : i32
        %add3A_247 = arith.addi %add3A_246, %mul3A_245 : i32
        %swap3A_248 = arith.index_cast %add3A_247 : i32 to index
        %swap3A_249 = tpu.vector_load %arg33[%swap3A_248] {strides = array<i32>} : memref<2048xi32, #tpu.memory_space<vmem>>, vector<16xi32>,
        tpu.vector_store %arg33[%swap3A_248], %add3A_190 {strides = array<i32>} : memref<2048xi32, #tpu.memory_space<vmem>>, vector<16xi32>,
        %mul3A_250 = arith.constant 16 : i32
        %mul3A_251 = arith.muli %scan3A_119, %mul3A_250 : i32
        %add3A_252 = arith.constant 512 : i32
        %add3A_253 = arith.addi %add3A_252, %mul3A_251 : i32
        %swap3A_254 = arith.index_cast %add3A_253 : i32 to index
        %swap3A_255 = tpu.vector_load %arg33[%swap3A_254] {strides = array<i32>} : memref<2048xi32, #tpu.memory_space<vmem>>, vector<16xi32>,
        tpu.vector_store %arg33[%swap3A_254], %add3A_193 {strides = array<i32>} : memref<2048xi32, #tpu.memory_space<vmem>>, vector<16xi32>,
        %mul3A_256 = arith.constant 16 : i32
        %mul3A_257 = arith.muli %scan3A_119, %mul3A_256 : i32
        %add3A_258 = arith.constant 640 : i32
        %add3A_259 = arith.addi %add3A_258, %mul3A_257 : i32
        %swap3A_260 = arith.index_cast %add3A_259 : i32 to index
        %swap3A_261 = tpu.vector_load %arg33[%swap3A_260] {strides = array<i32>} : memref<2048xi32, #tpu.memory_space<vmem>>, vector<16xi32>,
        tpu.vector_store %arg33[%swap3A_260], %add3A_196 {strides = array<i32>} : memref<2048xi32, #tpu.memory_space<vmem>>, vector<16xi32>,
        %mul3A_262 = arith.constant 16 : i32
        %mul3A_263 = arith.muli %scan3A_119, %mul3A_262 : i32
        %add3A_264 = arith.constant 768 : i32
        %add3A_265 = arith.addi %add3A_264, %mul3A_263 : i32
        %swap3A_266 = arith.index_cast %add3A_265 : i32 to index
        %swap3A_267 = tpu.vector_load %arg33[%swap3A_266] {strides = array<i32>} : memref<2048xi32, #tpu.memory_space<vmem>>, vector<16xi32>,
        tpu.vector_store %arg33[%swap3A_266], %add3A_199 {strides = array<i32>} : memref<2048xi32, #tpu.memory_space<vmem>>, vector<16xi32>,
        %mul3A_268 = arith.constant 16 : i32
        %mul3A_269 = arith.muli %scan3A_119, %mul3A_268 : i32
        %add3A_270 = arith.constant 896 : i32
        %add3A_271 = arith.addi %add3A_270, %mul3A_269 : i32
        %swap3A_272 = arith.index_cast %add3A_271 : i32 to index
        %swap3A_273 = tpu.vector_load %arg33[%swap3A_272] {strides = array<i32>} : memref<2048xi32, #tpu.memory_space<vmem>>, vector<16xi32>,
        tpu.vector_store %arg33[%swap3A_272], %add3A_202 {strides = array<i32>} : memref<2048xi32, #tpu.memory_space<vmem>>, vector<16xi32>,
        %mul3A_274 = arith.constant 16 : i32
        %mul3A_275 = arith.muli %scan3A_119, %mul3A_274 : i32
        %add3A_276 = arith.constant 1024 : i32
        %add3A_277 = arith.addi %add3A_276, %mul3A_275 : i32
        %swap3A_278 = arith.index_cast %add3A_277 : i32 to index
        %swap3A_279 = tpu.vector_load %arg33[%swap3A_278] {strides = array<i32>} : memref<2048xi32, #tpu.memory_space<vmem>>, vector<16xi32>,
        tpu.vector_store %arg33[%swap3A_278], %add3A_205 {strides = array<i32>} : memref<2048xi32, #tpu.memory_space<vmem>>, vector<16xi32>,
        %mul3A_280 = arith.constant 16 : i32
        %mul3A_281 = arith.muli %scan3A_119, %mul3A_280 : i32
        %add3A_282 = arith.constant 1152 : i32
        %add3A_283 = arith.addi %add3A_282, %mul3A_281 : i32
        %swap3A_284 = arith.index_cast %add3A_283 : i32 to index
        %swap3A_285 = tpu.vector_load %arg33[%swap3A_284] {strides = array<i32>} : memref<2048xi32, #tpu.memory_space<vmem>>, vector<16xi32>,
        tpu.vector_store %arg33[%swap3A_284], %add3A_208 {strides = array<i32>} : memref<2048xi32, #tpu.memory_space<vmem>>, vector<16xi32>,
        %mul3A_286 = arith.constant 16 : i32
        %mul3A_287 = arith.muli %scan3A_119, %mul3A_286 : i32
        %add3A_288 = arith.constant 1280 : i32
        %add3A_289 = arith.addi %add3A_288, %mul3A_287 : i32
        %swap3A_290 = arith.index_cast %add3A_289 : i32 to index
        %swap3A_291 = tpu.vector_load %arg33[%swap3A_290] {strides = array<i32>} : memref<2048xi32, #tpu.memory_space<vmem>>, vector<16xi32>,
        tpu.vector_store %arg33[%swap3A_290], %add3A_211 {strides = array<i32>} : memref<2048xi32, #tpu.memory_space<vmem>>, vector<16xi32>,
        %mul3A_292 = arith.constant 16 : i32
        %mul3A_293 = arith.muli %scan3A_119, %mul3A_292 : i32
        %add3A_294 = arith.constant 1408 : i32
        %add3A_295 = arith.addi %add3A_294, %mul3A_293 : i32
        %swap3A_296 = arith.index_cast %add3A_295 : i32 to index
        %swap3A_297 = tpu.vector_load %arg33[%swap3A_296] {strides = array<i32>} : memref<2048xi32, #tpu.memory_space<vmem>>, vector<16xi32>,
        tpu.vector_store %arg33[%swap3A_296], %add3A_214 {strides = array<i32>} : memref<2048xi32, #tpu.memory_space<vmem>>, vector<16xi32>,
        %mul3A_298 = arith.constant 16 : i32
        %mul3A_299 = arith.muli %scan3A_119, %mul3A_298 : i32
        %add3A_300 = arith.constant 1536 : i32
        %add3A_301 = arith.addi %add3A_300, %mul3A_299 : i32
        %swap3A_302 = arith.index_cast %add3A_301 : i32 to index
        %swap3A_303 = tpu.vector_load %arg33[%swap3A_302] {strides = array<i32>} : memref<2048xi32, #tpu.memory_space<vmem>>, vector<16xi32>,
        tpu.vector_store %arg33[%swap3A_302], %add3A_217 {strides = array<i32>} : memref<2048xi32, #tpu.memory_space<vmem>>, vector<16xi32>,
        %mul3A_304 = arith.constant 16 : i32
        %mul3A_305 = arith.muli %scan3A_119, %mul3A_304 : i32
        %add3A_306 = arith.constant 1664 : i32
        %add3A_307 = arith.addi %add3A_306, %mul3A_305 : i32
        %swap3A_308 = arith.index_cast %add3A_307 : i32 to index
        %swap3A_309 = tpu.vector_load %arg33[%swap3A_308] {strides = array<i32>} : memref<2048xi32, #tpu.memory_space<vmem>>, vector<16xi32>,
        tpu.vector_store %arg33[%swap3A_308], %add3A_220 {strides = array<i32>} : memref<2048xi32, #tpu.memory_space<vmem>>, vector<16xi32>,
        %mul3A_310 = arith.constant 16 : i32
        %mul3A_311 = arith.muli %scan3A_119, %mul3A_310 : i32
        %add3A_312 = arith.constant 1792 : i32
        %add3A_313 = arith.addi %add3A_312, %mul3A_311 : i32
        %swap3A_314 = arith.index_cast %add3A_313 : i32 to index
        %swap3A_315 = tpu.vector_load %arg33[%swap3A_314] {strides = array<i32>} : memref<2048xi32, #tpu.memory_space<vmem>>, vector<16xi32>,
        tpu.vector_store %arg33[%swap3A_314], %add3A_223 {strides = array<i32>} : memref<2048xi32, #tpu.memory_space<vmem>>, vector<16xi32>,
        %mul3A_316 = arith.constant 16 : i32
        %mul3A_317 = arith.muli %scan3A_119, %mul3A_316 : i32
        %add3A_318 = arith.constant 1920 : i32
        %add3A_319 = arith.addi %add3A_318, %mul3A_317 : i32
        %swap3A_320 = arith.index_cast %add3A_319 : i32 to index
        %swap3A_321 = tpu.vector_load %arg33[%swap3A_320] {strides = array<i32>} : memref<2048xi32, #tpu.memory_space<vmem>>, vector<16xi32>,
        tpu.vector_store %arg33[%swap3A_320], %add3A_226 {strides = array<i32>} : memref<2048xi32, #tpu.memory_space<vmem>>, vector<16xi32>,
      }
      %scan3A_93 = arith.constant 8 : i32
      %dma_start3A_94 = arith.constant 0 : i32
      %dma_start3A_95 = tpu.memref_slice %arg13[%dma_start3A_94] : memref<4096000xf32, #tpu.memory_space<hbm>> -> memref<4096000xf32, #tpu.memory_space<hbm>>
      tpu.enqueue_indirect_dma source(%dma_start3A_95 : memref<4096000xf32, #tpu.memory_space<hbm>>) target(%arg34 : memref<2048xf32, #tpu.memory_space<vmem>>) offsets(%arg33 : memref<2048xi32, #tpu.memory_space<vmem>>) semaphore(%arg38 : memref<!tpu.dma_semaphore, #tpu.memory_space<semaphore_mem>>)
      %dma_start3A_96 = arith.constant 0 : i32
      %dma_start3A_97 = tpu.memref_slice %arg14[%dma_start3A_96] : memref<4096000xf32, #tpu.memory_space<hbm>> -> memref<4096000xf32, #tpu.memory_space<hbm>>
      tpu.enqueue_indirect_dma source(%dma_start3A_97 : memref<4096000xf32, #tpu.memory_space<hbm>>) target(%arg35 : memref<2048xf32, #tpu.memory_space<vmem>>) offsets(%arg33 : memref<2048xi32, #tpu.memory_space<vmem>>) semaphore(%arg38 : memref<!tpu.dma_semaphore, #tpu.memory_space<semaphore_mem>>)
      %dma_wait3A_98 = arith.constant 0 : i32
      %dma_wait3A_99 = tpu.memref_slice %arg13[%dma_wait3A_98] : memref<4096000xf32, #tpu.memory_space<hbm>> -> memref<4096000xf32, #tpu.memory_space<hbm>>
      tpu.wait_indirect_dma semaphore(%arg38 : memref<!tpu.dma_semaphore, #tpu.memory_space<semaphore_mem>>) src(%dma_wait3A_99 : memref<4096000xf32, #tpu.memory_space<hbm>>) dst(%arg34 : memref<2048xf32, #tpu.memory_space<vmem>>)
      %dma_wait3A_100 = arith.constant 0 : i32
      %dma_wait3A_101 = tpu.memref_slice %arg14[%dma_wait3A_100] : memref<4096000xf32, #tpu.memory_space<hbm>> -> memref<4096000xf32, #tpu.memory_space<hbm>>
      tpu.wait_indirect_dma semaphore(%arg38 : memref<!tpu.dma_semaphore, #tpu.memory_space<semaphore_mem>>) src(%dma_wait3A_101 : memref<4096000xf32, #tpu.memory_space<hbm>>) dst(%arg35 : memref<2048xf32, #tpu.memory_space<vmem>>)
      %scan3A_102 = arith.constant 0 : i32
      %scan3A_103 = arith.constant 0 : i32
      %scan3A_104 = arith.constant 8 : i32
      %scan3A_105 = arith.addi %scan3A_103, %scan3A_104 : i32
      %scan3A_106 = arith.constant 1 : i32
      scf.for %scan3A_119 = %scan3A_103 to %scan3A_105 step %scan3A_106  : i32 {
        %mul3A_120 = arith.constant 16 : i32
        %mul3A_121 = arith.muli %scan3A_119, %mul3A_120 : i32
        %add3A_122 = vector.broadcast %mul3A_121 : i32 to vector<16xi32>
        %add3A_123 = arith.addi %add3A_122, %iota3A : vector<16xi32>
        %broadcast_in_dim3A = arith.constant 0 : i32
        %broadcast_in_dim3A_124 = vector.broadcast %broadcast_in_dim3A : i32 to vector<16xi32>
        %gather3A = tpu.vector_load_idx %arg32[%add3A_123, %broadcast_in_dim3A_124] : memref<128x4xf32, #tpu.memory_space<vmem>>[vector<16xi32>, vector<16xi32>], vector<16xf32>,
        %mul3A_125 = arith.constant 7.000000e+00 : f32
        %mul3A_126 = vector.broadcast %mul3A_125 : f32 to vector<16xf32>
        %mul3A_127 = arith.mulf %gather3A, %mul3A_126 : vector<16xf32>
        %convert_element_type3A = arith.fptosi %mul3A_127 : vector<16xf32> to vector<16xi32>
        %min3A = arith.constant 6 : i32
        %min3A_128 = vector.broadcast %min3A : i32 to vector<16xi32>
        %min3A_129 = arith.minsi %convert_element_type3A, %min3A_128 : vector<16xi32>
        %convert_element_type3A_130 = arith.sitofp %min3A_129 : vector<16xi32> to vector<16xf32>
        %sub3A = arith.subf %mul3A_127, %convert_element_type3A_130 : vector<16xf32>
        %broadcast_in_dim3A_131 = arith.constant 1 : i32
        %broadcast_in_dim3A_132 = vector.broadcast %broadcast_in_dim3A_131 : i32 to vector<16xi32>
        %gather3A_133 = tpu.vector_load_idx %arg32[%add3A_123, %broadcast_in_dim3A_132] : memref<128x4xf32, #tpu.memory_space<vmem>>[vector<16xi32>, vector<16xi32>], vector<16xf32>,
        %mul3A_134 = arith.constant 7.900000e+01 : f32
        %mul3A_135 = vector.broadcast %mul3A_134 : f32 to vector<16xf32>
        %mul3A_136 = arith.mulf %gather3A_133, %mul3A_135 : vector<16xf32>
        %convert_element_type3A_137 = arith.fptosi %mul3A_136 : vector<16xf32> to vector<16xi32>
        %min3A_138 = arith.constant 78 : i32
        %min3A_139 = vector.broadcast %min3A_138 : i32 to vector<16xi32>
        %min3A_140 = arith.minsi %convert_element_type3A_137, %min3A_139 : vector<16xi32>
        %convert_element_type3A_141 = arith.sitofp %min3A_140 : vector<16xi32> to vector<16xf32>
        %sub3A_142 = arith.subf %mul3A_136, %convert_element_type3A_141 : vector<16xf32>
        %broadcast_in_dim3A_143 = arith.constant 2 : i32
        %broadcast_in_dim3A_144 = vector.broadcast %broadcast_in_dim3A_143 : i32 to vector<16xi32>
        %gather3A_145 = tpu.vector_load_idx %arg32[%add3A_123, %broadcast_in_dim3A_144] : memref<128x4xf32, #tpu.memory_space<vmem>>[vector<16xi32>, vector<16xi32>], vector<16xf32>,
        %mul3A_146 = arith.constant 7.900000e+01 : f32
        %mul3A_147 = vector.broadcast %mul3A_146 : f32 to vector<16xf32>
        %mul3A_148 = arith.mulf %gather3A_145, %mul3A_147 : vector<16xf32>
        %convert_element_type3A_149 = arith.fptosi %mul3A_148 : vector<16xf32> to vector<16xi32>
        %min3A_150 = arith.constant 78 : i32
        %min3A_151 = vector.broadcast %min3A_150 : i32 to vector<16xi32>
        %min3A_152 = arith.minsi %convert_element_type3A_149, %min3A_151 : vector<16xi32>
        %convert_element_type3A_153 = arith.sitofp %min3A_152 : vector<16xi32> to vector<16xf32>
        %sub3A_154 = arith.subf %mul3A_148, %convert_element_type3A_153 : vector<16xf32>
        %broadcast_in_dim3A_155 = arith.constant 3 : i32
        %broadcast_in_dim3A_156 = vector.broadcast %broadcast_in_dim3A_155 : i32 to vector<16xi32>
        %gather3A_157 = tpu.vector_load_idx %arg32[%add3A_123, %broadcast_in_dim3A_156] : memref<128x4xf32, #tpu.memory_space<vmem>>[vector<16xi32>, vector<16xi32>], vector<16xf32>,
        %mul3A_158 = arith.constant 7.900000e+01 : f32
        %mul3A_159 = vector.broadcast %mul3A_158 : f32 to vector<16xf32>
        %mul3A_160 = arith.mulf %gather3A_157, %mul3A_159 : vector<16xf32>
        %convert_element_type3A_161 = arith.fptosi %mul3A_160 : vector<16xf32> to vector<16xi32>
        %min3A_162 = arith.constant 78 : i32
        %min3A_163 = vector.broadcast %min3A_162 : i32 to vector<16xi32>
        %min3A_164 = arith.minsi %convert_element_type3A_161, %min3A_163 : vector<16xi32>
        %convert_element_type3A_165 = arith.sitofp %min3A_164 : vector<16xi32> to vector<16xf32>
        %sub3A_166 = arith.subf %mul3A_160, %convert_element_type3A_165 : vector<16xf32>
        %mul3A_167 = arith.constant 16 : i32
        %mul3A_168 = arith.muli %scan3A_119, %mul3A_167 : i32
        %mul3A_169 = arith.constant 16 : i32
        %mul3A_170 = arith.muli %scan3A_119, %mul3A_169 : i32
        %add3A_171 = arith.constant 0 : i32
        %add3A_172 = arith.addi %add3A_171, %mul3A_170 : i32
        %get3A = arith.index_cast %add3A_172 : i32 to index
        %get3A_173 = tpu.vector_load %arg34[%get3A] {strides = array<i32>} : memref<2048xf32, #tpu.memory_space<vmem>>, vector<16xf32>,
        %mul3A_174 = arith.constant 16 : i32
        %mul3A_175 = arith.muli %scan3A_119, %mul3A_174 : i32
        %add3A_176 = arith.constant 128 : i32
        %add3A_177 = arith.addi %add3A_176, %mul3A_175 : i32
        %get3A_178 = arith.index_cast %add3A_177 : i32 to index
        %get3A_179 = tpu.vector_load %arg34[%get3A_178] {strides = array<i32>} : memref<2048xf32, #tpu.memory_space<vmem>>, vector<16xf32>,
        %mul3A_180 = arith.constant 16 : i32
        %mul3A_181 = arith.muli %scan3A_119, %mul3A_180 : i32
        %add3A_182 = arith.constant 256 : i32
        %add3A_183 = arith.addi %add3A_182, %mul3A_181 : i32
        %get3A_184 = arith.index_cast %add3A_183 : i32 to index
        %get3A_185 = tpu.vector_load %arg34[%get3A_184] {strides = array<i32>} : memref<2048xf32, #tpu.memory_space<vmem>>, vector<16xf32>,
        %mul3A_186 = arith.constant 16 : i32
        %mul3A_187 = arith.muli %scan3A_119, %mul3A_186 : i32
        %add3A_188 = arith.constant 384 : i32
        %add3A_189 = arith.addi %add3A_188, %mul3A_187 : i32
        %get3A_190 = arith.index_cast %add3A_189 : i32 to index
        %get3A_191 = tpu.vector_load %arg34[%get3A_190] {strides = array<i32>} : memref<2048xf32, #tpu.memory_space<vmem>>, vector<16xf32>,
        %mul3A_192 = arith.constant 16 : i32
        %mul3A_193 = arith.muli %scan3A_119, %mul3A_192 : i32
        %add3A_194 = arith.constant 512 : i32
        %add3A_195 = arith.addi %add3A_194, %mul3A_193 : i32
        %get3A_196 = arith.index_cast %add3A_195 : i32 to index
        %get3A_197 = tpu.vector_load %arg34[%get3A_196] {strides = array<i32>} : memref<2048xf32, #tpu.memory_space<vmem>>, vector<16xf32>,
        %mul3A_198 = arith.constant 16 : i32
        %mul3A_199 = arith.muli %scan3A_119, %mul3A_198 : i32
        %add3A_200 = arith.constant 640 : i32
        %add3A_201 = arith.addi %add3A_200, %mul3A_199 : i32
        %get3A_202 = arith.index_cast %add3A_201 : i32 to index
        %get3A_203 = tpu.vector_load %arg34[%get3A_202] {strides = array<i32>} : memref<2048xf32, #tpu.memory_space<vmem>>, vector<16xf32>,
        %mul3A_204 = arith.constant 16 : i32
        %mul3A_205 = arith.muli %scan3A_119, %mul3A_204 : i32
        %add3A_206 = arith.constant 768 : i32
        %add3A_207 = arith.addi %add3A_206, %mul3A_205 : i32
        %get3A_208 = arith.index_cast %add3A_207 : i32 to index
        %get3A_209 = tpu.vector_load %arg34[%get3A_208] {strides = array<i32>} : memref<2048xf32, #tpu.memory_space<vmem>>, vector<16xf32>,
        %mul3A_210 = arith.constant 16 : i32
        %mul3A_211 = arith.muli %scan3A_119, %mul3A_210 : i32
        %add3A_212 = arith.constant 896 : i32
        %add3A_213 = arith.addi %add3A_212, %mul3A_211 : i32
        %get3A_214 = arith.index_cast %add3A_213 : i32 to index
        %get3A_215 = tpu.vector_load %arg34[%get3A_214] {strides = array<i32>} : memref<2048xf32, #tpu.memory_space<vmem>>, vector<16xf32>,
        %mul3A_216 = arith.constant 16 : i32
        %mul3A_217 = arith.muli %scan3A_119, %mul3A_216 : i32
        %add3A_218 = arith.constant 1024 : i32
        %add3A_219 = arith.addi %add3A_218, %mul3A_217 : i32
        %get3A_220 = arith.index_cast %add3A_219 : i32 to index
        %get3A_221 = tpu.vector_load %arg34[%get3A_220] {strides = array<i32>} : memref<2048xf32, #tpu.memory_space<vmem>>, vector<16xf32>,
        %mul3A_222 = arith.constant 16 : i32
        %mul3A_223 = arith.muli %scan3A_119, %mul3A_222 : i32
        %add3A_224 = arith.constant 1152 : i32
        %add3A_225 = arith.addi %add3A_224, %mul3A_223 : i32
        %get3A_226 = arith.index_cast %add3A_225 : i32 to index
        %get3A_227 = tpu.vector_load %arg34[%get3A_226] {strides = array<i32>} : memref<2048xf32, #tpu.memory_space<vmem>>, vector<16xf32>,
        %mul3A_228 = arith.constant 16 : i32
        %mul3A_229 = arith.muli %scan3A_119, %mul3A_228 : i32
        %add3A_230 = arith.constant 1280 : i32
        %add3A_231 = arith.addi %add3A_230, %mul3A_229 : i32
        %get3A_232 = arith.index_cast %add3A_231 : i32 to index
        %get3A_233 = tpu.vector_load %arg34[%get3A_232] {strides = array<i32>} : memref<2048xf32, #tpu.memory_space<vmem>>, vector<16xf32>,
        %mul3A_234 = arith.constant 16 : i32
        %mul3A_235 = arith.muli %scan3A_119, %mul3A_234 : i32
        %add3A_236 = arith.constant 1408 : i32
        %add3A_237 = arith.addi %add3A_236, %mul3A_235 : i32
        %get3A_238 = arith.index_cast %add3A_237 : i32 to index
        %get3A_239 = tpu.vector_load %arg34[%get3A_238] {strides = array<i32>} : memref<2048xf32, #tpu.memory_space<vmem>>, vector<16xf32>,
        %mul3A_240 = arith.constant 16 : i32
        %mul3A_241 = arith.muli %scan3A_119, %mul3A_240 : i32
        %add3A_242 = arith.constant 1536 : i32
        %add3A_243 = arith.addi %add3A_242, %mul3A_241 : i32
        %get3A_244 = arith.index_cast %add3A_243 : i32 to index
        %get3A_245 = tpu.vector_load %arg34[%get3A_244] {strides = array<i32>} : memref<2048xf32, #tpu.memory_space<vmem>>, vector<16xf32>,
        %mul3A_246 = arith.constant 16 : i32
        %mul3A_247 = arith.muli %scan3A_119, %mul3A_246 : i32
        %add3A_248 = arith.constant 1664 : i32
        %add3A_249 = arith.addi %add3A_248, %mul3A_247 : i32
        %get3A_250 = arith.index_cast %add3A_249 : i32 to index
        %get3A_251 = tpu.vector_load %arg34[%get3A_250] {strides = array<i32>} : memref<2048xf32, #tpu.memory_space<vmem>>, vector<16xf32>,
        %mul3A_252 = arith.constant 16 : i32
        %mul3A_253 = arith.muli %scan3A_119, %mul3A_252 : i32
        %add3A_254 = arith.constant 1792 : i32
        %add3A_255 = arith.addi %add3A_254, %mul3A_253 : i32
        %get3A_256 = arith.index_cast %add3A_255 : i32 to index
        %get3A_257 = tpu.vector_load %arg34[%get3A_256] {strides = array<i32>} : memref<2048xf32, #tpu.memory_space<vmem>>, vector<16xf32>,
        %mul3A_258 = arith.constant 16 : i32
        %mul3A_259 = arith.muli %scan3A_119, %mul3A_258 : i32
        %add3A_260 = arith.constant 1920 : i32
        %add3A_261 = arith.addi %add3A_260, %mul3A_259 : i32
        %get3A_262 = arith.index_cast %add3A_261 : i32 to index
        %get3A_263 = tpu.vector_load %arg34[%get3A_262] {strides = array<i32>} : memref<2048xf32, #tpu.memory_space<vmem>>, vector<16xf32>,
        %sub3A_264 = arith.subf %get3A_221, %get3A_173 : vector<16xf32>
        %mul3A_265 = arith.mulf %sub3A, %sub3A_264 : vector<16xf32>
        %add3A_266 = arith.addf %get3A_173, %mul3A_265 : vector<16xf32>
        %sub3A_267 = arith.subf %get3A_227, %get3A_179 : vector<16xf32>
        %mul3A_268 = arith.mulf %sub3A, %sub3A_267 : vector<16xf32>
        %add3A_269 = arith.addf %get3A_179, %mul3A_268 : vector<16xf32>
        %sub3A_270 = arith.subf %get3A_233, %get3A_185 : vector<16xf32>
        %mul3A_271 = arith.mulf %sub3A, %sub3A_270 : vector<16xf32>
        %add3A_272 = arith.addf %get3A_185, %mul3A_271 : vector<16xf32>
        %sub3A_273 = arith.subf %get3A_239, %get3A_191 : vector<16xf32>
        %mul3A_274 = arith.mulf %sub3A, %sub3A_273 : vector<16xf32>
        %add3A_275 = arith.addf %get3A_191, %mul3A_274 : vector<16xf32>
        %sub3A_276 = arith.subf %get3A_245, %get3A_197 : vector<16xf32>
        %mul3A_277 = arith.mulf %sub3A, %sub3A_276 : vector<16xf32>
        %add3A_278 = arith.addf %get3A_197, %mul3A_277 : vector<16xf32>
        %sub3A_279 = arith.subf %get3A_251, %get3A_203 : vector<16xf32>
        %mul3A_280 = arith.mulf %sub3A, %sub3A_279 : vector<16xf32>
        %add3A_281 = arith.addf %get3A_203, %mul3A_280 : vector<16xf32>
        %sub3A_282 = arith.subf %get3A_257, %get3A_209 : vector<16xf32>
        %mul3A_283 = arith.mulf %sub3A, %sub3A_282 : vector<16xf32>
        %add3A_284 = arith.addf %get3A_209, %mul3A_283 : vector<16xf32>
        %sub3A_285 = arith.subf %get3A_263, %get3A_215 : vector<16xf32>
        %mul3A_286 = arith.mulf %sub3A, %sub3A_285 : vector<16xf32>
        %add3A_287 = arith.addf %get3A_215, %mul3A_286 : vector<16xf32>
        %sub3A_288 = arith.subf %add3A_278, %add3A_266 : vector<16xf32>
        %mul3A_289 = arith.mulf %sub3A_142, %sub3A_288 : vector<16xf32>
        %add3A_290 = arith.addf %add3A_266, %mul3A_289 : vector<16xf32>
        %sub3A_291 = arith.subf %add3A_281, %add3A_269 : vector<16xf32>
        %mul3A_292 = arith.mulf %sub3A_142, %sub3A_291 : vector<16xf32>
        %add3A_293 = arith.addf %add3A_269, %mul3A_292 : vector<16xf32>
        %sub3A_294 = arith.subf %add3A_284, %add3A_272 : vector<16xf32>
        %mul3A_295 = arith.mulf %sub3A_142, %sub3A_294 : vector<16xf32>
        %add3A_296 = arith.addf %add3A_272, %mul3A_295 : vector<16xf32>
        %sub3A_297 = arith.subf %add3A_287, %add3A_275 : vector<16xf32>
        %mul3A_298 = arith.mulf %sub3A_142, %sub3A_297 : vector<16xf32>
        %add3A_299 = arith.addf %add3A_275, %mul3A_298 : vector<16xf32>
        %sub3A_300 = arith.subf %add3A_296, %add3A_290 : vector<16xf32>
        %mul3A_301 = arith.mulf %sub3A_154, %sub3A_300 : vector<16xf32>
        %add3A_302 = arith.addf %add3A_290, %mul3A_301 : vector<16xf32>
        %sub3A_303 = arith.subf %add3A_299, %add3A_293 : vector<16xf32>
        %mul3A_304 = arith.mulf %sub3A_154, %sub3A_303 : vector<16xf32>
        %add3A_305 = arith.addf %add3A_293, %mul3A_304 : vector<16xf32>
        %sub3A_306 = arith.subf %add3A_305, %add3A_302 : vector<16xf32>
        %mul3A_307 = arith.mulf %sub3A_166, %sub3A_306 : vector<16xf32>
        %add3A_308 = arith.addf %add3A_302, %mul3A_307 : vector<16xf32>
        %swap3A = arith.constant 10 : i32
        %swap3A_309 = arith.index_cast %swap3A : i32 to index
        %swap3A_310 = arith.index_cast %mul3A_168 : i32 to index
        %swap3A_311 = tpu.vector_load %arg36[%swap3A_309, %swap3A_310] {strides = array<i32>} : memref<12x128xf32, #tpu.memory_space<vmem>>, vector<16xf32>,
        tpu.vector_store %arg36[%swap3A_309, %swap3A_310], %add3A_308 {strides = array<i32>} : memref<12x128xf32, #tpu.memory_space<vmem>>, vector<16xf32>,
        %mul3A_312 = arith.constant 16 : i32
        %mul3A_313 = arith.muli %scan3A_119, %mul3A_312 : i32
        %add3A_314 = arith.constant 0 : i32
        %add3A_315 = arith.addi %add3A_314, %mul3A_313 : i32
        %get3A_316 = arith.index_cast %add3A_315 : i32 to index
        %get3A_317 = tpu.vector_load %arg35[%get3A_316] {strides = array<i32>} : memref<2048xf32, #tpu.memory_space<vmem>>, vector<16xf32>,
        %mul3A_318 = arith.constant 16 : i32
        %mul3A_319 = arith.muli %scan3A_119, %mul3A_318 : i32
        %add3A_320 = arith.constant 128 : i32
        %add3A_321 = arith.addi %add3A_320, %mul3A_319 : i32
        %get3A_322 = arith.index_cast %add3A_321 : i32 to index
        %get3A_323 = tpu.vector_load %arg35[%get3A_322] {strides = array<i32>} : memref<2048xf32, #tpu.memory_space<vmem>>, vector<16xf32>,
        %mul3A_324 = arith.constant 16 : i32
        %mul3A_325 = arith.muli %scan3A_119, %mul3A_324 : i32
        %add3A_326 = arith.constant 256 : i32
        %add3A_327 = arith.addi %add3A_326, %mul3A_325 : i32
        %get3A_328 = arith.index_cast %add3A_327 : i32 to index
        %get3A_329 = tpu.vector_load %arg35[%get3A_328] {strides = array<i32>} : memref<2048xf32, #tpu.memory_space<vmem>>, vector<16xf32>,
        %mul3A_330 = arith.constant 16 : i32
        %mul3A_331 = arith.muli %scan3A_119, %mul3A_330 : i32
        %add3A_332 = arith.constant 384 : i32
        %add3A_333 = arith.addi %add3A_332, %mul3A_331 : i32
        %get3A_334 = arith.index_cast %add3A_333 : i32 to index
        %get3A_335 = tpu.vector_load %arg35[%get3A_334] {strides = array<i32>} : memref<2048xf32, #tpu.memory_space<vmem>>, vector<16xf32>,
        %mul3A_336 = arith.constant 16 : i32
        %mul3A_337 = arith.muli %scan3A_119, %mul3A_336 : i32
        %add3A_338 = arith.constant 512 : i32
        %add3A_339 = arith.addi %add3A_338, %mul3A_337 : i32
        %get3A_340 = arith.index_cast %add3A_339 : i32 to index
        %get3A_341 = tpu.vector_load %arg35[%get3A_340] {strides = array<i32>} : memref<2048xf32, #tpu.memory_space<vmem>>, vector<16xf32>,
        %mul3A_342 = arith.constant 16 : i32
        %mul3A_343 = arith.muli %scan3A_119, %mul3A_342 : i32
        %add3A_344 = arith.constant 640 : i32
        %add3A_345 = arith.addi %add3A_344, %mul3A_343 : i32
        %get3A_346 = arith.index_cast %add3A_345 : i32 to index
        %get3A_347 = tpu.vector_load %arg35[%get3A_346] {strides = array<i32>} : memref<2048xf32, #tpu.memory_space<vmem>>, vector<16xf32>,
        %mul3A_348 = arith.constant 16 : i32
        %mul3A_349 = arith.muli %scan3A_119, %mul3A_348 : i32
        %add3A_350 = arith.constant 768 : i32
        %add3A_351 = arith.addi %add3A_350, %mul3A_349 : i32
        %get3A_352 = arith.index_cast %add3A_351 : i32 to index
        %get3A_353 = tpu.vector_load %arg35[%get3A_352] {strides = array<i32>} : memref<2048xf32, #tpu.memory_space<vmem>>, vector<16xf32>,
        %mul3A_354 = arith.constant 16 : i32
        %mul3A_355 = arith.muli %scan3A_119, %mul3A_354 : i32
        %add3A_356 = arith.constant 896 : i32
        %add3A_357 = arith.addi %add3A_356, %mul3A_355 : i32
        %get3A_358 = arith.index_cast %add3A_357 : i32 to index
        %get3A_359 = tpu.vector_load %arg35[%get3A_358] {strides = array<i32>} : memref<2048xf32, #tpu.memory_space<vmem>>, vector<16xf32>,
        %mul3A_360 = arith.constant 16 : i32
        %mul3A_361 = arith.muli %scan3A_119, %mul3A_360 : i32
        %add3A_362 = arith.constant 1024 : i32
        %add3A_363 = arith.addi %add3A_362, %mul3A_361 : i32
        %get3A_364 = arith.index_cast %add3A_363 : i32 to index
        %get3A_365 = tpu.vector_load %arg35[%get3A_364] {strides = array<i32>} : memref<2048xf32, #tpu.memory_space<vmem>>, vector<16xf32>,
        %mul3A_366 = arith.constant 16 : i32
        %mul3A_367 = arith.muli %scan3A_119, %mul3A_366 : i32
        %add3A_368 = arith.constant 1152 : i32
        %add3A_369 = arith.addi %add3A_368, %mul3A_367 : i32
        %get3A_370 = arith.index_cast %add3A_369 : i32 to index
        %get3A_371 = tpu.vector_load %arg35[%get3A_370] {strides = array<i32>} : memref<2048xf32, #tpu.memory_space<vmem>>, vector<16xf32>,
        %mul3A_372 = arith.constant 16 : i32
        %mul3A_373 = arith.muli %scan3A_119, %mul3A_372 : i32
        %add3A_374 = arith.constant 1280 : i32
        %add3A_375 = arith.addi %add3A_374, %mul3A_373 : i32
        %get3A_376 = arith.index_cast %add3A_375 : i32 to index
        %get3A_377 = tpu.vector_load %arg35[%get3A_376] {strides = array<i32>} : memref<2048xf32, #tpu.memory_space<vmem>>, vector<16xf32>,
        %mul3A_378 = arith.constant 16 : i32
        %mul3A_379 = arith.muli %scan3A_119, %mul3A_378 : i32
        %add3A_380 = arith.constant 1408 : i32
        %add3A_381 = arith.addi %add3A_380, %mul3A_379 : i32
        %get3A_382 = arith.index_cast %add3A_381 : i32 to index
        %get3A_383 = tpu.vector_load %arg35[%get3A_382] {strides = array<i32>} : memref<2048xf32, #tpu.memory_space<vmem>>, vector<16xf32>,
        %mul3A_384 = arith.constant 16 : i32
        %mul3A_385 = arith.muli %scan3A_119, %mul3A_384 : i32
        %add3A_386 = arith.constant 1536 : i32
        %add3A_387 = arith.addi %add3A_386, %mul3A_385 : i32
        %get3A_388 = arith.index_cast %add3A_387 : i32 to index
        %get3A_389 = tpu.vector_load %arg35[%get3A_388] {strides = array<i32>} : memref<2048xf32, #tpu.memory_space<vmem>>, vector<16xf32>,
        %mul3A_390 = arith.constant 16 : i32
        %mul3A_391 = arith.muli %scan3A_119, %mul3A_390 : i32
        %add3A_392 = arith.constant 1664 : i32
        %add3A_393 = arith.addi %add3A_392, %mul3A_391 : i32
        %get3A_394 = arith.index_cast %add3A_393 : i32 to index
        %get3A_395 = tpu.vector_load %arg35[%get3A_394] {strides = array<i32>} : memref<2048xf32, #tpu.memory_space<vmem>>, vector<16xf32>,
        %mul3A_396 = arith.constant 16 : i32
        %mul3A_397 = arith.muli %scan3A_119, %mul3A_396 : i32
        %add3A_398 = arith.constant 1792 : i32
        %add3A_399 = arith.addi %add3A_398, %mul3A_397 : i32
        %get3A_400 = arith.index_cast %add3A_399 : i32 to index
        %get3A_401 = tpu.vector_load %arg35[%get3A_400] {strides = array<i32>} : memref<2048xf32, #tpu.memory_space<vmem>>, vector<16xf32>,
        %mul3A_402 = arith.constant 16 : i32
        %mul3A_403 = arith.muli %scan3A_119, %mul3A_402 : i32
        %add3A_404 = arith.constant 1920 : i32
        %add3A_405 = arith.addi %add3A_404, %mul3A_403 : i32
        %get3A_406 = arith.index_cast %add3A_405 : i32 to index
        %get3A_407 = tpu.vector_load %arg35[%get3A_406] {strides = array<i32>} : memref<2048xf32, #tpu.memory_space<vmem>>, vector<16xf32>,
        %sub3A_408 = arith.subf %get3A_365, %get3A_317 : vector<16xf32>
        %mul3A_409 = arith.mulf %sub3A, %sub3A_408 : vector<16xf32>
        %add3A_410 = arith.addf %get3A_317, %mul3A_409 : vector<16xf32>
        %sub3A_411 = arith.subf %get3A_371, %get3A_323 : vector<16xf32>
        %mul3A_412 = arith.mulf %sub3A, %sub3A_411 : vector<16xf32>
        %add3A_413 = arith.addf %get3A_323, %mul3A_412 : vector<16xf32>
        %sub3A_414 = arith.subf %get3A_377, %get3A_329 : vector<16xf32>
        %mul3A_415 = arith.mulf %sub3A, %sub3A_414 : vector<16xf32>
        %add3A_416 = arith.addf %get3A_329, %mul3A_415 : vector<16xf32>
        %sub3A_417 = arith.subf %get3A_383, %get3A_335 : vector<16xf32>
        %mul3A_418 = arith.mulf %sub3A, %sub3A_417 : vector<16xf32>
        %add3A_419 = arith.addf %get3A_335, %mul3A_418 : vector<16xf32>
        %sub3A_420 = arith.subf %get3A_389, %get3A_341 : vector<16xf32>
        %mul3A_421 = arith.mulf %sub3A, %sub3A_420 : vector<16xf32>
        %add3A_422 = arith.addf %get3A_341, %mul3A_421 : vector<16xf32>
        %sub3A_423 = arith.subf %get3A_395, %get3A_347 : vector<16xf32>
        %mul3A_424 = arith.mulf %sub3A, %sub3A_423 : vector<16xf32>
        %add3A_425 = arith.addf %get3A_347, %mul3A_424 : vector<16xf32>
        %sub3A_426 = arith.subf %get3A_401, %get3A_353 : vector<16xf32>
        %mul3A_427 = arith.mulf %sub3A, %sub3A_426 : vector<16xf32>
        %add3A_428 = arith.addf %get3A_353, %mul3A_427 : vector<16xf32>
        %sub3A_429 = arith.subf %get3A_407, %get3A_359 : vector<16xf32>
        %mul3A_430 = arith.mulf %sub3A, %sub3A_429 : vector<16xf32>
        %add3A_431 = arith.addf %get3A_359, %mul3A_430 : vector<16xf32>
        %sub3A_432 = arith.subf %add3A_422, %add3A_410 : vector<16xf32>
        %mul3A_433 = arith.mulf %sub3A_142, %sub3A_432 : vector<16xf32>
        %add3A_434 = arith.addf %add3A_410, %mul3A_433 : vector<16xf32>
        %sub3A_435 = arith.subf %add3A_425, %add3A_413 : vector<16xf32>
        %mul3A_436 = arith.mulf %sub3A_142, %sub3A_435 : vector<16xf32>
        %add3A_437 = arith.addf %add3A_413, %mul3A_436 : vector<16xf32>
        %sub3A_438 = arith.subf %add3A_428, %add3A_416 : vector<16xf32>
        %mul3A_439 = arith.mulf %sub3A_142, %sub3A_438 : vector<16xf32>
        %add3A_440 = arith.addf %add3A_416, %mul3A_439 : vector<16xf32>
        %sub3A_441 = arith.subf %add3A_431, %add3A_419 : vector<16xf32>
        %mul3A_442 = arith.mulf %sub3A_142, %sub3A_441 : vector<16xf32>
        %add3A_443 = arith.addf %add3A_419, %mul3A_442 : vector<16xf32>
        %sub3A_444 = arith.subf %add3A_440, %add3A_434 : vector<16xf32>
        %mul3A_445 = arith.mulf %sub3A_154, %sub3A_444 : vector<16xf32>
        %add3A_446 = arith.addf %add3A_434, %mul3A_445 : vector<16xf32>
        %sub3A_447 = arith.subf %add3A_443, %add3A_437 : vector<16xf32>
        %mul3A_448 = arith.mulf %sub3A_154, %sub3A_447 : vector<16xf32>
        %add3A_449 = arith.addf %add3A_437, %mul3A_448 : vector<16xf32>
        %sub3A_450 = arith.subf %add3A_449, %add3A_446 : vector<16xf32>
        %mul3A_451 = arith.mulf %sub3A_166, %sub3A_450 : vector<16xf32>
        %add3A_452 = arith.addf %add3A_446, %mul3A_451 : vector<16xf32>
        %swap3A_453 = arith.constant 11 : i32
        %swap3A_454 = arith.index_cast %swap3A_453 : i32 to index
        %swap3A_455 = arith.index_cast %mul3A_168 : i32 to index
        %swap3A_456 = tpu.vector_load %arg36[%swap3A_454, %swap3A_455] {strides = array<i32>} : memref<12x128xf32, #tpu.memory_space<vmem>>, vector<16xf32>,
        tpu.vector_store %arg36[%swap3A_454, %swap3A_455], %add3A_452 {strides = array<i32>} : memref<12x128xf32, #tpu.memory_space<vmem>>, vector<16xf32>,
      }
      %scan3A_107 = arith.constant 8 : i32
      %run_scoped3A = arith.constant 0 : i32
      "tpu.region"() ({
        %run_scoped3A_119 = tpu.sem_alloc : memref<!tpu.dma_semaphore, #tpu.memory_space<semaphore_mem>>
        %dma_start3A_120 = arith.constant 0 : i32
        %dma_start3A_121 = tpu.memref_slice %arg36[%run_scoped3A, %dma_start3A_120] : memref<12x128xf32, #tpu.memory_space<vmem>> -> memref<1x128xf32, #tpu.memory_space<vmem>>
        %dma_start3A_122 = tpu.memref_squeeze %dma_start3A_121 : memref<1x128xf32, #tpu.memory_space<vmem>> -> memref<128xf32, #tpu.memory_space<vmem>>
        %dma_start3A_123 = tpu.memref_slice %arg15[%add3A_11] : memref<262144xf32, #tpu.memory_space<hbm>> -> memref<128xf32, #tpu.memory_space<hbm>>
        %dma_start3A_124 = tpu.memref_slice %arg15[%add3A_11] : memref<262144xf32, #tpu.memory_space<hbm>> -> memref<128xf32, #tpu.memory_space<hbm>>
        %dma_start3A_125 = arith.constant 0 : i32
        %dma_start3A_126 = tpu.memref_slice %arg36[%run_scoped3A, %dma_start3A_125] : memref<12x128xf32, #tpu.memory_space<vmem>> -> memref<1x128xf32, #tpu.memory_space<vmem>>
        %dma_start3A_127 = tpu.memref_squeeze %dma_start3A_126 : memref<1x128xf32, #tpu.memory_space<vmem>> -> memref<128xf32, #tpu.memory_space<vmem>>
        tpu.enqueue_dma source(%dma_start3A_127 : memref<128xf32, #tpu.memory_space<vmem>>) target(%dma_start3A_124 : memref<128xf32, #tpu.memory_space<hbm>>) target_semaphore(%run_scoped3A_119 : memref<!tpu.dma_semaphore, #tpu.memory_space<semaphore_mem>>)
        %dma_wait3A_128 = arith.constant 0 : i32
        %dma_wait3A_129 = tpu.memref_slice %arg36[%run_scoped3A, %dma_wait3A_128] : memref<12x128xf32, #tpu.memory_space<vmem>> -> memref<1x128xf32, #tpu.memory_space<vmem>>
        %dma_wait3A_130 = tpu.memref_squeeze %dma_wait3A_129 : memref<1x128xf32, #tpu.memory_space<vmem>> -> memref<128xf32, #tpu.memory_space<vmem>>
        %dma_wait3A_131 = tpu.memref_slice %arg15[%add3A_11] : memref<262144xf32, #tpu.memory_space<hbm>> -> memref<128xf32, #tpu.memory_space<hbm>>
        %dma_wait3A_132 = tpu.memref_slice %arg15[%add3A_11] : memref<262144xf32, #tpu.memory_space<hbm>> -> memref<128xf32, #tpu.memory_space<hbm>>
        %dma_wait3A_133 = arith.constant 0 : i32
        %dma_wait3A_134 = tpu.memref_slice %arg36[%run_scoped3A, %dma_wait3A_133] : memref<12x128xf32, #tpu.memory_space<vmem>> -> memref<1x128xf32, #tpu.memory_space<vmem>>
        %dma_wait3A_135 = tpu.memref_squeeze %dma_wait3A_134 : memref<1x128xf32, #tpu.memory_space<vmem>> -> memref<128xf32, #tpu.memory_space<vmem>>
        tpu.wait_dma2 semaphore(%run_scoped3A_119 : memref<!tpu.dma_semaphore, #tpu.memory_space<semaphore_mem>>) src(%dma_wait3A_135 : memref<128xf32, #tpu.memory_space<vmem>>) dst(%dma_wait3A_132 : memref<128xf32, #tpu.memory_space<hbm>>)
        tpu.yield
      }) : () -> ()
      %run_scoped3A_108 = arith.constant 1 : i32
      "tpu.region"() ({
        %run_scoped3A_119 = tpu.sem_alloc : memref<!tpu.dma_semaphore, #tpu.memory_space<semaphore_mem>>
        %dma_start3A_120 = arith.constant 0 : i32
        %dma_start3A_121 = tpu.memref_slice %arg36[%run_scoped3A_108, %dma_start3A_120] : memref<12x128xf32, #tpu.memory_space<vmem>> -> memref<1x128xf32, #tpu.memory_space<vmem>>
        %dma_start3A_122 = tpu.memref_squeeze %dma_start3A_121 : memref<1x128xf32, #tpu.memory_space<vmem>> -> memref<128xf32, #tpu.memory_space<vmem>>
        %dma_start3A_123 = tpu.memref_slice %arg16[%add3A_11] : memref<262144xf32, #tpu.memory_space<hbm>> -> memref<128xf32, #tpu.memory_space<hbm>>
        %dma_start3A_124 = tpu.memref_slice %arg16[%add3A_11] : memref<262144xf32, #tpu.memory_space<hbm>> -> memref<128xf32, #tpu.memory_space<hbm>>
        %dma_start3A_125 = arith.constant 0 : i32
        %dma_start3A_126 = tpu.memref_slice %arg36[%run_scoped3A_108, %dma_start3A_125] : memref<12x128xf32, #tpu.memory_space<vmem>> -> memref<1x128xf32, #tpu.memory_space<vmem>>
        %dma_start3A_127 = tpu.memref_squeeze %dma_start3A_126 : memref<1x128xf32, #tpu.memory_space<vmem>> -> memref<128xf32, #tpu.memory_space<vmem>>
        tpu.enqueue_dma source(%dma_start3A_127 : memref<128xf32, #tpu.memory_space<vmem>>) target(%dma_start3A_124 : memref<128xf32, #tpu.memory_space<hbm>>) target_semaphore(%run_scoped3A_119 : memref<!tpu.dma_semaphore, #tpu.memory_space<semaphore_mem>>)
        %dma_wait3A_128 = arith.constant 0 : i32
        %dma_wait3A_129 = tpu.memref_slice %arg36[%run_scoped3A_108, %dma_wait3A_128] : memref<12x128xf32, #tpu.memory_space<vmem>> -> memref<1x128xf32, #tpu.memory_space<vmem>>
        %dma_wait3A_130 = tpu.memref_squeeze %dma_wait3A_129 : memref<1x128xf32, #tpu.memory_space<vmem>> -> memref<128xf32, #tpu.memory_space<vmem>>
        %dma_wait3A_131 = tpu.memref_slice %arg16[%add3A_11] : memref<262144xf32, #tpu.memory_space<hbm>> -> memref<128xf32, #tpu.memory_space<hbm>>
        %dma_wait3A_132 = tpu.memref_slice %arg16[%add3A_11] : memref<262144xf32, #tpu.memory_space<hbm>> -> memref<128xf32, #tpu.memory_space<hbm>>
        %dma_wait3A_133 = arith.constant 0 : i32
        %dma_wait3A_134 = tpu.memref_slice %arg36[%run_scoped3A_108, %dma_wait3A_133] : memref<12x128xf32, #tpu.memory_space<vmem>> -> memref<1x128xf32, #tpu.memory_space<vmem>>
        %dma_wait3A_135 = tpu.memref_squeeze %dma_wait3A_134 : memref<1x128xf32, #tpu.memory_space<vmem>> -> memref<128xf32, #tpu.memory_space<vmem>>
        tpu.wait_dma2 semaphore(%run_scoped3A_119 : memref<!tpu.dma_semaphore, #tpu.memory_space<semaphore_mem>>) src(%dma_wait3A_135 : memref<128xf32, #tpu.memory_space<vmem>>) dst(%dma_wait3A_132 : memref<128xf32, #tpu.memory_space<hbm>>)
        tpu.yield
      }) : () -> ()
      %run_scoped3A_109 = arith.constant 2 : i32
      "tpu.region"() ({
        %run_scoped3A_119 = tpu.sem_alloc : memref<!tpu.dma_semaphore, #tpu.memory_space<semaphore_mem>>
        %dma_start3A_120 = arith.constant 0 : i32
        %dma_start3A_121 = tpu.memref_slice %arg36[%run_scoped3A_109, %dma_start3A_120] : memref<12x128xf32, #tpu.memory_space<vmem>> -> memref<1x128xf32, #tpu.memory_space<vmem>>
        %dma_start3A_122 = tpu.memref_squeeze %dma_start3A_121 : memref<1x128xf32, #tpu.memory_space<vmem>> -> memref<128xf32, #tpu.memory_space<vmem>>
        %dma_start3A_123 = tpu.memref_slice %arg17[%add3A_11] : memref<262144xf32, #tpu.memory_space<hbm>> -> memref<128xf32, #tpu.memory_space<hbm>>
        %dma_start3A_124 = tpu.memref_slice %arg17[%add3A_11] : memref<262144xf32, #tpu.memory_space<hbm>> -> memref<128xf32, #tpu.memory_space<hbm>>
        %dma_start3A_125 = arith.constant 0 : i32
        %dma_start3A_126 = tpu.memref_slice %arg36[%run_scoped3A_109, %dma_start3A_125] : memref<12x128xf32, #tpu.memory_space<vmem>> -> memref<1x128xf32, #tpu.memory_space<vmem>>
        %dma_start3A_127 = tpu.memref_squeeze %dma_start3A_126 : memref<1x128xf32, #tpu.memory_space<vmem>> -> memref<128xf32, #tpu.memory_space<vmem>>
        tpu.enqueue_dma source(%dma_start3A_127 : memref<128xf32, #tpu.memory_space<vmem>>) target(%dma_start3A_124 : memref<128xf32, #tpu.memory_space<hbm>>) target_semaphore(%run_scoped3A_119 : memref<!tpu.dma_semaphore, #tpu.memory_space<semaphore_mem>>)
        %dma_wait3A_128 = arith.constant 0 : i32
        %dma_wait3A_129 = tpu.memref_slice %arg36[%run_scoped3A_109, %dma_wait3A_128] : memref<12x128xf32, #tpu.memory_space<vmem>> -> memref<1x128xf32, #tpu.memory_space<vmem>>
        %dma_wait3A_130 = tpu.memref_squeeze %dma_wait3A_129 : memref<1x128xf32, #tpu.memory_space<vmem>> -> memref<128xf32, #tpu.memory_space<vmem>>
        %dma_wait3A_131 = tpu.memref_slice %arg17[%add3A_11] : memref<262144xf32, #tpu.memory_space<hbm>> -> memref<128xf32, #tpu.memory_space<hbm>>
        %dma_wait3A_132 = tpu.memref_slice %arg17[%add3A_11] : memref<262144xf32, #tpu.memory_space<hbm>> -> memref<128xf32, #tpu.memory_space<hbm>>
        %dma_wait3A_133 = arith.constant 0 : i32
        %dma_wait3A_134 = tpu.memref_slice %arg36[%run_scoped3A_109, %dma_wait3A_133] : memref<12x128xf32, #tpu.memory_space<vmem>> -> memref<1x128xf32, #tpu.memory_space<vmem>>
        %dma_wait3A_135 = tpu.memref_squeeze %dma_wait3A_134 : memref<1x128xf32, #tpu.memory_space<vmem>> -> memref<128xf32, #tpu.memory_space<vmem>>
        tpu.wait_dma2 semaphore(%run_scoped3A_119 : memref<!tpu.dma_semaphore, #tpu.memory_space<semaphore_mem>>) src(%dma_wait3A_135 : memref<128xf32, #tpu.memory_space<vmem>>) dst(%dma_wait3A_132 : memref<128xf32, #tpu.memory_space<hbm>>)
        tpu.yield
      }) : () -> ()
      %run_scoped3A_110 = arith.constant 3 : i32
      "tpu.region"() ({
        %run_scoped3A_119 = tpu.sem_alloc : memref<!tpu.dma_semaphore, #tpu.memory_space<semaphore_mem>>
        %dma_start3A_120 = arith.constant 0 : i32
        %dma_start3A_121 = tpu.memref_slice %arg36[%run_scoped3A_110, %dma_start3A_120] : memref<12x128xf32, #tpu.memory_space<vmem>> -> memref<1x128xf32, #tpu.memory_space<vmem>>
        %dma_start3A_122 = tpu.memref_squeeze %dma_start3A_121 : memref<1x128xf32, #tpu.memory_space<vmem>> -> memref<128xf32, #tpu.memory_space<vmem>>
        %dma_start3A_123 = tpu.memref_slice %arg18[%add3A_11] : memref<262144xf32, #tpu.memory_space<hbm>> -> memref<128xf32, #tpu.memory_space<hbm>>
        %dma_start3A_124 = tpu.memref_slice %arg18[%add3A_11] : memref<262144xf32, #tpu.memory_space<hbm>> -> memref<128xf32, #tpu.memory_space<hbm>>
        %dma_start3A_125 = arith.constant 0 : i32
        %dma_start3A_126 = tpu.memref_slice %arg36[%run_scoped3A_110, %dma_start3A_125] : memref<12x128xf32, #tpu.memory_space<vmem>> -> memref<1x128xf32, #tpu.memory_space<vmem>>
        %dma_start3A_127 = tpu.memref_squeeze %dma_start3A_126 : memref<1x128xf32, #tpu.memory_space<vmem>> -> memref<128xf32, #tpu.memory_space<vmem>>
        tpu.enqueue_dma source(%dma_start3A_127 : memref<128xf32, #tpu.memory_space<vmem>>) target(%dma_start3A_124 : memref<128xf32, #tpu.memory_space<hbm>>) target_semaphore(%run_scoped3A_119 : memref<!tpu.dma_semaphore, #tpu.memory_space<semaphore_mem>>)
        %dma_wait3A_128 = arith.constant 0 : i32
        %dma_wait3A_129 = tpu.memref_slice %arg36[%run_scoped3A_110, %dma_wait3A_128] : memref<12x128xf32, #tpu.memory_space<vmem>> -> memref<1x128xf32, #tpu.memory_space<vmem>>
        %dma_wait3A_130 = tpu.memref_squeeze %dma_wait3A_129 : memref<1x128xf32, #tpu.memory_space<vmem>> -> memref<128xf32, #tpu.memory_space<vmem>>
        %dma_wait3A_131 = tpu.memref_slice %arg18[%add3A_11] : memref<262144xf32, #tpu.memory_space<hbm>> -> memref<128xf32, #tpu.memory_space<hbm>>
        %dma_wait3A_132 = tpu.memref_slice %arg18[%add3A_11] : memref<262144xf32, #tpu.memory_space<hbm>> -> memref<128xf32, #tpu.memory_space<hbm>>
        %dma_wait3A_133 = arith.constant 0 : i32
        %dma_wait3A_134 = tpu.memref_slice %arg36[%run_scoped3A_110, %dma_wait3A_133] : memref<12x128xf32, #tpu.memory_space<vmem>> -> memref<1x128xf32, #tpu.memory_space<vmem>>
        %dma_wait3A_135 = tpu.memref_squeeze %dma_wait3A_134 : memref<1x128xf32, #tpu.memory_space<vmem>> -> memref<128xf32, #tpu.memory_space<vmem>>
        tpu.wait_dma2 semaphore(%run_scoped3A_119 : memref<!tpu.dma_semaphore, #tpu.memory_space<semaphore_mem>>) src(%dma_wait3A_135 : memref<128xf32, #tpu.memory_space<vmem>>) dst(%dma_wait3A_132 : memref<128xf32, #tpu.memory_space<hbm>>)
        tpu.yield
      }) : () -> ()
      %run_scoped3A_111 = arith.constant 4 : i32
      "tpu.region"() ({
        %run_scoped3A_119 = tpu.sem_alloc : memref<!tpu.dma_semaphore, #tpu.memory_space<semaphore_mem>>
        %dma_start3A_120 = arith.constant 0 : i32
        %dma_start3A_121 = tpu.memref_slice %arg36[%run_scoped3A_111, %dma_start3A_120] : memref<12x128xf32, #tpu.memory_space<vmem>> -> memref<1x128xf32, #tpu.memory_space<vmem>>
        %dma_start3A_122 = tpu.memref_squeeze %dma_start3A_121 : memref<1x128xf32, #tpu.memory_space<vmem>> -> memref<128xf32, #tpu.memory_space<vmem>>
        %dma_start3A_123 = tpu.memref_slice %arg19[%add3A_11] : memref<262144xf32, #tpu.memory_space<hbm>> -> memref<128xf32, #tpu.memory_space<hbm>>
        %dma_start3A_124 = tpu.memref_slice %arg19[%add3A_11] : memref<262144xf32, #tpu.memory_space<hbm>> -> memref<128xf32, #tpu.memory_space<hbm>>
        %dma_start3A_125 = arith.constant 0 : i32
        %dma_start3A_126 = tpu.memref_slice %arg36[%run_scoped3A_111, %dma_start3A_125] : memref<12x128xf32, #tpu.memory_space<vmem>> -> memref<1x128xf32, #tpu.memory_space<vmem>>
        %dma_start3A_127 = tpu.memref_squeeze %dma_start3A_126 : memref<1x128xf32, #tpu.memory_space<vmem>> -> memref<128xf32, #tpu.memory_space<vmem>>
        tpu.enqueue_dma source(%dma_start3A_127 : memref<128xf32, #tpu.memory_space<vmem>>) target(%dma_start3A_124 : memref<128xf32, #tpu.memory_space<hbm>>) target_semaphore(%run_scoped3A_119 : memref<!tpu.dma_semaphore, #tpu.memory_space<semaphore_mem>>)
        %dma_wait3A_128 = arith.constant 0 : i32
        %dma_wait3A_129 = tpu.memref_slice %arg36[%run_scoped3A_111, %dma_wait3A_128] : memref<12x128xf32, #tpu.memory_space<vmem>> -> memref<1x128xf32, #tpu.memory_space<vmem>>
        %dma_wait3A_130 = tpu.memref_squeeze %dma_wait3A_129 : memref<1x128xf32, #tpu.memory_space<vmem>> -> memref<128xf32, #tpu.memory_space<vmem>>
        %dma_wait3A_131 = tpu.memref_slice %arg19[%add3A_11] : memref<262144xf32, #tpu.memory_space<hbm>> -> memref<128xf32, #tpu.memory_space<hbm>>
        %dma_wait3A_132 = tpu.memref_slice %arg19[%add3A_11] : memref<262144xf32, #tpu.memory_space<hbm>> -> memref<128xf32, #tpu.memory_space<hbm>>
        %dma_wait3A_133 = arith.constant 0 : i32
        %dma_wait3A_134 = tpu.memref_slice %arg36[%run_scoped3A_111, %dma_wait3A_133] : memref<12x128xf32, #tpu.memory_space<vmem>> -> memref<1x128xf32, #tpu.memory_space<vmem>>
        %dma_wait3A_135 = tpu.memref_squeeze %dma_wait3A_134 : memref<1x128xf32, #tpu.memory_space<vmem>> -> memref<128xf32, #tpu.memory_space<vmem>>
        tpu.wait_dma2 semaphore(%run_scoped3A_119 : memref<!tpu.dma_semaphore, #tpu.memory_space<semaphore_mem>>) src(%dma_wait3A_135 : memref<128xf32, #tpu.memory_space<vmem>>) dst(%dma_wait3A_132 : memref<128xf32, #tpu.memory_space<hbm>>)
        tpu.yield
      }) : () -> ()
      %run_scoped3A_112 = arith.constant 5 : i32
      "tpu.region"() ({
        %run_scoped3A_119 = tpu.sem_alloc : memref<!tpu.dma_semaphore, #tpu.memory_space<semaphore_mem>>
        %dma_start3A_120 = arith.constant 0 : i32
        %dma_start3A_121 = tpu.memref_slice %arg36[%run_scoped3A_112, %dma_start3A_120] : memref<12x128xf32, #tpu.memory_space<vmem>> -> memref<1x128xf32, #tpu.memory_space<vmem>>
        %dma_start3A_122 = tpu.memref_squeeze %dma_start3A_121 : memref<1x128xf32, #tpu.memory_space<vmem>> -> memref<128xf32, #tpu.memory_space<vmem>>
        %dma_start3A_123 = tpu.memref_slice %arg20[%add3A_11] : memref<262144xf32, #tpu.memory_space<hbm>> -> memref<128xf32, #tpu.memory_space<hbm>>
        %dma_start3A_124 = tpu.memref_slice %arg20[%add3A_11] : memref<262144xf32, #tpu.memory_space<hbm>> -> memref<128xf32, #tpu.memory_space<hbm>>
        %dma_start3A_125 = arith.constant 0 : i32
        %dma_start3A_126 = tpu.memref_slice %arg36[%run_scoped3A_112, %dma_start3A_125] : memref<12x128xf32, #tpu.memory_space<vmem>> -> memref<1x128xf32, #tpu.memory_space<vmem>>
        %dma_start3A_127 = tpu.memref_squeeze %dma_start3A_126 : memref<1x128xf32, #tpu.memory_space<vmem>> -> memref<128xf32, #tpu.memory_space<vmem>>
        tpu.enqueue_dma source(%dma_start3A_127 : memref<128xf32, #tpu.memory_space<vmem>>) target(%dma_start3A_124 : memref<128xf32, #tpu.memory_space<hbm>>) target_semaphore(%run_scoped3A_119 : memref<!tpu.dma_semaphore, #tpu.memory_space<semaphore_mem>>)
        %dma_wait3A_128 = arith.constant 0 : i32
        %dma_wait3A_129 = tpu.memref_slice %arg36[%run_scoped3A_112, %dma_wait3A_128] : memref<12x128xf32, #tpu.memory_space<vmem>> -> memref<1x128xf32, #tpu.memory_space<vmem>>
        %dma_wait3A_130 = tpu.memref_squeeze %dma_wait3A_129 : memref<1x128xf32, #tpu.memory_space<vmem>> -> memref<128xf32, #tpu.memory_space<vmem>>
        %dma_wait3A_131 = tpu.memref_slice %arg20[%add3A_11] : memref<262144xf32, #tpu.memory_space<hbm>> -> memref<128xf32, #tpu.memory_space<hbm>>
        %dma_wait3A_132 = tpu.memref_slice %arg20[%add3A_11] : memref<262144xf32, #tpu.memory_space<hbm>> -> memref<128xf32, #tpu.memory_space<hbm>>
        %dma_wait3A_133 = arith.constant 0 : i32
        %dma_wait3A_134 = tpu.memref_slice %arg36[%run_scoped3A_112, %dma_wait3A_133] : memref<12x128xf32, #tpu.memory_space<vmem>> -> memref<1x128xf32, #tpu.memory_space<vmem>>
        %dma_wait3A_135 = tpu.memref_squeeze %dma_wait3A_134 : memref<1x128xf32, #tpu.memory_space<vmem>> -> memref<128xf32, #tpu.memory_space<vmem>>
        tpu.wait_dma2 semaphore(%run_scoped3A_119 : memref<!tpu.dma_semaphore, #tpu.memory_space<semaphore_mem>>) src(%dma_wait3A_135 : memref<128xf32, #tpu.memory_space<vmem>>) dst(%dma_wait3A_132 : memref<128xf32, #tpu.memory_space<hbm>>)
        tpu.yield
      }) : () -> ()
      %run_scoped3A_113 = arith.constant 6 : i32
      "tpu.region"() ({
        %run_scoped3A_119 = tpu.sem_alloc : memref<!tpu.dma_semaphore, #tpu.memory_space<semaphore_mem>>
        %dma_start3A_120 = arith.constant 0 : i32
        %dma_start3A_121 = tpu.memref_slice %arg36[%run_scoped3A_113, %dma_start3A_120] : memref<12x128xf32, #tpu.memory_space<vmem>> -> memref<1x128xf32, #tpu.memory_space<vmem>>
        %dma_start3A_122 = tpu.memref_squeeze %dma_start3A_121 : memref<1x128xf32, #tpu.memory_space<vmem>> -> memref<128xf32, #tpu.memory_space<vmem>>
        %dma_start3A_123 = tpu.memref_slice %arg21[%add3A_11] : memref<262144xf32, #tpu.memory_space<hbm>> -> memref<128xf32, #tpu.memory_space<hbm>>
        %dma_start3A_124 = tpu.memref_slice %arg21[%add3A_11] : memref<262144xf32, #tpu.memory_space<hbm>> -> memref<128xf32, #tpu.memory_space<hbm>>
        %dma_start3A_125 = arith.constant 0 : i32
        %dma_start3A_126 = tpu.memref_slice %arg36[%run_scoped3A_113, %dma_start3A_125] : memref<12x128xf32, #tpu.memory_space<vmem>> -> memref<1x128xf32, #tpu.memory_space<vmem>>
        %dma_start3A_127 = tpu.memref_squeeze %dma_start3A_126 : memref<1x128xf32, #tpu.memory_space<vmem>> -> memref<128xf32, #tpu.memory_space<vmem>>
        tpu.enqueue_dma source(%dma_start3A_127 : memref<128xf32, #tpu.memory_space<vmem>>) target(%dma_start3A_124 : memref<128xf32, #tpu.memory_space<hbm>>) target_semaphore(%run_scoped3A_119 : memref<!tpu.dma_semaphore, #tpu.memory_space<semaphore_mem>>)
        %dma_wait3A_128 = arith.constant 0 : i32
        %dma_wait3A_129 = tpu.memref_slice %arg36[%run_scoped3A_113, %dma_wait3A_128] : memref<12x128xf32, #tpu.memory_space<vmem>> -> memref<1x128xf32, #tpu.memory_space<vmem>>
        %dma_wait3A_130 = tpu.memref_squeeze %dma_wait3A_129 : memref<1x128xf32, #tpu.memory_space<vmem>> -> memref<128xf32, #tpu.memory_space<vmem>>
        %dma_wait3A_131 = tpu.memref_slice %arg21[%add3A_11] : memref<262144xf32, #tpu.memory_space<hbm>> -> memref<128xf32, #tpu.memory_space<hbm>>
        %dma_wait3A_132 = tpu.memref_slice %arg21[%add3A_11] : memref<262144xf32, #tpu.memory_space<hbm>> -> memref<128xf32, #tpu.memory_space<hbm>>
        %dma_wait3A_133 = arith.constant 0 : i32
        %dma_wait3A_134 = tpu.memref_slice %arg36[%run_scoped3A_113, %dma_wait3A_133] : memref<12x128xf32, #tpu.memory_space<vmem>> -> memref<1x128xf32, #tpu.memory_space<vmem>>
        %dma_wait3A_135 = tpu.memref_squeeze %dma_wait3A_134 : memref<1x128xf32, #tpu.memory_space<vmem>> -> memref<128xf32, #tpu.memory_space<vmem>>
        tpu.wait_dma2 semaphore(%run_scoped3A_119 : memref<!tpu.dma_semaphore, #tpu.memory_space<semaphore_mem>>) src(%dma_wait3A_135 : memref<128xf32, #tpu.memory_space<vmem>>) dst(%dma_wait3A_132 : memref<128xf32, #tpu.memory_space<hbm>>)
        tpu.yield
      }) : () -> ()
      %run_scoped3A_114 = arith.constant 7 : i32
      "tpu.region"() ({
        %run_scoped3A_119 = tpu.sem_alloc : memref<!tpu.dma_semaphore, #tpu.memory_space<semaphore_mem>>
        %dma_start3A_120 = arith.constant 0 : i32
        %dma_start3A_121 = tpu.memref_slice %arg36[%run_scoped3A_114, %dma_start3A_120] : memref<12x128xf32, #tpu.memory_space<vmem>> -> memref<1x128xf32, #tpu.memory_space<vmem>>
        %dma_start3A_122 = tpu.memref_squeeze %dma_start3A_121 : memref<1x128xf32, #tpu.memory_space<vmem>> -> memref<128xf32, #tpu.memory_space<vmem>>
        %dma_start3A_123 = tpu.memref_slice %arg22[%add3A_11] : memref<262144xf32, #tpu.memory_space<hbm>> -> memref<128xf32, #tpu.memory_space<hbm>>
        %dma_start3A_124 = tpu.memref_slice %arg22[%add3A_11] : memref<262144xf32, #tpu.memory_space<hbm>> -> memref<128xf32, #tpu.memory_space<hbm>>
        %dma_start3A_125 = arith.constant 0 : i32
        %dma_start3A_126 = tpu.memref_slice %arg36[%run_scoped3A_114, %dma_start3A_125] : memref<12x128xf32, #tpu.memory_space<vmem>> -> memref<1x128xf32, #tpu.memory_space<vmem>>
        %dma_start3A_127 = tpu.memref_squeeze %dma_start3A_126 : memref<1x128xf32, #tpu.memory_space<vmem>> -> memref<128xf32, #tpu.memory_space<vmem>>
        tpu.enqueue_dma source(%dma_start3A_127 : memref<128xf32, #tpu.memory_space<vmem>>) target(%dma_start3A_124 : memref<128xf32, #tpu.memory_space<hbm>>) target_semaphore(%run_scoped3A_119 : memref<!tpu.dma_semaphore, #tpu.memory_space<semaphore_mem>>)
        %dma_wait3A_128 = arith.constant 0 : i32
        %dma_wait3A_129 = tpu.memref_slice %arg36[%run_scoped3A_114, %dma_wait3A_128] : memref<12x128xf32, #tpu.memory_space<vmem>> -> memref<1x128xf32, #tpu.memory_space<vmem>>
        %dma_wait3A_130 = tpu.memref_squeeze %dma_wait3A_129 : memref<1x128xf32, #tpu.memory_space<vmem>> -> memref<128xf32, #tpu.memory_space<vmem>>
        %dma_wait3A_131 = tpu.memref_slice %arg22[%add3A_11] : memref<262144xf32, #tpu.memory_space<hbm>> -> memref<128xf32, #tpu.memory_space<hbm>>
        %dma_wait3A_132 = tpu.memref_slice %arg22[%add3A_11] : memref<262144xf32, #tpu.memory_space<hbm>> -> memref<128xf32, #tpu.memory_space<hbm>>
        %dma_wait3A_133 = arith.constant 0 : i32
        %dma_wait3A_134 = tpu.memref_slice %arg36[%run_scoped3A_114, %dma_wait3A_133] : memref<12x128xf32, #tpu.memory_space<vmem>> -> memref<1x128xf32, #tpu.memory_space<vmem>>
        %dma_wait3A_135 = tpu.memref_squeeze %dma_wait3A_134 : memref<1x128xf32, #tpu.memory_space<vmem>> -> memref<128xf32, #tpu.memory_space<vmem>>
        tpu.wait_dma2 semaphore(%run_scoped3A_119 : memref<!tpu.dma_semaphore, #tpu.memory_space<semaphore_mem>>) src(%dma_wait3A_135 : memref<128xf32, #tpu.memory_space<vmem>>) dst(%dma_wait3A_132 : memref<128xf32, #tpu.memory_space<hbm>>)
        tpu.yield
      }) : () -> ()
      %run_scoped3A_115 = arith.constant 8 : i32
      "tpu.region"() ({
        %run_scoped3A_119 = tpu.sem_alloc : memref<!tpu.dma_semaphore, #tpu.memory_space<semaphore_mem>>
        %dma_start3A_120 = arith.constant 0 : i32
        %dma_start3A_121 = tpu.memref_slice %arg36[%run_scoped3A_115, %dma_start3A_120] : memref<12x128xf32, #tpu.memory_space<vmem>> -> memref<1x128xf32, #tpu.memory_space<vmem>>
        %dma_start3A_122 = tpu.memref_squeeze %dma_start3A_121 : memref<1x128xf32, #tpu.memory_space<vmem>> -> memref<128xf32, #tpu.memory_space<vmem>>
        %dma_start3A_123 = tpu.memref_slice %arg23[%add3A_11] : memref<262144xf32, #tpu.memory_space<hbm>> -> memref<128xf32, #tpu.memory_space<hbm>>
        %dma_start3A_124 = tpu.memref_slice %arg23[%add3A_11] : memref<262144xf32, #tpu.memory_space<hbm>> -> memref<128xf32, #tpu.memory_space<hbm>>
        %dma_start3A_125 = arith.constant 0 : i32
        %dma_start3A_126 = tpu.memref_slice %arg36[%run_scoped3A_115, %dma_start3A_125] : memref<12x128xf32, #tpu.memory_space<vmem>> -> memref<1x128xf32, #tpu.memory_space<vmem>>
        %dma_start3A_127 = tpu.memref_squeeze %dma_start3A_126 : memref<1x128xf32, #tpu.memory_space<vmem>> -> memref<128xf32, #tpu.memory_space<vmem>>
        tpu.enqueue_dma source(%dma_start3A_127 : memref<128xf32, #tpu.memory_space<vmem>>) target(%dma_start3A_124 : memref<128xf32, #tpu.memory_space<hbm>>) target_semaphore(%run_scoped3A_119 : memref<!tpu.dma_semaphore, #tpu.memory_space<semaphore_mem>>)
        %dma_wait3A_128 = arith.constant 0 : i32
        %dma_wait3A_129 = tpu.memref_slice %arg36[%run_scoped3A_115, %dma_wait3A_128] : memref<12x128xf32, #tpu.memory_space<vmem>> -> memref<1x128xf32, #tpu.memory_space<vmem>>
        %dma_wait3A_130 = tpu.memref_squeeze %dma_wait3A_129 : memref<1x128xf32, #tpu.memory_space<vmem>> -> memref<128xf32, #tpu.memory_space<vmem>>
        %dma_wait3A_131 = tpu.memref_slice %arg23[%add3A_11] : memref<262144xf32, #tpu.memory_space<hbm>> -> memref<128xf32, #tpu.memory_space<hbm>>
        %dma_wait3A_132 = tpu.memref_slice %arg23[%add3A_11] : memref<262144xf32, #tpu.memory_space<hbm>> -> memref<128xf32, #tpu.memory_space<hbm>>
        %dma_wait3A_133 = arith.constant 0 : i32
        %dma_wait3A_134 = tpu.memref_slice %arg36[%run_scoped3A_115, %dma_wait3A_133] : memref<12x128xf32, #tpu.memory_space<vmem>> -> memref<1x128xf32, #tpu.memory_space<vmem>>
        %dma_wait3A_135 = tpu.memref_squeeze %dma_wait3A_134 : memref<1x128xf32, #tpu.memory_space<vmem>> -> memref<128xf32, #tpu.memory_space<vmem>>
        tpu.wait_dma2 semaphore(%run_scoped3A_119 : memref<!tpu.dma_semaphore, #tpu.memory_space<semaphore_mem>>) src(%dma_wait3A_135 : memref<128xf32, #tpu.memory_space<vmem>>) dst(%dma_wait3A_132 : memref<128xf32, #tpu.memory_space<hbm>>)
        tpu.yield
      }) : () -> ()
      %run_scoped3A_116 = arith.constant 9 : i32
      "tpu.region"() ({
        %run_scoped3A_119 = tpu.sem_alloc : memref<!tpu.dma_semaphore, #tpu.memory_space<semaphore_mem>>
        %dma_start3A_120 = arith.constant 0 : i32
        %dma_start3A_121 = tpu.memref_slice %arg36[%run_scoped3A_116, %dma_start3A_120] : memref<12x128xf32, #tpu.memory_space<vmem>> -> memref<1x128xf32, #tpu.memory_space<vmem>>
        %dma_start3A_122 = tpu.memref_squeeze %dma_start3A_121 : memref<1x128xf32, #tpu.memory_space<vmem>> -> memref<128xf32, #tpu.memory_space<vmem>>
        %dma_start3A_123 = tpu.memref_slice %arg24[%add3A_11] : memref<262144xf32, #tpu.memory_space<hbm>> -> memref<128xf32, #tpu.memory_space<hbm>>
        %dma_start3A_124 = tpu.memref_slice %arg24[%add3A_11] : memref<262144xf32, #tpu.memory_space<hbm>> -> memref<128xf32, #tpu.memory_space<hbm>>
        %dma_start3A_125 = arith.constant 0 : i32
        %dma_start3A_126 = tpu.memref_slice %arg36[%run_scoped3A_116, %dma_start3A_125] : memref<12x128xf32, #tpu.memory_space<vmem>> -> memref<1x128xf32, #tpu.memory_space<vmem>>
        %dma_start3A_127 = tpu.memref_squeeze %dma_start3A_126 : memref<1x128xf32, #tpu.memory_space<vmem>> -> memref<128xf32, #tpu.memory_space<vmem>>
        tpu.enqueue_dma source(%dma_start3A_127 : memref<128xf32, #tpu.memory_space<vmem>>) target(%dma_start3A_124 : memref<128xf32, #tpu.memory_space<hbm>>) target_semaphore(%run_scoped3A_119 : memref<!tpu.dma_semaphore, #tpu.memory_space<semaphore_mem>>)
        %dma_wait3A_128 = arith.constant 0 : i32
        %dma_wait3A_129 = tpu.memref_slice %arg36[%run_scoped3A_116, %dma_wait3A_128] : memref<12x128xf32, #tpu.memory_space<vmem>> -> memref<1x128xf32, #tpu.memory_space<vmem>>
        %dma_wait3A_130 = tpu.memref_squeeze %dma_wait3A_129 : memref<1x128xf32, #tpu.memory_space<vmem>> -> memref<128xf32, #tpu.memory_space<vmem>>
        %dma_wait3A_131 = tpu.memref_slice %arg24[%add3A_11] : memref<262144xf32, #tpu.memory_space<hbm>> -> memref<128xf32, #tpu.memory_space<hbm>>
        %dma_wait3A_132 = tpu.memref_slice %arg24[%add3A_11] : memref<262144xf32, #tpu.memory_space<hbm>> -> memref<128xf32, #tpu.memory_space<hbm>>
        %dma_wait3A_133 = arith.constant 0 : i32
        %dma_wait3A_134 = tpu.memref_slice %arg36[%run_scoped3A_116, %dma_wait3A_133] : memref<12x128xf32, #tpu.memory_space<vmem>> -> memref<1x128xf32, #tpu.memory_space<vmem>>
        %dma_wait3A_135 = tpu.memref_squeeze %dma_wait3A_134 : memref<1x128xf32, #tpu.memory_space<vmem>> -> memref<128xf32, #tpu.memory_space<vmem>>
        tpu.wait_dma2 semaphore(%run_scoped3A_119 : memref<!tpu.dma_semaphore, #tpu.memory_space<semaphore_mem>>) src(%dma_wait3A_135 : memref<128xf32, #tpu.memory_space<vmem>>) dst(%dma_wait3A_132 : memref<128xf32, #tpu.memory_space<hbm>>)
        tpu.yield
      }) : () -> ()
      %run_scoped3A_117 = arith.constant 10 : i32
      "tpu.region"() ({
        %run_scoped3A_119 = tpu.sem_alloc : memref<!tpu.dma_semaphore, #tpu.memory_space<semaphore_mem>>
        %dma_start3A_120 = arith.constant 0 : i32
        %dma_start3A_121 = tpu.memref_slice %arg36[%run_scoped3A_117, %dma_start3A_120] : memref<12x128xf32, #tpu.memory_space<vmem>> -> memref<1x128xf32, #tpu.memory_space<vmem>>
        %dma_start3A_122 = tpu.memref_squeeze %dma_start3A_121 : memref<1x128xf32, #tpu.memory_space<vmem>> -> memref<128xf32, #tpu.memory_space<vmem>>
        %dma_start3A_123 = tpu.memref_slice %arg25[%add3A_11] : memref<262144xf32, #tpu.memory_space<hbm>> -> memref<128xf32, #tpu.memory_space<hbm>>
        %dma_start3A_124 = tpu.memref_slice %arg25[%add3A_11] : memref<262144xf32, #tpu.memory_space<hbm>> -> memref<128xf32, #tpu.memory_space<hbm>>
        %dma_start3A_125 = arith.constant 0 : i32
        %dma_start3A_126 = tpu.memref_slice %arg36[%run_scoped3A_117, %dma_start3A_125] : memref<12x128xf32, #tpu.memory_space<vmem>> -> memref<1x128xf32, #tpu.memory_space<vmem>>
        %dma_start3A_127 = tpu.memref_squeeze %dma_start3A_126 : memref<1x128xf32, #tpu.memory_space<vmem>> -> memref<128xf32, #tpu.memory_space<vmem>>
        tpu.enqueue_dma source(%dma_start3A_127 : memref<128xf32, #tpu.memory_space<vmem>>) target(%dma_start3A_124 : memref<128xf32, #tpu.memory_space<hbm>>) target_semaphore(%run_scoped3A_119 : memref<!tpu.dma_semaphore, #tpu.memory_space<semaphore_mem>>)
        %dma_wait3A_128 = arith.constant 0 : i32
        %dma_wait3A_129 = tpu.memref_slice %arg36[%run_scoped3A_117, %dma_wait3A_128] : memref<12x128xf32, #tpu.memory_space<vmem>> -> memref<1x128xf32, #tpu.memory_space<vmem>>
        %dma_wait3A_130 = tpu.memref_squeeze %dma_wait3A_129 : memref<1x128xf32, #tpu.memory_space<vmem>> -> memref<128xf32, #tpu.memory_space<vmem>>
        %dma_wait3A_131 = tpu.memref_slice %arg25[%add3A_11] : memref<262144xf32, #tpu.memory_space<hbm>> -> memref<128xf32, #tpu.memory_space<hbm>>
        %dma_wait3A_132 = tpu.memref_slice %arg25[%add3A_11] : memref<262144xf32, #tpu.memory_space<hbm>> -> memref<128xf32, #tpu.memory_space<hbm>>
        %dma_wait3A_133 = arith.constant 0 : i32
        %dma_wait3A_134 = tpu.memref_slice %arg36[%run_scoped3A_117, %dma_wait3A_133] : memref<12x128xf32, #tpu.memory_space<vmem>> -> memref<1x128xf32, #tpu.memory_space<vmem>>
        %dma_wait3A_135 = tpu.memref_squeeze %dma_wait3A_134 : memref<1x128xf32, #tpu.memory_space<vmem>> -> memref<128xf32, #tpu.memory_space<vmem>>
        tpu.wait_dma2 semaphore(%run_scoped3A_119 : memref<!tpu.dma_semaphore, #tpu.memory_space<semaphore_mem>>) src(%dma_wait3A_135 : memref<128xf32, #tpu.memory_space<vmem>>) dst(%dma_wait3A_132 : memref<128xf32, #tpu.memory_space<hbm>>)
        tpu.yield
      }) : () -> ()
      %run_scoped3A_118 = arith.constant 11 : i32
      "tpu.region"() ({
        %run_scoped3A_119 = tpu.sem_alloc : memref<!tpu.dma_semaphore, #tpu.memory_space<semaphore_mem>>
        %dma_start3A_120 = arith.constant 0 : i32
        %dma_start3A_121 = tpu.memref_slice %arg36[%run_scoped3A_118, %dma_start3A_120] : memref<12x128xf32, #tpu.memory_space<vmem>> -> memref<1x128xf32, #tpu.memory_space<vmem>>
        %dma_start3A_122 = tpu.memref_squeeze %dma_start3A_121 : memref<1x128xf32, #tpu.memory_space<vmem>> -> memref<128xf32, #tpu.memory_space<vmem>>
        %dma_start3A_123 = tpu.memref_slice %arg26[%add3A_11] : memref<262144xf32, #tpu.memory_space<hbm>> -> memref<128xf32, #tpu.memory_space<hbm>>
        %dma_start3A_124 = tpu.memref_slice %arg26[%add3A_11] : memref<262144xf32, #tpu.memory_space<hbm>> -> memref<128xf32, #tpu.memory_space<hbm>>
        %dma_start3A_125 = arith.constant 0 : i32
        %dma_start3A_126 = tpu.memref_slice %arg36[%run_scoped3A_118, %dma_start3A_125] : memref<12x128xf32, #tpu.memory_space<vmem>> -> memref<1x128xf32, #tpu.memory_space<vmem>>
        %dma_start3A_127 = tpu.memref_squeeze %dma_start3A_126 : memref<1x128xf32, #tpu.memory_space<vmem>> -> memref<128xf32, #tpu.memory_space<vmem>>
        tpu.enqueue_dma source(%dma_start3A_127 : memref<128xf32, #tpu.memory_space<vmem>>) target(%dma_start3A_124 : memref<128xf32, #tpu.memory_space<hbm>>) target_semaphore(%run_scoped3A_119 : memref<!tpu.dma_semaphore, #tpu.memory_space<semaphore_mem>>)
        %dma_wait3A_128 = arith.constant 0 : i32
        %dma_wait3A_129 = tpu.memref_slice %arg36[%run_scoped3A_118, %dma_wait3A_128] : memref<12x128xf32, #tpu.memory_space<vmem>> -> memref<1x128xf32, #tpu.memory_space<vmem>>
        %dma_wait3A_130 = tpu.memref_squeeze %dma_wait3A_129 : memref<1x128xf32, #tpu.memory_space<vmem>> -> memref<128xf32, #tpu.memory_space<vmem>>
        %dma_wait3A_131 = tpu.memref_slice %arg26[%add3A_11] : memref<262144xf32, #tpu.memory_space<hbm>> -> memref<128xf32, #tpu.memory_space<hbm>>
        %dma_wait3A_132 = tpu.memref_slice %arg26[%add3A_11] : memref<262144xf32, #tpu.memory_space<hbm>> -> memref<128xf32, #tpu.memory_space<hbm>>
        %dma_wait3A_133 = arith.constant 0 : i32
        %dma_wait3A_134 = tpu.memref_slice %arg36[%run_scoped3A_118, %dma_wait3A_133] : memref<12x128xf32, #tpu.memory_space<vmem>> -> memref<1x128xf32, #tpu.memory_space<vmem>>
        %dma_wait3A_135 = tpu.memref_squeeze %dma_wait3A_134 : memref<1x128xf32, #tpu.memory_space<vmem>> -> memref<128xf32, #tpu.memory_space<vmem>>
        tpu.wait_dma2 semaphore(%run_scoped3A_119 : memref<!tpu.dma_semaphore, #tpu.memory_space<semaphore_mem>>) src(%dma_wait3A_135 : memref<128xf32, #tpu.memory_space<vmem>>) dst(%dma_wait3A_132 : memref<128xf32, #tpu.memory_space<hbm>>)
        tpu.yield
      }) : () -> ()
      "tpu.region"() ({
        %run_scoped3A_119 = tpu.sem_alloc : memref<!tpu.dma_semaphore, #tpu.memory_space<semaphore_mem>>
        %dma_start3A_120 = tpu.memref_slice %arg27[%add3A_11] : memref<262144xi32, #tpu.memory_space<hbm>> -> memref<128xi32, #tpu.memory_space<hbm>>
        %dma_start3A_121 = tpu.memref_slice %arg27[%add3A_11] : memref<262144xi32, #tpu.memory_space<hbm>> -> memref<128xi32, #tpu.memory_space<hbm>>
        tpu.enqueue_dma source(%arg37 : memref<128xi32, #tpu.memory_space<vmem>>) target(%dma_start3A_121 : memref<128xi32, #tpu.memory_space<hbm>>) target_semaphore(%run_scoped3A_119 : memref<!tpu.dma_semaphore, #tpu.memory_space<semaphore_mem>>)
        %dma_wait3A_122 = tpu.memref_slice %arg27[%add3A_11] : memref<262144xi32, #tpu.memory_space<hbm>> -> memref<128xi32, #tpu.memory_space<hbm>>
        %dma_wait3A_123 = tpu.memref_slice %arg27[%add3A_11] : memref<262144xi32, #tpu.memory_space<hbm>> -> memref<128xi32, #tpu.memory_space<hbm>>
        tpu.wait_dma2 semaphore(%run_scoped3A_119 : memref<!tpu.dma_semaphore, #tpu.memory_space<semaphore_mem>>) src(%arg37 : memref<128xi32, #tpu.memory_space<vmem>>) dst(%dma_wait3A_123 : memref<128xi32, #tpu.memory_space<hbm>>)
        tpu.yield
      }) : () -> ()
    }
    %scan3A_7 = arith.constant 64 : i32
    return
  }
}

module attributes {stable_mosaic.version = 14 : i64} {
  func.func @_tc_split_body(%arg0: i32, %arg1: memref<4096x2xf32, #tpu.memory_space<vmem>>, %arg2: memref<4096xf32, #tpu.memory_space<vmem>>, %arg3: memref<4096xf32, #tpu.memory_space<vmem>>) attributes {dimension_semantics = [#tpu.dimension_semantics<arbitrary>], iteration_bounds = array<i64: 1000>, scalar_prefetch = 0 : i64, scratch_operands = 0 : i64, tpu.core_type = #tpu.core_type<tc>, window_params = [{transform_indices = @transform_0, window_bounds = array<i64: 4096, 2>}, {transform_indices = @transform_1, window_bounds = array<i64: 4096>}, {transform_indices = @transform_2, window_bounds = array<i64: 4096>}]} {
    %get3A = arith.constant 0 : index
    %get3A_0 = arith.constant 0 : index
    %get3A_1 = vector.load %arg1[%get3A, %get3A_0] : memref<4096x2xf32, #tpu.memory_space<vmem>>, vector<4096x2xf32>
    %slice3A = vector.extract_strided_slice %get3A_1 {offsets = [0, 0], sizes = [4096, 1], strides = [1, 1]} : vector<4096x2xf32> to vector<4096x1xf32>
    %squeeze3A = vector.shape_cast %slice3A : vector<4096x1xf32> to vector<4096xf32>
    %swap3A = arith.constant 0 : index
    %swap3A_2 = vector.load %arg2[%swap3A] : memref<4096xf32, #tpu.memory_space<vmem>>, vector<4096xf32>
    tpu.vector_store %arg2[%swap3A], %squeeze3A {strides = array<i32>} : memref<4096xf32, #tpu.memory_space<vmem>>, vector<4096xf32>,
    %slice3A_3 = vector.extract_strided_slice %get3A_1 {offsets = [0, 1], sizes = [4096, 1], strides = [1, 1]} : vector<4096x2xf32> to vector<4096x1xf32>
    %squeeze3A_4 = vector.shape_cast %slice3A_3 : vector<4096x1xf32> to vector<4096xf32>
    %swap3A_5 = arith.constant 0 : index
    %swap3A_6 = vector.load %arg3[%swap3A_5] : memref<4096xf32, #tpu.memory_space<vmem>>, vector<4096xf32>
    tpu.vector_store %arg3[%swap3A_5], %squeeze3A_4 {strides = array<i32>} : memref<4096xf32, #tpu.memory_space<vmem>>, vector<4096xf32>,
    return
  }
  func.func @transform_0(%arg0: i32) -> (i32, i32) {
    %c0_i32 = arith.constant 0 : i32
    %c0_i32_0 = arith.constant 0 : i32
    return %arg0, %c0_i32 : i32, i32
  }
  func.func @transform_1(%arg0: i32) -> i32 {
    %c0_i32 = arith.constant 0 : i32
    return %arg0 : i32
  }
  func.func @transform_2(%arg0: i32) -> i32 {
    %c0_i32 = arith.constant 0 : i32
    return %arg0 : i32
  }
}

module attributes {stable_mosaic.version = 14 : i64} {
  func.func @_tc_split_body(%arg0: i32, %arg1: memref<4096x2xf32, #tpu.memory_space<vmem>>, %arg2: memref<4096xf32, #tpu.memory_space<vmem>>, %arg3: memref<4096xf32, #tpu.memory_space<vmem>>) attributes {dimension_semantics = [#tpu.dimension_semantics<arbitrary>], iteration_bounds = array<i64: 512>, scalar_prefetch = 0 : i64, scratch_operands = 0 : i64, tpu.core_type = #tpu.core_type<tc>, window_params = [{transform_indices = @transform_0, window_bounds = array<i64: 4096, 2>}, {transform_indices = @transform_1, window_bounds = array<i64: 4096>}, {transform_indices = @transform_2, window_bounds = array<i64: 4096>}]} {
    %get3A = arith.constant 0 : index
    %get3A_0 = arith.constant 0 : index
    %get3A_1 = vector.load %arg1[%get3A, %get3A_0] : memref<4096x2xf32, #tpu.memory_space<vmem>>, vector<4096x2xf32>
    %slice3A = vector.extract_strided_slice %get3A_1 {offsets = [0, 0], sizes = [4096, 1], strides = [1, 1]} : vector<4096x2xf32> to vector<4096x1xf32>
    %squeeze3A = vector.shape_cast %slice3A : vector<4096x1xf32> to vector<4096xf32>
    %swap3A = arith.constant 0 : index
    %swap3A_2 = vector.load %arg2[%swap3A] : memref<4096xf32, #tpu.memory_space<vmem>>, vector<4096xf32>
    tpu.vector_store %arg2[%swap3A], %squeeze3A {strides = array<i32>} : memref<4096xf32, #tpu.memory_space<vmem>>, vector<4096xf32>,
    %slice3A_3 = vector.extract_strided_slice %get3A_1 {offsets = [0, 1], sizes = [4096, 1], strides = [1, 1]} : vector<4096x2xf32> to vector<4096x1xf32>
    %squeeze3A_4 = vector.shape_cast %slice3A_3 : vector<4096x1xf32> to vector<4096xf32>
    %swap3A_5 = arith.constant 0 : index
    %swap3A_6 = vector.load %arg3[%swap3A_5] : memref<4096xf32, #tpu.memory_space<vmem>>, vector<4096xf32>
    tpu.vector_store %arg3[%swap3A_5], %squeeze3A_4 {strides = array<i32>} : memref<4096xf32, #tpu.memory_space<vmem>>, vector<4096xf32>,
    return
  }
  func.func @transform_0(%arg0: i32) -> (i32, i32) {
    %c0_i32 = arith.constant 0 : i32
    %c0_i32_0 = arith.constant 0 : i32
    return %arg0, %c0_i32 : i32, i32
  }
  func.func @transform_1(%arg0: i32) -> i32 {
    %c0_i32 = arith.constant 0 : i32
    return %arg0 : i32
  }
  func.func @transform_2(%arg0: i32) -> i32 {
    %c0_i32 = arith.constant 0 : i32
    return %arg0 : i32
  }
}

module attributes {stable_mosaic.version = 14 : i64} {
  func.func @_tc_split_body(%arg0: i32, %arg1: memref<4096x2xf32, #tpu.memory_space<vmem>>, %arg2: memref<4096xf32, #tpu.memory_space<vmem>>, %arg3: memref<4096xf32, #tpu.memory_space<vmem>>) attributes {dimension_semantics = [#tpu.dimension_semantics<arbitrary>], iteration_bounds = array<i64: 108>, scalar_prefetch = 0 : i64, scratch_operands = 0 : i64, tpu.core_type = #tpu.core_type<tc>, window_params = [{transform_indices = @transform_0, window_bounds = array<i64: 4096, 2>}, {transform_indices = @transform_1, window_bounds = array<i64: 4096>}, {transform_indices = @transform_2, window_bounds = array<i64: 4096>}]} {
    %get3A = arith.constant 0 : index
    %get3A_0 = arith.constant 0 : index
    %get3A_1 = vector.load %arg1[%get3A, %get3A_0] : memref<4096x2xf32, #tpu.memory_space<vmem>>, vector<4096x2xf32>
    %slice3A = vector.extract_strided_slice %get3A_1 {offsets = [0, 0], sizes = [4096, 1], strides = [1, 1]} : vector<4096x2xf32> to vector<4096x1xf32>
    %squeeze3A = vector.shape_cast %slice3A : vector<4096x1xf32> to vector<4096xf32>
    %swap3A = arith.constant 0 : index
    %swap3A_2 = vector.load %arg2[%swap3A] : memref<4096xf32, #tpu.memory_space<vmem>>, vector<4096xf32>
    tpu.vector_store %arg2[%swap3A], %squeeze3A {strides = array<i32>} : memref<4096xf32, #tpu.memory_space<vmem>>, vector<4096xf32>,
    %slice3A_3 = vector.extract_strided_slice %get3A_1 {offsets = [0, 1], sizes = [4096, 1], strides = [1, 1]} : vector<4096x2xf32> to vector<4096x1xf32>
    %squeeze3A_4 = vector.shape_cast %slice3A_3 : vector<4096x1xf32> to vector<4096xf32>
    %swap3A_5 = arith.constant 0 : index
    %swap3A_6 = vector.load %arg3[%swap3A_5] : memref<4096xf32, #tpu.memory_space<vmem>>, vector<4096xf32>
    tpu.vector_store %arg3[%swap3A_5], %squeeze3A_4 {strides = array<i32>} : memref<4096xf32, #tpu.memory_space<vmem>>, vector<4096xf32>,
    return
  }
  func.func @transform_0(%arg0: i32) -> (i32, i32) {
    %c0_i32 = arith.constant 0 : i32
    %c0_i32_0 = arith.constant 0 : i32
    return %arg0, %c0_i32 : i32, i32
  }
  func.func @transform_1(%arg0: i32) -> i32 {
    %c0_i32 = arith.constant 0 : i32
    return %arg0 : i32
  }
  func.func @transform_2(%arg0: i32) -> i32 {
    %c0_i32 = arith.constant 0 : i32
    return %arg0 : i32
  }
}

module attributes {stable_mosaic.version = 14 : i64} {
  func.func @_tc_split_body(%arg0: i32, %arg1: memref<4096x2xf32, #tpu.memory_space<vmem>>, %arg2: memref<4096xf32, #tpu.memory_space<vmem>>, %arg3: memref<4096xf32, #tpu.memory_space<vmem>>) attributes {dimension_semantics = [#tpu.dimension_semantics<arbitrary>], iteration_bounds = array<i64: 32>, scalar_prefetch = 0 : i64, scratch_operands = 0 : i64, tpu.core_type = #tpu.core_type<tc>, window_params = [{transform_indices = @transform_0, window_bounds = array<i64: 4096, 2>}, {transform_indices = @transform_1, window_bounds = array<i64: 4096>}, {transform_indices = @transform_2, window_bounds = array<i64: 4096>}]} {
    %get3A = arith.constant 0 : index
    %get3A_0 = arith.constant 0 : index
    %get3A_1 = vector.load %arg1[%get3A, %get3A_0] : memref<4096x2xf32, #tpu.memory_space<vmem>>, vector<4096x2xf32>
    %slice3A = vector.extract_strided_slice %get3A_1 {offsets = [0, 0], sizes = [4096, 1], strides = [1, 1]} : vector<4096x2xf32> to vector<4096x1xf32>
    %squeeze3A = vector.shape_cast %slice3A : vector<4096x1xf32> to vector<4096xf32>
    %swap3A = arith.constant 0 : index
    %swap3A_2 = vector.load %arg2[%swap3A] : memref<4096xf32, #tpu.memory_space<vmem>>, vector<4096xf32>
    tpu.vector_store %arg2[%swap3A], %squeeze3A {strides = array<i32>} : memref<4096xf32, #tpu.memory_space<vmem>>, vector<4096xf32>,
    %slice3A_3 = vector.extract_strided_slice %get3A_1 {offsets = [0, 1], sizes = [4096, 1], strides = [1, 1]} : vector<4096x2xf32> to vector<4096x1xf32>
    %squeeze3A_4 = vector.shape_cast %slice3A_3 : vector<4096x1xf32> to vector<4096xf32>
    %swap3A_5 = arith.constant 0 : index
    %swap3A_6 = vector.load %arg3[%swap3A_5] : memref<4096xf32, #tpu.memory_space<vmem>>, vector<4096xf32>
    tpu.vector_store %arg3[%swap3A_5], %squeeze3A_4 {strides = array<i32>} : memref<4096xf32, #tpu.memory_space<vmem>>, vector<4096xf32>,
    return
  }
  func.func @transform_0(%arg0: i32) -> (i32, i32) {
    %c0_i32 = arith.constant 0 : i32
    %c0_i32_0 = arith.constant 0 : i32
    return %arg0, %c0_i32 : i32, i32
  }
  func.func @transform_1(%arg0: i32) -> i32 {
    %c0_i32 = arith.constant 0 : i32
    return %arg0 : i32
  }
  func.func @transform_2(%arg0: i32) -> i32 {
    %c0_i32 = arith.constant 0 : i32
    return %arg0 : i32
  }
}

module attributes {stable_mosaic.version = 14 : i64} {
  func.func @_tc_split_body(%arg0: i32, %arg1: memref<3072x2xf32, #tpu.memory_space<vmem>>, %arg2: memref<3072xf32, #tpu.memory_space<vmem>>, %arg3: memref<3072xf32, #tpu.memory_space<vmem>>) attributes {dimension_semantics = [#tpu.dimension_semantics<arbitrary>], iteration_bounds = array<i64: 9>, scalar_prefetch = 0 : i64, scratch_operands = 0 : i64, tpu.core_type = #tpu.core_type<tc>, window_params = [{transform_indices = @transform_0, window_bounds = array<i64: 3072, 2>}, {transform_indices = @transform_1, window_bounds = array<i64: 3072>}, {transform_indices = @transform_2, window_bounds = array<i64: 3072>}]} {
    %get3A = arith.constant 0 : index
    %get3A_0 = arith.constant 0 : index
    %get3A_1 = vector.load %arg1[%get3A, %get3A_0] : memref<3072x2xf32, #tpu.memory_space<vmem>>, vector<3072x2xf32>
    %slice3A = vector.extract_strided_slice %get3A_1 {offsets = [0, 0], sizes = [3072, 1], strides = [1, 1]} : vector<3072x2xf32> to vector<3072x1xf32>
    %squeeze3A = vector.shape_cast %slice3A : vector<3072x1xf32> to vector<3072xf32>
    %swap3A = arith.constant 0 : index
    %swap3A_2 = vector.load %arg2[%swap3A] : memref<3072xf32, #tpu.memory_space<vmem>>, vector<3072xf32>
    tpu.vector_store %arg2[%swap3A], %squeeze3A {strides = array<i32>} : memref<3072xf32, #tpu.memory_space<vmem>>, vector<3072xf32>,
    %slice3A_3 = vector.extract_strided_slice %get3A_1 {offsets = [0, 1], sizes = [3072, 1], strides = [1, 1]} : vector<3072x2xf32> to vector<3072x1xf32>
    %squeeze3A_4 = vector.shape_cast %slice3A_3 : vector<3072x1xf32> to vector<3072xf32>
    %swap3A_5 = arith.constant 0 : index
    %swap3A_6 = vector.load %arg3[%swap3A_5] : memref<3072xf32, #tpu.memory_space<vmem>>, vector<3072xf32>
    tpu.vector_store %arg3[%swap3A_5], %squeeze3A_4 {strides = array<i32>} : memref<3072xf32, #tpu.memory_space<vmem>>, vector<3072xf32>,
    return
  }
  func.func @transform_0(%arg0: i32) -> (i32, i32) {
    %c0_i32 = arith.constant 0 : i32
    %c0_i32_0 = arith.constant 0 : i32
    return %arg0, %c0_i32 : i32, i32
  }
  func.func @transform_1(%arg0: i32) -> i32 {
    %c0_i32 = arith.constant 0 : i32
    return %arg0 : i32
  }
  func.func @transform_2(%arg0: i32) -> i32 {
    %c0_i32 = arith.constant 0 : i32
    return %arg0 : i32
  }
}

module attributes {stable_mosaic.version = 14 : i64} {
  func.func @_tc_split_body(%arg0: i32, %arg1: memref<4096x2xf32, #tpu.memory_space<vmem>>, %arg2: memref<4096xf32, #tpu.memory_space<vmem>>, %arg3: memref<4096xf32, #tpu.memory_space<vmem>>) attributes {dimension_semantics = [#tpu.dimension_semantics<arbitrary>], iteration_bounds = array<i64: 2>, scalar_prefetch = 0 : i64, scratch_operands = 0 : i64, tpu.core_type = #tpu.core_type<tc>, window_params = [{transform_indices = @transform_0, window_bounds = array<i64: 4096, 2>}, {transform_indices = @transform_1, window_bounds = array<i64: 4096>}, {transform_indices = @transform_2, window_bounds = array<i64: 4096>}]} {
    %get3A = arith.constant 0 : index
    %get3A_0 = arith.constant 0 : index
    %get3A_1 = vector.load %arg1[%get3A, %get3A_0] : memref<4096x2xf32, #tpu.memory_space<vmem>>, vector<4096x2xf32>
    %slice3A = vector.extract_strided_slice %get3A_1 {offsets = [0, 0], sizes = [4096, 1], strides = [1, 1]} : vector<4096x2xf32> to vector<4096x1xf32>
    %squeeze3A = vector.shape_cast %slice3A : vector<4096x1xf32> to vector<4096xf32>
    %swap3A = arith.constant 0 : index
    %swap3A_2 = vector.load %arg2[%swap3A] : memref<4096xf32, #tpu.memory_space<vmem>>, vector<4096xf32>
    tpu.vector_store %arg2[%swap3A], %squeeze3A {strides = array<i32>} : memref<4096xf32, #tpu.memory_space<vmem>>, vector<4096xf32>,
    %slice3A_3 = vector.extract_strided_slice %get3A_1 {offsets = [0, 1], sizes = [4096, 1], strides = [1, 1]} : vector<4096x2xf32> to vector<4096x1xf32>
    %squeeze3A_4 = vector.shape_cast %slice3A_3 : vector<4096x1xf32> to vector<4096xf32>
    %swap3A_5 = arith.constant 0 : index
    %swap3A_6 = vector.load %arg3[%swap3A_5] : memref<4096xf32, #tpu.memory_space<vmem>>, vector<4096xf32>
    tpu.vector_store %arg3[%swap3A_5], %squeeze3A_4 {strides = array<i32>} : memref<4096xf32, #tpu.memory_space<vmem>>, vector<4096xf32>,
    return
  }
  func.func @transform_0(%arg0: i32) -> (i32, i32) {
    %c0_i32 = arith.constant 0 : i32
    %c0_i32_0 = arith.constant 0 : i32
    return %arg0, %c0_i32 : i32, i32
  }
  func.func @transform_1(%arg0: i32) -> i32 {
    %c0_i32 = arith.constant 0 : i32
    return %arg0 : i32
  }
  func.func @transform_2(%arg0: i32) -> i32 {
    %c0_i32 = arith.constant 0 : i32
    return %arg0 : i32
  }
}

module attributes {stable_mosaic.version = 14 : i64} {
  func.func @_tc_stack_body(%arg0: i32, %arg1: memref<1024xf32, #tpu.memory_space<vmem>>, %arg2: memref<1024xf32, #tpu.memory_space<vmem>>, %arg3: memref<1024xf32, #tpu.memory_space<vmem>>, %arg4: memref<1024xf32, #tpu.memory_space<vmem>>, %arg5: memref<1024xf32, #tpu.memory_space<vmem>>, %arg6: memref<1024xf32, #tpu.memory_space<vmem>>, %arg7: memref<1024xf32, #tpu.memory_space<vmem>>, %arg8: memref<1024xf32, #tpu.memory_space<vmem>>, %arg9: memref<1024xf32, #tpu.memory_space<vmem>>, %arg10: memref<1024xf32, #tpu.memory_space<vmem>>, %arg11: memref<1024xf32, #tpu.memory_space<vmem>>, %arg12: memref<1024xf32, #tpu.memory_space<vmem>>, %arg13: memref<1024x12xf32, #tpu.memory_space<vmem>>) attributes {dimension_semantics = [#tpu.dimension_semantics<arbitrary>], iteration_bounds = array<i64: 256>, scalar_prefetch = 0 : i64, scratch_operands = 0 : i64, tpu.core_type = #tpu.core_type<tc>, window_params = [{transform_indices = @transform_0, window_bounds = array<i64: 1024>}, {transform_indices = @transform_1, window_bounds = array<i64: 1024>}, {transform_indices = @transform_2, window_bounds = array<i64: 1024>}, {transform_indices = @transform_3, window_bounds = array<i64: 1024>}, {transform_indices = @transform_4, window_bounds = array<i64: 1024>}, {transform_indices = @transform_5, window_bounds = array<i64: 1024>}, {transform_indices = @transform_6, window_bounds = array<i64: 1024>}, {transform_indices = @transform_7, window_bounds = array<i64: 1024>}, {transform_indices = @transform_8, window_bounds = array<i64: 1024>}, {transform_indices = @transform_9, window_bounds = array<i64: 1024>}, {transform_indices = @transform_10, window_bounds = array<i64: 1024>}, {transform_indices = @transform_11, window_bounds = array<i64: 1024>}, {transform_indices = @transform_12, window_bounds = array<i64: 1024, 12>}]} {
    %get3A = arith.constant 0 : index
    %get3A_0 = vector.load %arg1[%get3A] : memref<1024xf32, #tpu.memory_space<vmem>>, vector<1024xf32>
    %get3A_1 = arith.constant 0 : index
    %get3A_2 = vector.load %arg2[%get3A_1] : memref<1024xf32, #tpu.memory_space<vmem>>, vector<1024xf32>
    %get3A_3 = arith.constant 0 : index
    %get3A_4 = vector.load %arg3[%get3A_3] : memref<1024xf32, #tpu.memory_space<vmem>>, vector<1024xf32>
    %get3A_5 = arith.constant 0 : index
    %get3A_6 = vector.load %arg4[%get3A_5] : memref<1024xf32, #tpu.memory_space<vmem>>, vector<1024xf32>
    %get3A_7 = arith.constant 0 : index
    %get3A_8 = vector.load %arg5[%get3A_7] : memref<1024xf32, #tpu.memory_space<vmem>>, vector<1024xf32>
    %get3A_9 = arith.constant 0 : index
    %get3A_10 = vector.load %arg6[%get3A_9] : memref<1024xf32, #tpu.memory_space<vmem>>, vector<1024xf32>
    %get3A_11 = arith.constant 0 : index
    %get3A_12 = vector.load %arg7[%get3A_11] : memref<1024xf32, #tpu.memory_space<vmem>>, vector<1024xf32>
    %get3A_13 = arith.constant 0 : index
    %get3A_14 = vector.load %arg8[%get3A_13] : memref<1024xf32, #tpu.memory_space<vmem>>, vector<1024xf32>
    %get3A_15 = arith.constant 0 : index
    %get3A_16 = vector.load %arg9[%get3A_15] : memref<1024xf32, #tpu.memory_space<vmem>>, vector<1024xf32>
    %get3A_17 = arith.constant 0 : index
    %get3A_18 = vector.load %arg10[%get3A_17] : memref<1024xf32, #tpu.memory_space<vmem>>, vector<1024xf32>
    %get3A_19 = arith.constant 0 : index
    %get3A_20 = vector.load %arg11[%get3A_19] : memref<1024xf32, #tpu.memory_space<vmem>>, vector<1024xf32>
    %get3A_21 = arith.constant 0 : index
    %get3A_22 = vector.load %arg12[%get3A_21] : memref<1024xf32, #tpu.memory_space<vmem>>, vector<1024xf32>
    %stack3A = vector.shape_cast %get3A_0 : vector<1024xf32> to vector<1024x1xf32>
    %stack3A_23 = vector.shape_cast %get3A_2 : vector<1024xf32> to vector<1024x1xf32>
    %stack3A_24 = vector.shape_cast %get3A_4 : vector<1024xf32> to vector<1024x1xf32>
    %stack3A_25 = vector.shape_cast %get3A_6 : vector<1024xf32> to vector<1024x1xf32>
    %stack3A_26 = vector.shape_cast %get3A_8 : vector<1024xf32> to vector<1024x1xf32>
    %stack3A_27 = vector.shape_cast %get3A_10 : vector<1024xf32> to vector<1024x1xf32>
    %stack3A_28 = vector.shape_cast %get3A_12 : vector<1024xf32> to vector<1024x1xf32>
    %stack3A_29 = vector.shape_cast %get3A_14 : vector<1024xf32> to vector<1024x1xf32>
    %stack3A_30 = vector.shape_cast %get3A_16 : vector<1024xf32> to vector<1024x1xf32>
    %stack3A_31 = vector.shape_cast %get3A_18 : vector<1024xf32> to vector<1024x1xf32>
    %stack3A_32 = vector.shape_cast %get3A_20 : vector<1024xf32> to vector<1024x1xf32>
    %stack3A_33 = vector.shape_cast %get3A_22 : vector<1024xf32> to vector<1024x1xf32>
    %stack3A_34 = tpu.concatenate %stack3A, %stack3A_23, %stack3A_24, %stack3A_25, %stack3A_26, %stack3A_27, %stack3A_28, %stack3A_29, %stack3A_30, %stack3A_31, %stack3A_32, %stack3A_33 in 1 : vector<1024x1xf32>, vector<1024x1xf32>, vector<1024x1xf32>, vector<1024x1xf32>, vector<1024x1xf32>, vector<1024x1xf32>, vector<1024x1xf32>, vector<1024x1xf32>, vector<1024x1xf32>, vector<1024x1xf32>, vector<1024x1xf32>, vector<1024x1xf32> -> vector<1024x12xf32>
    %swap3A = arith.constant 0 : index
    %swap3A_35 = arith.constant 0 : index
    %swap3A_36 = vector.load %arg13[%swap3A, %swap3A_35] : memref<1024x12xf32, #tpu.memory_space<vmem>>, vector<1024x12xf32>
    tpu.vector_store %arg13[%swap3A, %swap3A_35], %stack3A_34 {strides = array<i32>} : memref<1024x12xf32, #tpu.memory_space<vmem>>, vector<1024x12xf32>,
    return
  }
  func.func @transform_0(%arg0: i32) -> i32 {
    %c0_i32 = arith.constant 0 : i32
    return %arg0 : i32
  }
  func.func @transform_1(%arg0: i32) -> i32 {
    %c0_i32 = arith.constant 0 : i32
    return %arg0 : i32
  }
  func.func @transform_2(%arg0: i32) -> i32 {
    %c0_i32 = arith.constant 0 : i32
    return %arg0 : i32
  }
  func.func @transform_3(%arg0: i32) -> i32 {
    %c0_i32 = arith.constant 0 : i32
    return %arg0 : i32
  }
  func.func @transform_4(%arg0: i32) -> i32 {
    %c0_i32 = arith.constant 0 : i32
    return %arg0 : i32
  }
  func.func @transform_5(%arg0: i32) -> i32 {
    %c0_i32 = arith.constant 0 : i32
    return %arg0 : i32
  }
  func.func @transform_6(%arg0: i32) -> i32 {
    %c0_i32 = arith.constant 0 : i32
    return %arg0 : i32
  }
  func.func @transform_7(%arg0: i32) -> i32 {
    %c0_i32 = arith.constant 0 : i32
    return %arg0 : i32
  }
  func.func @transform_8(%arg0: i32) -> i32 {
    %c0_i32 = arith.constant 0 : i32
    return %arg0 : i32
  }
  func.func @transform_9(%arg0: i32) -> i32 {
    %c0_i32 = arith.constant 0 : i32
    return %arg0 : i32
  }
  func.func @transform_10(%arg0: i32) -> i32 {
    %c0_i32 = arith.constant 0 : i32
    return %arg0 : i32
  }
  func.func @transform_11(%arg0: i32) -> i32 {
    %c0_i32 = arith.constant 0 : i32
    return %arg0 : i32
  }
  func.func @transform_12(%arg0: i32) -> (i32, i32) {
    %c0_i32 = arith.constant 0 : i32
    %c0_i32_0 = arith.constant 0 : i32
    return %arg0, %c0_i32 : i32, i32
  }
}

</mosaic_0001>

<sc_bundles>
// kernel: kernel.10.cloned.1.call-start
scs
__scs_entry_jumppad:
0x0: {  	(pc) =	sbr.rel $0x88, $3  }
0x1: {  	(tag) =	ssettag $0x0;
	lr =	simm.s32 $0x1  }
0x2: {  	[smem:$0x3F9A] =	sst lr;
	_ =	strace $0xD0000000  }
0x3: {  	_ = 	snop  }
0x4: {  	_ = 	snop  }
0x5: {  	_ = 	snop  }
0x6: {  	_ = 	snop  }
0x7: {  	_ = 	snop  }
__scs_overlays_trampoline_lowered:
0x8: {  	[smem:$0x3FA9] =	sst s0  }
0x9: {  	[smem:$0x3FAA] =	sst s1  }
0xa: {  	[smem:$0x3FAB] =	sst s2  }
0xb: {  	[smem:$0x3FAC] =	sst s3  }
0xc: {  	[smem:$0x3FAD] =	sst s4  }
0xd: {  	[smem:$0x3FAE] =	sst s5  }
0xe: {  	[smem:$0x3FAF] =	sst s6  }
0xf: {  	[smem:$0x3FB0] =	sst s7  }
0x10: {  	[smem:$0x3FB1] =	sst s8  }
0x11: {  	[smem:$0x3FB2] =	sst s9;
	s0 =	simm.s32 @!p0 $0x0  }
0x12: {  	s1 =	sld [smem:$0x3F98];
	s0 =	simm.s32 @p0 $0x1  }
0x13: {  	[smem:$0x3FB3] =	sst s0;
	s0 =	simm.s32 @!p1 $0x0  }
0x14: {  	s2 =	sld [smem:$0x3F97];
	s0 =	simm.s32 @p1 $0x1  }
0x15: {  	[smem:$0x3FB4] =	sst s0;
	s0 =	simm.s32 @!p2 $0x0  }
0x16: {  	s3 =	sld [smem:$0x3FDB];
	s0 =	simm.s32 @p2 $0x1  }
0x17: {  	s4 =	simm.s32 $0x1BF5;
	[smem:$0x3FB6] =	sst s0  }
0x18: {  	s0 =	sld [smem:$0x3F99];
	_ =	swait.ge [sflag:s4], $0x0  }
0x19: {  	s7 =	sld [smem:$0x3F9A]  }
0x1a: {  	s8 =	sadd.s32 $0xFFFFE003, lr  }
0x1b: {  	s9 =	sadd.s32 $0xFFFFFEF7, lr;
	s5 =	simm.s32 $0xFFFFFFFF;
	p2 =	slt.u32 s8, $0xFFFFF086  }
0x1c: {  	p1 =	slt.u32 s9, $0xF7A;
	s5 =	simm.s32 @!p2 $0x0  }
0x1d: {  	s5 =	simm.s32 @p1 $0x1;
	p0 =	seq.s32 s7, s2  }
0x1e: {  	s7 =	smul.u32 @!p0 $0xF7A, s2;
	p2 =	seq.s32 @!p0 s5, $0x0  }
0x1f: {  	s9 =	smul.u32 $0xF7A, s1;
	s8 =	simm.s32 @!p0 $0x1BF5;
	p2 =	por !p2, p0  }
0x20: {  	[sflag:s8] =	ssyncset.s32 @!p0 $0xFFFFF086;
	s6 =	sadd.s32 @!p0 s3, s7;
	s7 =	simm.s32 @!p0 $0x108  }
0x21: {  	s3 =	sadd.s32 s3, s9;
	s6 =	sadd.s32 @!p0 $0x88, s6;
	s7 =	simm.s32 @p2 $0x1082  }
0x22: {  	[simem:s7], [sflag:s8] =	dma.local @!p0 [hbm:s6], $0xF7A  }
0x23: {  	s9 =	sor.u32 $0xD0000000, s2;
	s6 =	simm.s32 $0x108;
	_ =	swait.ge @!p0 [sflag:s8], $0x0  }
0x24: {  	s3 =	sadd.s32 $0x88, s3;
	s6 =	simm.s32 @!p1 $0x1082;
	[sflag:s4] =	ssyncset.s32 $0xFFFFF086  }
0x25: {  	[simem:s6], [sflag:s4] =	dma.local [hbm:s3], $0xF7A  }
0x26: {  	[smem:$0x3F9A] =	sst s1;
	(tag) =	ssettag s2;
	_ =	strace s9  }
0x27: {  	s1 =	sld [smem:$0x3FAA]  }
0x28: {  	s2 =	sld [smem:$0x3FAB]  }
0x29: {  	s4 =	sld [smem:$0x3FAD]  }
0x2a: {  	p0 =	seq.s32 s5, $0x0;
	s5 =	sld [smem:$0x3FAE]  }
0x2b: {  	s6 =	sld [smem:$0x3FAF]  }
0x2c: {  	s7 =	sld [smem:$0x3FB0]  }
0x2d: {  	s3 =	simm.s32 $0x108;
	s8 =	sld [smem:$0x3FB1]  }
0x2e: {  	s3 =	simm.s32 @!p0 $0x1082;
	s9 =	sld [smem:$0x3FB2]  }
0x2f: {  	lr =	sadd.s32 s0, s3;
	s0 =	sld [smem:$0x3FA9]  }
0x30: {  	s3 =	sld [smem:$0x3FAC]  }
0x31: {  	[smem:$0x3FB5] =	sst s10  }
0x32: {  	s10 =	sld [smem:$0x3FB3];
	_ =	sdelay $0x3  }
0x33: {  	p0 =	seq.s32 s10, $0x1;
	s10 =	sld [smem:$0x3FB5];
	_ =	sdelay $0x3  }
0x34: {  	[smem:$0x3FB5] =	sst s10  }
0x35: {  	s10 =	sld [smem:$0x3FB4];
	_ =	sdelay $0x3  }
0x36: {  	p1 =	seq.s32 s10, $0x1;
	s10 =	sld [smem:$0x3FB5];
	_ =	sdelay $0x3  }
0x37: {  	[smem:$0x3FB5] =	sst s10  }
0x38: {  	s10 =	sld [smem:$0x3FB6]  }
0x39: {  	_ = 	snop;
	(pc) =	sbr.ind lr, $3  }
0x3a: {  	_ = 	snop  }
0x3b: {  	_ = 	snop  }
0x3c: {  	p2 =	seq.s32 s10, $0x1;
	s10 =	sld [smem:$0x3FB5]  }
0x3d: {  	_ =	shalt  }
0x3e: {  	_ =	shalt  }
0x3f: {  	_ =	shalt  }
0x40: {  	_ =	shalt  }
0x41: {  	_ =	shalt  }
0x42: {  	_ =	shalt  }
0x43: {  	_ =	shalt  }
0x44: {  	_ =	shalt  }
0x45: {  	_ =	shalt  }
0x46: {  	_ =	shalt  }
0x47: {  	_ =	shalt  }
0x48: {  	_ =	shalt  }
0x49: {  	_ =	shalt  }
0x4a: {  	_ =	shalt  }
0x4b: {  	_ =	shalt  }
0x4c: {  	_ =	shalt  }
0x4d: {  	_ =	shalt  }
0x4e: {  	_ =	shalt  }
0x4f: {  	_ =	shalt  }
0x50: {  	_ =	shalt  }
0x51: {  	_ =	shalt  }
0x52: {  	_ =	shalt  }
0x53: {  	_ =	shalt  }
0x54: {  	_ =	shalt  }
0x55: {  	_ =	shalt  }
0x56: {  	_ =	shalt  }
0x57: {  	_ =	shalt  }
0x58: {  	_ =	shalt  }
0x59: {  	_ =	shalt  }
0x5a: {  	_ =	shalt  }
0x5b: {  	_ =	shalt  }
0x5c: {  	_ =	shalt  }
0x5d: {  	_ =	shalt  }
0x5e: {  	_ =	shalt  }
0x5f: {  	_ =	shalt  }
0x60: {  	_ =	shalt  }
0x61: {  	_ =	shalt  }
0x62: {  	_ =	shalt  }
0x63: {  	_ =	shalt  }
0x64: {  	_ =	shalt  }
0x65: {  	_ =	shalt  }
0x66: {  	_ =	shalt  }
0x67: {  	_ =	shalt  }
0x68: {  	_ =	shalt  }
0x69: {  	_ =	shalt  }
0x6a: {  	_ =	shalt  }
0x6b: {  	_ =	shalt  }
0x6c: {  	_ =	shalt  }
0x6d: {  	_ =	shalt  }
0x6e: {  	_ =	shalt  }
0x6f: {  	_ =	shalt  }
0x70: {  	_ =	shalt  }
0x71: {  	_ =	shalt  }
0x72: {  	_ =	shalt  }
0x73: {  	_ =	shalt  }
0x74: {  	_ =	shalt  }
0x75: {  	_ =	shalt  }
0x76: {  	_ =	shalt  }
0x77: {  	_ =	shalt  }
0x78: {  	_ =	shalt  }
0x79: {  	_ =	shalt  }
0x7a: {  	_ =	shalt  }
0x7b: {  	_ =	shalt  }
0x7c: {  	_ =	shalt  }
0x7d: {  	_ =	shalt  }
0x7e: {  	_ =	shalt  }
0x7f: {  	_ =	shalt  }
0x80: {  	_ =	shalt  }
0x81: {  	_ =	shalt  }
0x82: {  	_ =	shalt  }
0x83: {  	_ =	shalt  }
0x84: {  	_ =	shalt  }
0x85: {  	_ =	shalt  }
0x86: {  	_ =	shalt  }
0x87: {  	_ =	shalt  }
.Lfunc_end0:
.L_simem_size_0:
called_computation_lowered:
.L_overlay_start_0:
0x88: {  	s2 =	sld [smem:$0x3FD9]  }
0x89: {  	s3 =	sld [smem:$0x3FFE];
	_ =	sdelay $0x1  }
0x8a: {  	s1 =	srdreg.scid  }
0x8b: {  	s0 =	sand.u32 $0x1, s1  }
0x8c: {  	s14 =	sshll.u32 s0, $0xA;
	s2 =	sadd.s32 s3, s2  }
0x8d: {  	s2 =	sadd.s32 s2, s14  }
0x8e: {  	[smem:$0x3FC1] =	sst s2  }
0x8f: {  	_ = 	snop  }
0x90: {  	s2 =	sld [smem:$0x3FD0];
	_ =	sdelay $0x2  }
0x91: {  	s15 =	simm.s32 $0xA;
	s4 =	simm.s32 $0x10  }
0x92: {  	[smem:s4], [sflag:s15] =	dma.local [hbm:s2], $0x1  }
0x93: {  	_ =	swait.eq [sflag:s15], $0x1  }
0x94: {  	[sflag:s15] =	ssyncset.done $0x0  }
0x95: {  	s16 =	sld [smem:$0x10];
	[sflag:s15] =	ssyncadd.s32 $0xFFFFFFFF  }
0x96: {  	s17 =	sld [smem:$0x11];
	(tm) =	ssettm $0x1  }
0x97: {  	s18 =	sld [smem:$0x3FFB];
	_ =	sdelay $0x3  }
0x98: {  	_ =	strace s18  }
0x99: {  	s4 =	sld [smem:$0x3FFC];
	_ =	sdelay $0x3  }
0x9a: {  	_ =	strace s4  }
0x9b: {  	s4 =	sld [smem:$0x3FFD];
	_ =	sdelay $0x3  }
0x9c: {  	_ =	strace s4  }
0x9d: {  	_ =	strace $0x8FFFFFFF  }
0x9e: {  	s19 =	sld [smem:$0x3FDB];
	_ =	sdelay $0x1  }
0x9f: {  	s5 =	simm.s32 $_scs_section_size  }
0xa0: {  	s6 =	simm.s32 $_size__tile_overlayer_lowered;
	s7 =	simm.s32 $_tile_overlayer_lowered  }
0xa1: {  	s22 =	simm.s32 $0x1BFF;
	s21 =	sshll.u32 s7, $0x1;
	s4 =	sadd.s32 s5, s19  }
0xa2: {  	s8 =	simm.s32 $0x0;
	s20 =	sshll.u32 s6, $0x1;
	s6 =	sadd.s32 s21, s4  }
0xa3: {  	[timem:s8], [sflag:s22] =	dma.local [hbm:s6], s20  }
0xa4: {  	_ =	swait.ge [sflag:s22], s20  }
0xa5: {  	s5 =	ssub.s32 $0x0, s20;
	[sflag:s22] =	ssyncset.done $0x0  }
0xa6: {  	[sflag:s22] =	ssyncadd.s32 s5;
	_ =	sdelay $0x1  }
0xa7: {  	s23 =	simm.s32 $0x1B8B  }
0xa8: {  	_ =	swait.ge [sflag:s23], $0x1  }
0xa9: {  	[sflag:s23] =	ssyncset.done $0x0  }
0xaa: {  	s25 =	simm.s32 $0x1B8E;
	s24 =	sld [smem:$0x3FFE];
	[sflag:s23] =	ssyncadd.s32 $0xFFFFFFFF  }
0xab: {  	s26 =	simm.s32 $execute0_lowered;
	[smem:$0x3FD2] =	sst s25  }
0xac: {  	s6 =	sshll.u32 s26, $0x1;
	_ =	strace $0x80000046;
	[dreg:$0x1] =	wrdreg $0xFFFFFFFF  }
0xad: {  	s28 =	simm.s32 $_size_execute0_lowered;
	s4 =	sadd.s32 s4, s6;
	[dreg:$0x0] =	wrdreg $0x0  }
0xae: {  	s6 =	sshll.u32 s28, $0x1;
	[dreg:$0x2] =	wrdreg s4  }
0xaf: {  	[dreg:$0x3] =	wrdreg s6  }
0xb0: {  	[dreg:$0x4] =	wrdreg $0xC0  }
0xb1: {  	_ =	task [dreg:s8], $0x5FFFF  }
0xb2: {  	[dreg:$0x1] =	wrdreg $0xFFFFFFFF  }
0xb3: {  	[dreg:$0x0] =	wrdreg $0x60  }
0xb4: {  	[dreg:$0x2] =	wrdreg s24  }
0xb5: {  	[dreg:$0x3] =	wrdreg s17  }
0xb6: {  	[dreg:$0x4] =	wrdreg s16  }
0xb7: {  	[dreg:$0x5] =	wrdreg $0x9  }
0xb8: {  	_ =	task.clear_ibuf [dreg:s8], $0x6FFFF;
	_ =	strace $0x90000046  }
0xb9: {  	s29 =	simm.s32 $0x9;
	_ =	strace $0x80000048  }
0xba: {  	_ =	swait.ge [sflag:s29], $0x1  }
0xbb: {  	[sflag:s29] =	ssyncadd.s32 $0xFFFFFFFF  }
0xbc: {  	_ =	strace $0x90000048  }
0xbd: {  	_ =	sfence  }
0xbe: {  	s30 =	sld [smem:$0x0];
	_ =	sdelay $0x2  }
0xbf: {  	s31 =	sshll.u32 s1, $0xD;
	s1 =	sshrl.u32 s1, $0x2  }
0xc0: {  	s3 =	sand.u32 $0x4000, s31;
	s1 =	sadd.s32 s1, s30  }
0xc1: {  	s0 =	sor.u32 s3, s0;
	s1 =	sshll.u32 s1, $0x11  }
0xc2: {  	s0 =	sor.u32 s1, s0  }
0xc3: {  	s0 =	sadd.s32 $0x8F2B, s0  }
0xc4: {  	[sflag:s0] =	ssyncadd.remote.s32 $0x1  }
0xc5: {  	_ =	sfence.sel $0xFFFF  }
0xc6: {  	[dreg:$0x0] =	wrdreg $0xFFFFFFFF;
	(pc) =	sbr.abs _section_cstart, $3  }
0xc7: {  	[dreg:$0x1] =	wrdreg $0xFFFFFFFF  }
0xc8: {  	_ =	task.clear_ibuf [dreg:s8], $0x2FFFF;
	_ =	strace $0x9FFFFFFF  }
0xc9: {  	(tm) =	ssettm $0x7FFFFFFF  }
tec
execute0_lowered:
.L_overlay_start_1:
0x0: {  	(tag) =	ssettag $0x1  }
0x1: {  	s0 =	rddreg [dreg:$0x0];
	s3 =	simm.s32 $0x0;
	s14 =	srdreg.scid  }
0x2: {  	s16 =	stileid.u32;
	[smem:$0x7FF] =	sst s3;
	s1 =	sadd.s32 $0x126600, s0  }
0x3: {  	s2 =	sadd.s32 $0x125E00, s0;
	_ =	strace $0x80000047;
	[dreg:$0x4] =	wrdreg s1  }
0x4: {  	s31 =	simm.s32 $0x11C00;
	s4 =	sadd.s32 $0x126200, s0;
	[dreg:$0x5] =	wrdreg s2  }
0x5: {  	s5 =	sadd.s32 $0x125000, s0;
	s6 =	sadd.s32 $0x11D000, s0;
	[dreg:$0x6] =	wrdreg s4  }
0x6: {  	s7 =	sadd.s32 $0x121000, s0;
	s8 =	sadd.s32 $0x102000, s0;
	[dreg:$0x7] =	wrdreg s5  }
0x7: {  	s9 =	sadd.s32 $0x10F800, s0;
	s10 =	sadd.s32 $0x82000, s0;
	[dreg:$0x8] =	wrdreg s6  }
0x8: {  	s11 =	sadd.s32 $0xC2000, s0;
	s12 =	sadd.s32 $0x166600, s0;
	[dreg:$0x9] =	wrdreg s7  }
0x9: {  	s13 =	sadd.s32 $0x16E600, s0;
	s17 =	sadd.s32 $0x17E600, s0;
	[dreg:$0xa] =	wrdreg s8  }
0xa: {  	s18 =	sadd.s32 $0x186600, s0;
	s19 =	sadd.s32 $0x18E600, s0;
	[dreg:$0xb] =	wrdreg s9  }
0xb: {  	s21 =	sadd.s32 $0x196600, s0;
	s22 =	sadd.s32 $0x19E600, s0;
	[dreg:$0xc] =	wrdreg s10  }
0xc: {  	s23 =	sadd.s32 $0x5000, s0;
	s24 =	sadd.s32 $0x1A6600, s0;
	[dreg:$0xd] =	wrdreg s11  }
0xd: {  	s26 =	sadd.s32 $0x1AE600, s0;
	s28 =	sadd.s32 $0x1B6600, s0;
	[dreg:$0xe] =	wrdreg s12  }
0xe: {  	s29 =	sadd.s32 $0x1BE600, s0;
	s30 =	sadd.s32 $0x1C6600, s0;
	[dreg:$0xf] =	wrdreg s13  }
0xf: {  	s2 =	sadd.s32 $0x176600, s0;
	s1 =	sand.u32 $0x1, s14;
	s0 =	simm.s32 $0x2  }
0x10: {  	s5 =	simm.s32 $0xAC00;
	s6 =	simm.s32 $0x11800;
	s15 =	ssub.s32 $0x2, s1  }
0x11: {  	s7 =	simm.s32 $0x800;
	[dreg:$0x10] =	wrdreg s2;
	s4 =	sshrl.u32 s15, $0x1  }
0x12: {  	s1 =	sshll.u32 s1, $0xD;
	s2 =	ssub.s32 s15, s4;
	s4 =	sshll.u32 s16, $0xE  }
0x13: {  	s8 =	simm.s32 $0x1;
	s10 =	simm.s32 $0x0;
	s25 =	sor.u32 s1, s4  }
0x14: {  	v0 =	vlaneseq.u32;
	s20 =	smax.u32 s2, $0x1;
	s1 =	simm.s32 $0x4000;
	s2 =	simm.s32 $0x12400  }
0x15: {  	v1 =	vimm.s32 $0x0;
	v0 =	vmul.u32 $0x8, v0;
	s4 =	simm.s32 $0x12C00;
	[dreg:$0x11] =	wrdreg s20;
	s20 =	simm.s32 $0x2000  }
.LBB2_1:
0x16: {  	[dreg:$0x12] =	wrdreg s10  }
0x17: {  	s9 =	rddreg [dreg:$0x5]  }
0x18: {  	[tilespmem:s3], [sflag:$0x2] =	stream.linear.gather [hbm4b:s9+s3], $0x2000, $0x38;
	[tilespmem:$0x13A80] =	vst v63  }
0x19: {  	_ =	swait.ge [sflag:s0], $0x2000  }
0x1a: {  	[sflag:s0] =	ssyncset.done $0x0  }
0x1b: {  	s14 =	rddreg [dreg:$0x6];
	[sflag:s0] =	ssyncadd.s32 $0xFFFFE000  }
0x1c: {  	[tilespmem:s20], [sflag:$0x2] =	stream.linear.gather [hbm4b:s14+s3], $0x2000, $0x38;
	[tilespmem:$0x13A80] =	vst v63  }
0x1d: {  	_ =	swait.ge [sflag:s0], $0x2000  }
0x1e: {  	[sflag:s0] =	ssyncset.done $0x0  }
0x1f: {  	[sflag:s0] =	ssyncadd.s32 $0xFFFFE000  }
0x20: {  	s15 =	rddreg [dreg:$0x1]  }
0x21: {  	[tilespmem:s1], [sflag:$0x2] =	stream.linear.gather [hbm4b:s15+s3], $0x6C00, $0x38;
	[tilespmem:$0x13A80] =	vst v63  }
0x22: {  	_ =	swait.ge [sflag:s0], $0x6C00  }
0x23: {  	[sflag:s0] =	ssyncset.done $0x0  }
0x24: {  	s16 =	rddreg [dreg:$0x7];
	[sflag:s0] =	ssyncadd.s32 $0xFFFF9400  }
0x25: {  	[tilespmem:s5], [sflag:$0x2] =	stream.linear.gather [hbm4b:s16+s3], $0x6C00, $0x38;
	[tilespmem:$0x13A80] =	vst v63  }
0x26: {  	_ =	swait.ge [sflag:s0], $0x6C00  }
0x27: {  	[sflag:s0] =	ssyncset.done $0x0  }
0x28: {  	s9 =	simm.s32 $0x0;
	[sflag:s0] =	ssyncadd.s32 $0xFFFF9400  }
.LBB2_2:
0x29: {  	s12 =	simm.s32 $0x0  }
0x2a: {  	v2 =	vmov s12  }
0x2b: {  	s10 =	sshll.u32 s9, $0x7;
	v2 =	vshll.u32 v2, $0x3  }
0x2c: {  	s11 =	rddreg [dreg:$0x4];
	s10 =	sadd.s32 s25, s10;
	v2 =	vor.u32 v0, v2  }
0x2d: {  	s11 =	sadd.s32 s11, s10;
	v3 =	vor.u32 $0x3, v2  }
0x2e: {  	[tilespmem:s6], [sflag:$0x2] =	stream.linear.gather [hbm4b:s11+s12], $0x400, $0x38;
	v4 =	vor.u32 $0x1, v2;
	[tilespmem:$0x13A80] =	vst v63  }
0x2f: {  	_ =	swait.ge [sflag:s0], $0x400  }
0x30: {  	v6 =	vor.u32 $0x2, v2;
	[sflag:s0] =	ssyncset.done $0x0  }
0x31: {  	s16 =	simm.s32 $0x10;
	[sflag:s0] =	ssyncadd.s32 $0xFFFFFC00  }
0x32: {  	v5 =	vld.idx.msk [tilespmem:v3+s6+$0x0], $0xffff;
	v3 =	vmov s16  }
0x33: {  	v9 =	vld.idx.msk [tilespmem:v4+s6+$0x0], $0xffff;
	v3 =	vshll.u32 v3, $0x3  }
0x34: {  	v8 =	vld.idx.msk [tilespmem:v2+s6+$0x0], $0xffff;
	v2 =	vor.u32 v0, v3  }
0x35: {  	s14 =	simm.s32 $0x20;
	s13 =	simm.s32 $0x13A00;
	s11 =	simm.s32 $0x13A00;
	v7 =	vld.idx.msk [tilespmem:v6+s6+$0x0], $0xffff;
	v4 =	vor.u32 $0x1, v2;
	v3 =	vor.u32 $0x2, v2;
	v6 =	vor.u32 $0x3, v2  }
.LBB2_3:
0x36: {  	p0 =	sne.s32 s14, $0x70  }
0x37: {  	s11 =	sadd.s32 $0x10, s11;
	s15 =	smov.u32 s14;
	s14 =	sadd.s32 $0x10, s14  }
0x38: {  	vm0 =	vge.f32 v9, $0.0e+00;
	vm1 =	vle.f32 v9, $1.000000000e+00;
	vm2 =	vle.f32 v5, $1.000000000e+00  }
0x39: {  	vm3 =	vge.f32 v8, $0.0e+00;
	vm4 =	vle.f32 v8, $1.000000000e+00;
	vm0 =	vmand vm0, vm1  }
0x3a: {  	vm1 =	vmand vm3, vm4;
	vm3 =	vge.f32 v7, $0.0e+00;
	vm4 =	vle.f32 v7, $1.000000000e+00  }
0x3b: {  	vm0 =	vmand vm1, vm0;
	vm1 =	vmand vm3, vm4;
	vm3 =	vge.f32 v5, $0.0e+00  }
0x3c: {  	vm0 =	vmand vm0, vm1;
	vm1 =	vmand vm3, vm2  }
0x3d: {  	vm0 =	vmand vm0, vm1  }
0x3e: {  	v5 =	vsel vm0, $0x1, v1  }
0x3f: {  	[tilespmem:s13+$0x0] =	vst v5;
	s13 =	smov.u32 s11  }
0x40: {  	v5 =	vld.idx.msk [tilespmem:v6+s6+$0x0], $0xffff  }
.Ltmp0:
0x41: {  	v6 =	vmov s15;
	v9 =	vld.idx.msk [tilespmem:v4+s6+$0x0], $0xffff;
	(pc) =	sbr.rel @p0 .LBB2_3-.Ltmp0, $4  }
0x42: {  	v4 =	vshll.u32 v6, $0x3;
	v8 =	vld.idx.msk [tilespmem:v2+s6+$0x0], $0xffff  }
0x43: {  	v2 =	vor.u32 v0, v4;
	v7 =	vld.idx.msk [tilespmem:v3+s6+$0x0], $0xffff  }
0x44: {  	v4 =	vor.u32 $0x1, v2;
	v3 =	vor.u32 $0x2, v2  }
0x45: {  	v6 =	vor.u32 $0x3, v2  }
0x46: {  	vm0 =	vge.f32 v9, $0.0e+00;
	vm1 =	vle.f32 v9, $1.000000000e+00;
	vm2 =	vle.f32 v5, $1.000000000e+00  }
0x47: {  	vm3 =	vge.f32 v8, $0.0e+00;
	vm4 =	vle.f32 v8, $1.000000000e+00;
	vm0 =	vmand vm0, vm1  }
0x48: {  	vm15 =	vmand vm3, vm4;
	vm8 =	vge.f32 v7, $0.0e+00;
	vm9 =	vle.f32 v7, $1.000000000e+00  }
0x49: {  	vm11 =	vge.f32 v5, $0.0e+00;
	vm0 =	vmand vm15, vm0;
	vm10 =	vmand vm8, vm9  }
0x4a: {  	vm12 =	vmand vm11, vm2;
	vm0 =	vmand vm0, vm10  }
0x4b: {  	vm0 =	vmand vm0, vm12  }
0x4c: {  	v63 =	vsel vm0, $0x1, v1  }
0x4d: {  	[tilespmem:s13+$0x0] =	vst v63  }
0x4e: {  	v5 =	vld.idx.msk [tilespmem:v6+s6+$0x0], $0xffff  }
0x4f: {  	v4 =	vld.idx.msk [tilespmem:v4+s6+$0x0], $0xffff  }
0x50: {  	v2 =	vld.idx.msk [tilespmem:v2+s6+$0x0], $0xffff  }
0x51: {  	v3 =	vld.idx.msk [tilespmem:v3+s6+$0x0], $0xffff;
	_ =	sdelay $0x3  }
0x52: {  	vm13 =	vge.f32 v4, $0.0e+00;
	vm14 =	vle.f32 v4, $1.000000000e+00;
	vm15 =	vle.f32 v5, $1.000000000e+00  }
0x53: {  	vm8 =	vge.f32 v2, $0.0e+00;
	vm9 =	vle.f32 v2, $1.000000000e+00;
	vm11 =	vge.f32 v3, $0.0e+00  }
0x54: {  	vm12 =	vle.f32 v3, $1.000000000e+00;
	vm0 =	vmand vm13, vm14;
	vm10 =	vmand vm8, vm9  }
0x55: {  	vm13 =	vmand vm11, vm12;
	vm14 =	vge.f32 v5, $0.0e+00;
	vm0 =	vmand vm10, vm0  }
0x56: {  	vm15 =	vmand vm14, vm15;
	vm0 =	vmand vm0, vm13  }
0x57: {  	vm0 =	vmand vm0, vm15  }
0x58: {  	s11 =	sadd.s32 $0x10, s11;
	v2 =	vsel vm0, $0x1, v1  }
0x59: {  	s13 =	simm.s32 $0x13480;
	[tilespmem:s11+$0x0] =	vst v2  }
.LBB2_5:
0x5a: {  	v2 =	vmov s12  }
0x5b: {  	v2 =	vshll.u32 v2, $0x3  }
0x5c: {  	v2 =	vor.u32 v0, v2  }
0x5d: {  	v3 =	vor.u32 $0x1, v2  }
0x5e: {  	v4 =	vor.u32 $0x2, v2  }
0x5f: {  	v5 =	vor.u32 $0x3, v2;
	_ =	sdelay $0x1  }
0x60: {  	v2 =	vld.idx.msk [tilespmem:v2+s6+$0x0], $0xffff  }
0x61: {  	v3 =	vld.idx.msk [tilespmem:v3+s6+$0x0], $0xffff  }
0x62: {  	v4 =	vld.idx.msk [tilespmem:v4+s6+$0x0], $0xffff  }
0x63: {  	v5 =	vld.idx.msk [tilespmem:v5+s6+$0x0], $0xffff;
	_ =	sdelay $0x3  }
0x64: {  	v6 =	vtrunc.f32 v2;
	v3 =	vmul.f32 $1.500000000e+01, v3  }
0x65: {  	v4 =	vmul.f32 $1.500000000e+01, v4;
	v5 =	vmul.f32 $1.500000000e+01, v5  }
0x66: {  	v6 =	vcvt.f32.s32 v6;
	v7 =	vtrunc.f32 v3  }
0x67: {  	v8 =	vtrunc.f32 v4;
	v9 =	vtrunc.f32 v5  }
0x68: {  	v10 =	vshra.s32 v6, $0x1F;
	v7 =	vcvt.f32.s32 v7;
	v8 =	vcvt.f32.s32 v8  }
0x69: {  	v9 =	vcvt.f32.s32 v9;
	v6 =	vand.u32 v10, v6  }
0x6a: {  	v10 =	vshll.u32 v6, $0xC;
	vm0 =	vlt.s32 v7, $0xE;
	vm14 =	vlt.s32 v8, $0xE  }
0x6b: {  	vm15 =	vlt.s32 v9, $0xE;
	v7 =	vnsel vm0, $0xE, v7;
	v8 =	vnsel vm14, $0xE, v8  }
0x6c: {  	v9 =	vnsel vm15, $0xE, v9;
	v10 =	vadd.s32 v10, v7;
	v11 =	vshll.u32 v8, $0x4  }
0x6d: {  	v53 =	vshll.u32 v9, $0x8;
	v10 =	vadd.s32 v11, v10  }
0x6e: {  	v10 =	vadd.s32 v53, v10  }
0x6f: {  	v15 =	vadd.s32 $0x1, v10  }
0x70: {  	v16 =	vadd.s32 $0x101, v10  }
0x71: {  	v18 =	vadd.s32 $0x11, v10  }
0x72: {  	v20 =	vadd.s32 $0x111, v10  }
0x73: {  	s11 =	simm.s32 $0x0;
	v30 =	vadd.s32 $0x1001, v10  }
0x74: {  	v32 =	vadd.s32 $0x1101, v10;
	v24 =	vld.idx.msk [tilespmem:v15+s11+$0x0], $0xffff  }
0x75: {  	v34 =	vadd.s32 $0x1011, v10;
	v26 =	vld.idx.msk [tilespmem:v16+s11+$0x0], $0xffff  }
0x76: {  	v12 =	vand.u32 $0x7, v7;
	v11 =	vand.u32 $0xFFFFFFF8, v10;
	v10 =	vadd.s32 $0x1111, v10;
	v28 =	vld.idx.msk [tilespmem:v18+s11+$0x0], $0xffff  }
0x77: {  	v11 =	vor.u32 v12, v11;
	v31 =	vld.idx.msk [tilespmem:v20+s11+$0x0], $0xffff  }
0x78: {  	v12 =	vadd.s32 $0x100, v11;
	v38 =	vld.idx.msk [tilespmem:v30+s11+$0x0], $0xffff  }
0x79: {  	v13 =	vadd.s32 $0x10, v11;
	v54 =	vld.idx.msk [tilespmem:v32+s11+$0x0], $0xffff  }
0x7a: {  	v14 =	vadd.s32 $0x110, v11;
	v39 =	vld.idx.msk [tilespmem:v34+s11+$0x0], $0xffff  }
0x7b: {  	v23 =	vadd.s32 $0x1000, v11;
	v40 =	vld.idx.msk [tilespmem:v10+s11+$0x0], $0xffff  }
0x7c: {  	v25 =	vadd.s32 $0x1100, v11;
	v17 =	vld.idx.msk [tilespmem:v11+s11+$0x0], $0xffff  }
0x7d: {  	v27 =	vadd.s32 $0x1010, v11;
	v19 =	vld.idx.msk [tilespmem:v12+s11+$0x0], $0xffff  }
0x7e: {  	v29 =	vadd.s32 $0x1110, v11;
	v21 =	vld.idx.msk [tilespmem:v13+s11+$0x0], $0xffff  }
0x7f: {  	v22 =	vld.idx.msk [tilespmem:v14+s11+$0x0], $0xffff  }
0x80: {  	v33 =	vld.idx.msk [tilespmem:v23+s11+$0x0], $0xffff  }
0x81: {  	v6 =	vcvt.s32.f32 v6;
	v35 =	vld.idx.msk [tilespmem:v25+s11+$0x0], $0xffff  }
0x82: {  	v7 =	vcvt.s32.f32 v7;
	v36 =	vld.idx.msk [tilespmem:v27+s11+$0x0], $0xffff  }
0x83: {  	v2 =	vsub.f32 v2, v6;
	v37 =	vld.idx.msk [tilespmem:v29+s11+$0x0], $0xffff  }
0x84: {  	v3 =	vsub.f32 v3, v7;
	v58 =	vsub.f32 v38, v24  }
0x85: {  	v6 =	vsub.f32 v54, v26;
	v33 =	vsub.f32 v33, v17  }
0x86: {  	v59 =	vsub.f32 v39, v28;
	v35 =	vsub.f32 v35, v19  }
0x87: {  	v60 =	vsub.f32 v40, v31;
	v56 =	vsub.f32 v36, v21;
	v33 =	vmul.f32 v33, v2  }
0x88: {  	v57 =	vsub.f32 v37, v22;
	v61 =	vmul.f32 v58, v2;
	v55 =	vmul.f32 v35, v2  }
0x89: {  	v6 =	vmul.f32 v6, v2;
	v62 =	vmul.f32 v59, v2;
	v17 =	vadd.f32 v33, v17  }
0x8a: {  	v7 =	vadd.f32 v55, v19;
	v33 =	vmul.f32 v56, v2;
	v19 =	vmul.f32 v57, v2  }
0x8b: {  	v63 =	vmul.f32 v60, v2;
	v24 =	vadd.f32 v61, v24;
	v6 =	vadd.f32 v6, v26  }
0x8c: {  	v21 =	vadd.f32 v33, v21;
	v19 =	vadd.f32 v19, v22  }
0x8d: {  	v22 =	vadd.f32 v62, v28;
	v33 =	vadd.f32 v63, v31  }
0x8e: {  	v24 =	vsub.f32 v24, v17;
	v6 =	vsub.f32 v6, v7  }
0x8f: {  	v22 =	vsub.f32 v22, v21;
	v26 =	vsub.f32 v33, v19  }
0x90: {  	v24 =	vmul.f32 v24, v3;
	v6 =	vmul.f32 v6, v3  }
0x91: {  	v22 =	vmul.f32 v22, v3;
	v26 =	vmul.f32 v26, v3  }
0x92: {  	v8 =	vcvt.s32.f32 v8;
	v17 =	vadd.f32 v24, v17;
	v6 =	vadd.f32 v6, v7  }
0x93: {  	v35 =	vadd.f32 v22, v21;
	v19 =	vadd.f32 v26, v19  }
0x94: {  	v4 =	vsub.f32 v4, v8  }
0x95: {  	v7 =	vsub.f32 v35, v17;
	v36 =	vsub.f32 v19, v6;
	_ =	sdelay $0x1  }
0x96: {  	v7 =	vmul.f32 v7, v4;
	v8 =	vmul.f32 v36, v4;
	_ =	sdelay $0x1  }
0x97: {  	v9 =	vcvt.s32.f32 v9;
	v7 =	vadd.f32 v7, v17;
	v6 =	vadd.f32 v8, v6;
	_ =	sdelay $0x1  }
0x98: {  	v5 =	vsub.f32 v5, v9;
	v6 =	vsub.f32 v6, v7;
	_ =	sdelay $0x1  }
0x99: {  	v6 =	vmul.f32 v6, v5;
	_ =	sdelay $0x1  }
0x9a: {  	v6 =	vadd.f32 v6, v7;
	_ =	sdelay $0x1  }
0x9b: {  	[tilespmem:s13+$0xFFFFFF80] =	vst v6  }
0x9c: {  	v6 =	vld.idx.msk [tilespmem:v11+s20+$0x0], $0xffff  }
0x9d: {  	v37 =	vld.idx.msk [tilespmem:v12+s20+$0x0], $0xffff  }
0x9e: {  	v38 =	vld.idx.msk [tilespmem:v13+s20+$0x0], $0xffff  }
0x9f: {  	v39 =	vld.idx.msk [tilespmem:v14+s20+$0x0], $0xffff  }
0xa0: {  	v40 =	vld.idx.msk [tilespmem:v15+s20+$0x0], $0xffff  }
0xa1: {  	v41 =	vld.idx.msk [tilespmem:v16+s20+$0x0], $0xffff  }
0xa2: {  	v42 =	vld.idx.msk [tilespmem:v18+s20+$0x0], $0xffff  }
0xa3: {  	v43 =	vld.idx.msk [tilespmem:v20+s20+$0x0], $0xffff  }
0xa4: {  	v44 =	vld.idx.msk [tilespmem:v23+s20+$0x0], $0xffff  }
0xa5: {  	v45 =	vld.idx.msk [tilespmem:v25+s20+$0x0], $0xffff  }
0xa6: {  	v46 =	vld.idx.msk [tilespmem:v27+s20+$0x0], $0xffff  }
0xa7: {  	v47 =	vld.idx.msk [tilespmem:v29+s20+$0x0], $0xffff  }
0xa8: {  	v48 =	vld.idx.msk [tilespmem:v30+s20+$0x0], $0xffff  }
0xa9: {  	v49 =	vld.idx.msk [tilespmem:v32+s20+$0x0], $0xffff  }
0xaa: {  	v50 =	vld.idx.msk [tilespmem:v34+s20+$0x0], $0xffff  }
0xab: {  	v10 =	vld.idx.msk [tilespmem:v10+s20+$0x0], $0xffff  }
0xac: {  	v15 =	vsub.f32 v44, v6  }
0xad: {  	v16 =	vsub.f32 v45, v37;
	v51 =	vsub.f32 v46, v38  }
0xae: {  	v52 =	vsub.f32 v47, v39;
	v53 =	vsub.f32 v48, v40  }
0xaf: {  	v54 =	vsub.f32 v49, v41;
	v55 =	vsub.f32 v50, v42;
	v15 =	vmul.f32 v15, v2  }
0xb0: {  	v10 =	vsub.f32 v10, v43;
	v16 =	vmul.f32 v16, v2;
	v56 =	vmul.f32 v53, v2  }
0xb1: {  	v57 =	vmul.f32 v54, v2;
	v58 =	vmul.f32 v55, v2;
	v6 =	vadd.f32 v15, v6  }
0xb2: {  	v7 =	vadd.f32 v16, v37;
	v15 =	vmul.f32 v51, v2;
	v16 =	vmul.f32 v52, v2  }
0xb3: {  	v2 =	vmul.f32 v10, v2;
	v59 =	vadd.f32 v56, v40;
	v60 =	vadd.f32 v57, v41  }
0xb4: {  	v61 =	vadd.f32 v58, v42;
	v8 =	vadd.f32 v15, v38  }
0xb5: {  	v9 =	vadd.f32 v16, v39;
	v2 =	vadd.f32 v2, v43  }
0xb6: {  	v10 =	vsub.f32 v59, v6;
	v11 =	vsub.f32 v60, v7  }
0xb7: {  	v12 =	vsub.f32 v61, v8;
	v2 =	vsub.f32 v2, v9  }
0xb8: {  	v10 =	vmul.f32 v10, v3;
	v11 =	vmul.f32 v11, v3  }
0xb9: {  	v12 =	vmul.f32 v12, v3;
	v2 =	vmul.f32 v2, v3  }
0xba: {  	v3 =	vadd.f32 v10, v6;
	v62 =	vadd.f32 v11, v7  }
0xbb: {  	v63 =	vadd.f32 v12, v8;
	v2 =	vadd.f32 v2, v9;
	_ =	sdelay $0x1  }
0xbc: {  	v7 =	vsub.f32 v63, v3;
	v2 =	vsub.f32 v2, v62;
	_ =	sdelay $0x1  }
0xbd: {  	v7 =	vmul.f32 v7, v4;
	v2 =	vmul.f32 v2, v4;
	_ =	sdelay $0x1  }
0xbe: {  	v3 =	vadd.f32 v7, v3;
	v2 =	vadd.f32 v2, v62;
	_ =	sdelay $0x1  }
0xbf: {  	v2 =	vsub.f32 v2, v3  }
0xc0: {  	p0 =	sne.s32 s12, $0x70  }
.Ltmp1:
0xc1: {  	v2 =	vmul.f32 v2, v5;
	(pc) =	sbr.rel @p0 .LBB2_5-.Ltmp1, $3  }
0xc2: {  	_ = 	snop  }
0xc3: {  	v2 =	vadd.f32 v2, v3;
	_ =	sdelay $0x1  }
0xc4: {  	s12 =	sadd.s32 $0x10, s12;
	[tilespmem:s13+$0x0] =	vst v2;
	s13 =	sadd.s32 $0x10, s13  }
0xc5: {  	s12 =	simm.s32 $0x13580;
	s13 =	simm.s32 $0x0  }
.LBB2_7:
0xc6: {  	v2 =	vmov s13  }
0xc7: {  	v2 =	vshll.u32 v2, $0x3  }
0xc8: {  	v2 =	vor.u32 v0, v2  }
0xc9: {  	v3 =	vor.u32 $0x1, v2  }
0xca: {  	v4 =	vor.u32 $0x2, v2  }
0xcb: {  	v5 =	vor.u32 $0x3, v2;
	_ =	sdelay $0x1  }
0xcc: {  	v2 =	vld.idx.msk [tilespmem:v2+s6+$0x0], $0xffff  }
0xcd: {  	v3 =	vld.idx.msk [tilespmem:v3+s6+$0x0], $0xffff  }
0xce: {  	v4 =	vld.idx.msk [tilespmem:v4+s6+$0x0], $0xffff  }
0xcf: {  	v5 =	vld.idx.msk [tilespmem:v5+s6+$0x0], $0xffff;
	_ =	sdelay $0x2  }
0xd0: {  	v6 =	vtrunc.f32 v2  }
0xd1: {  	v3 =	vmul.f32 $2.300000000e+01, v3;
	v4 =	vmul.f32 $2.300000000e+01, v4  }
0xd2: {  	v6 =	vcvt.f32.s32 v6;
	v5 =	vmul.f32 $2.300000000e+01, v5  }
0xd3: {  	v7 =	vtrunc.f32 v3;
	v8 =	vtrunc.f32 v4  }
0xd4: {  	v9 =	vtrunc.f32 v5;
	v10 =	vshra.s32 v6, $0x1F;
	v8 =	vcvt.f32.s32 v8  }
0xd5: {  	v7 =	vcvt.f32.s32 v7;
	v9 =	vcvt.f32.s32 v9;
	v6 =	vand.u32 v10, v6  }
0xd6: {  	v10 =	vmul.u32 $0x3600, v6;
	vm1 =	vlt.s32 v8, $0x16  }
0xd7: {  	vm0 =	vlt.s32 v7, $0x16;
	vm15 =	vlt.s32 v9, $0x16;
	v8 =	vnsel vm1, $0x16, v8  }
0xd8: {  	v7 =	vnsel vm0, $0x16, v7;
	v9 =	vnsel vm15, $0x16, v9;
	v11 =	vmul.u32 $0x18, v8  }
0xd9: {  	v10 =	vadd.s32 v10, v7;
	v12 =	vmul.u32 $0x240, v9  }
0xda: {  	v10 =	vadd.s32 v11, v10  }
0xdb: {  	v10 =	vadd.s32 v12, v10  }
0xdc: {  	v15 =	vadd.s32 $0x1, v10  }
0xdd: {  	v16 =	vadd.s32 $0x241, v10  }
0xde: {  	v18 =	vadd.s32 $0x19, v10  }
0xdf: {  	v20 =	vadd.s32 $0x259, v10  }
0xe0: {  	v30 =	vadd.s32 $0x3601, v10  }
0xe1: {  	v32 =	vadd.s32 $0x3841, v10;
	v24 =	vld.idx.msk [tilespmem:v15+s1+$0x0], $0xffff  }
0xe2: {  	v34 =	vadd.s32 $0x3619, v10;
	v26 =	vld.idx.msk [tilespmem:v16+s1+$0x0], $0xffff  }
0xe3: {  	v53 =	vand.u32 $0x7, v7;
	v52 =	vand.u32 $0xFFFFFFF8, v10;
	v10 =	vadd.s32 $0x3859, v10;
	v28 =	vld.idx.msk [tilespmem:v18+s1+$0x0], $0xffff  }
0xe4: {  	v11 =	vor.u32 v53, v52;
	v31 =	vld.idx.msk [tilespmem:v20+s1+$0x0], $0xffff  }
0xe5: {  	v12 =	vadd.s32 $0x240, v11;
	v38 =	vld.idx.msk [tilespmem:v30+s1+$0x0], $0xffff  }
0xe6: {  	v13 =	vadd.s32 $0x18, v11;
	v54 =	vld.idx.msk [tilespmem:v32+s1+$0x0], $0xffff  }
0xe7: {  	v14 =	vadd.s32 $0x258, v11;
	v39 =	vld.idx.msk [tilespmem:v34+s1+$0x0], $0xffff  }
0xe8: {  	v23 =	vadd.s32 $0x3600, v11;
	v40 =	vld.idx.msk [tilespmem:v10+s1+$0x0], $0xffff  }
0xe9: {  	v25 =	vadd.s32 $0x3840, v11;
	v17 =	vld.idx.msk [tilespmem:v11+s1+$0x0], $0xffff  }
0xea: {  	v27 =	vadd.s32 $0x3618, v11;
	v19 =	vld.idx.msk [tilespmem:v12+s1+$0x0], $0xffff  }
0xeb: {  	v29 =	vadd.s32 $0x3858, v11;
	v21 =	vld.idx.msk [tilespmem:v13+s1+$0x0], $0xffff  }
0xec: {  	v22 =	vld.idx.msk [tilespmem:v14+s1+$0x0], $0xffff  }
0xed: {  	v33 =	vld.idx.msk [tilespmem:v23+s1+$0x0], $0xffff  }
0xee: {  	v6 =	vcvt.s32.f32 v6;
	v35 =	vld.idx.msk [tilespmem:v25+s1+$0x0], $0xffff  }
0xef: {  	v7 =	vcvt.s32.f32 v7;
	v36 =	vld.idx.msk [tilespmem:v27+s1+$0x0], $0xffff  }
0xf0: {  	v2 =	vsub.f32 v2, v6;
	v37 =	vld.idx.msk [tilespmem:v29+s1+$0x0], $0xffff  }
0xf1: {  	v3 =	vsub.f32 v3, v7;
	v58 =	vsub.f32 v38, v24  }
0xf2: {  	v6 =	vsub.f32 v54, v26;
	v33 =	vsub.f32 v33, v17  }
0xf3: {  	v59 =	vsub.f32 v39, v28;
	v35 =	vsub.f32 v35, v19  }
0xf4: {  	v60 =	vsub.f32 v40, v31;
	v56 =	vsub.f32 v36, v21;
	v33 =	vmul.f32 v33, v2  }
0xf5: {  	v57 =	vsub.f32 v37, v22;
	v61 =	vmul.f32 v58, v2;
	v55 =	vmul.f32 v35, v2  }
0xf6: {  	v6 =	vmul.f32 v6, v2;
	v62 =	vmul.f32 v59, v2;
	v17 =	vadd.f32 v33, v17  }
0xf7: {  	v7 =	vadd.f32 v55, v19;
	v33 =	vmul.f32 v56, v2;
	v19 =	vmul.f32 v57, v2  }
0xf8: {  	v63 =	vmul.f32 v60, v2;
	v24 =	vadd.f32 v61, v24;
	v6 =	vadd.f32 v6, v26  }
0xf9: {  	v21 =	vadd.f32 v33, v21;
	v19 =	vadd.f32 v19, v22  }
0xfa: {  	v22 =	vadd.f32 v62, v28;
	v33 =	vadd.f32 v63, v31  }
0xfb: {  	v24 =	vsub.f32 v24, v17;
	v6 =	vsub.f32 v6, v7  }
0xfc: {  	v22 =	vsub.f32 v22, v21;
	v26 =	vsub.f32 v33, v19  }
0xfd: {  	v24 =	vmul.f32 v24, v3;
	v6 =	vmul.f32 v6, v3  }
0xfe: {  	v22 =	vmul.f32 v22, v3;
	v26 =	vmul.f32 v26, v3  }
0xff: {  	v8 =	vcvt.s32.f32 v8;
	v17 =	vadd.f32 v24, v17;
	v6 =	vadd.f32 v6, v7  }
0x100: {  	v35 =	vadd.f32 v22, v21;
	v19 =	vadd.f32 v26, v19  }
0x101: {  	v4 =	vsub.f32 v4, v8  }
0x102: {  	v7 =	vsub.f32 v35, v17;
	v36 =	vsub.f32 v19, v6;
	_ =	sdelay $0x1  }
0x103: {  	v7 =	vmul.f32 v7, v4;
	v8 =	vmul.f32 v36, v4;
	_ =	sdelay $0x1  }
0x104: {  	v9 =	vcvt.s32.f32 v9;
	v7 =	vadd.f32 v7, v17;
	v6 =	vadd.f32 v8, v6;
	_ =	sdelay $0x1  }
0x105: {  	v5 =	vsub.f32 v5, v9;
	v6 =	vsub.f32 v6, v7;
	_ =	sdelay $0x1  }
0x106: {  	v6 =	vmul.f32 v6, v5;
	_ =	sdelay $0x1  }
0x107: {  	v6 =	vadd.f32 v6, v7;
	_ =	sdelay $0x1  }
0x108: {  	[tilespmem:s12+$0xFFFFFF80] =	vst v6  }
0x109: {  	v6 =	vld.idx.msk [tilespmem:v11+s5+$0x0], $0xffff  }
0x10a: {  	v37 =	vld.idx.msk [tilespmem:v12+s5+$0x0], $0xffff  }
0x10b: {  	v38 =	vld.idx.msk [tilespmem:v13+s5+$0x0], $0xffff  }
0x10c: {  	v39 =	vld.idx.msk [tilespmem:v14+s5+$0x0], $0xffff  }
0x10d: {  	v40 =	vld.idx.msk [tilespmem:v15+s5+$0x0], $0xffff  }
0x10e: {  	v41 =	vld.idx.msk [tilespmem:v16+s5+$0x0], $0xffff  }
0x10f: {  	v42 =	vld.idx.msk [tilespmem:v18+s5+$0x0], $0xffff  }
0x110: {  	v43 =	vld.idx.msk [tilespmem:v20+s5+$0x0], $0xffff  }
0x111: {  	v44 =	vld.idx.msk [tilespmem:v23+s5+$0x0], $0xffff  }
0x112: {  	v45 =	vld.idx.msk [tilespmem:v25+s5+$0x0], $0xffff  }
0x113: {  	v46 =	vld.idx.msk [tilespmem:v27+s5+$0x0], $0xffff  }
0x114: {  	v47 =	vld.idx.msk [tilespmem:v29+s5+$0x0], $0xffff  }
0x115: {  	v48 =	vld.idx.msk [tilespmem:v30+s5+$0x0], $0xffff  }
0x116: {  	v49 =	vld.idx.msk [tilespmem:v32+s5+$0x0], $0xffff  }
0x117: {  	v50 =	vld.idx.msk [tilespmem:v34+s5+$0x0], $0xffff  }
0x118: {  	v10 =	vld.idx.msk [tilespmem:v10+s5+$0x0], $0xffff  }
0x119: {  	v15 =	vsub.f32 v44, v6  }
0x11a: {  	v16 =	vsub.f32 v45, v37;
	v51 =	vsub.f32 v46, v38  }
0x11b: {  	v52 =	vsub.f32 v47, v39;
	v53 =	vsub.f32 v48, v40  }
0x11c: {  	v54 =	vsub.f32 v49, v41;
	v55 =	vsub.f32 v50, v42;
	v15 =	vmul.f32 v15, v2  }
0x11d: {  	v10 =	vsub.f32 v10, v43;
	v16 =	vmul.f32 v16, v2;
	v56 =	vmul.f32 v53, v2  }
0x11e: {  	v57 =	vmul.f32 v54, v2;
	v58 =	vmul.f32 v55, v2;
	v6 =	vadd.f32 v15, v6  }
0x11f: {  	v7 =	vadd.f32 v16, v37;
	v15 =	vmul.f32 v51, v2;
	v16 =	vmul.f32 v52, v2  }
0x120: {  	v2 =	vmul.f32 v10, v2;
	v59 =	vadd.f32 v56, v40;
	v60 =	vadd.f32 v57, v41  }
0x121: {  	v61 =	vadd.f32 v58, v42;
	v8 =	vadd.f32 v15, v38  }
0x122: {  	v9 =	vadd.f32 v16, v39;
	v2 =	vadd.f32 v2, v43  }
0x123: {  	v10 =	vsub.f32 v59, v6;
	v11 =	vsub.f32 v60, v7  }
0x124: {  	v12 =	vsub.f32 v61, v8;
	v2 =	vsub.f32 v2, v9  }
0x125: {  	v10 =	vmul.f32 v10, v3;
	v11 =	vmul.f32 v11, v3  }
0x126: {  	v12 =	vmul.f32 v12, v3;
	v2 =	vmul.f32 v2, v3  }
0x127: {  	v3 =	vadd.f32 v10, v6;
	v62 =	vadd.f32 v11, v7  }
0x128: {  	v63 =	vadd.f32 v12, v8;
	v2 =	vadd.f32 v2, v9;
	_ =	sdelay $0x1  }
0x129: {  	v7 =	vsub.f32 v63, v3;
	v2 =	vsub.f32 v2, v62;
	_ =	sdelay $0x1  }
0x12a: {  	v7 =	vmul.f32 v7, v4;
	v2 =	vmul.f32 v2, v4;
	_ =	sdelay $0x1  }
0x12b: {  	v3 =	vadd.f32 v7, v3;
	v2 =	vadd.f32 v2, v62;
	_ =	sdelay $0x1  }
0x12c: {  	v2 =	vsub.f32 v2, v3  }
0x12d: {  	p0 =	sne.s32 s13, $0x70  }
.Ltmp2:
0x12e: {  	v2 =	vmul.f32 v2, v5;
	(pc) =	sbr.rel @p0 .LBB2_7-.Ltmp2, $3  }
0x12f: {  	_ = 	snop  }
0x130: {  	v2 =	vadd.f32 v2, v3;
	_ =	sdelay $0x1  }
0x131: {  	s13 =	sadd.s32 $0x10, s13;
	[tilespmem:s12+$0x0] =	vst v2;
	s12 =	sadd.s32 $0x10, s12  }
0x132: {  	v2 =	vmov s11  }
0x133: {  	v2 =	vshll.u32 v2, $0x3  }
0x134: {  	v2 =	vor.u32 v0, v2  }
0x135: {  	v3 =	vor.u32 $0x3, v2  }
0x136: {  	v4 =	vor.u32 $0x1, v2  }
0x137: {  	v5 =	vor.u32 $0x2, v2;
	_ =	sdelay $0x1  }
0x138: {  	v2 =	vld.idx.msk [tilespmem:v2+s6+$0x0], $0xffff  }
0x139: {  	v3 =	vld.idx.msk [tilespmem:v3+s6+$0x0], $0xffff  }
0x13a: {  	v4 =	vld.idx.msk [tilespmem:v4+s6+$0x0], $0xffff  }
0x13b: {  	v5 =	vld.idx.msk [tilespmem:v5+s6+$0x0], $0xffff;
	_ =	sdelay $0x1  }
0x13c: {  	v2 =	vmul.f32 $3.000000000e+00, v2  }
0x13d: {  	v3 =	vmul.f32 $3.100000000e+01, v3  }
0x13e: {  	v4 =	vmul.f32 $3.100000000e+01, v4;
	v2 =	vtrunc.f32 v2  }
0x13f: {  	v5 =	vmul.f32 $3.100000000e+01, v5;
	v2 =	vcvt.f32.s32 v2  }
0x140: {  	v4 =	vtrunc.f32 v4;
	v3 =	vtrunc.f32 v3  }
0x141: {  	v5 =	vtrunc.f32 v5;
	v4 =	vcvt.f32.s32 v4  }
0x142: {  	v5 =	vcvt.f32.s32 v5;
	v3 =	vcvt.f32.s32 v3;
	vm0 =	vlt.s32 v2, $0x2  }
0x143: {  	v2 =	vnsel vm0, $0x2, v2  }
0x144: {  	vm14 =	vlt.s32 v4, $0x1E;
	vm1 =	vlt.s32 v5, $0x1E;
	vm15 =	vlt.s32 v3, $0x1E  }
0x145: {  	v2 =	vshll.u32 v2, $0xF;
	v4 =	vnsel vm14, $0x1E, v4;
	v5 =	vnsel vm1, $0x1E, v5  }
0x146: {  	v3 =	vnsel vm15, $0x1E, v3;
	v2 =	vadd.s32 v4, v2;
	v4 =	vshll.u32 v5, $0x5  }
0x147: {  	s12 =	simm.s32 $0x12000;
	s13 =	simm.s32 $0x10;
	s11 =	simm.s32 $0x12000;
	v3 =	vshll.u32 v3, $0xA;
	v2 =	vadd.s32 v4, v2  }
.LBB2_9:
0x148: {  	p0 =	sne.s32 s13, $0x70  }
0x149: {  	v2 =	vadd.s32 v3, v2;
	s12 =	sadd.s32 $0x10, s12;
	s14 =	smov.u32 s13;
	s13 =	sadd.s32 $0x10, s13  }
0x14a: {  	v3 =	vadd.s32 $0x401, v2;
	v4 =	vadd.s32 $0x21, v2;
	v5 =	vadd.s32 $0x8421, v2;
	[tilespmem:s11+$0xFFFFFC00] =	vst v2  }
0x14b: {  	v6 =	vadd.s32 $0x421, v2;
	v7 =	vadd.s32 $0x8000, v2;
	v8 =	vadd.s32 $0x8020, v2;
	[tilespmem:s11+$0x380] =	vst v5  }
0x14c: {  	v9 =	vadd.s32 $0x8400, v2;
	v10 =	vadd.s32 $0x8401, v2;
	v5 =	vadd.s32 $0x420, v2;
	[tilespmem:s11+$0xFFFFFF00] =	vst v4  }
0x14d: {  	v11 =	vadd.s32 $0x8420, v2;
	v12 =	vadd.s32 $0x8021, v2;
	v4 =	vadd.s32 $0x400, v2;
	[tilespmem:s11+$0xFFFFFF80] =	vst v6  }
0x14e: {  	v13 =	vadd.s32 $0x1, v2;
	v6 =	vadd.s32 $0x20, v2;
	v2 =	vadd.s32 $0x8001, v2;
	[tilespmem:s11+$0xFFFFFE80] =	vst v3  }
0x14f: {  	[tilespmem:s11+$0x280] =	vst v10  }
0x150: {  	[tilespmem:s11+$0x0] =	vst v7  }
0x151: {  	[tilespmem:s11+$0x100] =	vst v8  }
0x152: {  	[tilespmem:s11+$0xFFFFFE00] =	vst v13  }
0x153: {  	v3 =	vmov s14;
	[tilespmem:s11+$0x80] =	vst v9  }
0x154: {  	v3 =	vshll.u32 v3, $0x3;
	[tilespmem:s11+$0x300] =	vst v12  }
0x155: {  	v3 =	vor.u32 v0, v3;
	[tilespmem:s11+$0xFFFFFD80] =	vst v5  }
0x156: {  	v7 =	vor.u32 $0x2, v3;
	v8 =	vor.u32 $0x3, v3;
	v5 =	vor.u32 $0x1, v3;
	[tilespmem:s11+$0x180] =	vst v11  }
0x157: {  	[tilespmem:s11+$0x200] =	vst v2  }
0x158: {  	[tilespmem:s11+$0xFFFFFC80] =	vst v4  }
0x159: {  	[tilespmem:s11+$0xFFFFFD00] =	vst v6;
	s11 =	smov.u32 s12  }
0x15a: {  	v2 =	vld.idx.msk [tilespmem:v3+s6+$0x0], $0xffff  }
0x15b: {  	v3 =	vld.idx.msk [tilespmem:v8+s6+$0x0], $0xffff  }
0x15c: {  	v4 =	vld.idx.msk [tilespmem:v5+s6+$0x0], $0xffff  }
0x15d: {  	v5 =	vld.idx.msk [tilespmem:v7+s6+$0x0], $0xffff;
	_ =	sdelay $0x2  }
0x15e: {  	v2 =	vmul.f32 $3.000000000e+00, v2  }
0x15f: {  	v3 =	vmul.f32 $3.100000000e+01, v3  }
0x160: {  	v2 =	vtrunc.f32 v2;
	v4 =	vmul.f32 $3.100000000e+01, v4  }
0x161: {  	v2 =	vcvt.f32.s32 v2;
	v5 =	vmul.f32 $3.100000000e+01, v5  }
0x162: {  	v3 =	vtrunc.f32 v3;
	v4 =	vtrunc.f32 v4  }
0x163: {  	vm0 =	vlt.s32 v2, $0x2;
	v4 =	vcvt.f32.s32 v4;
	v5 =	vtrunc.f32 v5  }
0x164: {  	v3 =	vcvt.f32.s32 v3;
	v2 =	vnsel vm0, $0x2, v2;
	v5 =	vcvt.f32.s32 v5  }
.Ltmp3:
0x165: {  	vm0 =	vlt.s32 v4, $0x1E;
	v2 =	vshll.u32 v2, $0xF;
	(pc) =	sbr.rel @p0 .LBB2_9-.Ltmp3, $4  }
0x166: {  	vm1 =	vlt.s32 v3, $0x1E;
	v4 =	vnsel vm0, $0x1E, v4;
	vm0 =	vlt.s32 v5, $0x1E  }
0x167: {  	v3 =	vnsel vm1, $0x1E, v3;
	v5 =	vnsel vm0, $0x1E, v5;
	v2 =	vadd.s32 v4, v2  }
0x168: {  	v4 =	vshll.u32 v5, $0x5  }
0x169: {  	v3 =	vshll.u32 v3, $0xA;
	v2 =	vadd.s32 v4, v2  }
0x16a: {  	v2 =	vadd.s32 v3, v2  }
0x16b: {  	v3 =	vadd.s32 $0x8421, v2;
	[tilespmem:s11+$0xFFFFFC00] =	vst v2  }
0x16c: {  	v4 =	vadd.s32 $0x21, v2;
	[tilespmem:s11+$0x380] =	vst v3  }
0x16d: {  	v58 =	vadd.s32 $0x401, v2;
	[tilespmem:s11+$0xFFFFFF00] =	vst v4  }
0x16e: {  	v59 =	vadd.s32 $0x8000, v2;
	[tilespmem:s11+$0xFFFFFE80] =	vst v58  }
0x16f: {  	v60 =	vadd.s32 $0x1, v2;
	[tilespmem:s11+$0x0] =	vst v59  }
0x170: {  	v61 =	vadd.s32 $0x8021, v2;
	[tilespmem:s11+$0xFFFFFE00] =	vst v60  }
0x171: {  	v62 =	vadd.s32 $0x8420, v2;
	[tilespmem:s11+$0x300] =	vst v61  }
0x172: {  	v63 =	vadd.s32 $0x400, v2;
	[tilespmem:s11+$0x180] =	vst v62  }
0x173: {  	v3 =	vadd.s32 $0x421, v2;
	[tilespmem:s11+$0xFFFFFC80] =	vst v63  }
0x174: {  	[tilespmem:s11+$0xFFFFFF80] =	vst v3;
	v3 =	vadd.s32 $0x8401, v2  }
0x175: {  	[tilespmem:s11+$0x280] =	vst v3;
	v3 =	vadd.s32 $0x8020, v2  }
0x176: {  	[tilespmem:s11+$0x100] =	vst v3;
	v3 =	vadd.s32 $0x8400, v2  }
0x177: {  	[tilespmem:s11+$0x80] =	vst v3;
	v3 =	vadd.s32 $0x420, v2  }
0x178: {  	[tilespmem:s11+$0xFFFFFD80] =	vst v3;
	v3 =	vadd.s32 $0x8001, v2  }
0x179: {  	v2 =	vadd.s32 $0x20, v2;
	[tilespmem:s11+$0x200] =	vst v3  }
0x17a: {  	s15 =	rddreg [dreg:$0x8];
	[tilespmem:s11+$0xFFFFFD00] =	vst v2  }
0x17b: {  	[tilespmem:s2], [sflag:$0x1] =	stream.indirect.gather [hbm4b:s15+s7], $0x1, s31, s7, $0xb8;
	[tilespmem:$0x13A80] =	vst v63  }
0x17c: {  	s16 =	rddreg [dreg:$0x9]  }
0x17d: {  	[tilespmem:s4], [sflag:$0x1] =	stream.indirect.gather [hbm4b:s16+s7], $0x1, s31, s7, $0xb8;
	[tilespmem:$0x13A80] =	vst v63  }
0x17e: {  	_ =	swait.ge [sflag:s8], $0x800  }
0x17f: {  	[sflag:s8] =	ssyncset.done $0x0  }
0x180: {  	[sflag:s8] =	ssyncadd.s32 $0xFFFFF800  }
0x181: {  	s12 =	simm.s32 $0x13680;
	_ =	swait.ge [sflag:s8], $0x800  }
0x182: {  	s13 =	simm.s32 $0x12800;
	s14 =	simm.s32 $0x13000;
	[sflag:s8] =	ssyncset.done $0x0  }
0x183: {  	s11 =	simm.s32 $0x0;
	s15 =	simm.s32 $0x0;
	[sflag:s8] =	ssyncadd.s32 $0xFFFFF800  }
.LBB2_11:
0x184: {  	v2 =	vmov s15  }
0x185: {  	v6 =	vld [tilespmem:s13+$0xFFFFFC00];
	v2 =	vshll.u32 v2, $0x3  }
0x186: {  	v7 =	vld [tilespmem:s13+$0xFFFFFC80];
	v2 =	vor.u32 v0, v2  }
0x187: {  	v8 =	vld [tilespmem:s13+$0xFFFFFD00]  }
0x188: {  	v9 =	vld [tilespmem:s13+$0xFFFFFD80]  }
0x189: {  	v10 =	vld [tilespmem:s13+$0xFFFFFE00];
	v3 =	vor.u32 $0x1, v2  }
0x18a: {  	v11 =	vld [tilespmem:s13+$0xFFFFFE80]  }
0x18b: {  	v5 =	vld.idx.msk [tilespmem:v2+s6+$0x0], $0xffff  }
0x18c: {  	v13 =	vld [tilespmem:s13+$0xFFFFFF00]  }
0x18d: {  	v14 =	vld [tilespmem:s13+$0xFFFFFF80]  }
0x18e: {  	v3 =	vld.idx.msk [tilespmem:v3+s6+$0x0], $0xffff  }
0x18f: {  	v15 =	vld [tilespmem:s13+$0x0]  }
0x190: {  	v17 =	vld [tilespmem:s13+$0x80];
	v4 =	vor.u32 $0x2, v2;
	v5 =	vmul.f32 $3.000000000e+00, v5  }
0x191: {  	v18 =	vld [tilespmem:s13+$0x100]  }
0x192: {  	v20 =	vld [tilespmem:s13+$0x200];
	v12 =	vtrunc.f32 v5  }
0x193: {  	v21 =	vld [tilespmem:s13+$0x300];
	v3 =	vmul.f32 $3.100000000e+01, v3;
	v12 =	vcvt.f32.s32 v12  }
0x194: {  	v25 =	vld [tilespmem:s13+$0x280]  }
0x195: {  	v4 =	vld.idx.msk [tilespmem:v4+s6+$0x0], $0xffff;
	v16 =	vtrunc.f32 v3;
	vm0 =	vlt.s32 v12, $0x2  }
0x196: {  	v22 =	vld [tilespmem:s13+$0x380];
	v15 =	vsub.f32 v15, v6;
	v16 =	vcvt.f32.s32 v16;
	v12 =	vnsel vm0, $0x2, v12  }
0x197: {  	v19 =	vld [tilespmem:s13+$0x180];
	v17 =	vsub.f32 v17, v7;
	v27 =	vsub.f32 v18, v8;
	v12 =	vcvt.s32.f32 v12  }
0x198: {  	v29 =	vsub.f32 v20, v10;
	v30 =	vsub.f32 v21, v13;
	vm13 =	vlt.s32 v16, $0x1E  }
0x199: {  	v2 =	vor.u32 $0x3, v2;
	v24 =	vnsel vm13, $0x1E, v16;
	v5 =	vsub.f32 v5, v12  }
0x19a: {  	v4 =	vmul.f32 $3.100000000e+01, v4;
	v16 =	vsub.f32 v25, v11;
	v12 =	vcvt.s32.f32 v24  }
0x19b: {  	v31 =	vsub.f32 v22, v14;
	v15 =	vmul.f32 v15, v5;
	v17 =	vmul.f32 v17, v5  }
0x19c: {  	v28 =	vsub.f32 v19, v9;
	v32 =	vmul.f32 v29, v5;
	v16 =	vmul.f32 v16, v5  }
0x19d: {  	v3 =	vsub.f32 v3, v12;
	v33 =	vmul.f32 v30, v5;
	v34 =	vmul.f32 v31, v5  }
0x19e: {  	v2 =	vld.idx.msk [tilespmem:v2+s6+$0x0], $0xffff;
	v6 =	vadd.f32 v15, v6;
	v7 =	vadd.f32 v17, v7;
	v15 =	vmul.f32 v27, v5  }
0x19f: {  	v17 =	vmul.f32 v28, v5;
	v10 =	vadd.f32 v32, v10;
	v11 =	vadd.f32 v16, v11  }
0x1a0: {  	v13 =	vadd.f32 v33, v13;
	v14 =	vadd.f32 v34, v14  }
0x1a1: {  	v26 =	vtrunc.f32 v4;
	v8 =	vadd.f32 v15, v8;
	v9 =	vadd.f32 v17, v9  }
0x1a2: {  	v12 =	vcvt.f32.s32 v26;
	v10 =	vsub.f32 v10, v6;
	v11 =	vsub.f32 v11, v7  }
0x1a3: {  	v2 =	vmul.f32 $3.100000000e+01, v2;
	v13 =	vsub.f32 v13, v8;
	v14 =	vsub.f32 v14, v9  }
0x1a4: {  	vm14 =	vlt.s32 v12, $0x1E;
	v10 =	vmul.f32 v10, v3;
	v11 =	vmul.f32 v11, v3  }
0x1a5: {  	v12 =	vnsel vm14, $0x1E, v12;
	v13 =	vmul.f32 v13, v3;
	v14 =	vmul.f32 v14, v3  }
0x1a6: {  	v12 =	vcvt.s32.f32 v12;
	v6 =	vadd.f32 v10, v6;
	v7 =	vadd.f32 v11, v7  }
0x1a7: {  	v8 =	vadd.f32 v13, v8;
	v9 =	vadd.f32 v14, v9  }
0x1a8: {  	v35 =	vtrunc.f32 v2;
	v4 =	vsub.f32 v4, v12  }
0x1a9: {  	v10 =	vcvt.f32.s32 v35;
	v8 =	vsub.f32 v8, v6;
	v9 =	vsub.f32 v9, v7;
	_ =	sdelay $0x1  }
0x1aa: {  	vm15 =	vlt.s32 v10, $0x1E;
	v8 =	vmul.f32 v8, v4;
	v9 =	vmul.f32 v9, v4  }
0x1ab: {  	v10 =	vnsel vm15, $0x1E, v10  }
0x1ac: {  	v10 =	vcvt.s32.f32 v10;
	v6 =	vadd.f32 v8, v6;
	v7 =	vadd.f32 v9, v7;
	_ =	sdelay $0x1  }
0x1ad: {  	v2 =	vsub.f32 v2, v10;
	v7 =	vsub.f32 v7, v6;
	_ =	sdelay $0x1  }
0x1ae: {  	v7 =	vmul.f32 v7, v2;
	_ =	sdelay $0x1  }
0x1af: {  	v6 =	vadd.f32 v7, v6;
	_ =	sdelay $0x1  }
0x1b0: {  	[tilespmem:s12+$0xFFFFFF80] =	vst v6  }
0x1b1: {  	v6 =	vld [tilespmem:s14+$0xFFFFFC00]  }
0x1b2: {  	v36 =	vld [tilespmem:s14+$0xFFFFFC80]  }
0x1b3: {  	v37 =	vld [tilespmem:s14+$0xFFFFFD00]  }
0x1b4: {  	v38 =	vld [tilespmem:s14+$0xFFFFFD80]  }
0x1b5: {  	v39 =	vld [tilespmem:s14+$0xFFFFFE00]  }
0x1b6: {  	v40 =	vld [tilespmem:s14+$0xFFFFFE80]  }
0x1b7: {  	v41 =	vld [tilespmem:s14+$0xFFFFFF00]  }
0x1b8: {  	v42 =	vld [tilespmem:s14+$0xFFFFFF80]  }
0x1b9: {  	v43 =	vld [tilespmem:s14+$0x0]  }
0x1ba: {  	v44 =	vld [tilespmem:s14+$0x80]  }
0x1bb: {  	v45 =	vld [tilespmem:s14+$0x100]  }
0x1bc: {  	v46 =	vld [tilespmem:s14+$0x180]  }
0x1bd: {  	v47 =	vld [tilespmem:s14+$0x200]  }
0x1be: {  	v48 =	vld [tilespmem:s14+$0x280]  }
0x1bf: {  	v49 =	vld [tilespmem:s14+$0x300]  }
0x1c0: {  	v50 =	vld [tilespmem:s14+$0x380]  }
0x1c1: {  	v14 =	vsub.f32 v43, v6  }
0x1c2: {  	v15 =	vsub.f32 v44, v36;
	v51 =	vsub.f32 v45, v37  }
0x1c3: {  	v52 =	vsub.f32 v46, v38;
	v53 =	vsub.f32 v47, v39  }
0x1c4: {  	v54 =	vsub.f32 v48, v40;
	v55 =	vsub.f32 v49, v41;
	v14 =	vmul.f32 v14, v5  }
0x1c5: {  	v56 =	vsub.f32 v50, v42;
	v15 =	vmul.f32 v15, v5;
	v57 =	vmul.f32 v53, v5  }
0x1c6: {  	v58 =	vmul.f32 v54, v5;
	v59 =	vmul.f32 v55, v5;
	v6 =	vadd.f32 v14, v6  }
0x1c7: {  	v7 =	vadd.f32 v15, v36;
	v14 =	vmul.f32 v51, v5;
	v15 =	vmul.f32 v52, v5  }
0x1c8: {  	v5 =	vmul.f32 v56, v5;
	v10 =	vadd.f32 v57, v39;
	v11 =	vadd.f32 v58, v40  }
0x1c9: {  	v12 =	vadd.f32 v59, v41;
	v8 =	vadd.f32 v14, v37  }
0x1ca: {  	v9 =	vadd.f32 v15, v38;
	v5 =	vadd.f32 v5, v42  }
0x1cb: {  	v10 =	vsub.f32 v10, v6;
	v11 =	vsub.f32 v11, v7  }
0x1cc: {  	v12 =	vsub.f32 v12, v8;
	v5 =	vsub.f32 v5, v9  }
0x1cd: {  	v10 =	vmul.f32 v10, v3;
	v11 =	vmul.f32 v11, v3  }
0x1ce: {  	v12 =	vmul.f32 v12, v3;
	v3 =	vmul.f32 v5, v3  }
0x1cf: {  	v60 =	vadd.f32 v10, v6;
	v61 =	vadd.f32 v11, v7  }
0x1d0: {  	v62 =	vadd.f32 v12, v8;
	v3 =	vadd.f32 v3, v9;
	_ =	sdelay $0x1  }
0x1d1: {  	v7 =	vsub.f32 v62, v60;
	v3 =	vsub.f32 v3, v61;
	_ =	sdelay $0x1  }
0x1d2: {  	v7 =	vmul.f32 v7, v4;
	v3 =	vmul.f32 v3, v4;
	_ =	sdelay $0x1  }
0x1d3: {  	v63 =	vadd.f32 v7, v60;
	v3 =	vadd.f32 v3, v61;
	_ =	sdelay $0x1  }
0x1d4: {  	v3 =	vsub.f32 v3, v63  }
0x1d5: {  	p0 =	sne.s32 s15, $0x70  }
.Ltmp4:
0x1d6: {  	v2 =	vmul.f32 v3, v2;
	(pc) =	sbr.rel @p0 .LBB2_11-.Ltmp4, $4  }
0x1d7: {  	_ = 	snop  }
0x1d8: {  	v2 =	vadd.f32 v2, v63  }
0x1d9: {  	s13 =	sadd.s32 $0x10, s13  }
0x1da: {  	s15 =	sadd.s32 $0x10, s15;
	s14 =	sadd.s32 $0x10, s14;
	[tilespmem:s12+$0x0] =	vst v2;
	s12 =	sadd.s32 $0x10, s12  }
0x1db: {  	v2 =	vmov s11  }
0x1dc: {  	v2 =	vshll.u32 v2, $0x3  }
0x1dd: {  	v2 =	vor.u32 v0, v2  }
0x1de: {  	v3 =	vor.u32 $0x2, v2  }
0x1df: {  	v4 =	vor.u32 $0x1, v2  }
0x1e0: {  	v5 =	vor.u32 $0x3, v2;
	_ =	sdelay $0x1  }
0x1e1: {  	v2 =	vld.idx.msk [tilespmem:v2+s6+$0x0], $0xffff  }
0x1e2: {  	v3 =	vld.idx.msk [tilespmem:v3+s6+$0x0], $0xffff  }
0x1e3: {  	v4 =	vld.idx.msk [tilespmem:v4+s6+$0x0], $0xffff  }
0x1e4: {  	v5 =	vld.idx.msk [tilespmem:v5+s6+$0x0], $0xffff;
	_ =	sdelay $0x2  }
0x1e5: {  	v2 =	vmul.f32 $3.000000000e+00, v2  }
0x1e6: {  	v3 =	vmul.f32 $4.700000000e+01, v3;
	v4 =	vmul.f32 $4.700000000e+01, v4  }
0x1e7: {  	v5 =	vmul.f32 $4.700000000e+01, v5;
	v2 =	vtrunc.f32 v2  }
0x1e8: {  	v2 =	vcvt.f32.s32 v2;
	v3 =	vtrunc.f32 v3  }
0x1e9: {  	v4 =	vtrunc.f32 v4;
	v3 =	vcvt.f32.s32 v3  }
0x1ea: {  	v5 =	vtrunc.f32 v5;
	v4 =	vcvt.f32.s32 v4;
	vm0 =	vlt.s32 v2, $0x2  }
0x1eb: {  	v5 =	vcvt.f32.s32 v5;
	v2 =	vnsel vm0, $0x2, v2;
	vm13 =	vlt.s32 v3, $0x2E  }
0x1ec: {  	vm14 =	vlt.s32 v4, $0x2E;
	v3 =	vnsel vm13, $0x2E, v3;
	v2 =	vmul.u32 $0x1B000, v2  }
0x1ed: {  	vm15 =	vlt.s32 v5, $0x2E;
	v4 =	vnsel vm14, $0x2E, v4;
	v3 =	vmul.u32 $0x30, v3  }
0x1ee: {  	v4 =	vadd.s32 v4, v2;
	v2 =	vnsel vm15, $0x2E, v5  }
0x1ef: {  	s12 =	simm.s32 $0x12000;
	s13 =	simm.s32 $0x10;
	s11 =	simm.s32 $0x12000;
	v2 =	vmul.u32 $0x900, v2;
	v3 =	vadd.s32 v3, v4  }
.LBB2_13:
0x1f0: {  	p0 =	sne.s32 s13, $0x70  }
0x1f1: {  	v2 =	vadd.s32 v2, v3;
	s12 =	sadd.s32 $0x10, s12;
	s14 =	smov.u32 s13;
	s13 =	sadd.s32 $0x10, s13  }
0x1f2: {  	v3 =	vadd.s32 $0x900, v2;
	v4 =	vadd.s32 $0x30, v2;
	v5 =	vadd.s32 $0x931, v2;
	[tilespmem:s11+$0xFFFFFC00] =	vst v2  }
0x1f3: {  	v6 =	vadd.s32 $0x930, v2;
	v7 =	vadd.s32 $0x1B900, v2;
	v8 =	vadd.s32 $0x1B031, v2;
	[tilespmem:s11+$0xFFFFFC80] =	vst v3  }
0x1f4: {  	v9 =	vadd.s32 $0x1B930, v2;
	v10 =	vadd.s32 $0x1B931, v2;
	v3 =	vadd.s32 $0x1B000, v2;
	[tilespmem:s11+$0xFFFFFF80] =	vst v5  }
0x1f5: {  	v11 =	vadd.s32 $0x901, v2;
	v12 =	vadd.s32 $0x1B901, v2;
	v5 =	vadd.s32 $0x1, v2;
	[tilespmem:s11+$0xFFFFFD00] =	vst v4  }
0x1f6: {  	v13 =	vadd.s32 $0x1B030, v2;
	v4 =	vadd.s32 $0x31, v2;
	v2 =	vadd.s32 $0x1B001, v2;
	[tilespmem:s11+$0x300] =	vst v8  }
0x1f7: {  	[tilespmem:s11+$0xFFFFFD80] =	vst v6  }
0x1f8: {  	[tilespmem:s11+$0xFFFFFE80] =	vst v11  }
0x1f9: {  	[tilespmem:s11+$0x80] =	vst v7  }
0x1fa: {  	[tilespmem:s11+$0x380] =	vst v10  }
0x1fb: {  	v6 =	vmov s14;
	[tilespmem:s11+$0x100] =	vst v13  }
0x1fc: {  	v6 =	vshll.u32 v6, $0x3;
	[tilespmem:s11+$0xFFFFFE00] =	vst v5  }
0x1fd: {  	v5 =	vor.u32 v0, v6;
	[tilespmem:s11+$0x180] =	vst v9  }
0x1fe: {  	v6 =	vor.u32 $0x1, v5;
	v7 =	vor.u32 $0x2, v5;
	v8 =	vor.u32 $0x3, v5;
	[tilespmem:s11+$0x0] =	vst v3  }
0x1ff: {  	[tilespmem:s11+$0x200] =	vst v2  }
0x200: {  	[tilespmem:s11+$0x280] =	vst v12  }
0x201: {  	[tilespmem:s11+$0xFFFFFF00] =	vst v4;
	s11 =	smov.u32 s12  }
0x202: {  	v2 =	vld.idx.msk [tilespmem:v5+s6+$0x0], $0xffff  }
0x203: {  	v3 =	vld.idx.msk [tilespmem:v6+s6+$0x0], $0xffff  }
0x204: {  	v4 =	vld.idx.msk [tilespmem:v7+s6+$0x0], $0xffff  }
0x205: {  	v5 =	vld.idx.msk [tilespmem:v8+s6+$0x0], $0xffff;
	_ =	sdelay $0x2  }
0x206: {  	v2 =	vmul.f32 $3.000000000e+00, v2  }
0x207: {  	v3 =	vmul.f32 $4.700000000e+01, v3  }
0x208: {  	v2 =	vtrunc.f32 v2;
	v4 =	vmul.f32 $4.700000000e+01, v4  }
0x209: {  	v2 =	vcvt.f32.s32 v2;
	v5 =	vmul.f32 $4.700000000e+01, v5  }
0x20a: {  	v3 =	vtrunc.f32 v3;
	v4 =	vtrunc.f32 v4  }
0x20b: {  	v3 =	vcvt.f32.s32 v3;
	vm0 =	vlt.s32 v2, $0x2;
	v4 =	vcvt.f32.s32 v4  }
0x20c: {  	v5 =	vtrunc.f32 v5;
	v2 =	vnsel vm0, $0x2, v2  }
0x20d: {  	vm0 =	vlt.s32 v3, $0x2E;
	v5 =	vcvt.f32.s32 v5;
	v2 =	vmul.u32 $0x1B000, v2  }
.Ltmp5:
0x20e: {  	v3 =	vnsel vm0, $0x2E, v3;
	vm0 =	vlt.s32 v4, $0x2E;
	(pc) =	sbr.rel @p0 .LBB2_13-.Ltmp5, $4  }
0x20f: {  	v4 =	vnsel vm0, $0x2E, v4;
	vm0 =	vlt.s32 v5, $0x2E;
	v3 =	vadd.s32 v3, v2  }
0x210: {  	v2 =	vnsel vm0, $0x2E, v5;
	v4 =	vmul.u32 $0x30, v4  }
0x211: {  	v2 =	vmul.u32 $0x900, v2  }
0x212: {  	v3 =	vadd.s32 v4, v3  }
0x213: {  	v2 =	vadd.s32 v2, v3  }
0x214: {  	v3 =	vadd.s32 $0x900, v2;
	[tilespmem:s11+$0xFFFFFC00] =	vst v2  }
0x215: {  	v4 =	vadd.s32 $0x931, v2;
	[tilespmem:s11+$0xFFFFFC80] =	vst v3  }
0x216: {  	v58 =	vadd.s32 $0x1B031, v2;
	[tilespmem:s11+$0xFFFFFF80] =	vst v4  }
0x217: {  	v59 =	vadd.s32 $0x901, v2;
	[tilespmem:s11+$0x300] =	vst v58  }
0x218: {  	v60 =	vadd.s32 $0x1B931, v2;
	[tilespmem:s11+$0xFFFFFE80] =	vst v59  }
0x219: {  	v61 =	vadd.s32 $0x1, v2;
	[tilespmem:s11+$0x380] =	vst v60  }
0x21a: {  	v62 =	vadd.s32 $0x1B000, v2;
	[tilespmem:s11+$0xFFFFFE00] =	vst v61  }
0x21b: {  	v63 =	vadd.s32 $0x1B901, v2;
	[tilespmem:s11+$0x0] =	vst v62  }
0x21c: {  	v3 =	vadd.s32 $0x30, v2;
	[tilespmem:s11+$0x280] =	vst v63  }
0x21d: {  	[tilespmem:s11+$0xFFFFFD00] =	vst v3;
	v3 =	vadd.s32 $0x930, v2  }
0x21e: {  	[tilespmem:s11+$0xFFFFFD80] =	vst v3;
	v3 =	vadd.s32 $0x1B900, v2  }
0x21f: {  	[tilespmem:s11+$0x80] =	vst v3;
	v3 =	vadd.s32 $0x1B030, v2  }
0x220: {  	[tilespmem:s11+$0x100] =	vst v3;
	v3 =	vadd.s32 $0x1B930, v2  }
0x221: {  	[tilespmem:s11+$0x180] =	vst v3;
	v3 =	vadd.s32 $0x1B001, v2  }
0x222: {  	v2 =	vadd.s32 $0x31, v2;
	[tilespmem:s11+$0x200] =	vst v3  }
0x223: {  	s15 =	rddreg [dreg:$0xa];
	[tilespmem:s11+$0xFFFFFF00] =	vst v2  }
0x224: {  	[tilespmem:s2], [sflag:$0x1] =	stream.indirect.gather [hbm4b:s15+s7], $0x1, s31, s7, $0xb8;
	[tilespmem:$0x13A80] =	vst v63  }
0x225: {  	s16 =	rddreg [dreg:$0xb]  }
0x226: {  	[tilespmem:s4], [sflag:$0x1] =	stream.indirect.gather [hbm4b:s16+s7], $0x1, s31, s7, $0xb8;
	[tilespmem:$0x13A80] =	vst v63  }
0x227: {  	_ =	swait.ge [sflag:s8], $0x800  }
0x228: {  	[sflag:s8] =	ssyncset.done $0x0  }
0x229: {  	[sflag:s8] =	ssyncadd.s32 $0xFFFFF800  }
0x22a: {  	s12 =	simm.s32 $0x13780;
	_ =	swait.ge [sflag:s8], $0x800  }
0x22b: {  	s13 =	simm.s32 $0x12800;
	s14 =	simm.s32 $0x13000;
	[sflag:s8] =	ssyncset.done $0x0  }
0x22c: {  	s11 =	simm.s32 $0x0;
	s15 =	simm.s32 $0x0;
	[sflag:s8] =	ssyncadd.s32 $0xFFFFF800  }
.LBB2_15:
0x22d: {  	v2 =	vmov s15  }
0x22e: {  	v6 =	vld [tilespmem:s13+$0xFFFFFC00];
	v2 =	vshll.u32 v2, $0x3  }
0x22f: {  	v7 =	vld [tilespmem:s13+$0xFFFFFC80];
	v2 =	vor.u32 v0, v2  }
0x230: {  	v8 =	vld [tilespmem:s13+$0xFFFFFD00]  }
0x231: {  	v9 =	vld [tilespmem:s13+$0xFFFFFD80]  }
0x232: {  	v10 =	vld [tilespmem:s13+$0xFFFFFE00];
	v3 =	vor.u32 $0x1, v2  }
0x233: {  	v11 =	vld [tilespmem:s13+$0xFFFFFE80]  }
0x234: {  	v5 =	vld.idx.msk [tilespmem:v2+s6+$0x0], $0xffff  }
0x235: {  	v13 =	vld [tilespmem:s13+$0xFFFFFF00]  }
0x236: {  	v14 =	vld [tilespmem:s13+$0xFFFFFF80]  }
0x237: {  	v3 =	vld.idx.msk [tilespmem:v3+s6+$0x0], $0xffff  }
0x238: {  	v15 =	vld [tilespmem:s13+$0x0]  }
0x239: {  	v17 =	vld [tilespmem:s13+$0x80];
	v4 =	vor.u32 $0x2, v2;
	v5 =	vmul.f32 $3.000000000e+00, v5  }
0x23a: {  	v18 =	vld [tilespmem:s13+$0x100]  }
0x23b: {  	v20 =	vld [tilespmem:s13+$0x200];
	v12 =	vtrunc.f32 v5  }
0x23c: {  	v21 =	vld [tilespmem:s13+$0x300];
	v3 =	vmul.f32 $4.700000000e+01, v3;
	v12 =	vcvt.f32.s32 v12  }
0x23d: {  	v25 =	vld [tilespmem:s13+$0x280]  }
0x23e: {  	v4 =	vld.idx.msk [tilespmem:v4+s6+$0x0], $0xffff;
	v16 =	vtrunc.f32 v3;
	vm0 =	vlt.s32 v12, $0x2  }
0x23f: {  	v22 =	vld [tilespmem:s13+$0x380];
	v15 =	vsub.f32 v15, v6;
	v16 =	vcvt.f32.s32 v16;
	v12 =	vnsel vm0, $0x2, v12  }
0x240: {  	v19 =	vld [tilespmem:s13+$0x180];
	v17 =	vsub.f32 v17, v7;
	v27 =	vsub.f32 v18, v8;
	v12 =	vcvt.s32.f32 v12  }
0x241: {  	v29 =	vsub.f32 v20, v10;
	v30 =	vsub.f32 v21, v13;
	vm13 =	vlt.s32 v16, $0x2E  }
0x242: {  	v2 =	vor.u32 $0x3, v2;
	v24 =	vnsel vm13, $0x2E, v16;
	v5 =	vsub.f32 v5, v12  }
0x243: {  	v4 =	vmul.f32 $4.700000000e+01, v4;
	v16 =	vsub.f32 v25, v11;
	v12 =	vcvt.s32.f32 v24  }
0x244: {  	v31 =	vsub.f32 v22, v14;
	v15 =	vmul.f32 v15, v5;
	v17 =	vmul.f32 v17, v5  }
0x245: {  	v28 =	vsub.f32 v19, v9;
	v32 =	vmul.f32 v29, v5;
	v16 =	vmul.f32 v16, v5  }
0x246: {  	v3 =	vsub.f32 v3, v12;
	v33 =	vmul.f32 v30, v5;
	v34 =	vmul.f32 v31, v5  }
0x247: {  	v2 =	vld.idx.msk [tilespmem:v2+s6+$0x0], $0xffff;
	v6 =	vadd.f32 v15, v6;
	v7 =	vadd.f32 v17, v7;
	v15 =	vmul.f32 v27, v5  }
0x248: {  	v17 =	vmul.f32 v28, v5;
	v10 =	vadd.f32 v32, v10;
	v11 =	vadd.f32 v16, v11  }
0x249: {  	v13 =	vadd.f32 v33, v13;
	v14 =	vadd.f32 v34, v14  }
0x24a: {  	v26 =	vtrunc.f32 v4;
	v8 =	vadd.f32 v15, v8;
	v9 =	vadd.f32 v17, v9  }
0x24b: {  	v12 =	vcvt.f32.s32 v26;
	v10 =	vsub.f32 v10, v6;
	v11 =	vsub.f32 v11, v7  }
0x24c: {  	v2 =	vmul.f32 $4.700000000e+01, v2;
	v13 =	vsub.f32 v13, v8;
	v14 =	vsub.f32 v14, v9  }
0x24d: {  	vm14 =	vlt.s32 v12, $0x2E;
	v10 =	vmul.f32 v10, v3;
	v11 =	vmul.f32 v11, v3  }
0x24e: {  	v12 =	vnsel vm14, $0x2E, v12;
	v13 =	vmul.f32 v13, v3;
	v14 =	vmul.f32 v14, v3  }
0x24f: {  	v12 =	vcvt.s32.f32 v12;
	v6 =	vadd.f32 v10, v6;
	v7 =	vadd.f32 v11, v7  }
0x250: {  	v8 =	vadd.f32 v13, v8;
	v9 =	vadd.f32 v14, v9  }
0x251: {  	v35 =	vtrunc.f32 v2;
	v4 =	vsub.f32 v4, v12  }
0x252: {  	v10 =	vcvt.f32.s32 v35;
	v8 =	vsub.f32 v8, v6;
	v9 =	vsub.f32 v9, v7;
	_ =	sdelay $0x1  }
0x253: {  	vm15 =	vlt.s32 v10, $0x2E;
	v8 =	vmul.f32 v8, v4;
	v9 =	vmul.f32 v9, v4  }
0x254: {  	v10 =	vnsel vm15, $0x2E, v10  }
0x255: {  	v10 =	vcvt.s32.f32 v10;
	v6 =	vadd.f32 v8, v6;
	v7 =	vadd.f32 v9, v7;
	_ =	sdelay $0x1  }
0x256: {  	v2 =	vsub.f32 v2, v10;
	v7 =	vsub.f32 v7, v6;
	_ =	sdelay $0x1  }
0x257: {  	v7 =	vmul.f32 v7, v2;
	_ =	sdelay $0x1  }
0x258: {  	v6 =	vadd.f32 v7, v6;
	_ =	sdelay $0x1  }
0x259: {  	[tilespmem:s12+$0xFFFFFF80] =	vst v6  }
0x25a: {  	v6 =	vld [tilespmem:s14+$0xFFFFFC00]  }
0x25b: {  	v36 =	vld [tilespmem:s14+$0xFFFFFC80]  }
0x25c: {  	v37 =	vld [tilespmem:s14+$0xFFFFFD00]  }
0x25d: {  	v38 =	vld [tilespmem:s14+$0xFFFFFD80]  }
0x25e: {  	v39 =	vld [tilespmem:s14+$0xFFFFFE00]  }
0x25f: {  	v40 =	vld [tilespmem:s14+$0xFFFFFE80]  }
0x260: {  	v41 =	vld [tilespmem:s14+$0xFFFFFF00]  }
0x261: {  	v42 =	vld [tilespmem:s14+$0xFFFFFF80]  }
0x262: {  	v43 =	vld [tilespmem:s14+$0x0]  }
0x263: {  	v44 =	vld [tilespmem:s14+$0x80]  }
0x264: {  	v45 =	vld [tilespmem:s14+$0x100]  }
0x265: {  	v46 =	vld [tilespmem:s14+$0x180]  }
0x266: {  	v47 =	vld [tilespmem:s14+$0x200]  }
0x267: {  	v48 =	vld [tilespmem:s14+$0x280]  }
0x268: {  	v49 =	vld [tilespmem:s14+$0x300]  }
0x269: {  	v50 =	vld [tilespmem:s14+$0x380]  }
0x26a: {  	v14 =	vsub.f32 v43, v6  }
0x26b: {  	v15 =	vsub.f32 v44, v36;
	v51 =	vsub.f32 v45, v37  }
0x26c: {  	v52 =	vsub.f32 v46, v38;
	v53 =	vsub.f32 v47, v39  }
0x26d: {  	v54 =	vsub.f32 v48, v40;
	v55 =	vsub.f32 v49, v41;
	v14 =	vmul.f32 v14, v5  }
0x26e: {  	v56 =	vsub.f32 v50, v42;
	v15 =	vmul.f32 v15, v5;
	v57 =	vmul.f32 v53, v5  }
0x26f: {  	v58 =	vmul.f32 v54, v5;
	v59 =	vmul.f32 v55, v5;
	v6 =	vadd.f32 v14, v6  }
0x270: {  	v7 =	vadd.f32 v15, v36;
	v14 =	vmul.f32 v51, v5;
	v15 =	vmul.f32 v52, v5  }
0x271: {  	v5 =	vmul.f32 v56, v5;
	v10 =	vadd.f32 v57, v39;
	v11 =	vadd.f32 v58, v40  }
0x272: {  	v12 =	vadd.f32 v59, v41;
	v8 =	vadd.f32 v14, v37  }
0x273: {  	v9 =	vadd.f32 v15, v38;
	v5 =	vadd.f32 v5, v42  }
0x274: {  	v10 =	vsub.f32 v10, v6;
	v11 =	vsub.f32 v11, v7  }
0x275: {  	v12 =	vsub.f32 v12, v8;
	v5 =	vsub.f32 v5, v9  }
0x276: {  	v10 =	vmul.f32 v10, v3;
	v11 =	vmul.f32 v11, v3  }
0x277: {  	v12 =	vmul.f32 v12, v3;
	v3 =	vmul.f32 v5, v3  }
0x278: {  	v60 =	vadd.f32 v10, v6;
	v61 =	vadd.f32 v11, v7  }
0x279: {  	v62 =	vadd.f32 v12, v8;
	v3 =	vadd.f32 v3, v9;
	_ =	sdelay $0x1  }
0x27a: {  	v7 =	vsub.f32 v62, v60;
	v3 =	vsub.f32 v3, v61;
	_ =	sdelay $0x1  }
0x27b: {  	v7 =	vmul.f32 v7, v4;
	v3 =	vmul.f32 v3, v4;
	_ =	sdelay $0x1  }
0x27c: {  	v63 =	vadd.f32 v7, v60;
	v3 =	vadd.f32 v3, v61;
	_ =	sdelay $0x1  }
0x27d: {  	v3 =	vsub.f32 v3, v63  }
0x27e: {  	p0 =	sne.s32 s15, $0x70  }
.Ltmp6:
0x27f: {  	v2 =	vmul.f32 v3, v2;
	(pc) =	sbr.rel @p0 .LBB2_15-.Ltmp6, $4  }
0x280: {  	_ = 	snop  }
0x281: {  	v2 =	vadd.f32 v2, v63  }
0x282: {  	s13 =	sadd.s32 $0x10, s13  }
0x283: {  	s15 =	sadd.s32 $0x10, s15;
	s14 =	sadd.s32 $0x10, s14;
	[tilespmem:s12+$0x0] =	vst v2;
	s12 =	sadd.s32 $0x10, s12  }
0x284: {  	v2 =	vmov s11  }
0x285: {  	v2 =	vshll.u32 v2, $0x3  }
0x286: {  	v2 =	vor.u32 v0, v2  }
0x287: {  	v3 =	vor.u32 $0x3, v2  }
0x288: {  	v4 =	vor.u32 $0x1, v2  }
0x289: {  	v5 =	vor.u32 $0x2, v2;
	_ =	sdelay $0x1  }
0x28a: {  	v2 =	vld.idx.msk [tilespmem:v2+s6+$0x0], $0xffff  }
0x28b: {  	v3 =	vld.idx.msk [tilespmem:v3+s6+$0x0], $0xffff  }
0x28c: {  	v4 =	vld.idx.msk [tilespmem:v4+s6+$0x0], $0xffff  }
0x28d: {  	v5 =	vld.idx.msk [tilespmem:v5+s6+$0x0], $0xffff;
	_ =	sdelay $0x1  }
0x28e: {  	v2 =	vmul.f32 $7.000000000e+00, v2  }
0x28f: {  	v3 =	vmul.f32 $6.300000000e+01, v3  }
0x290: {  	v4 =	vmul.f32 $6.300000000e+01, v4;
	v2 =	vtrunc.f32 v2  }
0x291: {  	v5 =	vmul.f32 $6.300000000e+01, v5;
	v2 =	vcvt.f32.s32 v2  }
0x292: {  	v4 =	vtrunc.f32 v4;
	v3 =	vtrunc.f32 v3  }
0x293: {  	v5 =	vtrunc.f32 v5;
	v4 =	vcvt.f32.s32 v4  }
0x294: {  	v5 =	vcvt.f32.s32 v5;
	v3 =	vcvt.f32.s32 v3;
	vm0 =	vlt.s32 v2, $0x6  }
0x295: {  	v2 =	vnsel vm0, $0x6, v2  }
0x296: {  	vm14 =	vlt.s32 v4, $0x3E;
	vm1 =	vlt.s32 v5, $0x3E;
	vm15 =	vlt.s32 v3, $0x3E  }
0x297: {  	v2 =	vshll.u32 v2, $0x12;
	v4 =	vnsel vm14, $0x3E, v4;
	v5 =	vnsel vm1, $0x3E, v5  }
0x298: {  	v3 =	vnsel vm15, $0x3E, v3;
	v2 =	vadd.s32 v4, v2;
	v4 =	vshll.u32 v5, $0x6  }
0x299: {  	s12 =	simm.s32 $0x12000;
	s13 =	simm.s32 $0x10;
	s11 =	simm.s32 $0x12000;
	v3 =	vshll.u32 v3, $0xC;
	v2 =	vadd.s32 v4, v2  }
.LBB2_17:
0x29a: {  	p0 =	sne.s32 s13, $0x70  }
0x29b: {  	v2 =	vadd.s32 v3, v2;
	s12 =	sadd.s32 $0x10, s12;
	s14 =	smov.u32 s13;
	s13 =	sadd.s32 $0x10, s13  }
0x29c: {  	v3 =	vadd.s32 $0x1001, v2;
	v4 =	vadd.s32 $0x41, v2;
	v5 =	vadd.s32 $0x41041, v2;
	[tilespmem:s11+$0xFFFFFC00] =	vst v2  }
0x29d: {  	v6 =	vadd.s32 $0x1041, v2;
	v7 =	vadd.s32 $0x40000, v2;
	v8 =	vadd.s32 $0x40040, v2;
	[tilespmem:s11+$0x380] =	vst v5  }
0x29e: {  	v9 =	vadd.s32 $0x41000, v2;
	v10 =	vadd.s32 $0x41001, v2;
	v5 =	vadd.s32 $0x1040, v2;
	[tilespmem:s11+$0xFFFFFF00] =	vst v4  }
0x29f: {  	v11 =	vadd.s32 $0x41040, v2;
	v12 =	vadd.s32 $0x40041, v2;
	v4 =	vadd.s32 $0x1000, v2;
	[tilespmem:s11+$0xFFFFFF80] =	vst v6  }
0x2a0: {  	v13 =	vadd.s32 $0x1, v2;
	v6 =	vadd.s32 $0x40, v2;
	v2 =	vadd.s32 $0x40001, v2;
	[tilespmem:s11+$0xFFFFFE80] =	vst v3  }
0x2a1: {  	[tilespmem:s11+$0x280] =	vst v10  }
0x2a2: {  	[tilespmem:s11+$0x0] =	vst v7  }
0x2a3: {  	[tilespmem:s11+$0x100] =	vst v8  }
0x2a4: {  	[tilespmem:s11+$0xFFFFFE00] =	vst v13  }
0x2a5: {  	v3 =	vmov s14;
	[tilespmem:s11+$0x80] =	vst v9  }
0x2a6: {  	v3 =	vshll.u32 v3, $0x3;
	[tilespmem:s11+$0x300] =	vst v12  }
0x2a7: {  	v3 =	vor.u32 v0, v3;
	[tilespmem:s11+$0xFFFFFD80] =	vst v5  }
0x2a8: {  	v7 =	vor.u32 $0x2, v3;
	v8 =	vor.u32 $0x3, v3;
	v5 =	vor.u32 $0x1, v3;
	[tilespmem:s11+$0x180] =	vst v11  }
0x2a9: {  	[tilespmem:s11+$0x200] =	vst v2  }
0x2aa: {  	[tilespmem:s11+$0xFFFFFC80] =	vst v4  }
0x2ab: {  	[tilespmem:s11+$0xFFFFFD00] =	vst v6;
	s11 =	smov.u32 s12  }
0x2ac: {  	v2 =	vld.idx.msk [tilespmem:v3+s6+$0x0], $0xffff  }
0x2ad: {  	v3 =	vld.idx.msk [tilespmem:v8+s6+$0x0], $0xffff  }
0x2ae: {  	v4 =	vld.idx.msk [tilespmem:v5+s6+$0x0], $0xffff  }
0x2af: {  	v5 =	vld.idx.msk [tilespmem:v7+s6+$0x0], $0xffff;
	_ =	sdelay $0x2  }
0x2b0: {  	v2 =	vmul.f32 $7.000000000e+00, v2  }
0x2b1: {  	v3 =	vmul.f32 $6.300000000e+01, v3  }
0x2b2: {  	v2 =	vtrunc.f32 v2;
	v4 =	vmul.f32 $6.300000000e+01, v4  }
0x2b3: {  	v2 =	vcvt.f32.s32 v2;
	v5 =	vmul.f32 $6.300000000e+01, v5  }
0x2b4: {  	v3 =	vtrunc.f32 v3;
	v4 =	vtrunc.f32 v4  }
0x2b5: {  	vm0 =	vlt.s32 v2, $0x6;
	v4 =	vcvt.f32.s32 v4;
	v5 =	vtrunc.f32 v5  }
0x2b6: {  	v3 =	vcvt.f32.s32 v3;
	v2 =	vnsel vm0, $0x6, v2;
	v5 =	vcvt.f32.s32 v5  }
.Ltmp7:
0x2b7: {  	vm0 =	vlt.s32 v4, $0x3E;
	v2 =	vshll.u32 v2, $0x12;
	(pc) =	sbr.rel @p0 .LBB2_17-.Ltmp7, $4  }
0x2b8: {  	vm1 =	vlt.s32 v3, $0x3E;
	v4 =	vnsel vm0, $0x3E, v4;
	vm0 =	vlt.s32 v5, $0x3E  }
0x2b9: {  	v3 =	vnsel vm1, $0x3E, v3;
	v5 =	vnsel vm0, $0x3E, v5;
	v2 =	vadd.s32 v4, v2  }
0x2ba: {  	v4 =	vshll.u32 v5, $0x6  }
0x2bb: {  	v3 =	vshll.u32 v3, $0xC;
	v2 =	vadd.s32 v4, v2  }
0x2bc: {  	v2 =	vadd.s32 v3, v2  }
0x2bd: {  	v3 =	vadd.s32 $0x41041, v2;
	[tilespmem:s11+$0xFFFFFC00] =	vst v2  }
0x2be: {  	v4 =	vadd.s32 $0x41, v2;
	[tilespmem:s11+$0x380] =	vst v3  }
0x2bf: {  	v58 =	vadd.s32 $0x1001, v2;
	[tilespmem:s11+$0xFFFFFF00] =	vst v4  }
0x2c0: {  	v59 =	vadd.s32 $0x40000, v2;
	[tilespmem:s11+$0xFFFFFE80] =	vst v58  }
0x2c1: {  	v60 =	vadd.s32 $0x1, v2;
	[tilespmem:s11+$0x0] =	vst v59  }
0x2c2: {  	v61 =	vadd.s32 $0x40041, v2;
	[tilespmem:s11+$0xFFFFFE00] =	vst v60  }
0x2c3: {  	v62 =	vadd.s32 $0x41040, v2;
	[tilespmem:s11+$0x300] =	vst v61  }
0x2c4: {  	v63 =	vadd.s32 $0x1000, v2;
	[tilespmem:s11+$0x180] =	vst v62  }
0x2c5: {  	v3 =	vadd.s32 $0x1041, v2;
	[tilespmem:s11+$0xFFFFFC80] =	vst v63  }
0x2c6: {  	[tilespmem:s11+$0xFFFFFF80] =	vst v3;
	v3 =	vadd.s32 $0x41001, v2  }
0x2c7: {  	[tilespmem:s11+$0x280] =	vst v3;
	v3 =	vadd.s32 $0x40040, v2  }
0x2c8: {  	[tilespmem:s11+$0x100] =	vst v3;
	v3 =	vadd.s32 $0x41000, v2  }
0x2c9: {  	[tilespmem:s11+$0x80] =	vst v3;
	v3 =	vadd.s32 $0x1040, v2  }
0x2ca: {  	[tilespmem:s11+$0xFFFFFD80] =	vst v3;
	v3 =	vadd.s32 $0x40001, v2  }
0x2cb: {  	v2 =	vadd.s32 $0x40, v2;
	[tilespmem:s11+$0x200] =	vst v3  }
0x2cc: {  	s15 =	rddreg [dreg:$0xc];
	[tilespmem:s11+$0xFFFFFD00] =	vst v2  }
0x2cd: {  	[tilespmem:s2], [sflag:$0x1] =	stream.indirect.gather [hbm4b:s15+s7], $0x1, s31, s7, $0xb8;
	[tilespmem:$0x13A80] =	vst v63  }
0x2ce: {  	s16 =	rddreg [dreg:$0xd]  }
0x2cf: {  	[tilespmem:s4], [sflag:$0x1] =	stream.indirect.gather [hbm4b:s16+s7], $0x1, s31, s7, $0xb8;
	[tilespmem:$0x13A80] =	vst v63  }
0x2d0: {  	_ =	swait.ge [sflag:s8], $0x800  }
0x2d1: {  	[sflag:s8] =	ssyncset.done $0x0  }
0x2d2: {  	[sflag:s8] =	ssyncadd.s32 $0xFFFFF800  }
0x2d3: {  	s12 =	simm.s32 $0x13880;
	_ =	swait.ge [sflag:s8], $0x800  }
0x2d4: {  	s13 =	simm.s32 $0x12800;
	s14 =	simm.s32 $0x13000;
	[sflag:s8] =	ssyncset.done $0x0  }
0x2d5: {  	s11 =	simm.s32 $0x0;
	s15 =	simm.s32 $0x0;
	[sflag:s8] =	ssyncadd.s32 $0xFFFFF800  }
.LBB2_19:
0x2d6: {  	v2 =	vmov s15  }
0x2d7: {  	v6 =	vld [tilespmem:s13+$0xFFFFFC00];
	v2 =	vshll.u32 v2, $0x3  }
0x2d8: {  	v7 =	vld [tilespmem:s13+$0xFFFFFC80];
	v2 =	vor.u32 v0, v2  }
0x2d9: {  	v8 =	vld [tilespmem:s13+$0xFFFFFD00]  }
0x2da: {  	v9 =	vld [tilespmem:s13+$0xFFFFFD80]  }
0x2db: {  	v10 =	vld [tilespmem:s13+$0xFFFFFE00];
	v3 =	vor.u32 $0x1, v2  }
0x2dc: {  	v11 =	vld [tilespmem:s13+$0xFFFFFE80]  }
0x2dd: {  	v5 =	vld.idx.msk [tilespmem:v2+s6+$0x0], $0xffff  }
0x2de: {  	v13 =	vld [tilespmem:s13+$0xFFFFFF00]  }
0x2df: {  	v14 =	vld [tilespmem:s13+$0xFFFFFF80]  }
0x2e0: {  	v3 =	vld.idx.msk [tilespmem:v3+s6+$0x0], $0xffff  }
0x2e1: {  	v15 =	vld [tilespmem:s13+$0x0]  }
0x2e2: {  	v17 =	vld [tilespmem:s13+$0x80];
	v4 =	vor.u32 $0x2, v2;
	v5 =	vmul.f32 $7.000000000e+00, v5  }
0x2e3: {  	v18 =	vld [tilespmem:s13+$0x100]  }
0x2e4: {  	v20 =	vld [tilespmem:s13+$0x200];
	v12 =	vtrunc.f32 v5  }
0x2e5: {  	v21 =	vld [tilespmem:s13+$0x300];
	v3 =	vmul.f32 $6.300000000e+01, v3;
	v12 =	vcvt.f32.s32 v12  }
0x2e6: {  	v25 =	vld [tilespmem:s13+$0x280]  }
0x2e7: {  	v4 =	vld.idx.msk [tilespmem:v4+s6+$0x0], $0xffff;
	v16 =	vtrunc.f32 v3;
	vm0 =	vlt.s32 v12, $0x6  }
0x2e8: {  	v22 =	vld [tilespmem:s13+$0x380];
	v15 =	vsub.f32 v15, v6;
	v16 =	vcvt.f32.s32 v16;
	v12 =	vnsel vm0, $0x6, v12  }
0x2e9: {  	v19 =	vld [tilespmem:s13+$0x180];
	v17 =	vsub.f32 v17, v7;
	v27 =	vsub.f32 v18, v8;
	v12 =	vcvt.s32.f32 v12  }
0x2ea: {  	v29 =	vsub.f32 v20, v10;
	v30 =	vsub.f32 v21, v13;
	vm13 =	vlt.s32 v16, $0x3E  }
0x2eb: {  	v2 =	vor.u32 $0x3, v2;
	v24 =	vnsel vm13, $0x3E, v16;
	v5 =	vsub.f32 v5, v12  }
0x2ec: {  	v4 =	vmul.f32 $6.300000000e+01, v4;
	v16 =	vsub.f32 v25, v11;
	v12 =	vcvt.s32.f32 v24  }
0x2ed: {  	v31 =	vsub.f32 v22, v14;
	v15 =	vmul.f32 v15, v5;
	v17 =	vmul.f32 v17, v5  }
0x2ee: {  	v28 =	vsub.f32 v19, v9;
	v32 =	vmul.f32 v29, v5;
	v16 =	vmul.f32 v16, v5  }
0x2ef: {  	v3 =	vsub.f32 v3, v12;
	v33 =	vmul.f32 v30, v5;
	v34 =	vmul.f32 v31, v5  }
0x2f0: {  	v2 =	vld.idx.msk [tilespmem:v2+s6+$0x0], $0xffff;
	v6 =	vadd.f32 v15, v6;
	v7 =	vadd.f32 v17, v7;
	v15 =	vmul.f32 v27, v5  }
0x2f1: {  	v17 =	vmul.f32 v28, v5;
	v10 =	vadd.f32 v32, v10;
	v11 =	vadd.f32 v16, v11  }
0x2f2: {  	v13 =	vadd.f32 v33, v13;
	v14 =	vadd.f32 v34, v14  }
0x2f3: {  	v26 =	vtrunc.f32 v4;
	v8 =	vadd.f32 v15, v8;
	v9 =	vadd.f32 v17, v9  }
0x2f4: {  	v12 =	vcvt.f32.s32 v26;
	v10 =	vsub.f32 v10, v6;
	v11 =	vsub.f32 v11, v7  }
0x2f5: {  	v2 =	vmul.f32 $6.300000000e+01, v2;
	v13 =	vsub.f32 v13, v8;
	v14 =	vsub.f32 v14, v9  }
0x2f6: {  	vm14 =	vlt.s32 v12, $0x3E;
	v10 =	vmul.f32 v10, v3;
	v11 =	vmul.f32 v11, v3  }
0x2f7: {  	v12 =	vnsel vm14, $0x3E, v12;
	v13 =	vmul.f32 v13, v3;
	v14 =	vmul.f32 v14, v3  }
0x2f8: {  	v12 =	vcvt.s32.f32 v12;
	v6 =	vadd.f32 v10, v6;
	v7 =	vadd.f32 v11, v7  }
0x2f9: {  	v8 =	vadd.f32 v13, v8;
	v9 =	vadd.f32 v14, v9  }
0x2fa: {  	v35 =	vtrunc.f32 v2;
	v4 =	vsub.f32 v4, v12  }
0x2fb: {  	v10 =	vcvt.f32.s32 v35;
	v8 =	vsub.f32 v8, v6;
	v9 =	vsub.f32 v9, v7;
	_ =	sdelay $0x1  }
0x2fc: {  	vm15 =	vlt.s32 v10, $0x3E;
	v8 =	vmul.f32 v8, v4;
	v9 =	vmul.f32 v9, v4  }
0x2fd: {  	v10 =	vnsel vm15, $0x3E, v10  }
0x2fe: {  	v10 =	vcvt.s32.f32 v10;
	v6 =	vadd.f32 v8, v6;
	v7 =	vadd.f32 v9, v7;
	_ =	sdelay $0x1  }
0x2ff: {  	v2 =	vsub.f32 v2, v10;
	v7 =	vsub.f32 v7, v6;
	_ =	sdelay $0x1  }
0x300: {  	v7 =	vmul.f32 v7, v2;
	_ =	sdelay $0x1  }
0x301: {  	v6 =	vadd.f32 v7, v6;
	_ =	sdelay $0x1  }
0x302: {  	[tilespmem:s12+$0xFFFFFF80] =	vst v6  }
0x303: {  	v6 =	vld [tilespmem:s14+$0xFFFFFC00]  }
0x304: {  	v36 =	vld [tilespmem:s14+$0xFFFFFC80]  }
0x305: {  	v37 =	vld [tilespmem:s14+$0xFFFFFD00]  }
0x306: {  	v38 =	vld [tilespmem:s14+$0xFFFFFD80]  }
0x307: {  	v39 =	vld [tilespmem:s14+$0xFFFFFE00]  }
0x308: {  	v40 =	vld [tilespmem:s14+$0xFFFFFE80]  }
0x309: {  	v41 =	vld [tilespmem:s14+$0xFFFFFF00]  }
0x30a: {  	v42 =	vld [tilespmem:s14+$0xFFFFFF80]  }
0x30b: {  	v43 =	vld [tilespmem:s14+$0x0]  }
0x30c: {  	v44 =	vld [tilespmem:s14+$0x80]  }
0x30d: {  	v45 =	vld [tilespmem:s14+$0x100]  }
0x30e: {  	v46 =	vld [tilespmem:s14+$0x180]  }
0x30f: {  	v47 =	vld [tilespmem:s14+$0x200]  }
0x310: {  	v48 =	vld [tilespmem:s14+$0x280]  }
0x311: {  	v49 =	vld [tilespmem:s14+$0x300]  }
0x312: {  	v50 =	vld [tilespmem:s14+$0x380]  }
0x313: {  	v14 =	vsub.f32 v43, v6  }
0x314: {  	v15 =	vsub.f32 v44, v36;
	v51 =	vsub.f32 v45, v37  }
0x315: {  	v52 =	vsub.f32 v46, v38;
	v53 =	vsub.f32 v47, v39  }
0x316: {  	v54 =	vsub.f32 v48, v40;
	v55 =	vsub.f32 v49, v41;
	v14 =	vmul.f32 v14, v5  }
0x317: {  	v56 =	vsub.f32 v50, v42;
	v15 =	vmul.f32 v15, v5;
	v57 =	vmul.f32 v53, v5  }
0x318: {  	v58 =	vmul.f32 v54, v5;
	v59 =	vmul.f32 v55, v5;
	v6 =	vadd.f32 v14, v6  }
0x319: {  	v7 =	vadd.f32 v15, v36;
	v14 =	vmul.f32 v51, v5;
	v15 =	vmul.f32 v52, v5  }
0x31a: {  	v5 =	vmul.f32 v56, v5;
	v10 =	vadd.f32 v57, v39;
	v11 =	vadd.f32 v58, v40  }
0x31b: {  	v12 =	vadd.f32 v59, v41;
	v8 =	vadd.f32 v14, v37  }
0x31c: {  	v9 =	vadd.f32 v15, v38;
	v5 =	vadd.f32 v5, v42  }
0x31d: {  	v10 =	vsub.f32 v10, v6;
	v11 =	vsub.f32 v11, v7  }
0x31e: {  	v12 =	vsub.f32 v12, v8;
	v5 =	vsub.f32 v5, v9  }
0x31f: {  	v10 =	vmul.f32 v10, v3;
	v11 =	vmul.f32 v11, v3  }
0x320: {  	v12 =	vmul.f32 v12, v3;
	v3 =	vmul.f32 v5, v3  }
0x321: {  	v60 =	vadd.f32 v10, v6;
	v61 =	vadd.f32 v11, v7  }
0x322: {  	v62 =	vadd.f32 v12, v8;
	v3 =	vadd.f32 v3, v9;
	_ =	sdelay $0x1  }
0x323: {  	v7 =	vsub.f32 v62, v60;
	v3 =	vsub.f32 v3, v61;
	_ =	sdelay $0x1  }
0x324: {  	v7 =	vmul.f32 v7, v4;
	v3 =	vmul.f32 v3, v4;
	_ =	sdelay $0x1  }
0x325: {  	v63 =	vadd.f32 v7, v60;
	v3 =	vadd.f32 v3, v61;
	_ =	sdelay $0x1  }
0x326: {  	v3 =	vsub.f32 v3, v63  }
0x327: {  	p0 =	sne.s32 s15, $0x70  }
.Ltmp8:
0x328: {  	v2 =	vmul.f32 v3, v2;
	(pc) =	sbr.rel @p0 .LBB2_19-.Ltmp8, $4  }
0x329: {  	_ = 	snop  }
0x32a: {  	v2 =	vadd.f32 v2, v63  }
0x32b: {  	s13 =	sadd.s32 $0x10, s13  }
0x32c: {  	s15 =	sadd.s32 $0x10, s15;
	s14 =	sadd.s32 $0x10, s14;
	[tilespmem:s12+$0x0] =	vst v2;
	s12 =	sadd.s32 $0x10, s12  }
0x32d: {  	v2 =	vmov s11  }
0x32e: {  	v2 =	vshll.u32 v2, $0x3  }
0x32f: {  	v2 =	vor.u32 v0, v2  }
0x330: {  	v3 =	vor.u32 $0x2, v2  }
0x331: {  	v4 =	vor.u32 $0x1, v2  }
0x332: {  	v5 =	vor.u32 $0x3, v2;
	_ =	sdelay $0x1  }
0x333: {  	v2 =	vld.idx.msk [tilespmem:v2+s6+$0x0], $0xffff  }
0x334: {  	v3 =	vld.idx.msk [tilespmem:v3+s6+$0x0], $0xffff  }
0x335: {  	v4 =	vld.idx.msk [tilespmem:v4+s6+$0x0], $0xffff  }
0x336: {  	v5 =	vld.idx.msk [tilespmem:v5+s6+$0x0], $0xffff;
	_ =	sdelay $0x2  }
0x337: {  	v2 =	vmul.f32 $7.000000000e+00, v2  }
0x338: {  	v3 =	vmul.f32 $7.900000000e+01, v3;
	v4 =	vmul.f32 $7.900000000e+01, v4  }
0x339: {  	v5 =	vmul.f32 $7.900000000e+01, v5;
	v2 =	vtrunc.f32 v2  }
0x33a: {  	v2 =	vcvt.f32.s32 v2;
	v3 =	vtrunc.f32 v3  }
0x33b: {  	v4 =	vtrunc.f32 v4;
	v3 =	vcvt.f32.s32 v3  }
0x33c: {  	v5 =	vtrunc.f32 v5;
	v4 =	vcvt.f32.s32 v4;
	vm0 =	vlt.s32 v2, $0x6  }
0x33d: {  	v5 =	vcvt.f32.s32 v5;
	v2 =	vnsel vm0, $0x6, v2;
	vm13 =	vlt.s32 v3, $0x4E  }
0x33e: {  	vm14 =	vlt.s32 v4, $0x4E;
	v3 =	vnsel vm13, $0x4E, v3;
	v2 =	vmul.u32 $0x7D000, v2  }
0x33f: {  	vm15 =	vlt.s32 v5, $0x4E;
	v4 =	vnsel vm14, $0x4E, v4;
	v3 =	vmul.u32 $0x50, v3  }
0x340: {  	v4 =	vadd.s32 v4, v2;
	v2 =	vnsel vm15, $0x4E, v5  }
0x341: {  	s12 =	simm.s32 $0x12000;
	s13 =	simm.s32 $0x10;
	s11 =	simm.s32 $0x12000;
	v2 =	vmul.u32 $0x1900, v2;
	v3 =	vadd.s32 v3, v4  }
.LBB2_21:
0x342: {  	p0 =	sne.s32 s13, $0x70  }
0x343: {  	v2 =	vadd.s32 v2, v3;
	s12 =	sadd.s32 $0x10, s12;
	s14 =	smov.u32 s13;
	s13 =	sadd.s32 $0x10, s13  }
0x344: {  	v3 =	vadd.s32 $0x1900, v2;
	v4 =	vadd.s32 $0x50, v2;
	v5 =	vadd.s32 $0x1951, v2;
	[tilespmem:s11+$0xFFFFFC00] =	vst v2  }
0x345: {  	v6 =	vadd.s32 $0x1950, v2;
	v7 =	vadd.s32 $0x7E900, v2;
	v8 =	vadd.s32 $0x7D051, v2;
	[tilespmem:s11+$0xFFFFFC80] =	vst v3  }
0x346: {  	v9 =	vadd.s32 $0x7E950, v2;
	v10 =	vadd.s32 $0x7E951, v2;
	v3 =	vadd.s32 $0x7D000, v2;
	[tilespmem:s11+$0xFFFFFF80] =	vst v5  }
0x347: {  	v11 =	vadd.s32 $0x1901, v2;
	v12 =	vadd.s32 $0x7E901, v2;
	v5 =	vadd.s32 $0x1, v2;
	[tilespmem:s11+$0xFFFFFD00] =	vst v4  }
0x348: {  	v13 =	vadd.s32 $0x7D050, v2;
	v4 =	vadd.s32 $0x51, v2;
	v2 =	vadd.s32 $0x7D001, v2;
	[tilespmem:s11+$0x300] =	vst v8  }
0x349: {  	[tilespmem:s11+$0xFFFFFD80] =	vst v6  }
0x34a: {  	[tilespmem:s11+$0xFFFFFE80] =	vst v11  }
0x34b: {  	[tilespmem:s11+$0x80] =	vst v7  }
0x34c: {  	[tilespmem:s11+$0x380] =	vst v10  }
0x34d: {  	v6 =	vmov s14;
	[tilespmem:s11+$0x100] =	vst v13  }
0x34e: {  	v6 =	vshll.u32 v6, $0x3;
	[tilespmem:s11+$0xFFFFFE00] =	vst v5  }
0x34f: {  	v5 =	vor.u32 v0, v6;
	[tilespmem:s11+$0x180] =	vst v9  }
0x350: {  	v6 =	vor.u32 $0x1, v5;
	v7 =	vor.u32 $0x2, v5;
	v8 =	vor.u32 $0x3, v5;
	[tilespmem:s11+$0x0] =	vst v3  }
0x351: {  	[tilespmem:s11+$0x200] =	vst v2  }
0x352: {  	[tilespmem:s11+$0x280] =	vst v12  }
0x353: {  	[tilespmem:s11+$0xFFFFFF00] =	vst v4;
	s11 =	smov.u32 s12  }
0x354: {  	v2 =	vld.idx.msk [tilespmem:v5+s6+$0x0], $0xffff  }
0x355: {  	v3 =	vld.idx.msk [tilespmem:v6+s6+$0x0], $0xffff  }
0x356: {  	v4 =	vld.idx.msk [tilespmem:v7+s6+$0x0], $0xffff  }
0x357: {  	v5 =	vld.idx.msk [tilespmem:v8+s6+$0x0], $0xffff;
	_ =	sdelay $0x2  }
0x358: {  	v2 =	vmul.f32 $7.000000000e+00, v2  }
0x359: {  	v3 =	vmul.f32 $7.900000000e+01, v3  }
0x35a: {  	v2 =	vtrunc.f32 v2;
	v4 =	vmul.f32 $7.900000000e+01, v4  }
0x35b: {  	v2 =	vcvt.f32.s32 v2;
	v5 =	vmul.f32 $7.900000000e+01, v5  }
0x35c: {  	v3 =	vtrunc.f32 v3;
	v4 =	vtrunc.f32 v4  }
0x35d: {  	v3 =	vcvt.f32.s32 v3;
	vm0 =	vlt.s32 v2, $0x6;
	v4 =	vcvt.f32.s32 v4  }
0x35e: {  	v5 =	vtrunc.f32 v5;
	v2 =	vnsel vm0, $0x6, v2  }
0x35f: {  	vm0 =	vlt.s32 v3, $0x4E;
	v5 =	vcvt.f32.s32 v5;
	v2 =	vmul.u32 $0x7D000, v2  }
.Ltmp9:
0x360: {  	v3 =	vnsel vm0, $0x4E, v3;
	vm0 =	vlt.s32 v4, $0x4E;
	(pc) =	sbr.rel @p0 .LBB2_21-.Ltmp9, $4  }
0x361: {  	v4 =	vnsel vm0, $0x4E, v4;
	vm0 =	vlt.s32 v5, $0x4E;
	v3 =	vadd.s32 v3, v2  }
0x362: {  	v2 =	vnsel vm0, $0x4E, v5;
	v4 =	vmul.u32 $0x50, v4  }
0x363: {  	v2 =	vmul.u32 $0x1900, v2  }
0x364: {  	v3 =	vadd.s32 v4, v3  }
0x365: {  	v2 =	vadd.s32 v2, v3  }
0x366: {  	v3 =	vadd.s32 $0x1900, v2;
	[tilespmem:s11+$0xFFFFFC00] =	vst v2  }
0x367: {  	v4 =	vadd.s32 $0x1951, v2;
	[tilespmem:s11+$0xFFFFFC80] =	vst v3  }
0x368: {  	v3 =	vadd.s32 $0x50, v2;
	[tilespmem:s11+$0xFFFFFF80] =	vst v4  }
0x369: {  	v4 =	vadd.s32 $0x7D051, v2;
	[tilespmem:s11+$0xFFFFFD00] =	vst v3  }
0x36a: {  	v3 =	vadd.s32 $0x1950, v2;
	[tilespmem:s11+$0x300] =	vst v4  }
0x36b: {  	v4 =	vadd.s32 $0x1901, v2;
	[tilespmem:s11+$0xFFFFFD80] =	vst v3  }
0x36c: {  	v3 =	vadd.s32 $0x7E900, v2;
	[tilespmem:s11+$0xFFFFFE80] =	vst v4  }
0x36d: {  	v4 =	vadd.s32 $0x7E951, v2;
	[tilespmem:s11+$0x80] =	vst v3  }
0x36e: {  	v3 =	vadd.s32 $0x7D050, v2;
	[tilespmem:s11+$0x380] =	vst v4  }
0x36f: {  	v4 =	vadd.s32 $0x1, v2;
	[tilespmem:s11+$0x100] =	vst v3  }
0x370: {  	v3 =	vadd.s32 $0x7E950, v2;
	[tilespmem:s11+$0xFFFFFE00] =	vst v4  }
0x371: {  	v4 =	vadd.s32 $0x7D000, v2;
	[tilespmem:s11+$0x180] =	vst v3  }
0x372: {  	v3 =	vadd.s32 $0x7D001, v2;
	[tilespmem:s11+$0x0] =	vst v4  }
0x373: {  	v4 =	vadd.s32 $0x7E901, v2;
	[tilespmem:s11+$0x200] =	vst v3  }
0x374: {  	v2 =	vadd.s32 $0x51, v2;
	[tilespmem:s11+$0x280] =	vst v4  }
0x375: {  	[tilespmem:s11+$0xFFFFFF00] =	vst v2  }
0x376: {  	[tilespmem:s2], [sflag:$0x1] =	stream.indirect.gather [hbm4b:s23+s7], $0x1, s31, s7, $0xb8;
	[tilespmem:$0x13A80] =	vst v63  }
0x377: {  	s15 =	rddreg [dreg:$0x2];
	s16 =	simm.s32 $0x0  }
0x378: {  	[tilespmem:s4], [sflag:$0x1] =	stream.indirect.gather [hbm4b:s15+s7], $0x1, s31, s7, $0xb8;
	[tilespmem:$0x13A80] =	vst v63  }
0x379: {  	v2 =	vmov s16;
	_ =	swait.ge [sflag:s8], $0x800  }
0x37a: {  	v2 =	vshll.u32 v2, $0x3;
	[sflag:s8] =	ssyncset.done $0x0  }
0x37b: {  	v3 =	vor.u32 v0, v2;
	[sflag:s8] =	ssyncadd.s32 $0xFFFFF800  }
0x37c: {  	_ =	swait.ge [sflag:s8], $0x800  }
0x37d: {  	[sflag:s8] =	ssyncset.done $0x0  }
0x37e: {  	s11 =	simm.s32 $0x12800;
	[sflag:s8] =	ssyncadd.s32 $0xFFFFF800  }
0x37f: {  	v4 =	vld [tilespmem:s11+$0x280]  }
0x380: {  	v2 =	vld.idx.msk [tilespmem:v3+s6+$0x0], $0xffff  }
0x381: {  	v6 =	vor.u32 $0x1, v3;
	v5 =	vld [tilespmem:s11+$0x80]  }
0x382: {  	v7 =	vld [tilespmem:s11+$0xFFFFFE80]  }
0x383: {  	v8 =	vld [tilespmem:s11+$0x300]  }
0x384: {  	v9 =	vld [tilespmem:s11+$0x100]  }
0x385: {  	v11 =	vld [tilespmem:s11+$0x380]  }
0x386: {  	v6 =	vld.idx.msk [tilespmem:v6+s6+$0x0], $0xffff;
	v2 =	vmul.f32 $7.000000000e+00, v2  }
0x387: {  	v13 =	vld [tilespmem:s11+$0x0]  }
0x388: {  	v14 =	vld [tilespmem:s11+$0xFFFFFC00];
	v12 =	vtrunc.f32 v2  }
0x389: {  	v15 =	vld [tilespmem:s11+$0xFFFFFF80];
	v12 =	vcvt.f32.s32 v12  }
0x38a: {  	v10 =	vld [tilespmem:s11+$0xFFFFFD00]  }
0x38b: {  	v16 =	vld [tilespmem:s11+$0xFFFFFF00];
	vm0 =	vlt.s32 v12, $0x6  }
0x38c: {  	v17 =	vor.u32 $0x2, v3;
	v19 =	vld [tilespmem:s11+$0xFFFFFC80];
	v12 =	vnsel vm0, $0x6, v12  }
0x38d: {  	v18 =	vld [tilespmem:s11+$0x200];
	v6 =	vmul.f32 $7.900000000e+01, v6;
	v12 =	vcvt.s32.f32 v12  }
0x38e: {  	v20 =	vld [tilespmem:s11+$0xFFFFFE00];
	v13 =	vsub.f32 v13, v14;
	v11 =	vsub.f32 v11, v15  }
0x38f: {  	v21 =	vld [tilespmem:s11+$0xFFFFFD80];
	v9 =	vsub.f32 v9, v10;
	v2 =	vsub.f32 v2, v12;
	v12 =	vtrunc.f32 v6  }
0x390: {  	v22 =	vld [tilespmem:s11+$0x180];
	v8 =	vsub.f32 v8, v16;
	v4 =	vsub.f32 v4, v7;
	v12 =	vcvt.f32.s32 v12  }
0x391: {  	v17 =	vld.idx.msk [tilespmem:v17+s6+$0x0], $0xffff;
	v5 =	vsub.f32 v5, v19;
	v13 =	vmul.f32 v13, v2;
	v11 =	vmul.f32 v11, v2  }
0x392: {  	v9 =	vmul.f32 v9, v2;
	v8 =	vmul.f32 v8, v2  }
0x393: {  	v3 =	vor.u32 $0x3, v3;
	v5 =	vmul.f32 v5, v2;
	v4 =	vmul.f32 v4, v2  }
0x394: {  	vm13 =	vlt.s32 v12, $0x4E;
	v13 =	vadd.f32 v13, v14;
	v14 =	vsub.f32 v18, v20  }
0x395: {  	v12 =	vnsel vm13, $0x4E, v12;
	v9 =	vadd.f32 v9, v10;
	v10 =	vsub.f32 v22, v21  }
0x396: {  	v8 =	vadd.f32 v8, v16;
	v16 =	vmul.f32 $7.900000000e+01, v17;
	v5 =	vadd.f32 v5, v19  }
0x397: {  	v4 =	vadd.f32 v4, v7;
	v7 =	vadd.f32 v11, v15;
	v11 =	vcvt.s32.f32 v12  }
0x398: {  	v15 =	vld.idx.msk [tilespmem:v3+s6+$0x0], $0xffff;
	v14 =	vmul.f32 v14, v2;
	v10 =	vmul.f32 v10, v2  }
0x399: {  	v4 =	vsub.f32 v4, v5;
	v3 =	vsub.f32 v6, v11  }
0x39a: {  	v12 =	vadd.f32 v14, v20;
	v14 =	vtrunc.f32 v16;
	v10 =	vadd.f32 v10, v21  }
0x39b: {  	v8 =	vsub.f32 v8, v9;
	v6 =	vcvt.f32.s32 v14  }
0x39c: {  	v4 =	vmul.f32 v4, v3;
	v11 =	vsub.f32 v12, v13;
	v7 =	vsub.f32 v7, v10  }
0x39d: {  	v8 =	vmul.f32 v8, v3;
	v12 =	vmul.f32 $7.900000000e+01, v15;
	vm14 =	vlt.s32 v6, $0x4E  }
0x39e: {  	v6 =	vnsel vm14, $0x4E, v6;
	v11 =	vmul.f32 v11, v3;
	v7 =	vmul.f32 v7, v3  }
0x39f: {  	v5 =	vadd.f32 v4, v5;
	v8 =	vadd.f32 v8, v9;
	v6 =	vcvt.s32.f32 v6  }
0x3a0: {  	v11 =	vadd.f32 v11, v13;
	v7 =	vadd.f32 v7, v10  }
0x3a1: {  	v4 =	vsub.f32 v16, v6;
	v6 =	vtrunc.f32 v12  }
0x3a2: {  	v8 =	vsub.f32 v8, v11;
	v6 =	vcvt.f32.s32 v6;
	v7 =	vsub.f32 v7, v5;
	_ =	sdelay $0x1  }
0x3a3: {  	v8 =	vmul.f32 v8, v4;
	vm15 =	vlt.s32 v6, $0x4E;
	v7 =	vmul.f32 v7, v4  }
0x3a4: {  	v6 =	vnsel vm15, $0x4E, v6  }
0x3a5: {  	v6 =	vcvt.s32.f32 v6;
	v8 =	vadd.f32 v8, v11;
	v7 =	vadd.f32 v7, v5;
	_ =	sdelay $0x1  }
0x3a6: {  	v5 =	vsub.f32 v12, v6;
	v6 =	vsub.f32 v7, v8;
	_ =	sdelay $0x1  }
0x3a7: {  	v6 =	vmul.f32 v6, v5;
	_ =	sdelay $0x1  }
0x3a8: {  	v6 =	vadd.f32 v6, v8  }
0x3a9: {  	s12 =	simm.s32 $0x13980  }
0x3aa: {  	s13 =	simm.s32 $0x13000;
	[tilespmem:s12+$0xFFFFFF80] =	vst v6  }
0x3ab: {  	v11 =	vld [tilespmem:s13+$0x180]  }
0x3ac: {  	v12 =	vld [tilespmem:s13+$0xFFFFFC80]  }
0x3ad: {  	v6 =	vld [tilespmem:s13+$0x300]  }
0x3ae: {  	v15 =	vld [tilespmem:s13+$0x0]  }
0x3af: {  	v9 =	vld [tilespmem:s13+$0x200]  }
0x3b0: {  	v13 =	vld [tilespmem:s13+$0xFFFFFF00]  }
0x3b1: {  	v14 =	vld [tilespmem:s13+$0x380]  }
0x3b2: {  	v7 =	vld [tilespmem:s13+$0x280]  }
0x3b3: {  	v16 =	vld [tilespmem:s13+$0xFFFFFE80]  }
0x3b4: {  	v17 =	vld [tilespmem:s13+$0xFFFFFE00]  }
0x3b5: {  	v19 =	vld [tilespmem:s13+$0x80]  }
0x3b6: {  	v10 =	vld [tilespmem:s13+$0xFFFFFF80]  }
0x3b7: {  	v8 =	vld [tilespmem:s13+$0xFFFFFD80]  }
0x3b8: {  	v18 =	vld [tilespmem:s13+$0x100]  }
0x3b9: {  	v6 =	vsub.f32 v6, v13;
	v60 =	vsub.f32 v7, v16;
	v7 =	vld [tilespmem:s13+$0xFFFFFD00]  }
0x3ba: {  	v61 =	vsub.f32 v9, v17;
	v9 =	vld [tilespmem:s13+$0xFFFFFC00];
	v19 =	vsub.f32 v19, v12  }
0x3bb: {  	v62 =	vsub.f32 v14, v10;
	v6 =	vmul.f32 v6, v2;
	v20 =	vmul.f32 v60, v2  }
0x3bc: {  	v63 =	vsub.f32 v11, v8;
	v21 =	vmul.f32 v61, v2;
	v19 =	vmul.f32 v19, v2  }
0x3bd: {  	v6 =	vadd.f32 v6, v13;
	v13 =	vadd.f32 v20, v16  }
0x3be: {  	v11 =	vadd.f32 v21, v17;
	v16 =	vmul.f32 v62, v2;
	v12 =	vadd.f32 v19, v12  }
0x3bf: {  	s14 =	simm.s32 $0x13980;
	s15 =	simm.s32 $0x10;
	v14 =	vsub.f32 v18, v7;
	v17 =	vsub.f32 v15, v9;
	v15 =	vmul.f32 v63, v2  }
.LBB2_23:
0x3c0: {  	v10 =	vadd.f32 v16, v10;
	s12 =	sadd.s32 $0x10, s12;
	s11 =	sadd.s32 $0x10, s11;
	s13 =	sadd.s32 $0x10, s13  }
0x3c1: {  	p0 =	sne.s32 s15, $0x70;
	s16 =	smov.u32 s15;
	s15 =	sadd.s32 $0x10, s15;
	v16 =	vmul.f32 v17, v2;
	v2 =	vmul.f32 v14, v2;
	v8 =	vadd.f32 v15, v8  }
0x3c2: {  	v13 =	vsub.f32 v13, v12  }
0x3c3: {  	v2 =	vadd.f32 v2, v7;
	v7 =	vsub.f32 v10, v8  }
0x3c4: {  	v9 =	vadd.f32 v16, v9;
	v10 =	vmul.f32 v13, v3  }
0x3c5: {  	v6 =	vsub.f32 v6, v2;
	v7 =	vmul.f32 v7, v3  }
0x3c6: {  	v11 =	vsub.f32 v11, v9;
	v10 =	vadd.f32 v10, v12  }
0x3c7: {  	v6 =	vmul.f32 v6, v3;
	v7 =	vadd.f32 v7, v8  }
0x3c8: {  	v3 =	vmul.f32 v11, v3  }
0x3c9: {  	v2 =	vadd.f32 v6, v2;
	v6 =	vsub.f32 v7, v10  }
0x3ca: {  	v3 =	vadd.f32 v3, v9  }
0x3cb: {  	v6 =	vmul.f32 v6, v4  }
0x3cc: {  	v2 =	vsub.f32 v2, v3  }
0x3cd: {  	v6 =	vadd.f32 v6, v10  }
0x3ce: {  	v2 =	vmul.f32 v2, v4;
	_ =	sdelay $0x1  }
0x3cf: {  	v2 =	vadd.f32 v2, v3;
	_ =	sdelay $0x1  }
0x3d0: {  	v3 =	vsub.f32 v6, v2  }
0x3d1: {  	v4 =	vmov s16  }
0x3d2: {  	v4 =	vshll.u32 v4, $0x3;
	v3 =	vmul.f32 v3, v5  }
0x3d3: {  	v4 =	vor.u32 v0, v4  }
0x3d4: {  	v6 =	vor.u32 $0x2, v4;
	v5 =	vor.u32 $0x1, v4;
	v2 =	vadd.f32 v3, v2  }
0x3d5: {  	v3 =	vor.u32 $0x3, v4  }
0x3d6: {  	[tilespmem:s14+$0x0] =	vst v2;
	s14 =	smov.u32 s12  }
0x3d7: {  	v7 =	vld [tilespmem:s11+$0x280]  }
0x3d8: {  	v2 =	vld.idx.msk [tilespmem:v4+s6+$0x0], $0xffff  }
0x3d9: {  	v4 =	vld [tilespmem:s11+$0x80]  }
0x3da: {  	v8 =	vld [tilespmem:s11+$0xFFFFFE80]  }
0x3db: {  	v9 =	vld [tilespmem:s11+$0x300]  }
0x3dc: {  	v10 =	vld [tilespmem:s11+$0x100]  }
0x3dd: {  	v11 =	vld [tilespmem:s11+$0xFFFFFD00]  }
0x3de: {  	v2 =	vmul.f32 $7.000000000e+00, v2;
	v12 =	vld [tilespmem:s11+$0x380]  }
0x3df: {  	v5 =	vld.idx.msk [tilespmem:v5+s6+$0x0], $0xffff  }
0x3e0: {  	v13 =	vtrunc.f32 v2;
	v14 =	vld [tilespmem:s11+$0x0]  }
0x3e1: {  	v13 =	vcvt.f32.s32 v13;
	v15 =	vld [tilespmem:s11+$0xFFFFFF80]  }
0x3e2: {  	v16 =	vld [tilespmem:s11+$0xFFFFFC00]  }
0x3e3: {  	vm0 =	vlt.s32 v13, $0x6;
	v17 =	vld [tilespmem:s11+$0xFFFFFF00]  }
0x3e4: {  	v13 =	vnsel vm0, $0x6, v13;
	v18 =	vld [tilespmem:s11+$0x200]  }
0x3e5: {  	v13 =	vcvt.s32.f32 v13;
	v5 =	vmul.f32 $7.900000000e+01, v5;
	v19 =	vld [tilespmem:s11+$0xFFFFFE00]  }
0x3e6: {  	v10 =	vsub.f32 v10, v11;
	v20 =	vld [tilespmem:s11+$0xFFFFFC80];
	v12 =	vsub.f32 v12, v15  }
0x3e7: {  	v2 =	vsub.f32 v2, v13;
	v13 =	vtrunc.f32 v5;
	v21 =	vld [tilespmem:s11+$0xFFFFFD80];
	v14 =	vsub.f32 v14, v16  }
0x3e8: {  	v13 =	vcvt.f32.s32 v13;
	v22 =	vld [tilespmem:s11+$0x180];
	v9 =	vsub.f32 v9, v17  }
0x3e9: {  	v7 =	vsub.f32 v7, v8;
	v12 =	vmul.f32 v12, v2;
	v6 =	vld.idx.msk [tilespmem:v6+s6+$0x0], $0xffff;
	v14 =	vmul.f32 v14, v2  }
0x3ea: {  	v10 =	vmul.f32 v10, v2;
	vm0 =	vlt.s32 v13, $0x4E;
	v9 =	vmul.f32 v9, v2  }
0x3eb: {  	v13 =	vnsel vm0, $0x4E, v13;
	v14 =	vadd.f32 v14, v16;
	v4 =	vsub.f32 v4, v20  }
0x3ec: {  	v10 =	vadd.f32 v10, v11;
	v11 =	vsub.f32 v18, v19  }
0x3ed: {  	v7 =	vmul.f32 v7, v2;
	v4 =	vmul.f32 v4, v2;
	v16 =	vsub.f32 v22, v21  }
0x3ee: {  	v12 =	vadd.f32 v12, v15;
	v11 =	vmul.f32 v11, v2;
	v9 =	vadd.f32 v9, v17  }
0x3ef: {  	v7 =	vadd.f32 v7, v8;
	v6 =	vmul.f32 $7.900000000e+01, v6;
	v4 =	vadd.f32 v4, v20  }
0x3f0: {  	v8 =	vcvt.s32.f32 v13;
	v11 =	vadd.f32 v11, v19;
	v13 =	vmul.f32 v16, v2  }
0x3f1: {  	v9 =	vsub.f32 v9, v10;
	v15 =	vtrunc.f32 v6;
	v16 =	vld.idx.msk [tilespmem:v3+s6+$0x0], $0xffff;
	v7 =	vsub.f32 v7, v4  }
0x3f2: {  	v3 =	vsub.f32 v5, v8;
	v5 =	vcvt.f32.s32 v15;
	v8 =	vadd.f32 v13, v21  }
0x3f3: {  	v11 =	vsub.f32 v11, v14  }
0x3f4: {  	vm0 =	vlt.s32 v5, $0x4E;
	v7 =	vmul.f32 v7, v3;
	v12 =	vsub.f32 v12, v8  }
0x3f5: {  	v11 =	vmul.f32 v11, v3;
	v9 =	vmul.f32 v9, v3;
	v5 =	vnsel vm0, $0x4E, v5  }
0x3f6: {  	v5 =	vcvt.s32.f32 v5;
	v7 =	vadd.f32 v7, v4;
	v4 =	vmul.f32 v12, v3  }
0x3f7: {  	v11 =	vadd.f32 v11, v14;
	v9 =	vadd.f32 v9, v10;
	v12 =	vmul.f32 $7.900000000e+01, v16  }
0x3f8: {  	v8 =	vadd.f32 v4, v8  }
0x3f9: {  	v4 =	vsub.f32 v6, v5;
	v6 =	vsub.f32 v9, v11;
	v5 =	vtrunc.f32 v12  }
0x3fa: {  	v5 =	vcvt.f32.s32 v5;
	v8 =	vsub.f32 v8, v7  }
0x3fb: {  	v6 =	vmul.f32 v6, v4  }
0x3fc: {  	vm0 =	vlt.s32 v5, $0x4E;
	v8 =	vmul.f32 v8, v4  }
0x3fd: {  	v5 =	vnsel vm0, $0x4E, v5  }
0x3fe: {  	v6 =	vadd.f32 v6, v11;
	v5 =	vcvt.s32.f32 v5;
	v7 =	vadd.f32 v8, v7;
	_ =	sdelay $0x1  }
0x3ff: {  	v5 =	vsub.f32 v12, v5;
	v7 =	vsub.f32 v7, v6;
	_ =	sdelay $0x1  }
0x400: {  	v7 =	vmul.f32 v7, v5;
	_ =	sdelay $0x1  }
0x401: {  	v6 =	vadd.f32 v7, v6;
	_ =	sdelay $0x1  }
0x402: {  	[tilespmem:s12+$0xFFFFFF80] =	vst v6  }
0x403: {  	v11 =	vld [tilespmem:s13+$0x180]  }
0x404: {  	v12 =	vld [tilespmem:s13+$0xFFFFFC80];
	_ =	sdelay $0x1  }
0x405: {  	v6 =	vld [tilespmem:s13+$0x300]  }
0x406: {  	v15 =	vld [tilespmem:s13+$0x0]  }
0x407: {  	v9 =	vld [tilespmem:s13+$0x200]  }
0x408: {  	v13 =	vld [tilespmem:s13+$0xFFFFFF00]  }
0x409: {  	v14 =	vld [tilespmem:s13+$0x380]  }
0x40a: {  	v7 =	vld [tilespmem:s13+$0x280]  }
0x40b: {  	v16 =	vld [tilespmem:s13+$0xFFFFFE80]  }
0x40c: {  	v17 =	vld [tilespmem:s13+$0xFFFFFE00]  }
0x40d: {  	v18 =	vld [tilespmem:s13+$0x100];
	v6 =	vsub.f32 v6, v13  }
0x40e: {  	v19 =	vld [tilespmem:s13+$0x80]  }
0x40f: {  	v10 =	vld [tilespmem:s13+$0xFFFFFF80];
	v6 =	vmul.f32 v6, v2  }
0x410: {  	v8 =	vld [tilespmem:s13+$0xFFFFFD80];
	v20 =	vsub.f32 v7, v16  }
0x411: {  	v7 =	vld [tilespmem:s13+$0xFFFFFD00];
	v21 =	vsub.f32 v9, v17;
	v6 =	vadd.f32 v6, v13  }
0x412: {  	v9 =	vld [tilespmem:s13+$0xFFFFFC00];
	v13 =	vmul.f32 v20, v2  }
.Ltmp10:
0x413: {  	v19 =	vsub.f32 v19, v12;
	v20 =	vmul.f32 v21, v2;
	(pc) =	sbr.rel @p0 .LBB2_23-.Ltmp10, $4  }
0x414: {  	v13 =	vadd.f32 v13, v16;
	v16 =	vsub.f32 v14, v10  }
0x415: {  	v19 =	vmul.f32 v19, v2;
	v21 =	vsub.f32 v11, v8;
	v11 =	vadd.f32 v20, v17  }
0x416: {  	v14 =	vsub.f32 v18, v7;
	v16 =	vmul.f32 v16, v2  }
0x417: {  	v17 =	vsub.f32 v15, v9;
	v12 =	vadd.f32 v19, v12;
	v15 =	vmul.f32 v21, v2  }
0x418: {  	_ = 	snop  }
0x419: {  	v17 =	vmul.f32 v17, v2;
	v2 =	vmul.f32 v14, v2  }
0x41a: {  	v10 =	vadd.f32 v16, v10;
	v8 =	vadd.f32 v15, v8  }
0x41b: {  	v2 =	vadd.f32 v2, v7;
	v60 =	vadd.f32 v17, v9  }
0x41c: {  	v61 =	vsub.f32 v13, v12;
	v10 =	vsub.f32 v10, v8  }
0x41d: {  	v6 =	vsub.f32 v6, v2;
	v11 =	vsub.f32 v11, v60  }
0x41e: {  	v9 =	vmul.f32 v61, v3;
	v10 =	vmul.f32 v10, v3  }
0x41f: {  	v6 =	vmul.f32 v6, v3;
	v3 =	vmul.f32 v11, v3  }
0x420: {  	v9 =	vadd.f32 v9, v12;
	v8 =	vadd.f32 v10, v8  }
0x421: {  	v2 =	vadd.f32 v6, v2;
	v3 =	vadd.f32 v3, v60;
	_ =	sdelay $0x1  }
0x422: {  	v62 =	vsub.f32 v8, v9;
	v2 =	vsub.f32 v2, v3;
	_ =	sdelay $0x1  }
0x423: {  	v6 =	vmul.f32 v62, v4;
	v2 =	vmul.f32 v2, v4;
	_ =	sdelay $0x1  }
0x424: {  	v63 =	vadd.f32 v6, v9;
	v2 =	vadd.f32 v2, v3;
	_ =	sdelay $0x1  }
0x425: {  	v3 =	vsub.f32 v63, v2;
	_ =	sdelay $0x1  }
0x426: {  	v3 =	vmul.f32 v3, v5;
	_ =	sdelay $0x1  }
0x427: {  	v2 =	vadd.f32 v3, v2  }
0x428: {  	s10 =	sshrl.u32 s10, $0x3;
	s11 =	rddreg [dreg:$0xe]  }
0x429: {  	s12 =	simm.s32 $0x13400;
	s11 =	sadd.s32 s11, s10;
	[tilespmem:s14+$0x0] =	vst v2  }
0x42a: {  	[hbm4b:s11+s3] =	stream.linear.scatter [tilespmem:s12], [sflag:$0x2], $0x80, $0x38;
	[tilespmem:$0x13A80] =	vst v63  }
0x42b: {  	_ =	swait.ge [sflag:s0], $0x80  }
0x42c: {  	[sflag:s0] =	ssyncset.done $0x0;
	s15 =	rddreg [dreg:$0xf]  }
0x42d: {  	s16 =	simm.s32 $0x13480;
	[sflag:s0] =	ssyncadd.s32 $0xFFFFFF80;
	s11 =	sadd.s32 s15, s10  }
0x42e: {  	[hbm4b:s11+s3] =	stream.linear.scatter [tilespmem:s16], [sflag:$0x2], $0x80, $0x38;
	[tilespmem:$0x13A80] =	vst v63  }
0x42f: {  	_ =	swait.ge [sflag:s0], $0x80  }
0x430: {  	[sflag:s0] =	ssyncset.done $0x0;
	s13 =	rddreg [dreg:$0x10]  }
0x431: {  	s14 =	simm.s32 $0x13500;
	[sflag:s0] =	ssyncadd.s32 $0xFFFFFF80;
	s11 =	sadd.s32 s13, s10  }
0x432: {  	[hbm4b:s11+s3] =	stream.linear.scatter [tilespmem:s14], [sflag:$0x2], $0x80, $0x38;
	[tilespmem:$0x13A80] =	vst v63  }
0x433: {  	_ =	swait.ge [sflag:s0], $0x80  }
0x434: {  	[sflag:s0] =	ssyncset.done $0x0  }
0x435: {  	s15 =	sadd.s32 s17, s10;
	s16 =	simm.s32 $0x13580;
	[sflag:s0] =	ssyncadd.s32 $0xFFFFFF80  }
0x436: {  	[hbm4b:s15+s3] =	stream.linear.scatter [tilespmem:s16], [sflag:$0x2], $0x80, $0x38;
	[tilespmem:$0x13A80] =	vst v63  }
0x437: {  	_ =	swait.ge [sflag:s0], $0x80  }
0x438: {  	[sflag:s0] =	ssyncset.done $0x0  }
0x439: {  	s13 =	sadd.s32 s18, s10;
	s14 =	simm.s32 $0x13600;
	[sflag:s0] =	ssyncadd.s32 $0xFFFFFF80  }
0x43a: {  	[hbm4b:s13+s3] =	stream.linear.scatter [tilespmem:s14], [sflag:$0x2], $0x80, $0x38;
	[tilespmem:$0x13A80] =	vst v63  }
0x43b: {  	_ =	swait.ge [sflag:s0], $0x80  }
0x43c: {  	[sflag:s0] =	ssyncset.done $0x0  }
0x43d: {  	s15 =	sadd.s32 s19, s10;
	s16 =	simm.s32 $0x13680;
	[sflag:s0] =	ssyncadd.s32 $0xFFFFFF80  }
0x43e: {  	[hbm4b:s15+s3] =	stream.linear.scatter [tilespmem:s16], [sflag:$0x2], $0x80, $0x38;
	[tilespmem:$0x13A80] =	vst v63  }
0x43f: {  	_ =	swait.ge [sflag:s0], $0x80  }
0x440: {  	[sflag:s0] =	ssyncset.done $0x0  }
0x441: {  	s13 =	sadd.s32 s21, s10;
	s14 =	simm.s32 $0x13700;
	[sflag:s0] =	ssyncadd.s32 $0xFFFFFF80  }
0x442: {  	[hbm4b:s13+s3] =	stream.linear.scatter [tilespmem:s14], [sflag:$0x2], $0x80, $0x38;
	[tilespmem:$0x13A80] =	vst v63  }
0x443: {  	_ =	swait.ge [sflag:s0], $0x80  }
0x444: {  	[sflag:s0] =	ssyncset.done $0x0  }
0x445: {  	s15 =	sadd.s32 s22, s10;
	s16 =	simm.s32 $0x13780;
	[sflag:s0] =	ssyncadd.s32 $0xFFFFFF80  }
0x446: {  	[hbm4b:s15+s3] =	stream.linear.scatter [tilespmem:s16], [sflag:$0x2], $0x80, $0x38;
	[tilespmem:$0x13A80] =	vst v63  }
0x447: {  	_ =	swait.ge [sflag:s0], $0x80  }
0x448: {  	[sflag:s0] =	ssyncset.done $0x0  }
0x449: {  	s13 =	sadd.s32 s24, s10;
	s14 =	simm.s32 $0x13800;
	[sflag:s0] =	ssyncadd.s32 $0xFFFFFF80  }
0x44a: {  	[hbm4b:s13+s3] =	stream.linear.scatter [tilespmem:s14], [sflag:$0x2], $0x80, $0x38;
	[tilespmem:$0x13A80] =	vst v63  }
0x44b: {  	_ =	swait.ge [sflag:s0], $0x80  }
0x44c: {  	[sflag:s0] =	ssyncset.done $0x0  }
0x44d: {  	s15 =	sadd.s32 s26, s10;
	s16 =	simm.s32 $0x13880;
	[sflag:s0] =	ssyncadd.s32 $0xFFFFFF80  }
0x44e: {  	[hbm4b:s15+s3] =	stream.linear.scatter [tilespmem:s16], [sflag:$0x2], $0x80, $0x38;
	[tilespmem:$0x13A80] =	vst v63  }
0x44f: {  	_ =	swait.ge [sflag:s0], $0x80  }
0x450: {  	[sflag:s0] =	ssyncset.done $0x0  }
0x451: {  	s12 =	sadd.s32 s28, s10;
	s13 =	simm.s32 $0x13900;
	[sflag:s0] =	ssyncadd.s32 $0xFFFFFF80  }
0x452: {  	[hbm4b:s12+s3] =	stream.linear.scatter [tilespmem:s13], [sflag:$0x2], $0x80, $0x38;
	[tilespmem:$0x13A80] =	vst v63  }
0x453: {  	_ =	swait.ge [sflag:s0], $0x80  }
0x454: {  	[sflag:s0] =	ssyncset.done $0x0  }
0x455: {  	s14 =	sadd.s32 s29, s10;
	s15 =	simm.s32 $0x13980;
	[sflag:s0] =	ssyncadd.s32 $0xFFFFFF80  }
0x456: {  	[hbm4b:s14+s3] =	stream.linear.scatter [tilespmem:s15], [sflag:$0x2], $0x80, $0x38;
	[tilespmem:$0x13A80] =	vst v63  }
0x457: {  	s9 =	sadd.s32 $0x1, s9;
	_ =	swait.ge [sflag:s0], $0x80  }
0x458: {  	p0 =	sne.s32 s9, $0x40;
	s10 =	sadd.s32 s30, s10;
	[sflag:s0] =	ssyncset.done $0x0  }
.Ltmp11:
0x459: {  	s16 =	simm.s32 $0x13A00;
	[sflag:s0] =	ssyncadd.s32 $0xFFFFFF80;
	(pc) =	sbr.rel @p0 .LBB2_2-.Ltmp11, $4  }
0x45a: {  	[hbm4b:s10+s3] =	stream.linear.scatter [tilespmem:s16], [sflag:$0x2], $0x80, $0x38;
	[tilespmem:$0x13A80] =	vst v63  }
0x45b: {  	_ =	swait.ge [sflag:s0], $0x80  }
0x45c: {  	[sflag:s0] =	ssyncset.done $0x0  }
0x45d: {  	[sflag:s0] =	ssyncadd.s32 $0xFFFFFF80  }
0x45e: {  	s10 =	rddreg [dreg:$0x12]  }
0x45f: {  	s9 =	rddreg [dreg:$0x11];
	s10 =	sadd.s32 $0x1, s10  }
0x460: {  	p0 =	sne.s32 s10, s9  }
.Ltmp12:
0x461: {  	_ = 	snop;
	(pc) =	sbr.rel @p0 .LBB2_1-.Ltmp12, $1  }
0x462: {  	_ =	sdelay $0x3  }
0x463: {  	_ =	sfence.sel $0x180000  }
0x464: {  	[bflag:$0x0] =	sbarrier.arrive $0xFFFF  }
0x465: {  	_ =	strace $0x90000047  }
0x466: {  	s0 =	stileid.u32;
	[bflag:$0x2] =	sbarrier.arrive $0xFFFF  }
0x467: {  	p0 =	sne.s32 s0, $0x0;
	s0 =	rddreg [dreg:$0x3]  }
0x468: {  	s0 =	sadd.s32 @!p0 $0x100000, s0  }
0x469: {  	[sflag:s0] =	ssyncadd.tile.s32 @!p0 $0x1;
	_ =	shalt  }
.Lfunc_end2:
_tile_overlayer_lowered:
.L_overlay_start_2:
0x46a: {  	(tag) =	ssettag $0x2  }
0x46b: {  	s0 =	rddreg [dreg:$0x0];
	s2 =	stileid.u32  }
0x46c: {  	s1 =	rddreg [dreg:$0x1];
	p0 =	sne.s32 s2, $0x0  }
0x46d: {  	s3 =	rddreg [dreg:$0x2];
	[bflag:$0x3] =	sbarrier.arrive $0xFFFF;
	s2 =	simm.s32 @!p0 $0x1C02  }
0x46e: {  	[timem:s3], [sflag:s2] =	dma.local @!p0 [hbm:s0], s1  }
0x46f: {  	s0 =	simm.s32 @!p0 $0x2  }
0x470: {  	_ =	swait.ge @!p0 [sflag:s0], s1  }
0x471: {  	s1 =	ssub.s32 @!p0 $0x0, s1;
	[sflag:s0] =	ssyncset.done @!p0 $0x0  }
0x472: {  	[sflag:s0] =	ssyncadd.s32 @!p0 s1  }
0x473: {  	[bflag:$0x3] =	sbarrier.arrive $0xFFFF  }
0x474: {  	_ =	shalt  }

</sc_bundles>
